<compile_context>
chip_gen: v7x
topology: tpu7x:2x2x1
jax: 0.10.2.dev20260603
libtpu: 0.0.44.dev20260713+nightly
codegen_flags: <defaults>
</compile_context>

<pallas_src>
import functools

import jax
import jax.numpy as jnp
from jax import lax
from jax.experimental import pallas as pl
from jax.experimental.pallas import tpu as pltpu
from jax.experimental.pallas import tpu_sc as plsc

N_NODES = 10000
ADJ_W = 32
EMB = 128
HID = 128
LAYERS = 3
SENT = 100
TLEN = 100

NC = 2
NS = 16
NW = NC * NS
_FAST_CORE = 1



def _sc_gather_small(V, D, n_chunks, chunk, dtype):
    rows_pw = n_chunks * chunk
    mesh = plsc.VectorSubcoreMesh(core_axis_name="c", subcore_axis_name="s")

    @functools.partial(
        pl.kernel,
        out_type=jax.ShapeDtypeStruct((NW * rows_pw, D), dtype),
        mesh=mesh,
        scratch_types=[
            pltpu.VMEM((n_chunks, chunk), jnp.int32),
            pltpu.VMEM((rows_pw, D), dtype),
            pltpu.SemaphoreType.DMA,
        ],
    )
    def k(table_h, idx_h, out_h, idx_v, rows_v, sem):
        wid = lax.axis_index("s") * NC + lax.axis_index("c")
        base = wid * rows_pw
        pltpu.sync_copy(idx_h.at[wid], idx_v)
        handles = []
        for ci in range(n_chunks):
            handles.append(
                pltpu.async_copy(
                    table_h.at[idx_v.at[ci]],
                    rows_v.at[pl.ds(ci * chunk, chunk)],
                    sem,
                )
            )
        for h in handles:
            h.wait()
        pltpu.sync_copy(rows_v, out_h.at[pl.ds(base, rows_pw)])

    return k


def _sc_gather_big(V, D, K0, K1, chunk, dtype):
    mesh = plsc.VectorSubcoreMesh(core_axis_name="c", subcore_axis_name="s")
    NB = 2
    Kmax = max(K0, K1)
    n_pair = K0 + K1
    assert K0 % (2 * NB) == 0 and K1 % (2 * NB) == 0
    assert K0 >= 2 * NB and K1 >= 2 * NB

    @functools.partial(
        pl.kernel,
        out_type=jax.ShapeDtypeStruct((NW // 2 * n_pair * chunk, D), dtype),
        mesh=mesh,
        scratch_types=[
            pltpu.VMEM((Kmax, chunk), jnp.int32),
            pltpu.VMEM((2 * NB, chunk, D), dtype),
            pltpu.SemaphoreType.DMA,
            pltpu.SemaphoreType.DMA,
            pltpu.SemaphoreType.DMA,
        ],
    )
    def k(table_h, idx_h, out_h, idx_v, rows_v, gsem, osem_a, osem_b):
        cid = lax.axis_index("c")
        sid = lax.axis_index("s")
        wid = sid * NC + cid
        groups = jnp.where(cid == 0, K0 // NB, K1 // NB)
        base = (sid * n_pair + cid * K0) * chunk
        pltpu.sync_copy(idx_h.at[wid], idx_v)

        def gfire(ci, buf):
            pltpu.async_copy(table_h.at[idx_v.at[ci]], rows_v.at[buf], gsem)

        def gdrain(buf):
            pltpu.make_async_copy(
                table_h.at[idx_v.at[0]], rows_v.at[buf], gsem).wait()

        def ofire(ci, buf, osem):
            pltpu.async_copy(
                rows_v.at[buf], out_h.at[pl.ds(base + ci * chunk, chunk)], osem)

        def odrain(buf, osem):
            pltpu.make_async_copy(
                rows_v.at[buf], out_h.at[pl.ds(base, chunk)], osem).wait()

        for b in range(NB):
            gfire(b, b)

        def seg(g, s, osem_this, osem_other):
            c0 = g * NB
            o = NB - s
            for b in range(NB):
                gdrain(s + b)
            for b in range(NB):
                ofire(c0 + b, s + b, osem_this)
            @pl.when(g > 0)
            def _():
                for b in range(NB):
                    odrain(o + b, osem_other)
            @pl.when(g < groups - 1)
            def _():
                for b in range(NB):
                    gfire(c0 + NB + b, o + b)

        def body(g, carry):
            even = lax.rem(g, 2) == 0
            @pl.when(even)
            def _():
                seg(g, 0, osem_a, osem_b)
            @pl.when(jnp.logical_not(even))
            def _():
                seg(g, NB, osem_b, osem_a)
            return carry

        lax.fori_loop(0, groups, body, 0)
        for b in range(NB):
            odrain(NB + b, osem_b)

    return k


def _sc_gather_sum(V, n_chunks, chunk):
    D = HID
    rows_pw = n_chunks * chunk
    rows_out = rows_pw // ADJ_W
    mesh = plsc.VectorSubcoreMesh(core_axis_name="c", subcore_axis_name="s")
    NB = 2
    assert n_chunks % (2 * NB) == 0
    groups = n_chunks // NB

    @functools.partial(
        pl.kernel,
        out_type=jax.ShapeDtypeStruct((NW * rows_out, D), jnp.float32),
        mesh=mesh,
        scratch_types=[
            pltpu.VMEM((n_chunks, chunk), jnp.int32),
            pltpu.VMEM((n_chunks, chunk), jnp.int32),
            pltpu.VMEM((2 * NB, chunk, D), jnp.float32),
            pltpu.VMEM_SHARED((NS * rows_out, D), jnp.float32),
            pltpu.SemaphoreType.DMA,
            pltpu.SemaphoreType.DMA,
            pltpu.SemaphoreType.DMA,
        ],
    )
    def k(table_h, idx_h, scat_h, zer_h, out_h, idx_v, scat_v, rows_v, acc_s,
          gsem, osem_a, osem_b):
        cid = lax.axis_index("c")
        sid = lax.axis_index("s")
        wid = sid * NC + cid
        pltpu.sync_copy(idx_h.at[wid], idx_v)
        pltpu.sync_copy(scat_h.at[wid], scat_v)
        pltpu.sync_copy(zer_h, acc_s.at[pl.ds(sid * rows_out, rows_out)])

        def gfire(ci, buf):
            pltpu.async_copy(table_h.at[idx_v.at[ci]], rows_v.at[buf], gsem)

        def gdrain(buf):
            pltpu.make_async_copy(
                table_h.at[idx_v.at[0]], rows_v.at[buf], gsem).wait()

        def ofire(ci, buf, osem):
            pltpu.async_copy(
                rows_v.at[buf], acc_s.at[scat_v.at[ci]], osem, add=True)

        def odrain(buf, osem):
            pltpu.make_async_copy(
                rows_v.at[buf], acc_s.at[scat_v.at[0]], osem).wait()

        for b in range(NB):
            gfire(b, b)

        def seg(g, s, osem_this, osem_other):
            c0 = g * NB
            o = NB - s
            for b in range(NB):
                gdrain(s + b)
            for b in range(NB):
                ofire(c0 + b, s + b, osem_this)
            @pl.when(g > 0)
            def _():
                for b in range(NB):
                    odrain(o + b, osem_other)
            @pl.when(g < groups - 1)
            def _():
                for b in range(NB):
                    gfire(c0 + NB + b, o + b)

        def body(g, carry):
            even = lax.rem(g, 2) == 0
            @pl.when(even)
            def _():
                seg(g, 0, osem_a, osem_b)
            @pl.when(jnp.logical_not(even))
            def _():
                seg(g, NB, osem_b, osem_a)
            return carry

        lax.fori_loop(0, groups, body, 0)
        for b in range(NB):
            odrain(NB + b, osem_b)
        pltpu.sync_copy(acc_s.at[pl.ds(sid * rows_out, rows_out)],
                        out_h.at[pl.ds(wid * rows_out, rows_out)])

    return k


def _gather_sum_rows(table, idx_flat):
    B = idx_flat.shape[0]
    V, D = table.shape
    chunk = 128
    n_chunks = -(-B // (NW * chunk))
    n_chunks = ((n_chunks + 3) // 4) * 4
    rows_pw = n_chunks * chunk
    rows_out = rows_pw // ADJ_W
    fn = _sc_gather_sum(V, n_chunks, chunk)
    idx3 = _pad_idx(idx_flat, n_chunks, chunk)
    base = (jnp.arange(rows_pw, dtype=jnp.int32) // ADJ_W).reshape(
        n_chunks, chunk)
    scat3 = base[None] + ((jnp.arange(NW, dtype=jnp.int32) // NC)
                          * rows_out)[:, None, None]
    zer = jnp.zeros((rows_out, D), jnp.float32)
    out = fn(table, idx3, scat3, zer)
    return out[:B // ADJ_W]


def _pad_idx(idx_flat, n_chunks, chunk):
    total = NW * n_chunks * chunk
    idx_flat = idx_flat.astype(jnp.int32)
    pad = total - idx_flat.shape[0]
    if pad:
        idx_flat = jnp.concatenate([idx_flat, jnp.zeros((pad,), jnp.int32)])
    return idx_flat.reshape(NW, n_chunks, chunk)


def _gather_rows(table, idx_flat, big=False):
    B = idx_flat.shape[0]
    V, D = table.shape
    chunk = 128 if big else 64
    n_chunks = -(-B // (NW * chunk))
    if big:
        n_chunks = ((n_chunks + 3) // 4) * 4
        n_pair = 2 * n_chunks
        K_hi = (n_pair * 4 // 5 // 4) * 4
        K_lo = n_pair - K_hi
        K0, K1 = (K_hi, K_lo) if _FAST_CORE == 0 else (K_lo, K_hi)
        fn = _sc_gather_big(V, D, K0, K1, chunk, table.dtype)
        total = NW // 2 * n_pair * chunk
        idx_flat = idx_flat.astype(jnp.int32)
        idx_flat = jnp.concatenate(
            [idx_flat, jnp.zeros((total - B,), jnp.int32)])
        chunkview = idx_flat.reshape(total // chunk, chunk)
        sids = jnp.arange(NW, dtype=jnp.int32) // NC
        cids = jnp.arange(NW, dtype=jnp.int32) % NC
        cbase = sids * n_pair + cids * K0
        ids = cbase[:, None] + jnp.arange(max(K0, K1), dtype=jnp.int32)[None]
        ids = jnp.minimum(ids, total // chunk - 1)
        out = fn(table, chunkview[ids])
        return out[:B]
    fn = _sc_gather_small(V, D, n_chunks, chunk, table.dtype)
    idx3 = _pad_idx(idx_flat, n_chunks, chunk)
    out = fn(table, idx3)
    return out[:B]



def _lstm_body(emb_ref, wif_ref, whf_ref, bf_ref, wib_ref, whb_ref, bb_ref,
               outf_ref, outb_ref):
    H2 = HID // 2

    def run(wi_ref, wh_ref, b_ref, out_ref, reverse):
        def step(s, carry):
            h, c = carry
            t = (TLEN - 1 - s) if reverse else s
            xt = emb_ref[t]
            g = (jnp.dot(xt, wi_ref[...], preferred_element_type=jnp.float32)
                 + jnp.dot(h, wh_ref[...], preferred_element_type=jnp.float32)
                 + b_ref[...])
            i = jax.nn.sigmoid(g[:, 0:H2])
            f = jax.nn.sigmoid(g[:, H2:2 * H2])
            gg = jnp.tanh(g[:, 2 * H2:3 * H2])
            o = jax.nn.sigmoid(g[:, 3 * H2:4 * H2])
            c = f * c + i * gg
            h = o * jnp.tanh(c)
            out_ref[t] = h
            return (h, c)

        z = jnp.zeros((SENT, H2), jnp.float32)
        lax.fori_loop(0, TLEN, step, (z, z))

    run(wif_ref, whf_ref, bf_ref, outf_ref, False)
    run(wib_ref, whb_ref, bb_ref, outb_ref, True)


def _run_lstm(embT, W_ih_f, W_hh_f, b_f, W_ih_b, W_hh_b, b_b):
    H2 = HID // 2
    out_shapes = (
        jax.ShapeDtypeStruct((TLEN, SENT, H2), jnp.float32),
        jax.ShapeDtypeStruct((TLEN, SENT, H2), jnp.float32),
    )
    return pl.pallas_call(
        _lstm_body,
        out_shape=out_shapes,
    )(embT.reshape(TLEN, SENT, EMB), W_ih_f.T, W_hh_f.T, b_f.reshape(1, -1),
      W_ih_b.T, W_hh_b.T, b_b.reshape(1, -1))



_AGG_BLK = 400
_AGG_NBLK = 2 * N_NODES // _AGG_BLK


def _agg0_body(h_ref, neigh_ref, w_ref, out_ref, len_ref):
    neigh = neigh_ref[...]
    r = jnp.sum(jax.nn.relu(neigh), axis=2)
    lens = jnp.sum(jnp.sign(r), axis=1, keepdims=True)
    len_ref[...] = lens
    s = jnp.sum(neigh, axis=1)
    means = s / jnp.maximum(lens, 1.0)
    w = w_ref[0]
    acc = (jnp.dot(h_ref[...], w[0:HID, :], preferred_element_type=jnp.float32)
           + jnp.dot(means, w[HID:2 * HID, :], preferred_element_type=jnp.float32))
    out_ref[...] = jax.nn.relu(acc)


def _aggk_body(h_ref, sums_ref, len_ref, w_ref, out_ref):
    means = sums_ref[...] / jnp.maximum(len_ref[...], 1.0)
    w = w_ref[0]
    acc = (jnp.dot(h_ref[...], w[0:HID, :], preferred_element_type=jnp.float32)
           + jnp.dot(means, w[HID:2 * HID, :], preferred_element_type=jnp.float32))
    out_ref[...] = jax.nn.relu(acc)


_HSPEC = pl.BlockSpec((_AGG_BLK, HID), lambda i: (i, 0))
_NSPEC = pl.BlockSpec((_AGG_BLK, ADJ_W, HID), lambda i: (i, 0, 0))
_LSPEC = pl.BlockSpec((_AGG_BLK, 1), lambda i: (i, 0))
_WSPEC = pl.BlockSpec((1, 2 * HID, HID), lambda i: (i // (_AGG_NBLK // 2), 0, 0))


def _agg_layer0(h_cat, neigh3, Wcat):
    return pl.pallas_call(
        _agg0_body,
        grid=(_AGG_NBLK,),
        in_specs=[_HSPEC, _NSPEC, _WSPEC],
        out_specs=[_HSPEC, _LSPEC],
        out_shape=[
            jax.ShapeDtypeStruct((2 * N_NODES, HID), jnp.float32),
            jax.ShapeDtypeStruct((2 * N_NODES, 1), jnp.float32),
        ],
    )(h_cat, neigh3, Wcat)


def _agg_layerk(h_cat, sums, lens, Wcat):
    return pl.pallas_call(
        _aggk_body,
        grid=(_AGG_NBLK,),
        in_specs=[_HSPEC, _HSPEC, _LSPEC, _WSPEC],
        out_specs=_HSPEC,
        out_shape=jax.ShapeDtypeStruct((2 * N_NODES, HID), jnp.float32),
    )(h_cat, sums, lens, Wcat)



def _pool_body(fw_ref, bw_ref, out_ref):
    pf = jnp.max(fw_ref[...], axis=1)
    pb = jnp.max(bw_ref[...], axis=1)
    out_ref[...] = jnp.concatenate([pf, pb], axis=-1)


def _run_pool(fw3, bw3):
    nb = fw3.shape[0]
    return pl.pallas_call(
        _pool_body,
        out_shape=jax.ShapeDtypeStruct((nb, 2 * HID), jnp.float32),
    )(fw3, bw3)



def _remap(n):
    return (n % SENT) * TLEN + n // SENT


def kernel(fw_adj_info, bw_adj_info, feature_info, batch_nodes, embed_table,
           W_ih_f, W_hh_f, b_f, W_ih_b, W_hh_b, b_b, fw_agg_W, bw_agg_W):
    nodes = batch_nodes.reshape(-1).astype(jnp.int32)
    Nb = nodes.shape[0]

    idxT = feature_info.T.reshape(-1).astype(jnp.int32)
    embT = _gather_rows(embed_table, idxT)

    out_f, out_b = _run_lstm(embT, W_ih_f, W_hh_f, b_f, W_ih_b, W_hh_b, b_b)
    table_pm = jnp.concatenate(
        [out_f.reshape(-1, HID // 2), out_b.reshape(-1, HID // 2)],
        axis=-1)
    output_vector = table_pm.reshape(TLEN, SENT, HID).swapaxes(0, 1)

    pad16 = ((Nb + 16 * NW - 1) // (16 * NW)) * (16 * NW)
    bias = jnp.int32(0x4B000000)
    adj_f = jnp.pad(fw_adj_info.astype(jnp.int32) + bias,
                    ((0, 0), (0, 128 - ADJ_W)))
    adj_b = jnp.pad(bw_adj_info.astype(jnp.int32) + bias,
                    ((0, 0), (0, 128 - ADJ_W)))
    big_table = jnp.concatenate(
        [table_pm,
         lax.bitcast_convert_type(adj_f, jnp.float32),
         lax.bitcast_convert_type(adj_b, jnp.float32)])
    def seg(i, off):
        i = jnp.concatenate([i, jnp.zeros((pad16 - Nb,), jnp.int32)])
        return i + jnp.int32(off)
    combo_idx = jnp.concatenate(
        [seg(_remap(nodes), 0), seg(nodes, N_NODES), seg(nodes, 2 * N_NODES)])
    combo = _gather_rows(big_table, combo_idx)
    h0 = combo[:Nb]
    fw_flat = lax.bitcast_convert_type(
        combo[pad16:pad16 + Nb, :ADJ_W], jnp.int32).reshape(-1) - bias
    bw_flat = lax.bitcast_convert_type(
        combo[2 * pad16:2 * pad16 + Nb, :ADJ_W], jnp.int32).reshape(-1) - bias

    idx0 = jnp.concatenate([_remap(fw_flat), _remap(bw_flat)])
    idxk = jnp.concatenate([fw_flat, bw_flat + N_NODES])
    h_cat = jnp.concatenate([h0, h0])
    lens = None
    for layer in range(LAYERS):
        Wcat = jnp.stack([fw_agg_W[layer], bw_agg_W[layer]])
        if layer == 0:
            neigh = _gather_rows(table_pm, idx0, big=True)
            neigh3 = neigh.reshape(2 * Nb, ADJ_W, HID)
            h_cat, lens = _agg_layer0(h_cat, neigh3, Wcat)
        else:
            sums = jnp.concatenate(
                [_gather_sum_rows(h_cat, fw_flat),
                 _gather_sum_rows(h_cat, bw_flat + N_NODES)])
            h_cat = _agg_layerk(h_cat, sums, lens, Wcat)

    nb_rows, nb_cols = batch_nodes.shape
    fw3 = h_cat[:Nb].reshape(nb_rows, nb_cols, HID)
    bw3 = h_cat[Nb:].reshape(nb_rows, nb_cols, HID)
    pooled = _run_pool(fw3, bw3)
    hidden = jnp.concatenate([fw3, bw3], axis=2)
    graph_embedding = pooled.reshape(-1, HID)
    return hidden, graph_embedding, output_vector

# --- scband reference (transcript-rebuilt; emitter-appended) ---
"""Pipeline reference for scband-graph-encoder-43533788512744 (READ-ONLY COPY).

The authoritative reference and input builder live on the scoring server;
editing this copy changes nothing except your own understanding.
"""

import jax, jax.numpy as jnp
import numpy as np

N_NODES = 10000
ADJ_W = 32
VOCAB = 30000
EMB = 128
HID = 128
SAMPLE = 32
LAYERS = 3


def setup_inputs(seed: int = 0):
    key = jax.random.key(seed)
    ks = jax.random.split(key, 12)
    fw_adj_info = jax.random.randint(ks[0], (N_NODES, ADJ_W), 0, N_NODES)
    bw_adj_info = jax.random.randint(ks[1], (N_NODES, ADJ_W), 0, N_NODES)
    feature_info = jax.random.randint(ks[2], (100, 100), 0, VOCAB)
    batch_nodes = jax.random.randint(ks[3], (50, 200), 0, N_NODES)
    embed_table = jax.random.normal(ks[4], (VOCAB, EMB), dtype=jnp.float32) * 0.02
    embed_table = embed_table.at[0].set(0.0)  # padding_idx=0
    H2 = HID // 2
    W_ih_f = jax.random.normal(ks[5], (4 * H2, EMB), dtype=jnp.float32) * 0.08
    W_hh_f = jax.random.normal(ks[6], (4 * H2, H2), dtype=jnp.float32) * 0.08
    b_f = jnp.zeros((4 * H2,), dtype=jnp.float32)
    W_ih_b = jax.random.normal(ks[7], (4 * H2, EMB), dtype=jnp.float32) * 0.08
    W_hh_b = jax.random.normal(ks[8], (4 * H2, H2), dtype=jnp.float32) * 0.08
    b_b = jnp.zeros((4 * H2,), dtype=jnp.float32)
    fw_agg_W = jax.random.normal(ks[9], (LAYERS, 2 * HID, HID), dtype=jnp.float32) * 0.08
    bw_agg_W = jax.random.normal(ks[10], (LAYERS, 2 * HID, HID), dtype=jnp.float32) * 0.08
    return {"fw_adj_info": fw_adj_info, "bw_adj_info": bw_adj_info,
            "feature_info": feature_info, "batch_nodes": batch_nodes,
            "embed_table": embed_table,
            "W_ih_f": W_ih_f, "W_hh_f": W_hh_f, "b_f": b_f,
            "W_ih_b": W_ih_b, "W_hh_b": W_hh_b, "b_b": b_b,
            "fw_agg_W": fw_agg_W, "bw_agg_W": bw_agg_W}


def _lstm(x, W_ih, W_hh, b, reverse=False):
    B, T, E = x.shape
    H = W_hh.shape[1]
    xs = jnp.swapaxes(x, 0, 1)

    def step(carry, xt):
        h, c = carry
        g = xt @ W_ih.T + h @ W_hh.T + b
        i, f, gg, o = jnp.split(g, 4, axis=-1)
        c = jax.nn.sigmoid(f) * c + jax.nn.sigmoid(i) * jnp.tanh(gg)
        h = jax.nn.sigmoid(o) * jnp.tanh(c)
        return (h, c), h

    init = (jnp.zeros((B, H), x.dtype), jnp.zeros((B, H), x.dtype))
    _, ys = jax.lax.scan(step, init, xs, reverse=reverse)
    return jnp.swapaxes(ys, 0, 1)


def _agg(self_v, neigh_v, lens, W):
    # MeanAggregator(2*hidden -> hidden, concat=True): concat(self, mean(neigh)) @ W, relu
    means = jnp.sum(neigh_v, axis=1) / jnp.maximum(lens, 1.0)[:, None]
    return jax.nn.relu(jnp.concatenate([self_v, means], axis=-1) @ W)


def reference(fw_adj_info, bw_adj_info, feature_info, batch_nodes, embed_table,
              W_ih_f, W_hh_f, b_f, W_ih_b, W_hh_b, b_b, fw_agg_W, bw_agg_W):
    emb = embed_table[feature_info]                       # [100,100,EMB]
    h_f = _lstm(emb, W_ih_f, W_hh_f, b_f, reverse=False)  # [100,100,HID//2]
    h_b = _lstm(emb, W_ih_b, W_hh_b, b_b, reverse=True)
    output_vector = jnp.concatenate([h_f, h_b], axis=-1)  # [100,100,HID]
    node_repres = output_vector.reshape(-1, HID)          # [N_NODES,HID]

    nodes = batch_nodes.reshape(-1)                       # [Nb]
    fw_hidden = node_repres[nodes]
    bw_hidden = node_repres[nodes]

    # torch.randperm -> fixed-key jax permutation (deterministic stand-in)
    fw_perm = jax.random.permutation(jax.random.key(1), fw_adj_info.shape[1])
    bw_perm = jax.random.permutation(jax.random.key(2), bw_adj_info.shape[1])
    fw_sampled = fw_adj_info[nodes][:, fw_perm][:, :SAMPLE]
    bw_sampled = bw_adj_info[nodes][:, bw_perm][:, :SAMPLE]

    fw_len = jnp.zeros((nodes.shape[0],), jnp.float32)
    bw_len = jnp.zeros((nodes.shape[0],), jnp.float32)
    for layer in range(LAYERS):
        li = min(layer, 6)
        if layer == 0:
            neigh = node_repres[fw_sampled]
            fw_len = jnp.sum(jnp.sign(jnp.sum(jax.nn.relu(neigh), axis=2)), axis=1)
        else:
            neigh = jnp.concatenate([fw_hidden, jnp.zeros((1, HID), fw_hidden.dtype)], axis=0)[fw_sampled]
        fw_hidden = _agg(fw_hidden, neigh, fw_len, fw_agg_W[li])

        if layer == 0:
            neigh_b = node_repres[bw_sampled]
            bw_len = jnp.sum(jnp.sign(jnp.sum(jax.nn.relu(neigh_b), axis=2)), axis=1)
        else:
            neigh_b = jnp.concatenate([bw_hidden, jnp.zeros((1, HID), bw_hidden.dtype)], axis=0)[bw_sampled]
        bw_hidden = _agg(bw_hidden, neigh_b, bw_len, bw_agg_W[li])

    fw_h = fw_hidden.reshape(-1, batch_nodes.shape[1], HID)
    bw_h = bw_hidden.reshape(-1, batch_nodes.shape[1], HID)
    hidden = jnp.concatenate([fw_h, bw_h], axis=2)        # [50,200,2*HID]
    pooled = jnp.max(hidden, axis=1)                      # [50,2*HID]
    graph_embedding = pooled.reshape(-1, HID)             # [100,HID]
    return hidden, graph_embedding, output_vector

if __name__ == "__main__":
    import jax
    _d = setup_inputs()
    print(jax.jit(kernel)(*tuple(_d.values())))

</pallas_src>

<mosaic_0001>
#map = affine_map<(d0, d1) -> (0, 0)>
#map1 = affine_map<(d0, d1) -> (0, 0, 0)>
module attributes {stable_mosaic.version = 14 : i64} {
  func.func @k(%arg0: i32, %arg1: i32, %arg2: memref<30000x128xf32, #tpu.memory_space<hbm>>, %arg3: memref<32x5x64xi32, #tpu.memory_space<hbm>>, %arg4: memref<10240x128xf32, #tpu.memory_space<hbm>>, %arg5: memref<5x64xi32, #tpu.memory_space<vmem>>, %arg6: memref<320x128xf32, #tpu.memory_space<vmem>>, %arg7: memref<!tpu.dma_semaphore, #tpu.memory_space<semaphore_mem>>) attributes {dimension_semantics = [#tpu.dimension_semantics<core_parallel>, #tpu.dimension_semantics<subcore_parallel>], iteration_bounds = array<i64: 2, 16>, scalar_prefetch = 0 : i64, scratch_operands = 3 : i64, tpu.core_type = #tpu.core_type<sc_vector_subcore>, window_params = [{transform_indices = #map}, {transform_indices = #map1}, {transform_indices = #map}]} {
    %mul3A = arith.constant 2 : i32
    %mul3A_0 = arith.muli %arg1, %mul3A : i32
    %add3A = arith.addi %mul3A_0, %arg0 : i32
    %mul3A_1 = arith.constant 320 : i32
    %mul3A_2 = arith.muli %add3A, %mul3A_1 : i32
    "tpu.region"() ({
      %run_scoped3A = tpu.sem_alloc : memref<!tpu.dma_semaphore, #tpu.memory_space<semaphore_mem>>
      %dma_start3A_101 = arith.constant 0 : i32
      %dma_start3A_102 = arith.constant 0 : i32
      %dma_start3A_103 = tpu.memref_slice %arg3[%add3A, %dma_start3A_101, %dma_start3A_102] : memref<32x5x64xi32, #tpu.memory_space<hbm>> -> memref<1x5x64xi32, #tpu.memory_space<hbm>>
      %dma_start3A_104 = tpu.memref_squeeze %dma_start3A_103 : memref<1x5x64xi32, #tpu.memory_space<hbm>> -> memref<5x64xi32, #tpu.memory_space<hbm>>
      %dma_start3A_105 = arith.constant 0 : i32
      %dma_start3A_106 = arith.constant 0 : i32
      %dma_start3A_107 = tpu.memref_slice %arg3[%add3A, %dma_start3A_105, %dma_start3A_106] : memref<32x5x64xi32, #tpu.memory_space<hbm>> -> memref<1x5x64xi32, #tpu.memory_space<hbm>>
      %dma_start3A_108 = tpu.memref_squeeze %dma_start3A_107 : memref<1x5x64xi32, #tpu.memory_space<hbm>> -> memref<5x64xi32, #tpu.memory_space<hbm>>
      tpu.enqueue_dma source(%dma_start3A_108 : memref<5x64xi32, #tpu.memory_space<hbm>>) target(%arg5 : memref<5x64xi32, #tpu.memory_space<vmem>>) target_semaphore(%run_scoped3A : memref<!tpu.dma_semaphore, #tpu.memory_space<semaphore_mem>>)
      %dma_wait3A_109 = arith.constant 0 : i32
      %dma_wait3A_110 = arith.constant 0 : i32
      %dma_wait3A_111 = tpu.memref_slice %arg3[%add3A, %dma_wait3A_109, %dma_wait3A_110] : memref<32x5x64xi32, #tpu.memory_space<hbm>> -> memref<1x5x64xi32, #tpu.memory_space<hbm>>
      %dma_wait3A_112 = tpu.memref_squeeze %dma_wait3A_111 : memref<1x5x64xi32, #tpu.memory_space<hbm>> -> memref<5x64xi32, #tpu.memory_space<hbm>>
      %dma_wait3A_113 = arith.constant 0 : i32
      %dma_wait3A_114 = arith.constant 0 : i32
      %dma_wait3A_115 = tpu.memref_slice %arg3[%add3A, %dma_wait3A_113, %dma_wait3A_114] : memref<32x5x64xi32, #tpu.memory_space<hbm>> -> memref<1x5x64xi32, #tpu.memory_space<hbm>>
      %dma_wait3A_116 = tpu.memref_squeeze %dma_wait3A_115 : memref<1x5x64xi32, #tpu.memory_space<hbm>> -> memref<5x64xi32, #tpu.memory_space<hbm>>
      tpu.wait_dma2 semaphore(%run_scoped3A : memref<!tpu.dma_semaphore, #tpu.memory_space<semaphore_mem>>) src(%dma_wait3A_116 : memref<5x64xi32, #tpu.memory_space<hbm>>) dst(%arg5 : memref<5x64xi32, #tpu.memory_space<vmem>>)
      tpu.yield
    }) : () -> ()
    %dma_start3A = arith.constant 0 : i32
    %dma_start3A_3 = arith.constant 0 : i32
    %dma_start3A_4 = arith.constant 0 : i32
    %dma_start3A_5 = tpu.memref_slice %arg6[%dma_start3A_3, %dma_start3A_4] : memref<320x128xf32, #tpu.memory_space<vmem>> -> memref<64x128xf32, #tpu.memory_space<vmem>>
    %dma_start3A_6 = arith.constant 0 : i32
    %dma_start3A_7 = tpu.memref_slice %arg5[%dma_start3A, %dma_start3A_6] : memref<5x64xi32, #tpu.memory_space<vmem>> -> memref<1x64xi32, #tpu.memory_space<vmem>>
    %dma_start3A_8 = tpu.memref_squeeze %dma_start3A_7 : memref<1x64xi32, #tpu.memory_space<vmem>> -> memref<64xi32, #tpu.memory_space<vmem>>
    %dma_start3A_9 = arith.constant 0 : i32
    %dma_start3A_10 = arith.constant 0 : i32
    %dma_start3A_11 = tpu.memref_slice %arg2[%dma_start3A_9, %dma_start3A_10] : memref<30000x128xf32, #tpu.memory_space<hbm>> -> memref<30000x128xf32, #tpu.memory_space<hbm>>
    tpu.enqueue_indirect_dma source(%dma_start3A_11 : memref<30000x128xf32, #tpu.memory_space<hbm>>) target(%dma_start3A_5 : memref<64x128xf32, #tpu.memory_space<vmem>>) offsets(%dma_start3A_8 : memref<64xi32, #tpu.memory_space<vmem>>) semaphore(%arg7 : memref<!tpu.dma_semaphore, #tpu.memory_space<semaphore_mem>>)
    %dma_start3A_12 = arith.constant 1 : i32
    %dma_start3A_13 = arith.constant 64 : i32
    %dma_start3A_14 = arith.constant 0 : i32
    %dma_start3A_15 = tpu.memref_slice %arg6[%dma_start3A_13, %dma_start3A_14] : memref<320x128xf32, #tpu.memory_space<vmem>> -> memref<64x128xf32, #tpu.memory_space<vmem>>
    %dma_start3A_16 = arith.constant 0 : i32
    %dma_start3A_17 = tpu.memref_slice %arg5[%dma_start3A_12, %dma_start3A_16] : memref<5x64xi32, #tpu.memory_space<vmem>> -> memref<1x64xi32, #tpu.memory_space<vmem>>
    %dma_start3A_18 = tpu.memref_squeeze %dma_start3A_17 : memref<1x64xi32, #tpu.memory_space<vmem>> -> memref<64xi32, #tpu.memory_space<vmem>>
    %dma_start3A_19 = arith.constant 0 : i32
    %dma_start3A_20 = arith.constant 0 : i32
    %dma_start3A_21 = tpu.memref_slice %arg2[%dma_start3A_19, %dma_start3A_20] : memref<30000x128xf32, #tpu.memory_space<hbm>> -> memref<30000x128xf32, #tpu.memory_space<hbm>>
    tpu.enqueue_indirect_dma source(%dma_start3A_21 : memref<30000x128xf32, #tpu.memory_space<hbm>>) target(%dma_start3A_15 : memref<64x128xf32, #tpu.memory_space<vmem>>) offsets(%dma_start3A_18 : memref<64xi32, #tpu.memory_space<vmem>>) semaphore(%arg7 : memref<!tpu.dma_semaphore, #tpu.memory_space<semaphore_mem>>)
    %dma_start3A_22 = arith.constant 2 : i32
    %dma_start3A_23 = arith.constant 128 : i32
    %dma_start3A_24 = arith.constant 0 : i32
    %dma_start3A_25 = tpu.memref_slice %arg6[%dma_start3A_23, %dma_start3A_24] : memref<320x128xf32, #tpu.memory_space<vmem>> -> memref<64x128xf32, #tpu.memory_space<vmem>>
    %dma_start3A_26 = arith.constant 0 : i32
    %dma_start3A_27 = tpu.memref_slice %arg5[%dma_start3A_22, %dma_start3A_26] : memref<5x64xi32, #tpu.memory_space<vmem>> -> memref<1x64xi32, #tpu.memory_space<vmem>>
    %dma_start3A_28 = tpu.memref_squeeze %dma_start3A_27 : memref<1x64xi32, #tpu.memory_space<vmem>> -> memref<64xi32, #tpu.memory_space<vmem>>
    %dma_start3A_29 = arith.constant 0 : i32
    %dma_start3A_30 = arith.constant 0 : i32
    %dma_start3A_31 = tpu.memref_slice %arg2[%dma_start3A_29, %dma_start3A_30] : memref<30000x128xf32, #tpu.memory_space<hbm>> -> memref<30000x128xf32, #tpu.memory_space<hbm>>
    tpu.enqueue_indirect_dma source(%dma_start3A_31 : memref<30000x128xf32, #tpu.memory_space<hbm>>) target(%dma_start3A_25 : memref<64x128xf32, #tpu.memory_space<vmem>>) offsets(%dma_start3A_28 : memref<64xi32, #tpu.memory_space<vmem>>) semaphore(%arg7 : memref<!tpu.dma_semaphore, #tpu.memory_space<semaphore_mem>>)
    %dma_start3A_32 = arith.constant 3 : i32
    %dma_start3A_33 = arith.constant 192 : i32
    %dma_start3A_34 = arith.constant 0 : i32
    %dma_start3A_35 = tpu.memref_slice %arg6[%dma_start3A_33, %dma_start3A_34] : memref<320x128xf32, #tpu.memory_space<vmem>> -> memref<64x128xf32, #tpu.memory_space<vmem>>
    %dma_start3A_36 = arith.constant 0 : i32
    %dma_start3A_37 = tpu.memref_slice %arg5[%dma_start3A_32, %dma_start3A_36] : memref<5x64xi32, #tpu.memory_space<vmem>> -> memref<1x64xi32, #tpu.memory_space<vmem>>
    %dma_start3A_38 = tpu.memref_squeeze %dma_start3A_37 : memref<1x64xi32, #tpu.memory_space<vmem>> -> memref<64xi32, #tpu.memory_space<vmem>>
    %dma_start3A_39 = arith.constant 0 : i32
    %dma_start3A_40 = arith.constant 0 : i32
    %dma_start3A_41 = tpu.memref_slice %arg2[%dma_start3A_39, %dma_start3A_40] : memref<30000x128xf32, #tpu.memory_space<hbm>> -> memref<30000x128xf32, #tpu.memory_space<hbm>>
    tpu.enqueue_indirect_dma source(%dma_start3A_41 : memref<30000x128xf32, #tpu.memory_space<hbm>>) target(%dma_start3A_35 : memref<64x128xf32, #tpu.memory_space<vmem>>) offsets(%dma_start3A_38 : memref<64xi32, #tpu.memory_space<vmem>>) semaphore(%arg7 : memref<!tpu.dma_semaphore, #tpu.memory_space<semaphore_mem>>)
    %dma_start3A_42 = arith.constant 4 : i32
    %dma_start3A_43 = arith.constant 256 : i32
    %dma_start3A_44 = arith.constant 0 : i32
    %dma_start3A_45 = tpu.memref_slice %arg6[%dma_start3A_43, %dma_start3A_44] : memref<320x128xf32, #tpu.memory_space<vmem>> -> memref<64x128xf32, #tpu.memory_space<vmem>>
    %dma_start3A_46 = arith.constant 0 : i32
    %dma_start3A_47 = tpu.memref_slice %arg5[%dma_start3A_42, %dma_start3A_46] : memref<5x64xi32, #tpu.memory_space<vmem>> -> memref<1x64xi32, #tpu.memory_space<vmem>>
    %dma_start3A_48 = tpu.memref_squeeze %dma_start3A_47 : memref<1x64xi32, #tpu.memory_space<vmem>> -> memref<64xi32, #tpu.memory_space<vmem>>
    %dma_start3A_49 = arith.constant 0 : i32
    %dma_start3A_50 = arith.constant 0 : i32
    %dma_start3A_51 = tpu.memref_slice %arg2[%dma_start3A_49, %dma_start3A_50] : memref<30000x128xf32, #tpu.memory_space<hbm>> -> memref<30000x128xf32, #tpu.memory_space<hbm>>
    tpu.enqueue_indirect_dma source(%dma_start3A_51 : memref<30000x128xf32, #tpu.memory_space<hbm>>) target(%dma_start3A_45 : memref<64x128xf32, #tpu.memory_space<vmem>>) offsets(%dma_start3A_48 : memref<64xi32, #tpu.memory_space<vmem>>) semaphore(%arg7 : memref<!tpu.dma_semaphore, #tpu.memory_space<semaphore_mem>>)
    %dma_wait3A = arith.constant 0 : i32
    %dma_wait3A_52 = arith.constant 0 : i32
    %dma_wait3A_53 = arith.constant 0 : i32
    %dma_wait3A_54 = tpu.memref_slice %arg6[%dma_wait3A_52, %dma_wait3A_53] : memref<320x128xf32, #tpu.memory_space<vmem>> -> memref<64x128xf32, #tpu.memory_space<vmem>>
    %dma_wait3A_55 = arith.constant 0 : i32
    %dma_wait3A_56 = tpu.memref_slice %arg5[%dma_wait3A, %dma_wait3A_55] : memref<5x64xi32, #tpu.memory_space<vmem>> -> memref<1x64xi32, #tpu.memory_space<vmem>>
    %dma_wait3A_57 = tpu.memref_squeeze %dma_wait3A_56 : memref<1x64xi32, #tpu.memory_space<vmem>> -> memref<64xi32, #tpu.memory_space<vmem>>
    %dma_wait3A_58 = arith.constant 0 : i32
    %dma_wait3A_59 = arith.constant 0 : i32
    %dma_wait3A_60 = tpu.memref_slice %arg2[%dma_wait3A_58, %dma_wait3A_59] : memref<30000x128xf32, #tpu.memory_space<hbm>> -> memref<30000x128xf32, #tpu.memory_space<hbm>>
    tpu.wait_indirect_dma semaphore(%arg7 : memref<!tpu.dma_semaphore, #tpu.memory_space<semaphore_mem>>) src(%dma_wait3A_60 : memref<30000x128xf32, #tpu.memory_space<hbm>>) dst(%dma_wait3A_54 : memref<64x128xf32, #tpu.memory_space<vmem>>)
    %dma_wait3A_61 = arith.constant 1 : i32
    %dma_wait3A_62 = arith.constant 64 : i32
    %dma_wait3A_63 = arith.constant 0 : i32
    %dma_wait3A_64 = tpu.memref_slice %arg6[%dma_wait3A_62, %dma_wait3A_63] : memref<320x128xf32, #tpu.memory_space<vmem>> -> memref<64x128xf32, #tpu.memory_space<vmem>>
    %dma_wait3A_65 = arith.constant 0 : i32
    %dma_wait3A_66 = tpu.memref_slice %arg5[%dma_wait3A_61, %dma_wait3A_65] : memref<5x64xi32, #tpu.memory_space<vmem>> -> memref<1x64xi32, #tpu.memory_space<vmem>>
    %dma_wait3A_67 = tpu.memref_squeeze %dma_wait3A_66 : memref<1x64xi32, #tpu.memory_space<vmem>> -> memref<64xi32, #tpu.memory_space<vmem>>
    %dma_wait3A_68 = arith.constant 0 : i32
    %dma_wait3A_69 = arith.constant 0 : i32
    %dma_wait3A_70 = tpu.memref_slice %arg2[%dma_wait3A_68, %dma_wait3A_69] : memref<30000x128xf32, #tpu.memory_space<hbm>> -> memref<30000x128xf32, #tpu.memory_space<hbm>>
    tpu.wait_indirect_dma semaphore(%arg7 : memref<!tpu.dma_semaphore, #tpu.memory_space<semaphore_mem>>) src(%dma_wait3A_70 : memref<30000x128xf32, #tpu.memory_space<hbm>>) dst(%dma_wait3A_64 : memref<64x128xf32, #tpu.memory_space<vmem>>)
    %dma_wait3A_71 = arith.constant 2 : i32
    %dma_wait3A_72 = arith.constant 128 : i32
    %dma_wait3A_73 = arith.constant 0 : i32
    %dma_wait3A_74 = tpu.memref_slice %arg6[%dma_wait3A_72, %dma_wait3A_73] : memref<320x128xf32, #tpu.memory_space<vmem>> -> memref<64x128xf32, #tpu.memory_space<vmem>>
    %dma_wait3A_75 = arith.constant 0 : i32
    %dma_wait3A_76 = tpu.memref_slice %arg5[%dma_wait3A_71, %dma_wait3A_75] : memref<5x64xi32, #tpu.memory_space<vmem>> -> memref<1x64xi32, #tpu.memory_space<vmem>>
    %dma_wait3A_77 = tpu.memref_squeeze %dma_wait3A_76 : memref<1x64xi32, #tpu.memory_space<vmem>> -> memref<64xi32, #tpu.memory_space<vmem>>
    %dma_wait3A_78 = arith.constant 0 : i32
    %dma_wait3A_79 = arith.constant 0 : i32
    %dma_wait3A_80 = tpu.memref_slice %arg2[%dma_wait3A_78, %dma_wait3A_79] : memref<30000x128xf32, #tpu.memory_space<hbm>> -> memref<30000x128xf32, #tpu.memory_space<hbm>>
    tpu.wait_indirect_dma semaphore(%arg7 : memref<!tpu.dma_semaphore, #tpu.memory_space<semaphore_mem>>) src(%dma_wait3A_80 : memref<30000x128xf32, #tpu.memory_space<hbm>>) dst(%dma_wait3A_74 : memref<64x128xf32, #tpu.memory_space<vmem>>)
    %dma_wait3A_81 = arith.constant 3 : i32
    %dma_wait3A_82 = arith.constant 192 : i32
    %dma_wait3A_83 = arith.constant 0 : i32
    %dma_wait3A_84 = tpu.memref_slice %arg6[%dma_wait3A_82, %dma_wait3A_83] : memref<320x128xf32, #tpu.memory_space<vmem>> -> memref<64x128xf32, #tpu.memory_space<vmem>>
    %dma_wait3A_85 = arith.constant 0 : i32
    %dma_wait3A_86 = tpu.memref_slice %arg5[%dma_wait3A_81, %dma_wait3A_85] : memref<5x64xi32, #tpu.memory_space<vmem>> -> memref<1x64xi32, #tpu.memory_space<vmem>>
    %dma_wait3A_87 = tpu.memref_squeeze %dma_wait3A_86 : memref<1x64xi32, #tpu.memory_space<vmem>> -> memref<64xi32, #tpu.memory_space<vmem>>
    %dma_wait3A_88 = arith.constant 0 : i32
    %dma_wait3A_89 = arith.constant 0 : i32
    %dma_wait3A_90 = tpu.memref_slice %arg2[%dma_wait3A_88, %dma_wait3A_89] : memref<30000x128xf32, #tpu.memory_space<hbm>> -> memref<30000x128xf32, #tpu.memory_space<hbm>>
    tpu.wait_indirect_dma semaphore(%arg7 : memref<!tpu.dma_semaphore, #tpu.memory_space<semaphore_mem>>) src(%dma_wait3A_90 : memref<30000x128xf32, #tpu.memory_space<hbm>>) dst(%dma_wait3A_84 : memref<64x128xf32, #tpu.memory_space<vmem>>)
    %dma_wait3A_91 = arith.constant 4 : i32
    %dma_wait3A_92 = arith.constant 256 : i32
    %dma_wait3A_93 = arith.constant 0 : i32
    %dma_wait3A_94 = tpu.memref_slice %arg6[%dma_wait3A_92, %dma_wait3A_93] : memref<320x128xf32, #tpu.memory_space<vmem>> -> memref<64x128xf32, #tpu.memory_space<vmem>>
    %dma_wait3A_95 = arith.constant 0 : i32
    %dma_wait3A_96 = tpu.memref_slice %arg5[%dma_wait3A_91, %dma_wait3A_95] : memref<5x64xi32, #tpu.memory_space<vmem>> -> memref<1x64xi32, #tpu.memory_space<vmem>>
    %dma_wait3A_97 = tpu.memref_squeeze %dma_wait3A_96 : memref<1x64xi32, #tpu.memory_space<vmem>> -> memref<64xi32, #tpu.memory_space<vmem>>
    %dma_wait3A_98 = arith.constant 0 : i32
    %dma_wait3A_99 = arith.constant 0 : i32
    %dma_wait3A_100 = tpu.memref_slice %arg2[%dma_wait3A_98, %dma_wait3A_99] : memref<30000x128xf32, #tpu.memory_space<hbm>> -> memref<30000x128xf32, #tpu.memory_space<hbm>>
    tpu.wait_indirect_dma semaphore(%arg7 : memref<!tpu.dma_semaphore, #tpu.memory_space<semaphore_mem>>) src(%dma_wait3A_100 : memref<30000x128xf32, #tpu.memory_space<hbm>>) dst(%dma_wait3A_94 : memref<64x128xf32, #tpu.memory_space<vmem>>)
    "tpu.region"() ({
      %run_scoped3A = tpu.sem_alloc : memref<!tpu.dma_semaphore, #tpu.memory_space<semaphore_mem>>
      %dma_start3A_101 = arith.constant 0 : i32
      %dma_start3A_102 = tpu.memref_slice %arg4[%mul3A_2, %dma_start3A_101] : memref<10240x128xf32, #tpu.memory_space<hbm>> -> memref<320x128xf32, #tpu.memory_space<hbm>>
      %dma_start3A_103 = arith.constant 0 : i32
      %dma_start3A_104 = tpu.memref_slice %arg4[%mul3A_2, %dma_start3A_103] : memref<10240x128xf32, #tpu.memory_space<hbm>> -> memref<320x128xf32, #tpu.memory_space<hbm>>
      tpu.enqueue_dma source(%arg6 : memref<320x128xf32, #tpu.memory_space<vmem>>) target(%dma_start3A_104 : memref<320x128xf32, #tpu.memory_space<hbm>>) target_semaphore(%run_scoped3A : memref<!tpu.dma_semaphore, #tpu.memory_space<semaphore_mem>>)
      %dma_wait3A_105 = arith.constant 0 : i32
      %dma_wait3A_106 = tpu.memref_slice %arg4[%mul3A_2, %dma_wait3A_105] : memref<10240x128xf32, #tpu.memory_space<hbm>> -> memref<320x128xf32, #tpu.memory_space<hbm>>
      %dma_wait3A_107 = arith.constant 0 : i32
      %dma_wait3A_108 = tpu.memref_slice %arg4[%mul3A_2, %dma_wait3A_107] : memref<10240x128xf32, #tpu.memory_space<hbm>> -> memref<320x128xf32, #tpu.memory_space<hbm>>
      tpu.wait_dma2 semaphore(%run_scoped3A : memref<!tpu.dma_semaphore, #tpu.memory_space<semaphore_mem>>) src(%arg6 : memref<320x128xf32, #tpu.memory_space<vmem>>) dst(%dma_wait3A_108 : memref<320x128xf32, #tpu.memory_space<hbm>>)
      tpu.yield
    }) : () -> ()
    return
  }
}

#map = affine_map<(d0, d1) -> (0, 0)>
#map1 = affine_map<(d0, d1) -> (0, 0, 0)>
module attributes {stable_mosaic.version = 14 : i64} {
  func.func @k(%arg0: i32, %arg1: i32, %arg2: memref<10000x128xf32, #tpu.memory_space<hbm>>, %arg3: memref<32x256x128xi32, #tpu.memory_space<hbm>>, %arg4: memref<655360x128xf32, #tpu.memory_space<hbm>>, %arg5: memref<256x128xi32, #tpu.memory_space<vmem>>, %arg6: memref<4x128x128xf32, #tpu.memory_space<vmem>>, %arg7: memref<!tpu.dma_semaphore, #tpu.memory_space<semaphore_mem>>, %arg8: memref<!tpu.dma_semaphore, #tpu.memory_space<semaphore_mem>>, %arg9: memref<!tpu.dma_semaphore, #tpu.memory_space<semaphore_mem>>) attributes {dimension_semantics = [#tpu.dimension_semantics<core_parallel>, #tpu.dimension_semantics<subcore_parallel>], iteration_bounds = array<i64: 2, 16>, scalar_prefetch = 0 : i64, scratch_operands = 5 : i64, tpu.core_type = #tpu.core_type<sc_vector_subcore>, window_params = [{transform_indices = #map}, {transform_indices = #map1}, {transform_indices = #map}]} {
    %mul3A = arith.constant 2 : i32
    %mul3A_0 = arith.muli %arg1, %mul3A : i32
    %add3A = arith.addi %mul3A_0, %arg0 : i32
    %eq3A = arith.constant 0 : i32
    %eq3A_1 = arith.cmpi eq, %arg0, %eq3A : i32
    %jit3A = arith.constant 32 : i32
    %jit3A_2 = arith.constant 128 : i32
    %select_n3A = arith.select %eq3A_1, %jit3A, %jit3A_2 : i32
    %mul3A_3 = arith.constant 320 : i32
    %mul3A_4 = arith.muli %arg1, %mul3A_3 : i32
    %mul3A_5 = arith.constant 64 : i32
    %mul3A_6 = arith.muli %arg0, %mul3A_5 : i32
    %add3A_7 = arith.addi %mul3A_4, %mul3A_6 : i32
    %mul3A_8 = arith.constant 128 : i32
    %mul3A_9 = arith.muli %add3A_7, %mul3A_8 : i32
    "tpu.region"() ({
      %run_scoped3A = tpu.sem_alloc : memref<!tpu.dma_semaphore, #tpu.memory_space<semaphore_mem>>
      %dma_start3A_67 = arith.constant 0 : i32
      %dma_start3A_68 = arith.constant 0 : i32
      %dma_start3A_69 = tpu.memref_slice %arg3[%add3A, %dma_start3A_67, %dma_start3A_68] : memref<32x256x128xi32, #tpu.memory_space<hbm>> -> memref<1x256x128xi32, #tpu.memory_space<hbm>>
      %dma_start3A_70 = tpu.memref_squeeze %dma_start3A_69 : memref<1x256x128xi32, #tpu.memory_space<hbm>> -> memref<256x128xi32, #tpu.memory_space<hbm>>
      %dma_start3A_71 = arith.constant 0 : i32
      %dma_start3A_72 = arith.constant 0 : i32
      %dma_start3A_73 = tpu.memref_slice %arg3[%add3A, %dma_start3A_71, %dma_start3A_72] : memref<32x256x128xi32, #tpu.memory_space<hbm>> -> memref<1x256x128xi32, #tpu.memory_space<hbm>>
      %dma_start3A_74 = tpu.memref_squeeze %dma_start3A_73 : memref<1x256x128xi32, #tpu.memory_space<hbm>> -> memref<256x128xi32, #tpu.memory_space<hbm>>
      tpu.enqueue_dma source(%dma_start3A_74 : memref<256x128xi32, #tpu.memory_space<hbm>>) target(%arg5 : memref<256x128xi32, #tpu.memory_space<vmem>>) target_semaphore(%run_scoped3A : memref<!tpu.dma_semaphore, #tpu.memory_space<semaphore_mem>>)
      %dma_wait3A_75 = arith.constant 0 : i32
      %dma_wait3A_76 = arith.constant 0 : i32
      %dma_wait3A_77 = tpu.memref_slice %arg3[%add3A, %dma_wait3A_75, %dma_wait3A_76] : memref<32x256x128xi32, #tpu.memory_space<hbm>> -> memref<1x256x128xi32, #tpu.memory_space<hbm>>
      %dma_wait3A_78 = tpu.memref_squeeze %dma_wait3A_77 : memref<1x256x128xi32, #tpu.memory_space<hbm>> -> memref<256x128xi32, #tpu.memory_space<hbm>>
      %dma_wait3A_79 = arith.constant 0 : i32
      %dma_wait3A_80 = arith.constant 0 : i32
      %dma_wait3A_81 = tpu.memref_slice %arg3[%add3A, %dma_wait3A_79, %dma_wait3A_80] : memref<32x256x128xi32, #tpu.memory_space<hbm>> -> memref<1x256x128xi32, #tpu.memory_space<hbm>>
      %dma_wait3A_82 = tpu.memref_squeeze %dma_wait3A_81 : memref<1x256x128xi32, #tpu.memory_space<hbm>> -> memref<256x128xi32, #tpu.memory_space<hbm>>
      tpu.wait_dma2 semaphore(%run_scoped3A : memref<!tpu.dma_semaphore, #tpu.memory_space<semaphore_mem>>) src(%dma_wait3A_82 : memref<256x128xi32, #tpu.memory_space<hbm>>) dst(%arg5 : memref<256x128xi32, #tpu.memory_space<vmem>>)
      tpu.yield
    }) : () -> ()
    %dma_start3A = arith.constant 0 : i32
    %dma_start3A_10 = arith.constant 0 : i32
    %dma_start3A_11 = arith.constant 0 : i32
    %dma_start3A_12 = arith.constant 0 : i32
    %dma_start3A_13 = tpu.memref_slice %arg6[%dma_start3A_10, %dma_start3A_11, %dma_start3A_12] : memref<4x128x128xf32, #tpu.memory_space<vmem>> -> memref<1x128x128xf32, #tpu.memory_space<vmem>>
    %dma_start3A_14 = tpu.memref_squeeze %dma_start3A_13 : memref<1x128x128xf32, #tpu.memory_space<vmem>> -> memref<128x128xf32, #tpu.memory_space<vmem>>
    %dma_start3A_15 = arith.constant 0 : i32
    %dma_start3A_16 = tpu.memref_slice %arg5[%dma_start3A, %dma_start3A_15] : memref<256x128xi32, #tpu.memory_space<vmem>> -> memref<1x128xi32, #tpu.memory_space<vmem>>
    %dma_start3A_17 = tpu.memref_squeeze %dma_start3A_16 : memref<1x128xi32, #tpu.memory_space<vmem>> -> memref<128xi32, #tpu.memory_space<vmem>>
    %dma_start3A_18 = arith.constant 0 : i32
    %dma_start3A_19 = arith.constant 0 : i32
    %dma_start3A_20 = tpu.memref_slice %arg2[%dma_start3A_18, %dma_start3A_19] : memref<10000x128xf32, #tpu.memory_space<hbm>> -> memref<10000x128xf32, #tpu.memory_space<hbm>>
    tpu.enqueue_indirect_dma source(%dma_start3A_20 : memref<10000x128xf32, #tpu.memory_space<hbm>>) target(%dma_start3A_14 : memref<128x128xf32, #tpu.memory_space<vmem>>) offsets(%dma_start3A_17 : memref<128xi32, #tpu.memory_space<vmem>>) semaphore(%arg7 : memref<!tpu.dma_semaphore, #tpu.memory_space<semaphore_mem>>)
    %dma_start3A_21 = arith.constant 1 : i32
    %dma_start3A_22 = arith.constant 1 : i32
    %dma_start3A_23 = arith.constant 0 : i32
    %dma_start3A_24 = arith.constant 0 : i32
    %dma_start3A_25 = tpu.memref_slice %arg6[%dma_start3A_22, %dma_start3A_23, %dma_start3A_24] : memref<4x128x128xf32, #tpu.memory_space<vmem>> -> memref<1x128x128xf32, #tpu.memory_space<vmem>>
    %dma_start3A_26 = tpu.memref_squeeze %dma_start3A_25 : memref<1x128x128xf32, #tpu.memory_space<vmem>> -> memref<128x128xf32, #tpu.memory_space<vmem>>
    %dma_start3A_27 = arith.constant 0 : i32
    %dma_start3A_28 = tpu.memref_slice %arg5[%dma_start3A_21, %dma_start3A_27] : memref<256x128xi32, #tpu.memory_space<vmem>> -> memref<1x128xi32, #tpu.memory_space<vmem>>
    %dma_start3A_29 = tpu.memref_squeeze %dma_start3A_28 : memref<1x128xi32, #tpu.memory_space<vmem>> -> memref<128xi32, #tpu.memory_space<vmem>>
    %dma_start3A_30 = arith.constant 0 : i32
    %dma_start3A_31 = arith.constant 0 : i32
    %dma_start3A_32 = tpu.memref_slice %arg2[%dma_start3A_30, %dma_start3A_31] : memref<10000x128xf32, #tpu.memory_space<hbm>> -> memref<10000x128xf32, #tpu.memory_space<hbm>>
    tpu.enqueue_indirect_dma source(%dma_start3A_32 : memref<10000x128xf32, #tpu.memory_space<hbm>>) target(%dma_start3A_26 : memref<128x128xf32, #tpu.memory_space<vmem>>) offsets(%dma_start3A_29 : memref<128xi32, #tpu.memory_space<vmem>>) semaphore(%arg7 : memref<!tpu.dma_semaphore, #tpu.memory_space<semaphore_mem>>)
    %while3A = arith.constant 0 : i32
    %while3A_33 = arith.constant 0 : i32
    %while3A_34 = arith.subi %select_n3A, %while3A_33 : i32
    %while3A_35 = arith.addi %while3A_33, %while3A_34 : i32
    %while3A_36 = arith.constant 1 : i32
    %while3A_37 = arith.divsi %while3A_34, %while3A_36 : i32
    %while3A_38 = arith.muli %while3A_37, %while3A_36 : i32
    %while3A_39 = arith.addi %while3A_33, %while3A_38 : i32
    %while3A_40 = arith.constant 1 : i32
    scf.for %while3A_67 = %while3A_33 to %while3A_39 step %while3A_40  : i32 {
      %rem3A = arith.constant 2 : i32
      %rem3A_68 = arith.remsi %while3A_67, %rem3A : i32
      %eq3A_69 = arith.constant 0 : i32
      %eq3A_70 = arith.cmpi eq, %rem3A_68, %eq3A_69 : i32
      %convert_element_type3A = arith.extui %eq3A_70 : i1 to i32
      %cond3A = arith.constant 0 : i32
      %cond3A_71 = arith.cmpi ne, %convert_element_type3A, %cond3A : i32
      scf.if %cond3A_71 {
        %mul3A_76 = arith.constant 2 : i32
        %mul3A_77 = arith.muli %while3A_67, %mul3A_76 : i32
        %dma_wait3A_78 = arith.constant 0 : i32
        %dma_wait3A_79 = arith.constant 0 : i32
        %dma_wait3A_80 = arith.constant 0 : i32
        %dma_wait3A_81 = arith.constant 0 : i32
        %dma_wait3A_82 = tpu.memref_slice %arg6[%dma_wait3A_79, %dma_wait3A_80, %dma_wait3A_81] : memref<4x128x128xf32, #tpu.memory_space<vmem>> -> memref<1x128x128xf32, #tpu.memory_space<vmem>>
        %dma_wait3A_83 = tpu.memref_squeeze %dma_wait3A_82 : memref<1x128x128xf32, #tpu.memory_space<vmem>> -> memref<128x128xf32, #tpu.memory_space<vmem>>
        %dma_wait3A_84 = arith.constant 0 : i32
        %dma_wait3A_85 = tpu.memref_slice %arg5[%dma_wait3A_78, %dma_wait3A_84] : memref<256x128xi32, #tpu.memory_space<vmem>> -> memref<1x128xi32, #tpu.memory_space<vmem>>
        %dma_wait3A_86 = tpu.memref_squeeze %dma_wait3A_85 : memref<1x128xi32, #tpu.memory_space<vmem>> -> memref<128xi32, #tpu.memory_space<vmem>>
        %dma_wait3A_87 = arith.constant 0 : i32
        %dma_wait3A_88 = arith.constant 0 : i32
        %dma_wait3A_89 = tpu.memref_slice %arg2[%dma_wait3A_87, %dma_wait3A_88] : memref<10000x128xf32, #tpu.memory_space<hbm>> -> memref<10000x128xf32, #tpu.memory_space<hbm>>
        tpu.wait_indirect_dma semaphore(%arg7 : memref<!tpu.dma_semaphore, #tpu.memory_space<semaphore_mem>>) src(%dma_wait3A_89 : memref<10000x128xf32, #tpu.memory_space<hbm>>) dst(%dma_wait3A_83 : memref<128x128xf32, #tpu.memory_space<vmem>>)
        %dma_wait3A_90 = arith.constant 0 : i32
        %dma_wait3A_91 = arith.constant 1 : i32
        %dma_wait3A_92 = arith.constant 0 : i32
        %dma_wait3A_93 = arith.constant 0 : i32
        %dma_wait3A_94 = tpu.memref_slice %arg6[%dma_wait3A_91, %dma_wait3A_92, %dma_wait3A_93] : memref<4x128x128xf32, #tpu.memory_space<vmem>> -> memref<1x128x128xf32, #tpu.memory_space<vmem>>
        %dma_wait3A_95 = tpu.memref_squeeze %dma_wait3A_94 : memref<1x128x128xf32, #tpu.memory_space<vmem>> -> memref<128x128xf32, #tpu.memory_space<vmem>>
        %dma_wait3A_96 = arith.constant 0 : i32
        %dma_wait3A_97 = tpu.memref_slice %arg5[%dma_wait3A_90, %dma_wait3A_96] : memref<256x128xi32, #tpu.memory_space<vmem>> -> memref<1x128xi32, #tpu.memory_space<vmem>>
        %dma_wait3A_98 = tpu.memref_squeeze %dma_wait3A_97 : memref<1x128xi32, #tpu.memory_space<vmem>> -> memref<128xi32, #tpu.memory_space<vmem>>
        %dma_wait3A_99 = arith.constant 0 : i32
        %dma_wait3A_100 = arith.constant 0 : i32
        %dma_wait3A_101 = tpu.memref_slice %arg2[%dma_wait3A_99, %dma_wait3A_100] : memref<10000x128xf32, #tpu.memory_space<hbm>> -> memref<10000x128xf32, #tpu.memory_space<hbm>>
        tpu.wait_indirect_dma semaphore(%arg7 : memref<!tpu.dma_semaphore, #tpu.memory_space<semaphore_mem>>) src(%dma_wait3A_101 : memref<10000x128xf32, #tpu.memory_space<hbm>>) dst(%dma_wait3A_95 : memref<128x128xf32, #tpu.memory_space<vmem>>)
        %add3A_102 = arith.constant 0 : i32
        %add3A_103 = arith.addi %mul3A_77, %add3A_102 : i32
        %mul3A_104 = arith.constant 128 : i32
        %mul3A_105 = arith.muli %add3A_103, %mul3A_104 : i32
        %add3A_106 = arith.addi %mul3A_9, %mul3A_105 : i32
        %dma_start3A_107 = arith.constant 0 : i32
        %dma_start3A_108 = arith.constant 0 : i32
        %dma_start3A_109 = arith.constant 0 : i32
        %dma_start3A_110 = tpu.memref_slice %arg6[%dma_start3A_107, %dma_start3A_108, %dma_start3A_109] : memref<4x128x128xf32, #tpu.memory_space<vmem>> -> memref<1x128x128xf32, #tpu.memory_space<vmem>>
        %dma_start3A_111 = tpu.memref_squeeze %dma_start3A_110 : memref<1x128x128xf32, #tpu.memory_space<vmem>> -> memref<128x128xf32, #tpu.memory_space<vmem>>
        %dma_start3A_112 = arith.constant 0 : i32
        %dma_start3A_113 = tpu.memref_slice %arg4[%add3A_106, %dma_start3A_112] : memref<655360x128xf32, #tpu.memory_space<hbm>> -> memref<128x128xf32, #tpu.memory_space<hbm>>
        %dma_start3A_114 = arith.constant 0 : i32
        %dma_start3A_115 = tpu.memref_slice %arg4[%add3A_106, %dma_start3A_114] : memref<655360x128xf32, #tpu.memory_space<hbm>> -> memref<128x128xf32, #tpu.memory_space<hbm>>
        %dma_start3A_116 = arith.constant 0 : i32
        %dma_start3A_117 = arith.constant 0 : i32
        %dma_start3A_118 = tpu.memref_slice %arg6[%dma_start3A_107, %dma_start3A_116, %dma_start3A_117] : memref<4x128x128xf32, #tpu.memory_space<vmem>> -> memref<1x128x128xf32, #tpu.memory_space<vmem>>
        %dma_start3A_119 = tpu.memref_squeeze %dma_start3A_118 : memref<1x128x128xf32, #tpu.memory_space<vmem>> -> memref<128x128xf32, #tpu.memory_space<vmem>>
        tpu.enqueue_dma source(%dma_start3A_119 : memref<128x128xf32, #tpu.memory_space<vmem>>) target(%dma_start3A_115 : memref<128x128xf32, #tpu.memory_space<hbm>>) target_semaphore(%arg8 : memref<!tpu.dma_semaphore, #tpu.memory_space<semaphore_mem>>)
        %add3A_120 = arith.constant 1 : i32
        %add3A_121 = arith.addi %mul3A_77, %add3A_120 : i32
        %mul3A_122 = arith.constant 128 : i32
        %mul3A_123 = arith.muli %add3A_121, %mul3A_122 : i32
        %add3A_124 = arith.addi %mul3A_9, %mul3A_123 : i32
        %dma_start3A_125 = arith.constant 1 : i32
        %dma_start3A_126 = arith.constant 0 : i32
        %dma_start3A_127 = arith.constant 0 : i32
        %dma_start3A_128 = tpu.memref_slice %arg6[%dma_start3A_125, %dma_start3A_126, %dma_start3A_127] : memref<4x128x128xf32, #tpu.memory_space<vmem>> -> memref<1x128x128xf32, #tpu.memory_space<vmem>>
        %dma_start3A_129 = tpu.memref_squeeze %dma_start3A_128 : memref<1x128x128xf32, #tpu.memory_space<vmem>> -> memref<128x128xf32, #tpu.memory_space<vmem>>
        %dma_start3A_130 = arith.constant 0 : i32
        %dma_start3A_131 = tpu.memref_slice %arg4[%add3A_124, %dma_start3A_130] : memref<655360x128xf32, #tpu.memory_space<hbm>> -> memref<128x128xf32, #tpu.memory_space<hbm>>
        %dma_start3A_132 = arith.constant 0 : i32
        %dma_start3A_133 = tpu.memref_slice %arg4[%add3A_124, %dma_start3A_132] : memref<655360x128xf32, #tpu.memory_space<hbm>> -> memref<128x128xf32, #tpu.memory_space<hbm>>
        %dma_start3A_134 = arith.constant 0 : i32
        %dma_start3A_135 = arith.constant 0 : i32
        %dma_start3A_136 = tpu.memref_slice %arg6[%dma_start3A_125, %dma_start3A_134, %dma_start3A_135] : memref<4x128x128xf32, #tpu.memory_space<vmem>> -> memref<1x128x128xf32, #tpu.memory_space<vmem>>
        %dma_start3A_137 = tpu.memref_squeeze %dma_start3A_136 : memref<1x128x128xf32, #tpu.memory_space<vmem>> -> memref<128x128xf32, #tpu.memory_space<vmem>>
        tpu.enqueue_dma source(%dma_start3A_137 : memref<128x128xf32, #tpu.memory_space<vmem>>) target(%dma_start3A_133 : memref<128x128xf32, #tpu.memory_space<hbm>>) target_semaphore(%arg8 : memref<!tpu.dma_semaphore, #tpu.memory_space<semaphore_mem>>)
        %gt3A = arith.constant 0 : i32
        %gt3A_138 = arith.cmpi sgt, %while3A_67, %gt3A : i32
        %convert_element_type3A_139 = arith.extui %gt3A_138 : i1 to i32
        %cond3A_140 = arith.constant 0 : i32
        %cond3A_141 = arith.cmpi ne, %convert_element_type3A_139, %cond3A_140 : i32
        scf.if %cond3A_141 {
          %dma_wait3A_146 = arith.constant 2 : i32
          %dma_wait3A_147 = arith.constant 0 : i32
          %dma_wait3A_148 = arith.constant 0 : i32
          %dma_wait3A_149 = tpu.memref_slice %arg6[%dma_wait3A_146, %dma_wait3A_147, %dma_wait3A_148] : memref<4x128x128xf32, #tpu.memory_space<vmem>> -> memref<1x128x128xf32, #tpu.memory_space<vmem>>
          %dma_wait3A_150 = tpu.memref_squeeze %dma_wait3A_149 : memref<1x128x128xf32, #tpu.memory_space<vmem>> -> memref<128x128xf32, #tpu.memory_space<vmem>>
          %dma_wait3A_151 = arith.constant 0 : i32
          %dma_wait3A_152 = tpu.memref_slice %arg4[%mul3A_9, %dma_wait3A_151] : memref<655360x128xf32, #tpu.memory_space<hbm>> -> memref<128x128xf32, #tpu.memory_space<hbm>>
          %dma_wait3A_153 = arith.constant 0 : i32
          %dma_wait3A_154 = tpu.memref_slice %arg4[%mul3A_9, %dma_wait3A_153] : memref<655360x128xf32, #tpu.memory_space<hbm>> -> memref<128x128xf32, #tpu.memory_space<hbm>>
          %dma_wait3A_155 = arith.constant 0 : i32
          %dma_wait3A_156 = arith.constant 0 : i32
          %dma_wait3A_157 = tpu.memref_slice %arg6[%dma_wait3A_146, %dma_wait3A_155, %dma_wait3A_156] : memref<4x128x128xf32, #tpu.memory_space<vmem>> -> memref<1x128x128xf32, #tpu.memory_space<vmem>>
          %dma_wait3A_158 = tpu.memref_squeeze %dma_wait3A_157 : memref<1x128x128xf32, #tpu.memory_space<vmem>> -> memref<128x128xf32, #tpu.memory_space<vmem>>
          tpu.wait_dma2 semaphore(%arg9 : memref<!tpu.dma_semaphore, #tpu.memory_space<semaphore_mem>>) src(%dma_wait3A_158 : memref<128x128xf32, #tpu.memory_space<vmem>>) dst(%dma_wait3A_154 : memref<128x128xf32, #tpu.memory_space<hbm>>)
          %dma_wait3A_159 = arith.constant 3 : i32
          %dma_wait3A_160 = arith.constant 0 : i32
          %dma_wait3A_161 = arith.constant 0 : i32
          %dma_wait3A_162 = tpu.memref_slice %arg6[%dma_wait3A_159, %dma_wait3A_160, %dma_wait3A_161] : memref<4x128x128xf32, #tpu.memory_space<vmem>> -> memref<1x128x128xf32, #tpu.memory_space<vmem>>
          %dma_wait3A_163 = tpu.memref_squeeze %dma_wait3A_162 : memref<1x128x128xf32, #tpu.memory_space<vmem>> -> memref<128x128xf32, #tpu.memory_space<vmem>>
          %dma_wait3A_164 = arith.constant 0 : i32
          %dma_wait3A_165 = tpu.memref_slice %arg4[%mul3A_9, %dma_wait3A_164] : memref<655360x128xf32, #tpu.memory_space<hbm>> -> memref<128x128xf32, #tpu.memory_space<hbm>>
          %dma_wait3A_166 = arith.constant 0 : i32
          %dma_wait3A_167 = tpu.memref_slice %arg4[%mul3A_9, %dma_wait3A_166] : memref<655360x128xf32, #tpu.memory_space<hbm>> -> memref<128x128xf32, #tpu.memory_space<hbm>>
          %dma_wait3A_168 = arith.constant 0 : i32
          %dma_wait3A_169 = arith.constant 0 : i32
          %dma_wait3A_170 = tpu.memref_slice %arg6[%dma_wait3A_159, %dma_wait3A_168, %dma_wait3A_169] : memref<4x128x128xf32, #tpu.memory_space<vmem>> -> memref<1x128x128xf32, #tpu.memory_space<vmem>>
          %dma_wait3A_171 = tpu.memref_squeeze %dma_wait3A_170 : memref<1x128x128xf32, #tpu.memory_space<vmem>> -> memref<128x128xf32, #tpu.memory_space<vmem>>
          tpu.wait_dma2 semaphore(%arg9 : memref<!tpu.dma_semaphore, #tpu.memory_space<semaphore_mem>>) src(%dma_wait3A_171 : memref<128x128xf32, #tpu.memory_space<vmem>>) dst(%dma_wait3A_167 : memref<128x128xf32, #tpu.memory_space<hbm>>)
        } else {
        }
        %sub3A = arith.constant 1 : i32
        %sub3A_142 = arith.subi %select_n3A, %sub3A : i32
        %lt3A = arith.cmpi slt, %while3A_67, %sub3A_142 : i32
        %convert_element_type3A_143 = arith.extui %lt3A : i1 to i32
        %cond3A_144 = arith.constant 0 : i32
        %cond3A_145 = arith.cmpi ne, %convert_element_type3A_143, %cond3A_144 : i32
        scf.if %cond3A_145 {
          %add3A_146 = arith.constant 2 : i32
          %add3A_147 = arith.addi %mul3A_77, %add3A_146 : i32
          %add3A_148 = arith.constant 0 : i32
          %add3A_149 = arith.addi %add3A_147, %add3A_148 : i32
          %dma_start3A_150 = arith.constant 2 : i32
          %dma_start3A_151 = arith.constant 0 : i32
          %dma_start3A_152 = arith.constant 0 : i32
          %dma_start3A_153 = tpu.memref_slice %arg6[%dma_start3A_150, %dma_start3A_151, %dma_start3A_152] : memref<4x128x128xf32, #tpu.memory_space<vmem>> -> memref<1x128x128xf32, #tpu.memory_space<vmem>>
          %dma_start3A_154 = tpu.memref_squeeze %dma_start3A_153 : memref<1x128x128xf32, #tpu.memory_space<vmem>> -> memref<128x128xf32, #tpu.memory_space<vmem>>
          %dma_start3A_155 = arith.constant 0 : i32
          %dma_start3A_156 = tpu.memref_slice %arg5[%add3A_149, %dma_start3A_155] : memref<256x128xi32, #tpu.memory_space<vmem>> -> memref<1x128xi32, #tpu.memory_space<vmem>>
          %dma_start3A_157 = tpu.memref_squeeze %dma_start3A_156 : memref<1x128xi32, #tpu.memory_space<vmem>> -> memref<128xi32, #tpu.memory_space<vmem>>
          %dma_start3A_158 = arith.constant 0 : i32
          %dma_start3A_159 = arith.constant 0 : i32
          %dma_start3A_160 = tpu.memref_slice %arg2[%dma_start3A_158, %dma_start3A_159] : memref<10000x128xf32, #tpu.memory_space<hbm>> -> memref<10000x128xf32, #tpu.memory_space<hbm>>
          tpu.enqueue_indirect_dma source(%dma_start3A_160 : memref<10000x128xf32, #tpu.memory_space<hbm>>) target(%dma_start3A_154 : memref<128x128xf32, #tpu.memory_space<vmem>>) offsets(%dma_start3A_157 : memref<128xi32, #tpu.memory_space<vmem>>) semaphore(%arg7 : memref<!tpu.dma_semaphore, #tpu.memory_space<semaphore_mem>>)
          %add3A_161 = arith.constant 2 : i32
          %add3A_162 = arith.addi %mul3A_77, %add3A_161 : i32
          %add3A_163 = arith.constant 1 : i32
          %add3A_164 = arith.addi %add3A_162, %add3A_163 : i32
          %dma_start3A_165 = arith.constant 3 : i32
          %dma_start3A_166 = arith.constant 0 : i32
          %dma_start3A_167 = arith.constant 0 : i32
          %dma_start3A_168 = tpu.memref_slice %arg6[%dma_start3A_165, %dma_start3A_166, %dma_start3A_167] : memref<4x128x128xf32, #tpu.memory_space<vmem>> -> memref<1x128x128xf32, #tpu.memory_space<vmem>>
          %dma_start3A_169 = tpu.memref_squeeze %dma_start3A_168 : memref<1x128x128xf32, #tpu.memory_space<vmem>> -> memref<128x128xf32, #tpu.memory_space<vmem>>
          %dma_start3A_170 = arith.constant 0 : i32
          %dma_start3A_171 = tpu.memref_slice %arg5[%add3A_164, %dma_start3A_170] : memref<256x128xi32, #tpu.memory_space<vmem>> -> memref<1x128xi32, #tpu.memory_space<vmem>>
          %dma_start3A_172 = tpu.memref_squeeze %dma_start3A_171 : memref<1x128xi32, #tpu.memory_space<vmem>> -> memref<128xi32, #tpu.memory_space<vmem>>
          %dma_start3A_173 = arith.constant 0 : i32
          %dma_start3A_174 = arith.constant 0 : i32
          %dma_start3A_175 = tpu.memref_slice %arg2[%dma_start3A_173, %dma_start3A_174] : memref<10000x128xf32, #tpu.memory_space<hbm>> -> memref<10000x128xf32, #tpu.memory_space<hbm>>
          tpu.enqueue_indirect_dma source(%dma_start3A_175 : memref<10000x128xf32, #tpu.memory_space<hbm>>) target(%dma_start3A_169 : memref<128x128xf32, #tpu.memory_space<vmem>>) offsets(%dma_start3A_172 : memref<128xi32, #tpu.memory_space<vmem>>) semaphore(%arg7 : memref<!tpu.dma_semaphore, #tpu.memory_space<semaphore_mem>>)
        } else {
        }
      } else {
      }
      %not3A = arith.constant true
      %not3A_72 = arith.xori %eq3A_70, %not3A : i1
      %convert_element_type3A_73 = arith.extui %not3A_72 : i1 to i32
      %cond3A_74 = arith.constant 0 : i32
      %cond3A_75 = arith.cmpi ne, %convert_element_type3A_73, %cond3A_74 : i32
      scf.if %cond3A_75 {
        %mul3A_76 = arith.constant 2 : i32
        %mul3A_77 = arith.muli %while3A_67, %mul3A_76 : i32
        %dma_wait3A_78 = arith.constant 0 : i32
        %dma_wait3A_79 = arith.constant 2 : i32
        %dma_wait3A_80 = arith.constant 0 : i32
        %dma_wait3A_81 = arith.constant 0 : i32
        %dma_wait3A_82 = tpu.memref_slice %arg6[%dma_wait3A_79, %dma_wait3A_80, %dma_wait3A_81] : memref<4x128x128xf32, #tpu.memory_space<vmem>> -> memref<1x128x128xf32, #tpu.memory_space<vmem>>
        %dma_wait3A_83 = tpu.memref_squeeze %dma_wait3A_82 : memref<1x128x128xf32, #tpu.memory_space<vmem>> -> memref<128x128xf32, #tpu.memory_space<vmem>>
        %dma_wait3A_84 = arith.constant 0 : i32
        %dma_wait3A_85 = tpu.memref_slice %arg5[%dma_wait3A_78, %dma_wait3A_84] : memref<256x128xi32, #tpu.memory_space<vmem>> -> memref<1x128xi32, #tpu.memory_space<vmem>>
        %dma_wait3A_86 = tpu.memref_squeeze %dma_wait3A_85 : memref<1x128xi32, #tpu.memory_space<vmem>> -> memref<128xi32, #tpu.memory_space<vmem>>
        %dma_wait3A_87 = arith.constant 0 : i32
        %dma_wait3A_88 = arith.constant 0 : i32
        %dma_wait3A_89 = tpu.memref_slice %arg2[%dma_wait3A_87, %dma_wait3A_88] : memref<10000x128xf32, #tpu.memory_space<hbm>> -> memref<10000x128xf32, #tpu.memory_space<hbm>>
        tpu.wait_indirect_dma semaphore(%arg7 : memref<!tpu.dma_semaphore, #tpu.memory_space<semaphore_mem>>) src(%dma_wait3A_89 : memref<10000x128xf32, #tpu.memory_space<hbm>>) dst(%dma_wait3A_83 : memref<128x128xf32, #tpu.memory_space<vmem>>)
        %dma_wait3A_90 = arith.constant 0 : i32
        %dma_wait3A_91 = arith.constant 3 : i32
        %dma_wait3A_92 = arith.constant 0 : i32
        %dma_wait3A_93 = arith.constant 0 : i32
        %dma_wait3A_94 = tpu.memref_slice %arg6[%dma_wait3A_91, %dma_wait3A_92, %dma_wait3A_93] : memref<4x128x128xf32, #tpu.memory_space<vmem>> -> memref<1x128x128xf32, #tpu.memory_space<vmem>>
        %dma_wait3A_95 = tpu.memref_squeeze %dma_wait3A_94 : memref<1x128x128xf32, #tpu.memory_space<vmem>> -> memref<128x128xf32, #tpu.memory_space<vmem>>
        %dma_wait3A_96 = arith.constant 0 : i32
        %dma_wait3A_97 = tpu.memref_slice %arg5[%dma_wait3A_90, %dma_wait3A_96] : memref<256x128xi32, #tpu.memory_space<vmem>> -> memref<1x128xi32, #tpu.memory_space<vmem>>
        %dma_wait3A_98 = tpu.memref_squeeze %dma_wait3A_97 : memref<1x128xi32, #tpu.memory_space<vmem>> -> memref<128xi32, #tpu.memory_space<vmem>>
        %dma_wait3A_99 = arith.constant 0 : i32
        %dma_wait3A_100 = arith.constant 0 : i32
        %dma_wait3A_101 = tpu.memref_slice %arg2[%dma_wait3A_99, %dma_wait3A_100] : memref<10000x128xf32, #tpu.memory_space<hbm>> -> memref<10000x128xf32, #tpu.memory_space<hbm>>
        tpu.wait_indirect_dma semaphore(%arg7 : memref<!tpu.dma_semaphore, #tpu.memory_space<semaphore_mem>>) src(%dma_wait3A_101 : memref<10000x128xf32, #tpu.memory_space<hbm>>) dst(%dma_wait3A_95 : memref<128x128xf32, #tpu.memory_space<vmem>>)
        %add3A_102 = arith.constant 0 : i32
        %add3A_103 = arith.addi %mul3A_77, %add3A_102 : i32
        %mul3A_104 = arith.constant 128 : i32
        %mul3A_105 = arith.muli %add3A_103, %mul3A_104 : i32
        %add3A_106 = arith.addi %mul3A_9, %mul3A_105 : i32
        %dma_start3A_107 = arith.constant 2 : i32
        %dma_start3A_108 = arith.constant 0 : i32
        %dma_start3A_109 = arith.constant 0 : i32
        %dma_start3A_110 = tpu.memref_slice %arg6[%dma_start3A_107, %dma_start3A_108, %dma_start3A_109] : memref<4x128x128xf32, #tpu.memory_space<vmem>> -> memref<1x128x128xf32, #tpu.memory_space<vmem>>
        %dma_start3A_111 = tpu.memref_squeeze %dma_start3A_110 : memref<1x128x128xf32, #tpu.memory_space<vmem>> -> memref<128x128xf32, #tpu.memory_space<vmem>>
        %dma_start3A_112 = arith.constant 0 : i32
        %dma_start3A_113 = tpu.memref_slice %arg4[%add3A_106, %dma_start3A_112] : memref<655360x128xf32, #tpu.memory_space<hbm>> -> memref<128x128xf32, #tpu.memory_space<hbm>>
        %dma_start3A_114 = arith.constant 0 : i32
        %dma_start3A_115 = tpu.memref_slice %arg4[%add3A_106, %dma_start3A_114] : memref<655360x128xf32, #tpu.memory_space<hbm>> -> memref<128x128xf32, #tpu.memory_space<hbm>>
        %dma_start3A_116 = arith.constant 0 : i32
        %dma_start3A_117 = arith.constant 0 : i32
        %dma_start3A_118 = tpu.memref_slice %arg6[%dma_start3A_107, %dma_start3A_116, %dma_start3A_117] : memref<4x128x128xf32, #tpu.memory_space<vmem>> -> memref<1x128x128xf32, #tpu.memory_space<vmem>>
        %dma_start3A_119 = tpu.memref_squeeze %dma_start3A_118 : memref<1x128x128xf32, #tpu.memory_space<vmem>> -> memref<128x128xf32, #tpu.memory_space<vmem>>
        tpu.enqueue_dma source(%dma_start3A_119 : memref<128x128xf32, #tpu.memory_space<vmem>>) target(%dma_start3A_115 : memref<128x128xf32, #tpu.memory_space<hbm>>) target_semaphore(%arg9 : memref<!tpu.dma_semaphore, #tpu.memory_space<semaphore_mem>>)
        %add3A_120 = arith.constant 1 : i32
        %add3A_121 = arith.addi %mul3A_77, %add3A_120 : i32
        %mul3A_122 = arith.constant 128 : i32
        %mul3A_123 = arith.muli %add3A_121, %mul3A_122 : i32
        %add3A_124 = arith.addi %mul3A_9, %mul3A_123 : i32
        %dma_start3A_125 = arith.constant 3 : i32
        %dma_start3A_126 = arith.constant 0 : i32
        %dma_start3A_127 = arith.constant 0 : i32
        %dma_start3A_128 = tpu.memref_slice %arg6[%dma_start3A_125, %dma_start3A_126, %dma_start3A_127] : memref<4x128x128xf32, #tpu.memory_space<vmem>> -> memref<1x128x128xf32, #tpu.memory_space<vmem>>
        %dma_start3A_129 = tpu.memref_squeeze %dma_start3A_128 : memref<1x128x128xf32, #tpu.memory_space<vmem>> -> memref<128x128xf32, #tpu.memory_space<vmem>>
        %dma_start3A_130 = arith.constant 0 : i32
        %dma_start3A_131 = tpu.memref_slice %arg4[%add3A_124, %dma_start3A_130] : memref<655360x128xf32, #tpu.memory_space<hbm>> -> memref<128x128xf32, #tpu.memory_space<hbm>>
        %dma_start3A_132 = arith.constant 0 : i32
        %dma_start3A_133 = tpu.memref_slice %arg4[%add3A_124, %dma_start3A_132] : memref<655360x128xf32, #tpu.memory_space<hbm>> -> memref<128x128xf32, #tpu.memory_space<hbm>>
        %dma_start3A_134 = arith.constant 0 : i32
        %dma_start3A_135 = arith.constant 0 : i32
        %dma_start3A_136 = tpu.memref_slice %arg6[%dma_start3A_125, %dma_start3A_134, %dma_start3A_135] : memref<4x128x128xf32, #tpu.memory_space<vmem>> -> memref<1x128x128xf32, #tpu.memory_space<vmem>>
        %dma_start3A_137 = tpu.memref_squeeze %dma_start3A_136 : memref<1x128x128xf32, #tpu.memory_space<vmem>> -> memref<128x128xf32, #tpu.memory_space<vmem>>
        tpu.enqueue_dma source(%dma_start3A_137 : memref<128x128xf32, #tpu.memory_space<vmem>>) target(%dma_start3A_133 : memref<128x128xf32, #tpu.memory_space<hbm>>) target_semaphore(%arg9 : memref<!tpu.dma_semaphore, #tpu.memory_space<semaphore_mem>>)
        %gt3A = arith.constant 0 : i32
        %gt3A_138 = arith.cmpi sgt, %while3A_67, %gt3A : i32
        %convert_element_type3A_139 = arith.extui %gt3A_138 : i1 to i32
        %cond3A_140 = arith.constant 0 : i32
        %cond3A_141 = arith.cmpi ne, %convert_element_type3A_139, %cond3A_140 : i32
        scf.if %cond3A_141 {
          %dma_wait3A_146 = arith.constant 0 : i32
          %dma_wait3A_147 = arith.constant 0 : i32
          %dma_wait3A_148 = arith.constant 0 : i32
          %dma_wait3A_149 = tpu.memref_slice %arg6[%dma_wait3A_146, %dma_wait3A_147, %dma_wait3A_148] : memref<4x128x128xf32, #tpu.memory_space<vmem>> -> memref<1x128x128xf32, #tpu.memory_space<vmem>>
          %dma_wait3A_150 = tpu.memref_squeeze %dma_wait3A_149 : memref<1x128x128xf32, #tpu.memory_space<vmem>> -> memref<128x128xf32, #tpu.memory_space<vmem>>
          %dma_wait3A_151 = arith.constant 0 : i32
          %dma_wait3A_152 = tpu.memref_slice %arg4[%mul3A_9, %dma_wait3A_151] : memref<655360x128xf32, #tpu.memory_space<hbm>> -> memref<128x128xf32, #tpu.memory_space<hbm>>
          %dma_wait3A_153 = arith.constant 0 : i32
          %dma_wait3A_154 = tpu.memref_slice %arg4[%mul3A_9, %dma_wait3A_153] : memref<655360x128xf32, #tpu.memory_space<hbm>> -> memref<128x128xf32, #tpu.memory_space<hbm>>
          %dma_wait3A_155 = arith.constant 0 : i32
          %dma_wait3A_156 = arith.constant 0 : i32
          %dma_wait3A_157 = tpu.memref_slice %arg6[%dma_wait3A_146, %dma_wait3A_155, %dma_wait3A_156] : memref<4x128x128xf32, #tpu.memory_space<vmem>> -> memref<1x128x128xf32, #tpu.memory_space<vmem>>
          %dma_wait3A_158 = tpu.memref_squeeze %dma_wait3A_157 : memref<1x128x128xf32, #tpu.memory_space<vmem>> -> memref<128x128xf32, #tpu.memory_space<vmem>>
          tpu.wait_dma2 semaphore(%arg8 : memref<!tpu.dma_semaphore, #tpu.memory_space<semaphore_mem>>) src(%dma_wait3A_158 : memref<128x128xf32, #tpu.memory_space<vmem>>) dst(%dma_wait3A_154 : memref<128x128xf32, #tpu.memory_space<hbm>>)
          %dma_wait3A_159 = arith.constant 1 : i32
          %dma_wait3A_160 = arith.constant 0 : i32
          %dma_wait3A_161 = arith.constant 0 : i32
          %dma_wait3A_162 = tpu.memref_slice %arg6[%dma_wait3A_159, %dma_wait3A_160, %dma_wait3A_161] : memref<4x128x128xf32, #tpu.memory_space<vmem>> -> memref<1x128x128xf32, #tpu.memory_space<vmem>>
          %dma_wait3A_163 = tpu.memref_squeeze %dma_wait3A_162 : memref<1x128x128xf32, #tpu.memory_space<vmem>> -> memref<128x128xf32, #tpu.memory_space<vmem>>
          %dma_wait3A_164 = arith.constant 0 : i32
          %dma_wait3A_165 = tpu.memref_slice %arg4[%mul3A_9, %dma_wait3A_164] : memref<655360x128xf32, #tpu.memory_space<hbm>> -> memref<128x128xf32, #tpu.memory_space<hbm>>
          %dma_wait3A_166 = arith.constant 0 : i32
          %dma_wait3A_167 = tpu.memref_slice %arg4[%mul3A_9, %dma_wait3A_166] : memref<655360x128xf32, #tpu.memory_space<hbm>> -> memref<128x128xf32, #tpu.memory_space<hbm>>
          %dma_wait3A_168 = arith.constant 0 : i32
          %dma_wait3A_169 = arith.constant 0 : i32
          %dma_wait3A_170 = tpu.memref_slice %arg6[%dma_wait3A_159, %dma_wait3A_168, %dma_wait3A_169] : memref<4x128x128xf32, #tpu.memory_space<vmem>> -> memref<1x128x128xf32, #tpu.memory_space<vmem>>
          %dma_wait3A_171 = tpu.memref_squeeze %dma_wait3A_170 : memref<1x128x128xf32, #tpu.memory_space<vmem>> -> memref<128x128xf32, #tpu.memory_space<vmem>>
          tpu.wait_dma2 semaphore(%arg8 : memref<!tpu.dma_semaphore, #tpu.memory_space<semaphore_mem>>) src(%dma_wait3A_171 : memref<128x128xf32, #tpu.memory_space<vmem>>) dst(%dma_wait3A_167 : memref<128x128xf32, #tpu.memory_space<hbm>>)
        } else {
        }
        %sub3A = arith.constant 1 : i32
        %sub3A_142 = arith.subi %select_n3A, %sub3A : i32
        %lt3A = arith.cmpi slt, %while3A_67, %sub3A_142 : i32
        %convert_element_type3A_143 = arith.extui %lt3A : i1 to i32
        %cond3A_144 = arith.constant 0 : i32
        %cond3A_145 = arith.cmpi ne, %convert_element_type3A_143, %cond3A_144 : i32
        scf.if %cond3A_145 {
          %add3A_146 = arith.constant 2 : i32
          %add3A_147 = arith.addi %mul3A_77, %add3A_146 : i32
          %add3A_148 = arith.constant 0 : i32
          %add3A_149 = arith.addi %add3A_147, %add3A_148 : i32
          %dma_start3A_150 = arith.constant 0 : i32
          %dma_start3A_151 = arith.constant 0 : i32
          %dma_start3A_152 = arith.constant 0 : i32
          %dma_start3A_153 = tpu.memref_slice %arg6[%dma_start3A_150, %dma_start3A_151, %dma_start3A_152] : memref<4x128x128xf32, #tpu.memory_space<vmem>> -> memref<1x128x128xf32, #tpu.memory_space<vmem>>
          %dma_start3A_154 = tpu.memref_squeeze %dma_start3A_153 : memref<1x128x128xf32, #tpu.memory_space<vmem>> -> memref<128x128xf32, #tpu.memory_space<vmem>>
          %dma_start3A_155 = arith.constant 0 : i32
          %dma_start3A_156 = tpu.memref_slice %arg5[%add3A_149, %dma_start3A_155] : memref<256x128xi32, #tpu.memory_space<vmem>> -> memref<1x128xi32, #tpu.memory_space<vmem>>
          %dma_start3A_157 = tpu.memref_squeeze %dma_start3A_156 : memref<1x128xi32, #tpu.memory_space<vmem>> -> memref<128xi32, #tpu.memory_space<vmem>>
          %dma_start3A_158 = arith.constant 0 : i32
          %dma_start3A_159 = arith.constant 0 : i32
          %dma_start3A_160 = tpu.memref_slice %arg2[%dma_start3A_158, %dma_start3A_159] : memref<10000x128xf32, #tpu.memory_space<hbm>> -> memref<10000x128xf32, #tpu.memory_space<hbm>>
          tpu.enqueue_indirect_dma source(%dma_start3A_160 : memref<10000x128xf32, #tpu.memory_space<hbm>>) target(%dma_start3A_154 : memref<128x128xf32, #tpu.memory_space<vmem>>) offsets(%dma_start3A_157 : memref<128xi32, #tpu.memory_space<vmem>>) semaphore(%arg7 : memref<!tpu.dma_semaphore, #tpu.memory_space<semaphore_mem>>)
          %add3A_161 = arith.constant 2 : i32
          %add3A_162 = arith.addi %mul3A_77, %add3A_161 : i32
          %add3A_163 = arith.constant 1 : i32
          %add3A_164 = arith.addi %add3A_162, %add3A_163 : i32
          %dma_start3A_165 = arith.constant 1 : i32
          %dma_start3A_166 = arith.constant 0 : i32
          %dma_start3A_167 = arith.constant 0 : i32
          %dma_start3A_168 = tpu.memref_slice %arg6[%dma_start3A_165, %dma_start3A_166, %dma_start3A_167] : memref<4x128x128xf32, #tpu.memory_space<vmem>> -> memref<1x128x128xf32, #tpu.memory_space<vmem>>
          %dma_start3A_169 = tpu.memref_squeeze %dma_start3A_168 : memref<1x128x128xf32, #tpu.memory_space<vmem>> -> memref<128x128xf32, #tpu.memory_space<vmem>>
          %dma_start3A_170 = arith.constant 0 : i32
          %dma_start3A_171 = tpu.memref_slice %arg5[%add3A_164, %dma_start3A_170] : memref<256x128xi32, #tpu.memory_space<vmem>> -> memref<1x128xi32, #tpu.memory_space<vmem>>
          %dma_start3A_172 = tpu.memref_squeeze %dma_start3A_171 : memref<1x128xi32, #tpu.memory_space<vmem>> -> memref<128xi32, #tpu.memory_space<vmem>>
          %dma_start3A_173 = arith.constant 0 : i32
          %dma_start3A_174 = arith.constant 0 : i32
          %dma_start3A_175 = tpu.memref_slice %arg2[%dma_start3A_173, %dma_start3A_174] : memref<10000x128xf32, #tpu.memory_space<hbm>> -> memref<10000x128xf32, #tpu.memory_space<hbm>>
          tpu.enqueue_indirect_dma source(%dma_start3A_175 : memref<10000x128xf32, #tpu.memory_space<hbm>>) target(%dma_start3A_169 : memref<128x128xf32, #tpu.memory_space<vmem>>) offsets(%dma_start3A_172 : memref<128xi32, #tpu.memory_space<vmem>>) semaphore(%arg7 : memref<!tpu.dma_semaphore, #tpu.memory_space<semaphore_mem>>)
        } else {
        }
      } else {
      }
    }
    %while3A_41 = arith.constant 1 : i32
    scf.for %while3A_67 = %while3A_39 to %while3A_35 step %while3A_41  : i32 {
      %rem3A = arith.constant 2 : i32
      %rem3A_68 = arith.remsi %while3A_67, %rem3A : i32
      %eq3A_69 = arith.constant 0 : i32
      %eq3A_70 = arith.cmpi eq, %rem3A_68, %eq3A_69 : i32
      %convert_element_type3A = arith.extui %eq3A_70 : i1 to i32
      %cond3A = arith.constant 0 : i32
      %cond3A_71 = arith.cmpi ne, %convert_element_type3A, %cond3A : i32
      scf.if %cond3A_71 {
        %mul3A_76 = arith.constant 2 : i32
        %mul3A_77 = arith.muli %while3A_67, %mul3A_76 : i32
        %dma_wait3A_78 = arith.constant 0 : i32
        %dma_wait3A_79 = arith.constant 0 : i32
        %dma_wait3A_80 = arith.constant 0 : i32
        %dma_wait3A_81 = arith.constant 0 : i32
        %dma_wait3A_82 = tpu.memref_slice %arg6[%dma_wait3A_79, %dma_wait3A_80, %dma_wait3A_81] : memref<4x128x128xf32, #tpu.memory_space<vmem>> -> memref<1x128x128xf32, #tpu.memory_space<vmem>>
        %dma_wait3A_83 = tpu.memref_squeeze %dma_wait3A_82 : memref<1x128x128xf32, #tpu.memory_space<vmem>> -> memref<128x128xf32, #tpu.memory_space<vmem>>
        %dma_wait3A_84 = arith.constant 0 : i32
        %dma_wait3A_85 = tpu.memref_slice %arg5[%dma_wait3A_78, %dma_wait3A_84] : memref<256x128xi32, #tpu.memory_space<vmem>> -> memref<1x128xi32, #tpu.memory_space<vmem>>
        %dma_wait3A_86 = tpu.memref_squeeze %dma_wait3A_85 : memref<1x128xi32, #tpu.memory_space<vmem>> -> memref<128xi32, #tpu.memory_space<vmem>>
        %dma_wait3A_87 = arith.constant 0 : i32
        %dma_wait3A_88 = arith.constant 0 : i32
        %dma_wait3A_89 = tpu.memref_slice %arg2[%dma_wait3A_87, %dma_wait3A_88] : memref<10000x128xf32, #tpu.memory_space<hbm>> -> memref<10000x128xf32, #tpu.memory_space<hbm>>
        tpu.wait_indirect_dma semaphore(%arg7 : memref<!tpu.dma_semaphore, #tpu.memory_space<semaphore_mem>>) src(%dma_wait3A_89 : memref<10000x128xf32, #tpu.memory_space<hbm>>) dst(%dma_wait3A_83 : memref<128x128xf32, #tpu.memory_space<vmem>>)
        %dma_wait3A_90 = arith.constant 0 : i32
        %dma_wait3A_91 = arith.constant 1 : i32
        %dma_wait3A_92 = arith.constant 0 : i32
        %dma_wait3A_93 = arith.constant 0 : i32
        %dma_wait3A_94 = tpu.memref_slice %arg6[%dma_wait3A_91, %dma_wait3A_92, %dma_wait3A_93] : memref<4x128x128xf32, #tpu.memory_space<vmem>> -> memref<1x128x128xf32, #tpu.memory_space<vmem>>
        %dma_wait3A_95 = tpu.memref_squeeze %dma_wait3A_94 : memref<1x128x128xf32, #tpu.memory_space<vmem>> -> memref<128x128xf32, #tpu.memory_space<vmem>>
        %dma_wait3A_96 = arith.constant 0 : i32
        %dma_wait3A_97 = tpu.memref_slice %arg5[%dma_wait3A_90, %dma_wait3A_96] : memref<256x128xi32, #tpu.memory_space<vmem>> -> memref<1x128xi32, #tpu.memory_space<vmem>>
        %dma_wait3A_98 = tpu.memref_squeeze %dma_wait3A_97 : memref<1x128xi32, #tpu.memory_space<vmem>> -> memref<128xi32, #tpu.memory_space<vmem>>
        %dma_wait3A_99 = arith.constant 0 : i32
        %dma_wait3A_100 = arith.constant 0 : i32
        %dma_wait3A_101 = tpu.memref_slice %arg2[%dma_wait3A_99, %dma_wait3A_100] : memref<10000x128xf32, #tpu.memory_space<hbm>> -> memref<10000x128xf32, #tpu.memory_space<hbm>>
        tpu.wait_indirect_dma semaphore(%arg7 : memref<!tpu.dma_semaphore, #tpu.memory_space<semaphore_mem>>) src(%dma_wait3A_101 : memref<10000x128xf32, #tpu.memory_space<hbm>>) dst(%dma_wait3A_95 : memref<128x128xf32, #tpu.memory_space<vmem>>)
        %add3A_102 = arith.constant 0 : i32
        %add3A_103 = arith.addi %mul3A_77, %add3A_102 : i32
        %mul3A_104 = arith.constant 128 : i32
        %mul3A_105 = arith.muli %add3A_103, %mul3A_104 : i32
        %add3A_106 = arith.addi %mul3A_9, %mul3A_105 : i32
        %dma_start3A_107 = arith.constant 0 : i32
        %dma_start3A_108 = arith.constant 0 : i32
        %dma_start3A_109 = arith.constant 0 : i32
        %dma_start3A_110 = tpu.memref_slice %arg6[%dma_start3A_107, %dma_start3A_108, %dma_start3A_109] : memref<4x128x128xf32, #tpu.memory_space<vmem>> -> memref<1x128x128xf32, #tpu.memory_space<vmem>>
        %dma_start3A_111 = tpu.memref_squeeze %dma_start3A_110 : memref<1x128x128xf32, #tpu.memory_space<vmem>> -> memref<128x128xf32, #tpu.memory_space<vmem>>
        %dma_start3A_112 = arith.constant 0 : i32
        %dma_start3A_113 = tpu.memref_slice %arg4[%add3A_106, %dma_start3A_112] : memref<655360x128xf32, #tpu.memory_space<hbm>> -> memref<128x128xf32, #tpu.memory_space<hbm>>
        %dma_start3A_114 = arith.constant 0 : i32
        %dma_start3A_115 = tpu.memref_slice %arg4[%add3A_106, %dma_start3A_114] : memref<655360x128xf32, #tpu.memory_space<hbm>> -> memref<128x128xf32, #tpu.memory_space<hbm>>
        %dma_start3A_116 = arith.constant 0 : i32
        %dma_start3A_117 = arith.constant 0 : i32
        %dma_start3A_118 = tpu.memref_slice %arg6[%dma_start3A_107, %dma_start3A_116, %dma_start3A_117] : memref<4x128x128xf32, #tpu.memory_space<vmem>> -> memref<1x128x128xf32, #tpu.memory_space<vmem>>
        %dma_start3A_119 = tpu.memref_squeeze %dma_start3A_118 : memref<1x128x128xf32, #tpu.memory_space<vmem>> -> memref<128x128xf32, #tpu.memory_space<vmem>>
        tpu.enqueue_dma source(%dma_start3A_119 : memref<128x128xf32, #tpu.memory_space<vmem>>) target(%dma_start3A_115 : memref<128x128xf32, #tpu.memory_space<hbm>>) target_semaphore(%arg8 : memref<!tpu.dma_semaphore, #tpu.memory_space<semaphore_mem>>)
        %add3A_120 = arith.constant 1 : i32
        %add3A_121 = arith.addi %mul3A_77, %add3A_120 : i32
        %mul3A_122 = arith.constant 128 : i32
        %mul3A_123 = arith.muli %add3A_121, %mul3A_122 : i32
        %add3A_124 = arith.addi %mul3A_9, %mul3A_123 : i32
        %dma_start3A_125 = arith.constant 1 : i32
        %dma_start3A_126 = arith.constant 0 : i32
        %dma_start3A_127 = arith.constant 0 : i32
        %dma_start3A_128 = tpu.memref_slice %arg6[%dma_start3A_125, %dma_start3A_126, %dma_start3A_127] : memref<4x128x128xf32, #tpu.memory_space<vmem>> -> memref<1x128x128xf32, #tpu.memory_space<vmem>>
        %dma_start3A_129 = tpu.memref_squeeze %dma_start3A_128 : memref<1x128x128xf32, #tpu.memory_space<vmem>> -> memref<128x128xf32, #tpu.memory_space<vmem>>
        %dma_start3A_130 = arith.constant 0 : i32
        %dma_start3A_131 = tpu.memref_slice %arg4[%add3A_124, %dma_start3A_130] : memref<655360x128xf32, #tpu.memory_space<hbm>> -> memref<128x128xf32, #tpu.memory_space<hbm>>
        %dma_start3A_132 = arith.constant 0 : i32
        %dma_start3A_133 = tpu.memref_slice %arg4[%add3A_124, %dma_start3A_132] : memref<655360x128xf32, #tpu.memory_space<hbm>> -> memref<128x128xf32, #tpu.memory_space<hbm>>
        %dma_start3A_134 = arith.constant 0 : i32
        %dma_start3A_135 = arith.constant 0 : i32
        %dma_start3A_136 = tpu.memref_slice %arg6[%dma_start3A_125, %dma_start3A_134, %dma_start3A_135] : memref<4x128x128xf32, #tpu.memory_space<vmem>> -> memref<1x128x128xf32, #tpu.memory_space<vmem>>
        %dma_start3A_137 = tpu.memref_squeeze %dma_start3A_136 : memref<1x128x128xf32, #tpu.memory_space<vmem>> -> memref<128x128xf32, #tpu.memory_space<vmem>>
        tpu.enqueue_dma source(%dma_start3A_137 : memref<128x128xf32, #tpu.memory_space<vmem>>) target(%dma_start3A_133 : memref<128x128xf32, #tpu.memory_space<hbm>>) target_semaphore(%arg8 : memref<!tpu.dma_semaphore, #tpu.memory_space<semaphore_mem>>)
        %gt3A = arith.constant 0 : i32
        %gt3A_138 = arith.cmpi sgt, %while3A_67, %gt3A : i32
        %convert_element_type3A_139 = arith.extui %gt3A_138 : i1 to i32
        %cond3A_140 = arith.constant 0 : i32
        %cond3A_141 = arith.cmpi ne, %convert_element_type3A_139, %cond3A_140 : i32
        scf.if %cond3A_141 {
          %dma_wait3A_146 = arith.constant 2 : i32
          %dma_wait3A_147 = arith.constant 0 : i32
          %dma_wait3A_148 = arith.constant 0 : i32
          %dma_wait3A_149 = tpu.memref_slice %arg6[%dma_wait3A_146, %dma_wait3A_147, %dma_wait3A_148] : memref<4x128x128xf32, #tpu.memory_space<vmem>> -> memref<1x128x128xf32, #tpu.memory_space<vmem>>
          %dma_wait3A_150 = tpu.memref_squeeze %dma_wait3A_149 : memref<1x128x128xf32, #tpu.memory_space<vmem>> -> memref<128x128xf32, #tpu.memory_space<vmem>>
          %dma_wait3A_151 = arith.constant 0 : i32
          %dma_wait3A_152 = tpu.memref_slice %arg4[%mul3A_9, %dma_wait3A_151] : memref<655360x128xf32, #tpu.memory_space<hbm>> -> memref<128x128xf32, #tpu.memory_space<hbm>>
          %dma_wait3A_153 = arith.constant 0 : i32
          %dma_wait3A_154 = tpu.memref_slice %arg4[%mul3A_9, %dma_wait3A_153] : memref<655360x128xf32, #tpu.memory_space<hbm>> -> memref<128x128xf32, #tpu.memory_space<hbm>>
          %dma_wait3A_155 = arith.constant 0 : i32
          %dma_wait3A_156 = arith.constant 0 : i32
          %dma_wait3A_157 = tpu.memref_slice %arg6[%dma_wait3A_146, %dma_wait3A_155, %dma_wait3A_156] : memref<4x128x128xf32, #tpu.memory_space<vmem>> -> memref<1x128x128xf32, #tpu.memory_space<vmem>>
          %dma_wait3A_158 = tpu.memref_squeeze %dma_wait3A_157 : memref<1x128x128xf32, #tpu.memory_space<vmem>> -> memref<128x128xf32, #tpu.memory_space<vmem>>
          tpu.wait_dma2 semaphore(%arg9 : memref<!tpu.dma_semaphore, #tpu.memory_space<semaphore_mem>>) src(%dma_wait3A_158 : memref<128x128xf32, #tpu.memory_space<vmem>>) dst(%dma_wait3A_154 : memref<128x128xf32, #tpu.memory_space<hbm>>)
          %dma_wait3A_159 = arith.constant 3 : i32
          %dma_wait3A_160 = arith.constant 0 : i32
          %dma_wait3A_161 = arith.constant 0 : i32
          %dma_wait3A_162 = tpu.memref_slice %arg6[%dma_wait3A_159, %dma_wait3A_160, %dma_wait3A_161] : memref<4x128x128xf32, #tpu.memory_space<vmem>> -> memref<1x128x128xf32, #tpu.memory_space<vmem>>
          %dma_wait3A_163 = tpu.memref_squeeze %dma_wait3A_162 : memref<1x128x128xf32, #tpu.memory_space<vmem>> -> memref<128x128xf32, #tpu.memory_space<vmem>>
          %dma_wait3A_164 = arith.constant 0 : i32
          %dma_wait3A_165 = tpu.memref_slice %arg4[%mul3A_9, %dma_wait3A_164] : memref<655360x128xf32, #tpu.memory_space<hbm>> -> memref<128x128xf32, #tpu.memory_space<hbm>>
          %dma_wait3A_166 = arith.constant 0 : i32
          %dma_wait3A_167 = tpu.memref_slice %arg4[%mul3A_9, %dma_wait3A_166] : memref<655360x128xf32, #tpu.memory_space<hbm>> -> memref<128x128xf32, #tpu.memory_space<hbm>>
          %dma_wait3A_168 = arith.constant 0 : i32
          %dma_wait3A_169 = arith.constant 0 : i32
          %dma_wait3A_170 = tpu.memref_slice %arg6[%dma_wait3A_159, %dma_wait3A_168, %dma_wait3A_169] : memref<4x128x128xf32, #tpu.memory_space<vmem>> -> memref<1x128x128xf32, #tpu.memory_space<vmem>>
          %dma_wait3A_171 = tpu.memref_squeeze %dma_wait3A_170 : memref<1x128x128xf32, #tpu.memory_space<vmem>> -> memref<128x128xf32, #tpu.memory_space<vmem>>
          tpu.wait_dma2 semaphore(%arg9 : memref<!tpu.dma_semaphore, #tpu.memory_space<semaphore_mem>>) src(%dma_wait3A_171 : memref<128x128xf32, #tpu.memory_space<vmem>>) dst(%dma_wait3A_167 : memref<128x128xf32, #tpu.memory_space<hbm>>)
        } else {
        }
        %sub3A = arith.constant 1 : i32
        %sub3A_142 = arith.subi %select_n3A, %sub3A : i32
        %lt3A = arith.cmpi slt, %while3A_67, %sub3A_142 : i32
        %convert_element_type3A_143 = arith.extui %lt3A : i1 to i32
        %cond3A_144 = arith.constant 0 : i32
        %cond3A_145 = arith.cmpi ne, %convert_element_type3A_143, %cond3A_144 : i32
        scf.if %cond3A_145 {
          %add3A_146 = arith.constant 2 : i32
          %add3A_147 = arith.addi %mul3A_77, %add3A_146 : i32
          %add3A_148 = arith.constant 0 : i32
          %add3A_149 = arith.addi %add3A_147, %add3A_148 : i32
          %dma_start3A_150 = arith.constant 2 : i32
          %dma_start3A_151 = arith.constant 0 : i32
          %dma_start3A_152 = arith.constant 0 : i32
          %dma_start3A_153 = tpu.memref_slice %arg6[%dma_start3A_150, %dma_start3A_151, %dma_start3A_152] : memref<4x128x128xf32, #tpu.memory_space<vmem>> -> memref<1x128x128xf32, #tpu.memory_space<vmem>>
          %dma_start3A_154 = tpu.memref_squeeze %dma_start3A_153 : memref<1x128x128xf32, #tpu.memory_space<vmem>> -> memref<128x128xf32, #tpu.memory_space<vmem>>
          %dma_start3A_155 = arith.constant 0 : i32
          %dma_start3A_156 = tpu.memref_slice %arg5[%add3A_149, %dma_start3A_155] : memref<256x128xi32, #tpu.memory_space<vmem>> -> memref<1x128xi32, #tpu.memory_space<vmem>>
          %dma_start3A_157 = tpu.memref_squeeze %dma_start3A_156 : memref<1x128xi32, #tpu.memory_space<vmem>> -> memref<128xi32, #tpu.memory_space<vmem>>
          %dma_start3A_158 = arith.constant 0 : i32
          %dma_start3A_159 = arith.constant 0 : i32
          %dma_start3A_160 = tpu.memref_slice %arg2[%dma_start3A_158, %dma_start3A_159] : memref<10000x128xf32, #tpu.memory_space<hbm>> -> memref<10000x128xf32, #tpu.memory_space<hbm>>
          tpu.enqueue_indirect_dma source(%dma_start3A_160 : memref<10000x128xf32, #tpu.memory_space<hbm>>) target(%dma_start3A_154 : memref<128x128xf32, #tpu.memory_space<vmem>>) offsets(%dma_start3A_157 : memref<128xi32, #tpu.memory_space<vmem>>) semaphore(%arg7 : memref<!tpu.dma_semaphore, #tpu.memory_space<semaphore_mem>>)
          %add3A_161 = arith.constant 2 : i32
          %add3A_162 = arith.addi %mul3A_77, %add3A_161 : i32
          %add3A_163 = arith.constant 1 : i32
          %add3A_164 = arith.addi %add3A_162, %add3A_163 : i32
          %dma_start3A_165 = arith.constant 3 : i32
          %dma_start3A_166 = arith.constant 0 : i32
          %dma_start3A_167 = arith.constant 0 : i32
          %dma_start3A_168 = tpu.memref_slice %arg6[%dma_start3A_165, %dma_start3A_166, %dma_start3A_167] : memref<4x128x128xf32, #tpu.memory_space<vmem>> -> memref<1x128x128xf32, #tpu.memory_space<vmem>>
          %dma_start3A_169 = tpu.memref_squeeze %dma_start3A_168 : memref<1x128x128xf32, #tpu.memory_space<vmem>> -> memref<128x128xf32, #tpu.memory_space<vmem>>
          %dma_start3A_170 = arith.constant 0 : i32
          %dma_start3A_171 = tpu.memref_slice %arg5[%add3A_164, %dma_start3A_170] : memref<256x128xi32, #tpu.memory_space<vmem>> -> memref<1x128xi32, #tpu.memory_space<vmem>>
          %dma_start3A_172 = tpu.memref_squeeze %dma_start3A_171 : memref<1x128xi32, #tpu.memory_space<vmem>> -> memref<128xi32, #tpu.memory_space<vmem>>
          %dma_start3A_173 = arith.constant 0 : i32
          %dma_start3A_174 = arith.constant 0 : i32
          %dma_start3A_175 = tpu.memref_slice %arg2[%dma_start3A_173, %dma_start3A_174] : memref<10000x128xf32, #tpu.memory_space<hbm>> -> memref<10000x128xf32, #tpu.memory_space<hbm>>
          tpu.enqueue_indirect_dma source(%dma_start3A_175 : memref<10000x128xf32, #tpu.memory_space<hbm>>) target(%dma_start3A_169 : memref<128x128xf32, #tpu.memory_space<vmem>>) offsets(%dma_start3A_172 : memref<128xi32, #tpu.memory_space<vmem>>) semaphore(%arg7 : memref<!tpu.dma_semaphore, #tpu.memory_space<semaphore_mem>>)
        } else {
        }
      } else {
      }
      %not3A = arith.constant true
      %not3A_72 = arith.xori %eq3A_70, %not3A : i1
      %convert_element_type3A_73 = arith.extui %not3A_72 : i1 to i32
      %cond3A_74 = arith.constant 0 : i32
      %cond3A_75 = arith.cmpi ne, %convert_element_type3A_73, %cond3A_74 : i32
      scf.if %cond3A_75 {
        %mul3A_76 = arith.constant 2 : i32
        %mul3A_77 = arith.muli %while3A_67, %mul3A_76 : i32
        %dma_wait3A_78 = arith.constant 0 : i32
        %dma_wait3A_79 = arith.constant 2 : i32
        %dma_wait3A_80 = arith.constant 0 : i32
        %dma_wait3A_81 = arith.constant 0 : i32
        %dma_wait3A_82 = tpu.memref_slice %arg6[%dma_wait3A_79, %dma_wait3A_80, %dma_wait3A_81] : memref<4x128x128xf32, #tpu.memory_space<vmem>> -> memref<1x128x128xf32, #tpu.memory_space<vmem>>
        %dma_wait3A_83 = tpu.memref_squeeze %dma_wait3A_82 : memref<1x128x128xf32, #tpu.memory_space<vmem>> -> memref<128x128xf32, #tpu.memory_space<vmem>>
        %dma_wait3A_84 = arith.constant 0 : i32
        %dma_wait3A_85 = tpu.memref_slice %arg5[%dma_wait3A_78, %dma_wait3A_84] : memref<256x128xi32, #tpu.memory_space<vmem>> -> memref<1x128xi32, #tpu.memory_space<vmem>>
        %dma_wait3A_86 = tpu.memref_squeeze %dma_wait3A_85 : memref<1x128xi32, #tpu.memory_space<vmem>> -> memref<128xi32, #tpu.memory_space<vmem>>
        %dma_wait3A_87 = arith.constant 0 : i32
        %dma_wait3A_88 = arith.constant 0 : i32
        %dma_wait3A_89 = tpu.memref_slice %arg2[%dma_wait3A_87, %dma_wait3A_88] : memref<10000x128xf32, #tpu.memory_space<hbm>> -> memref<10000x128xf32, #tpu.memory_space<hbm>>
        tpu.wait_indirect_dma semaphore(%arg7 : memref<!tpu.dma_semaphore, #tpu.memory_space<semaphore_mem>>) src(%dma_wait3A_89 : memref<10000x128xf32, #tpu.memory_space<hbm>>) dst(%dma_wait3A_83 : memref<128x128xf32, #tpu.memory_space<vmem>>)
        %dma_wait3A_90 = arith.constant 0 : i32
        %dma_wait3A_91 = arith.constant 3 : i32
        %dma_wait3A_92 = arith.constant 0 : i32
        %dma_wait3A_93 = arith.constant 0 : i32
        %dma_wait3A_94 = tpu.memref_slice %arg6[%dma_wait3A_91, %dma_wait3A_92, %dma_wait3A_93] : memref<4x128x128xf32, #tpu.memory_space<vmem>> -> memref<1x128x128xf32, #tpu.memory_space<vmem>>
        %dma_wait3A_95 = tpu.memref_squeeze %dma_wait3A_94 : memref<1x128x128xf32, #tpu.memory_space<vmem>> -> memref<128x128xf32, #tpu.memory_space<vmem>>
        %dma_wait3A_96 = arith.constant 0 : i32
        %dma_wait3A_97 = tpu.memref_slice %arg5[%dma_wait3A_90, %dma_wait3A_96] : memref<256x128xi32, #tpu.memory_space<vmem>> -> memref<1x128xi32, #tpu.memory_space<vmem>>
        %dma_wait3A_98 = tpu.memref_squeeze %dma_wait3A_97 : memref<1x128xi32, #tpu.memory_space<vmem>> -> memref<128xi32, #tpu.memory_space<vmem>>
        %dma_wait3A_99 = arith.constant 0 : i32
        %dma_wait3A_100 = arith.constant 0 : i32
        %dma_wait3A_101 = tpu.memref_slice %arg2[%dma_wait3A_99, %dma_wait3A_100] : memref<10000x128xf32, #tpu.memory_space<hbm>> -> memref<10000x128xf32, #tpu.memory_space<hbm>>
        tpu.wait_indirect_dma semaphore(%arg7 : memref<!tpu.dma_semaphore, #tpu.memory_space<semaphore_mem>>) src(%dma_wait3A_101 : memref<10000x128xf32, #tpu.memory_space<hbm>>) dst(%dma_wait3A_95 : memref<128x128xf32, #tpu.memory_space<vmem>>)
        %add3A_102 = arith.constant 0 : i32
        %add3A_103 = arith.addi %mul3A_77, %add3A_102 : i32
        %mul3A_104 = arith.constant 128 : i32
        %mul3A_105 = arith.muli %add3A_103, %mul3A_104 : i32
        %add3A_106 = arith.addi %mul3A_9, %mul3A_105 : i32
        %dma_start3A_107 = arith.constant 2 : i32
        %dma_start3A_108 = arith.constant 0 : i32
        %dma_start3A_109 = arith.constant 0 : i32
        %dma_start3A_110 = tpu.memref_slice %arg6[%dma_start3A_107, %dma_start3A_108, %dma_start3A_109] : memref<4x128x128xf32, #tpu.memory_space<vmem>> -> memref<1x128x128xf32, #tpu.memory_space<vmem>>
        %dma_start3A_111 = tpu.memref_squeeze %dma_start3A_110 : memref<1x128x128xf32, #tpu.memory_space<vmem>> -> memref<128x128xf32, #tpu.memory_space<vmem>>
        %dma_start3A_112 = arith.constant 0 : i32
        %dma_start3A_113 = tpu.memref_slice %arg4[%add3A_106, %dma_start3A_112] : memref<655360x128xf32, #tpu.memory_space<hbm>> -> memref<128x128xf32, #tpu.memory_space<hbm>>
        %dma_start3A_114 = arith.constant 0 : i32
        %dma_start3A_115 = tpu.memref_slice %arg4[%add3A_106, %dma_start3A_114] : memref<655360x128xf32, #tpu.memory_space<hbm>> -> memref<128x128xf32, #tpu.memory_space<hbm>>
        %dma_start3A_116 = arith.constant 0 : i32
        %dma_start3A_117 = arith.constant 0 : i32
        %dma_start3A_118 = tpu.memref_slice %arg6[%dma_start3A_107, %dma_start3A_116, %dma_start3A_117] : memref<4x128x128xf32, #tpu.memory_space<vmem>> -> memref<1x128x128xf32, #tpu.memory_space<vmem>>
        %dma_start3A_119 = tpu.memref_squeeze %dma_start3A_118 : memref<1x128x128xf32, #tpu.memory_space<vmem>> -> memref<128x128xf32, #tpu.memory_space<vmem>>
        tpu.enqueue_dma source(%dma_start3A_119 : memref<128x128xf32, #tpu.memory_space<vmem>>) target(%dma_start3A_115 : memref<128x128xf32, #tpu.memory_space<hbm>>) target_semaphore(%arg9 : memref<!tpu.dma_semaphore, #tpu.memory_space<semaphore_mem>>)
        %add3A_120 = arith.constant 1 : i32
        %add3A_121 = arith.addi %mul3A_77, %add3A_120 : i32
        %mul3A_122 = arith.constant 128 : i32
        %mul3A_123 = arith.muli %add3A_121, %mul3A_122 : i32
        %add3A_124 = arith.addi %mul3A_9, %mul3A_123 : i32
        %dma_start3A_125 = arith.constant 3 : i32
        %dma_start3A_126 = arith.constant 0 : i32
        %dma_start3A_127 = arith.constant 0 : i32
        %dma_start3A_128 = tpu.memref_slice %arg6[%dma_start3A_125, %dma_start3A_126, %dma_start3A_127] : memref<4x128x128xf32, #tpu.memory_space<vmem>> -> memref<1x128x128xf32, #tpu.memory_space<vmem>>
        %dma_start3A_129 = tpu.memref_squeeze %dma_start3A_128 : memref<1x128x128xf32, #tpu.memory_space<vmem>> -> memref<128x128xf32, #tpu.memory_space<vmem>>
        %dma_start3A_130 = arith.constant 0 : i32
        %dma_start3A_131 = tpu.memref_slice %arg4[%add3A_124, %dma_start3A_130] : memref<655360x128xf32, #tpu.memory_space<hbm>> -> memref<128x128xf32, #tpu.memory_space<hbm>>
        %dma_start3A_132 = arith.constant 0 : i32
        %dma_start3A_133 = tpu.memref_slice %arg4[%add3A_124, %dma_start3A_132] : memref<655360x128xf32, #tpu.memory_space<hbm>> -> memref<128x128xf32, #tpu.memory_space<hbm>>
        %dma_start3A_134 = arith.constant 0 : i32
        %dma_start3A_135 = arith.constant 0 : i32
        %dma_start3A_136 = tpu.memref_slice %arg6[%dma_start3A_125, %dma_start3A_134, %dma_start3A_135] : memref<4x128x128xf32, #tpu.memory_space<vmem>> -> memref<1x128x128xf32, #tpu.memory_space<vmem>>
        %dma_start3A_137 = tpu.memref_squeeze %dma_start3A_136 : memref<1x128x128xf32, #tpu.memory_space<vmem>> -> memref<128x128xf32, #tpu.memory_space<vmem>>
        tpu.enqueue_dma source(%dma_start3A_137 : memref<128x128xf32, #tpu.memory_space<vmem>>) target(%dma_start3A_133 : memref<128x128xf32, #tpu.memory_space<hbm>>) target_semaphore(%arg9 : memref<!tpu.dma_semaphore, #tpu.memory_space<semaphore_mem>>)
        %gt3A = arith.constant 0 : i32
        %gt3A_138 = arith.cmpi sgt, %while3A_67, %gt3A : i32
        %convert_element_type3A_139 = arith.extui %gt3A_138 : i1 to i32
        %cond3A_140 = arith.constant 0 : i32
        %cond3A_141 = arith.cmpi ne, %convert_element_type3A_139, %cond3A_140 : i32
        scf.if %cond3A_141 {
          %dma_wait3A_146 = arith.constant 0 : i32
          %dma_wait3A_147 = arith.constant 0 : i32
          %dma_wait3A_148 = arith.constant 0 : i32
          %dma_wait3A_149 = tpu.memref_slice %arg6[%dma_wait3A_146, %dma_wait3A_147, %dma_wait3A_148] : memref<4x128x128xf32, #tpu.memory_space<vmem>> -> memref<1x128x128xf32, #tpu.memory_space<vmem>>
          %dma_wait3A_150 = tpu.memref_squeeze %dma_wait3A_149 : memref<1x128x128xf32, #tpu.memory_space<vmem>> -> memref<128x128xf32, #tpu.memory_space<vmem>>
          %dma_wait3A_151 = arith.constant 0 : i32
          %dma_wait3A_152 = tpu.memref_slice %arg4[%mul3A_9, %dma_wait3A_151] : memref<655360x128xf32, #tpu.memory_space<hbm>> -> memref<128x128xf32, #tpu.memory_space<hbm>>
          %dma_wait3A_153 = arith.constant 0 : i32
          %dma_wait3A_154 = tpu.memref_slice %arg4[%mul3A_9, %dma_wait3A_153] : memref<655360x128xf32, #tpu.memory_space<hbm>> -> memref<128x128xf32, #tpu.memory_space<hbm>>
          %dma_wait3A_155 = arith.constant 0 : i32
          %dma_wait3A_156 = arith.constant 0 : i32
          %dma_wait3A_157 = tpu.memref_slice %arg6[%dma_wait3A_146, %dma_wait3A_155, %dma_wait3A_156] : memref<4x128x128xf32, #tpu.memory_space<vmem>> -> memref<1x128x128xf32, #tpu.memory_space<vmem>>
          %dma_wait3A_158 = tpu.memref_squeeze %dma_wait3A_157 : memref<1x128x128xf32, #tpu.memory_space<vmem>> -> memref<128x128xf32, #tpu.memory_space<vmem>>
          tpu.wait_dma2 semaphore(%arg8 : memref<!tpu.dma_semaphore, #tpu.memory_space<semaphore_mem>>) src(%dma_wait3A_158 : memref<128x128xf32, #tpu.memory_space<vmem>>) dst(%dma_wait3A_154 : memref<128x128xf32, #tpu.memory_space<hbm>>)
          %dma_wait3A_159 = arith.constant 1 : i32
          %dma_wait3A_160 = arith.constant 0 : i32
          %dma_wait3A_161 = arith.constant 0 : i32
          %dma_wait3A_162 = tpu.memref_slice %arg6[%dma_wait3A_159, %dma_wait3A_160, %dma_wait3A_161] : memref<4x128x128xf32, #tpu.memory_space<vmem>> -> memref<1x128x128xf32, #tpu.memory_space<vmem>>
          %dma_wait3A_163 = tpu.memref_squeeze %dma_wait3A_162 : memref<1x128x128xf32, #tpu.memory_space<vmem>> -> memref<128x128xf32, #tpu.memory_space<vmem>>
          %dma_wait3A_164 = arith.constant 0 : i32
          %dma_wait3A_165 = tpu.memref_slice %arg4[%mul3A_9, %dma_wait3A_164] : memref<655360x128xf32, #tpu.memory_space<hbm>> -> memref<128x128xf32, #tpu.memory_space<hbm>>
          %dma_wait3A_166 = arith.constant 0 : i32
          %dma_wait3A_167 = tpu.memref_slice %arg4[%mul3A_9, %dma_wait3A_166] : memref<655360x128xf32, #tpu.memory_space<hbm>> -> memref<128x128xf32, #tpu.memory_space<hbm>>
          %dma_wait3A_168 = arith.constant 0 : i32
          %dma_wait3A_169 = arith.constant 0 : i32
          %dma_wait3A_170 = tpu.memref_slice %arg6[%dma_wait3A_159, %dma_wait3A_168, %dma_wait3A_169] : memref<4x128x128xf32, #tpu.memory_space<vmem>> -> memref<1x128x128xf32, #tpu.memory_space<vmem>>
          %dma_wait3A_171 = tpu.memref_squeeze %dma_wait3A_170 : memref<1x128x128xf32, #tpu.memory_space<vmem>> -> memref<128x128xf32, #tpu.memory_space<vmem>>
          tpu.wait_dma2 semaphore(%arg8 : memref<!tpu.dma_semaphore, #tpu.memory_space<semaphore_mem>>) src(%dma_wait3A_171 : memref<128x128xf32, #tpu.memory_space<vmem>>) dst(%dma_wait3A_167 : memref<128x128xf32, #tpu.memory_space<hbm>>)
        } else {
        }
        %sub3A = arith.constant 1 : i32
        %sub3A_142 = arith.subi %select_n3A, %sub3A : i32
        %lt3A = arith.cmpi slt, %while3A_67, %sub3A_142 : i32
        %convert_element_type3A_143 = arith.extui %lt3A : i1 to i32
        %cond3A_144 = arith.constant 0 : i32
        %cond3A_145 = arith.cmpi ne, %convert_element_type3A_143, %cond3A_144 : i32
        scf.if %cond3A_145 {
          %add3A_146 = arith.constant 2 : i32
          %add3A_147 = arith.addi %mul3A_77, %add3A_146 : i32
          %add3A_148 = arith.constant 0 : i32
          %add3A_149 = arith.addi %add3A_147, %add3A_148 : i32
          %dma_start3A_150 = arith.constant 0 : i32
          %dma_start3A_151 = arith.constant 0 : i32
          %dma_start3A_152 = arith.constant 0 : i32
          %dma_start3A_153 = tpu.memref_slice %arg6[%dma_start3A_150, %dma_start3A_151, %dma_start3A_152] : memref<4x128x128xf32, #tpu.memory_space<vmem>> -> memref<1x128x128xf32, #tpu.memory_space<vmem>>
          %dma_start3A_154 = tpu.memref_squeeze %dma_start3A_153 : memref<1x128x128xf32, #tpu.memory_space<vmem>> -> memref<128x128xf32, #tpu.memory_space<vmem>>
          %dma_start3A_155 = arith.constant 0 : i32
          %dma_start3A_156 = tpu.memref_slice %arg5[%add3A_149, %dma_start3A_155] : memref<256x128xi32, #tpu.memory_space<vmem>> -> memref<1x128xi32, #tpu.memory_space<vmem>>
          %dma_start3A_157 = tpu.memref_squeeze %dma_start3A_156 : memref<1x128xi32, #tpu.memory_space<vmem>> -> memref<128xi32, #tpu.memory_space<vmem>>
          %dma_start3A_158 = arith.constant 0 : i32
          %dma_start3A_159 = arith.constant 0 : i32
          %dma_start3A_160 = tpu.memref_slice %arg2[%dma_start3A_158, %dma_start3A_159] : memref<10000x128xf32, #tpu.memory_space<hbm>> -> memref<10000x128xf32, #tpu.memory_space<hbm>>
          tpu.enqueue_indirect_dma source(%dma_start3A_160 : memref<10000x128xf32, #tpu.memory_space<hbm>>) target(%dma_start3A_154 : memref<128x128xf32, #tpu.memory_space<vmem>>) offsets(%dma_start3A_157 : memref<128xi32, #tpu.memory_space<vmem>>) semaphore(%arg7 : memref<!tpu.dma_semaphore, #tpu.memory_space<semaphore_mem>>)
          %add3A_161 = arith.constant 2 : i32
          %add3A_162 = arith.addi %mul3A_77, %add3A_161 : i32
          %add3A_163 = arith.constant 1 : i32
          %add3A_164 = arith.addi %add3A_162, %add3A_163 : i32
          %dma_start3A_165 = arith.constant 1 : i32
          %dma_start3A_166 = arith.constant 0 : i32
          %dma_start3A_167 = arith.constant 0 : i32
          %dma_start3A_168 = tpu.memref_slice %arg6[%dma_start3A_165, %dma_start3A_166, %dma_start3A_167] : memref<4x128x128xf32, #tpu.memory_space<vmem>> -> memref<1x128x128xf32, #tpu.memory_space<vmem>>
          %dma_start3A_169 = tpu.memref_squeeze %dma_start3A_168 : memref<1x128x128xf32, #tpu.memory_space<vmem>> -> memref<128x128xf32, #tpu.memory_space<vmem>>
          %dma_start3A_170 = arith.constant 0 : i32
          %dma_start3A_171 = tpu.memref_slice %arg5[%add3A_164, %dma_start3A_170] : memref<256x128xi32, #tpu.memory_space<vmem>> -> memref<1x128xi32, #tpu.memory_space<vmem>>
          %dma_start3A_172 = tpu.memref_squeeze %dma_start3A_171 : memref<1x128xi32, #tpu.memory_space<vmem>> -> memref<128xi32, #tpu.memory_space<vmem>>
          %dma_start3A_173 = arith.constant 0 : i32
          %dma_start3A_174 = arith.constant 0 : i32
          %dma_start3A_175 = tpu.memref_slice %arg2[%dma_start3A_173, %dma_start3A_174] : memref<10000x128xf32, #tpu.memory_space<hbm>> -> memref<10000x128xf32, #tpu.memory_space<hbm>>
          tpu.enqueue_indirect_dma source(%dma_start3A_175 : memref<10000x128xf32, #tpu.memory_space<hbm>>) target(%dma_start3A_169 : memref<128x128xf32, #tpu.memory_space<vmem>>) offsets(%dma_start3A_172 : memref<128xi32, #tpu.memory_space<vmem>>) semaphore(%arg7 : memref<!tpu.dma_semaphore, #tpu.memory_space<semaphore_mem>>)
        } else {
        }
      } else {
      }
    }
    %dma_wait3A = arith.constant 2 : i32
    %dma_wait3A_42 = arith.constant 0 : i32
    %dma_wait3A_43 = arith.constant 0 : i32
    %dma_wait3A_44 = tpu.memref_slice %arg6[%dma_wait3A, %dma_wait3A_42, %dma_wait3A_43] : memref<4x128x128xf32, #tpu.memory_space<vmem>> -> memref<1x128x128xf32, #tpu.memory_space<vmem>>
    %dma_wait3A_45 = tpu.memref_squeeze %dma_wait3A_44 : memref<1x128x128xf32, #tpu.memory_space<vmem>> -> memref<128x128xf32, #tpu.memory_space<vmem>>
    %dma_wait3A_46 = arith.constant 0 : i32
    %dma_wait3A_47 = tpu.memref_slice %arg4[%mul3A_9, %dma_wait3A_46] : memref<655360x128xf32, #tpu.memory_space<hbm>> -> memref<128x128xf32, #tpu.memory_space<hbm>>
    %dma_wait3A_48 = arith.constant 0 : i32
    %dma_wait3A_49 = tpu.memref_slice %arg4[%mul3A_9, %dma_wait3A_48] : memref<655360x128xf32, #tpu.memory_space<hbm>> -> memref<128x128xf32, #tpu.memory_space<hbm>>
    %dma_wait3A_50 = arith.constant 0 : i32
    %dma_wait3A_51 = arith.constant 0 : i32
    %dma_wait3A_52 = tpu.memref_slice %arg6[%dma_wait3A, %dma_wait3A_50, %dma_wait3A_51] : memref<4x128x128xf32, #tpu.memory_space<vmem>> -> memref<1x128x128xf32, #tpu.memory_space<vmem>>
    %dma_wait3A_53 = tpu.memref_squeeze %dma_wait3A_52 : memref<1x128x128xf32, #tpu.memory_space<vmem>> -> memref<128x128xf32, #tpu.memory_space<vmem>>
    tpu.wait_dma2 semaphore(%arg9 : memref<!tpu.dma_semaphore, #tpu.memory_space<semaphore_mem>>) src(%dma_wait3A_53 : memref<128x128xf32, #tpu.memory_space<vmem>>) dst(%dma_wait3A_49 : memref<128x128xf32, #tpu.memory_space<hbm>>)
    %dma_wait3A_54 = arith.constant 3 : i32
    %dma_wait3A_55 = arith.constant 0 : i32
    %dma_wait3A_56 = arith.constant 0 : i32
    %dma_wait3A_57 = tpu.memref_slice %arg6[%dma_wait3A_54, %dma_wait3A_55, %dma_wait3A_56] : memref<4x128x128xf32, #tpu.memory_space<vmem>> -> memref<1x128x128xf32, #tpu.memory_space<vmem>>
    %dma_wait3A_58 = tpu.memref_squeeze %dma_wait3A_57 : memref<1x128x128xf32, #tpu.memory_space<vmem>> -> memref<128x128xf32, #tpu.memory_space<vmem>>
    %dma_wait3A_59 = arith.constant 0 : i32
    %dma_wait3A_60 = tpu.memref_slice %arg4[%mul3A_9, %dma_wait3A_59] : memref<655360x128xf32, #tpu.memory_space<hbm>> -> memref<128x128xf32, #tpu.memory_space<hbm>>
    %dma_wait3A_61 = arith.constant 0 : i32
    %dma_wait3A_62 = tpu.memref_slice %arg4[%mul3A_9, %dma_wait3A_61] : memref<655360x128xf32, #tpu.memory_space<hbm>> -> memref<128x128xf32, #tpu.memory_space<hbm>>
    %dma_wait3A_63 = arith.constant 0 : i32
    %dma_wait3A_64 = arith.constant 0 : i32
    %dma_wait3A_65 = tpu.memref_slice %arg6[%dma_wait3A_54, %dma_wait3A_63, %dma_wait3A_64] : memref<4x128x128xf32, #tpu.memory_space<vmem>> -> memref<1x128x128xf32, #tpu.memory_space<vmem>>
    %dma_wait3A_66 = tpu.memref_squeeze %dma_wait3A_65 : memref<1x128x128xf32, #tpu.memory_space<vmem>> -> memref<128x128xf32, #tpu.memory_space<vmem>>
    tpu.wait_dma2 semaphore(%arg9 : memref<!tpu.dma_semaphore, #tpu.memory_space<semaphore_mem>>) src(%dma_wait3A_66 : memref<128x128xf32, #tpu.memory_space<vmem>>) dst(%dma_wait3A_62 : memref<128x128xf32, #tpu.memory_space<hbm>>)
    return
  }
}

#map = affine_map<(d0, d1) -> (0, 0)>
#map1 = affine_map<(d0, d1) -> (0, 0, 0)>
module attributes {stable_mosaic.version = 14 : i64} {
  func.func @k(%arg0: i32, %arg1: i32, %arg2: memref<30000x128xf32, #tpu.memory_space<hbm>>, %arg3: memref<32x15x64xi32, #tpu.memory_space<hbm>>, %arg4: memref<30720x128xf32, #tpu.memory_space<hbm>>, %arg5: memref<15x64xi32, #tpu.memory_space<vmem>>, %arg6: memref<960x128xf32, #tpu.memory_space<vmem>>, %arg7: memref<!tpu.dma_semaphore, #tpu.memory_space<semaphore_mem>>) attributes {dimension_semantics = [#tpu.dimension_semantics<core_parallel>, #tpu.dimension_semantics<subcore_parallel>], iteration_bounds = array<i64: 2, 16>, scalar_prefetch = 0 : i64, scratch_operands = 3 : i64, tpu.core_type = #tpu.core_type<sc_vector_subcore>, window_params = [{transform_indices = #map}, {transform_indices = #map1}, {transform_indices = #map}]} {
    %mul3A = arith.constant 2 : i32
    %mul3A_0 = arith.muli %arg1, %mul3A : i32
    %add3A = arith.addi %mul3A_0, %arg0 : i32
    %mul3A_1 = arith.constant 960 : i32
    %mul3A_2 = arith.muli %add3A, %mul3A_1 : i32
    "tpu.region"() ({
      %run_scoped3A = tpu.sem_alloc : memref<!tpu.dma_semaphore, #tpu.memory_space<semaphore_mem>>
      %dma_start3A_301 = arith.constant 0 : i32
      %dma_start3A_302 = arith.constant 0 : i32
      %dma_start3A_303 = tpu.memref_slice %arg3[%add3A, %dma_start3A_301, %dma_start3A_302] : memref<32x15x64xi32, #tpu.memory_space<hbm>> -> memref<1x15x64xi32, #tpu.memory_space<hbm>>
      %dma_start3A_304 = tpu.memref_squeeze %dma_start3A_303 : memref<1x15x64xi32, #tpu.memory_space<hbm>> -> memref<15x64xi32, #tpu.memory_space<hbm>>
      %dma_start3A_305 = arith.constant 0 : i32
      %dma_start3A_306 = arith.constant 0 : i32
      %dma_start3A_307 = tpu.memref_slice %arg3[%add3A, %dma_start3A_305, %dma_start3A_306] : memref<32x15x64xi32, #tpu.memory_space<hbm>> -> memref<1x15x64xi32, #tpu.memory_space<hbm>>
      %dma_start3A_308 = tpu.memref_squeeze %dma_start3A_307 : memref<1x15x64xi32, #tpu.memory_space<hbm>> -> memref<15x64xi32, #tpu.memory_space<hbm>>
      tpu.enqueue_dma source(%dma_start3A_308 : memref<15x64xi32, #tpu.memory_space<hbm>>) target(%arg5 : memref<15x64xi32, #tpu.memory_space<vmem>>) target_semaphore(%run_scoped3A : memref<!tpu.dma_semaphore, #tpu.memory_space<semaphore_mem>>)
      %dma_wait3A_309 = arith.constant 0 : i32
      %dma_wait3A_310 = arith.constant 0 : i32
      %dma_wait3A_311 = tpu.memref_slice %arg3[%add3A, %dma_wait3A_309, %dma_wait3A_310] : memref<32x15x64xi32, #tpu.memory_space<hbm>> -> memref<1x15x64xi32, #tpu.memory_space<hbm>>
      %dma_wait3A_312 = tpu.memref_squeeze %dma_wait3A_311 : memref<1x15x64xi32, #tpu.memory_space<hbm>> -> memref<15x64xi32, #tpu.memory_space<hbm>>
      %dma_wait3A_313 = arith.constant 0 : i32
      %dma_wait3A_314 = arith.constant 0 : i32
      %dma_wait3A_315 = tpu.memref_slice %arg3[%add3A, %dma_wait3A_313, %dma_wait3A_314] : memref<32x15x64xi32, #tpu.memory_space<hbm>> -> memref<1x15x64xi32, #tpu.memory_space<hbm>>
      %dma_wait3A_316 = tpu.memref_squeeze %dma_wait3A_315 : memref<1x15x64xi32, #tpu.memory_space<hbm>> -> memref<15x64xi32, #tpu.memory_space<hbm>>
      tpu.wait_dma2 semaphore(%run_scoped3A : memref<!tpu.dma_semaphore, #tpu.memory_space<semaphore_mem>>) src(%dma_wait3A_316 : memref<15x64xi32, #tpu.memory_space<hbm>>) dst(%arg5 : memref<15x64xi32, #tpu.memory_space<vmem>>)
      tpu.yield
    }) : () -> ()
    %dma_start3A = arith.constant 0 : i32
    %dma_start3A_3 = arith.constant 0 : i32
    %dma_start3A_4 = arith.constant 0 : i32
    %dma_start3A_5 = tpu.memref_slice %arg6[%dma_start3A_3, %dma_start3A_4] : memref<960x128xf32, #tpu.memory_space<vmem>> -> memref<64x128xf32, #tpu.memory_space<vmem>>
    %dma_start3A_6 = arith.constant 0 : i32
    %dma_start3A_7 = tpu.memref_slice %arg5[%dma_start3A, %dma_start3A_6] : memref<15x64xi32, #tpu.memory_space<vmem>> -> memref<1x64xi32, #tpu.memory_space<vmem>>
    %dma_start3A_8 = tpu.memref_squeeze %dma_start3A_7 : memref<1x64xi32, #tpu.memory_space<vmem>> -> memref<64xi32, #tpu.memory_space<vmem>>
    %dma_start3A_9 = arith.constant 0 : i32
    %dma_start3A_10 = arith.constant 0 : i32
    %dma_start3A_11 = tpu.memref_slice %arg2[%dma_start3A_9, %dma_start3A_10] : memref<30000x128xf32, #tpu.memory_space<hbm>> -> memref<30000x128xf32, #tpu.memory_space<hbm>>
    tpu.enqueue_indirect_dma source(%dma_start3A_11 : memref<30000x128xf32, #tpu.memory_space<hbm>>) target(%dma_start3A_5 : memref<64x128xf32, #tpu.memory_space<vmem>>) offsets(%dma_start3A_8 : memref<64xi32, #tpu.memory_space<vmem>>) semaphore(%arg7 : memref<!tpu.dma_semaphore, #tpu.memory_space<semaphore_mem>>)
    %dma_start3A_12 = arith.constant 1 : i32
    %dma_start3A_13 = arith.constant 64 : i32
    %dma_start3A_14 = arith.constant 0 : i32
    %dma_start3A_15 = tpu.memref_slice %arg6[%dma_start3A_13, %dma_start3A_14] : memref<960x128xf32, #tpu.memory_space<vmem>> -> memref<64x128xf32, #tpu.memory_space<vmem>>
    %dma_start3A_16 = arith.constant 0 : i32
    %dma_start3A_17 = tpu.memref_slice %arg5[%dma_start3A_12, %dma_start3A_16] : memref<15x64xi32, #tpu.memory_space<vmem>> -> memref<1x64xi32, #tpu.memory_space<vmem>>
    %dma_start3A_18 = tpu.memref_squeeze %dma_start3A_17 : memref<1x64xi32, #tpu.memory_space<vmem>> -> memref<64xi32, #tpu.memory_space<vmem>>
    %dma_start3A_19 = arith.constant 0 : i32
    %dma_start3A_20 = arith.constant 0 : i32
    %dma_start3A_21 = tpu.memref_slice %arg2[%dma_start3A_19, %dma_start3A_20] : memref<30000x128xf32, #tpu.memory_space<hbm>> -> memref<30000x128xf32, #tpu.memory_space<hbm>>
    tpu.enqueue_indirect_dma source(%dma_start3A_21 : memref<30000x128xf32, #tpu.memory_space<hbm>>) target(%dma_start3A_15 : memref<64x128xf32, #tpu.memory_space<vmem>>) offsets(%dma_start3A_18 : memref<64xi32, #tpu.memory_space<vmem>>) semaphore(%arg7 : memref<!tpu.dma_semaphore, #tpu.memory_space<semaphore_mem>>)
    %dma_start3A_22 = arith.constant 2 : i32
    %dma_start3A_23 = arith.constant 128 : i32
    %dma_start3A_24 = arith.constant 0 : i32
    %dma_start3A_25 = tpu.memref_slice %arg6[%dma_start3A_23, %dma_start3A_24] : memref<960x128xf32, #tpu.memory_space<vmem>> -> memref<64x128xf32, #tpu.memory_space<vmem>>
    %dma_start3A_26 = arith.constant 0 : i32
    %dma_start3A_27 = tpu.memref_slice %arg5[%dma_start3A_22, %dma_start3A_26] : memref<15x64xi32, #tpu.memory_space<vmem>> -> memref<1x64xi32, #tpu.memory_space<vmem>>
    %dma_start3A_28 = tpu.memref_squeeze %dma_start3A_27 : memref<1x64xi32, #tpu.memory_space<vmem>> -> memref<64xi32, #tpu.memory_space<vmem>>
    %dma_start3A_29 = arith.constant 0 : i32
    %dma_start3A_30 = arith.constant 0 : i32
    %dma_start3A_31 = tpu.memref_slice %arg2[%dma_start3A_29, %dma_start3A_30] : memref<30000x128xf32, #tpu.memory_space<hbm>> -> memref<30000x128xf32, #tpu.memory_space<hbm>>
    tpu.enqueue_indirect_dma source(%dma_start3A_31 : memref<30000x128xf32, #tpu.memory_space<hbm>>) target(%dma_start3A_25 : memref<64x128xf32, #tpu.memory_space<vmem>>) offsets(%dma_start3A_28 : memref<64xi32, #tpu.memory_space<vmem>>) semaphore(%arg7 : memref<!tpu.dma_semaphore, #tpu.memory_space<semaphore_mem>>)
    %dma_start3A_32 = arith.constant 3 : i32
    %dma_start3A_33 = arith.constant 192 : i32
    %dma_start3A_34 = arith.constant 0 : i32
    %dma_start3A_35 = tpu.memref_slice %arg6[%dma_start3A_33, %dma_start3A_34] : memref<960x128xf32, #tpu.memory_space<vmem>> -> memref<64x128xf32, #tpu.memory_space<vmem>>
    %dma_start3A_36 = arith.constant 0 : i32
    %dma_start3A_37 = tpu.memref_slice %arg5[%dma_start3A_32, %dma_start3A_36] : memref<15x64xi32, #tpu.memory_space<vmem>> -> memref<1x64xi32, #tpu.memory_space<vmem>>
    %dma_start3A_38 = tpu.memref_squeeze %dma_start3A_37 : memref<1x64xi32, #tpu.memory_space<vmem>> -> memref<64xi32, #tpu.memory_space<vmem>>
    %dma_start3A_39 = arith.constant 0 : i32
    %dma_start3A_40 = arith.constant 0 : i32
    %dma_start3A_41 = tpu.memref_slice %arg2[%dma_start3A_39, %dma_start3A_40] : memref<30000x128xf32, #tpu.memory_space<hbm>> -> memref<30000x128xf32, #tpu.memory_space<hbm>>
    tpu.enqueue_indirect_dma source(%dma_start3A_41 : memref<30000x128xf32, #tpu.memory_space<hbm>>) target(%dma_start3A_35 : memref<64x128xf32, #tpu.memory_space<vmem>>) offsets(%dma_start3A_38 : memref<64xi32, #tpu.memory_space<vmem>>) semaphore(%arg7 : memref<!tpu.dma_semaphore, #tpu.memory_space<semaphore_mem>>)
    %dma_start3A_42 = arith.constant 4 : i32
    %dma_start3A_43 = arith.constant 256 : i32
    %dma_start3A_44 = arith.constant 0 : i32
    %dma_start3A_45 = tpu.memref_slice %arg6[%dma_start3A_43, %dma_start3A_44] : memref<960x128xf32, #tpu.memory_space<vmem>> -> memref<64x128xf32, #tpu.memory_space<vmem>>
    %dma_start3A_46 = arith.constant 0 : i32
    %dma_start3A_47 = tpu.memref_slice %arg5[%dma_start3A_42, %dma_start3A_46] : memref<15x64xi32, #tpu.memory_space<vmem>> -> memref<1x64xi32, #tpu.memory_space<vmem>>
    %dma_start3A_48 = tpu.memref_squeeze %dma_start3A_47 : memref<1x64xi32, #tpu.memory_space<vmem>> -> memref<64xi32, #tpu.memory_space<vmem>>
    %dma_start3A_49 = arith.constant 0 : i32
    %dma_start3A_50 = arith.constant 0 : i32
    %dma_start3A_51 = tpu.memref_slice %arg2[%dma_start3A_49, %dma_start3A_50] : memref<30000x128xf32, #tpu.memory_space<hbm>> -> memref<30000x128xf32, #tpu.memory_space<hbm>>
    tpu.enqueue_indirect_dma source(%dma_start3A_51 : memref<30000x128xf32, #tpu.memory_space<hbm>>) target(%dma_start3A_45 : memref<64x128xf32, #tpu.memory_space<vmem>>) offsets(%dma_start3A_48 : memref<64xi32, #tpu.memory_space<vmem>>) semaphore(%arg7 : memref<!tpu.dma_semaphore, #tpu.memory_space<semaphore_mem>>)
    %dma_start3A_52 = arith.constant 5 : i32
    %dma_start3A_53 = arith.constant 320 : i32
    %dma_start3A_54 = arith.constant 0 : i32
    %dma_start3A_55 = tpu.memref_slice %arg6[%dma_start3A_53, %dma_start3A_54] : memref<960x128xf32, #tpu.memory_space<vmem>> -> memref<64x128xf32, #tpu.memory_space<vmem>>
    %dma_start3A_56 = arith.constant 0 : i32
    %dma_start3A_57 = tpu.memref_slice %arg5[%dma_start3A_52, %dma_start3A_56] : memref<15x64xi32, #tpu.memory_space<vmem>> -> memref<1x64xi32, #tpu.memory_space<vmem>>
    %dma_start3A_58 = tpu.memref_squeeze %dma_start3A_57 : memref<1x64xi32, #tpu.memory_space<vmem>> -> memref<64xi32, #tpu.memory_space<vmem>>
    %dma_start3A_59 = arith.constant 0 : i32
    %dma_start3A_60 = arith.constant 0 : i32
    %dma_start3A_61 = tpu.memref_slice %arg2[%dma_start3A_59, %dma_start3A_60] : memref<30000x128xf32, #tpu.memory_space<hbm>> -> memref<30000x128xf32, #tpu.memory_space<hbm>>
    tpu.enqueue_indirect_dma source(%dma_start3A_61 : memref<30000x128xf32, #tpu.memory_space<hbm>>) target(%dma_start3A_55 : memref<64x128xf32, #tpu.memory_space<vmem>>) offsets(%dma_start3A_58 : memref<64xi32, #tpu.memory_space<vmem>>) semaphore(%arg7 : memref<!tpu.dma_semaphore, #tpu.memory_space<semaphore_mem>>)
    %dma_start3A_62 = arith.constant 6 : i32
    %dma_start3A_63 = arith.constant 384 : i32
    %dma_start3A_64 = arith.constant 0 : i32
    %dma_start3A_65 = tpu.memref_slice %arg6[%dma_start3A_63, %dma_start3A_64] : memref<960x128xf32, #tpu.memory_space<vmem>> -> memref<64x128xf32, #tpu.memory_space<vmem>>
    %dma_start3A_66 = arith.constant 0 : i32
    %dma_start3A_67 = tpu.memref_slice %arg5[%dma_start3A_62, %dma_start3A_66] : memref<15x64xi32, #tpu.memory_space<vmem>> -> memref<1x64xi32, #tpu.memory_space<vmem>>
    %dma_start3A_68 = tpu.memref_squeeze %dma_start3A_67 : memref<1x64xi32, #tpu.memory_space<vmem>> -> memref<64xi32, #tpu.memory_space<vmem>>
    %dma_start3A_69 = arith.constant 0 : i32
    %dma_start3A_70 = arith.constant 0 : i32
    %dma_start3A_71 = tpu.memref_slice %arg2[%dma_start3A_69, %dma_start3A_70] : memref<30000x128xf32, #tpu.memory_space<hbm>> -> memref<30000x128xf32, #tpu.memory_space<hbm>>
    tpu.enqueue_indirect_dma source(%dma_start3A_71 : memref<30000x128xf32, #tpu.memory_space<hbm>>) target(%dma_start3A_65 : memref<64x128xf32, #tpu.memory_space<vmem>>) offsets(%dma_start3A_68 : memref<64xi32, #tpu.memory_space<vmem>>) semaphore(%arg7 : memref<!tpu.dma_semaphore, #tpu.memory_space<semaphore_mem>>)
    %dma_start3A_72 = arith.constant 7 : i32
    %dma_start3A_73 = arith.constant 448 : i32
    %dma_start3A_74 = arith.constant 0 : i32
    %dma_start3A_75 = tpu.memref_slice %arg6[%dma_start3A_73, %dma_start3A_74] : memref<960x128xf32, #tpu.memory_space<vmem>> -> memref<64x128xf32, #tpu.memory_space<vmem>>
    %dma_start3A_76 = arith.constant 0 : i32
    %dma_start3A_77 = tpu.memref_slice %arg5[%dma_start3A_72, %dma_start3A_76] : memref<15x64xi32, #tpu.memory_space<vmem>> -> memref<1x64xi32, #tpu.memory_space<vmem>>
    %dma_start3A_78 = tpu.memref_squeeze %dma_start3A_77 : memref<1x64xi32, #tpu.memory_space<vmem>> -> memref<64xi32, #tpu.memory_space<vmem>>
    %dma_start3A_79 = arith.constant 0 : i32
    %dma_start3A_80 = arith.constant 0 : i32
    %dma_start3A_81 = tpu.memref_slice %arg2[%dma_start3A_79, %dma_start3A_80] : memref<30000x128xf32, #tpu.memory_space<hbm>> -> memref<30000x128xf32, #tpu.memory_space<hbm>>
    tpu.enqueue_indirect_dma source(%dma_start3A_81 : memref<30000x128xf32, #tpu.memory_space<hbm>>) target(%dma_start3A_75 : memref<64x128xf32, #tpu.memory_space<vmem>>) offsets(%dma_start3A_78 : memref<64xi32, #tpu.memory_space<vmem>>) semaphore(%arg7 : memref<!tpu.dma_semaphore, #tpu.memory_space<semaphore_mem>>)
    %dma_start3A_82 = arith.constant 8 : i32
    %dma_start3A_83 = arith.constant 512 : i32
    %dma_start3A_84 = arith.constant 0 : i32
    %dma_start3A_85 = tpu.memref_slice %arg6[%dma_start3A_83, %dma_start3A_84] : memref<960x128xf32, #tpu.memory_space<vmem>> -> memref<64x128xf32, #tpu.memory_space<vmem>>
    %dma_start3A_86 = arith.constant 0 : i32
    %dma_start3A_87 = tpu.memref_slice %arg5[%dma_start3A_82, %dma_start3A_86] : memref<15x64xi32, #tpu.memory_space<vmem>> -> memref<1x64xi32, #tpu.memory_space<vmem>>
    %dma_start3A_88 = tpu.memref_squeeze %dma_start3A_87 : memref<1x64xi32, #tpu.memory_space<vmem>> -> memref<64xi32, #tpu.memory_space<vmem>>
    %dma_start3A_89 = arith.constant 0 : i32
    %dma_start3A_90 = arith.constant 0 : i32
    %dma_start3A_91 = tpu.memref_slice %arg2[%dma_start3A_89, %dma_start3A_90] : memref<30000x128xf32, #tpu.memory_space<hbm>> -> memref<30000x128xf32, #tpu.memory_space<hbm>>
    tpu.enqueue_indirect_dma source(%dma_start3A_91 : memref<30000x128xf32, #tpu.memory_space<hbm>>) target(%dma_start3A_85 : memref<64x128xf32, #tpu.memory_space<vmem>>) offsets(%dma_start3A_88 : memref<64xi32, #tpu.memory_space<vmem>>) semaphore(%arg7 : memref<!tpu.dma_semaphore, #tpu.memory_space<semaphore_mem>>)
    %dma_start3A_92 = arith.constant 9 : i32
    %dma_start3A_93 = arith.constant 576 : i32
    %dma_start3A_94 = arith.constant 0 : i32
    %dma_start3A_95 = tpu.memref_slice %arg6[%dma_start3A_93, %dma_start3A_94] : memref<960x128xf32, #tpu.memory_space<vmem>> -> memref<64x128xf32, #tpu.memory_space<vmem>>
    %dma_start3A_96 = arith.constant 0 : i32
    %dma_start3A_97 = tpu.memref_slice %arg5[%dma_start3A_92, %dma_start3A_96] : memref<15x64xi32, #tpu.memory_space<vmem>> -> memref<1x64xi32, #tpu.memory_space<vmem>>
    %dma_start3A_98 = tpu.memref_squeeze %dma_start3A_97 : memref<1x64xi32, #tpu.memory_space<vmem>> -> memref<64xi32, #tpu.memory_space<vmem>>
    %dma_start3A_99 = arith.constant 0 : i32
    %dma_start3A_100 = arith.constant 0 : i32
    %dma_start3A_101 = tpu.memref_slice %arg2[%dma_start3A_99, %dma_start3A_100] : memref<30000x128xf32, #tpu.memory_space<hbm>> -> memref<30000x128xf32, #tpu.memory_space<hbm>>
    tpu.enqueue_indirect_dma source(%dma_start3A_101 : memref<30000x128xf32, #tpu.memory_space<hbm>>) target(%dma_start3A_95 : memref<64x128xf32, #tpu.memory_space<vmem>>) offsets(%dma_start3A_98 : memref<64xi32, #tpu.memory_space<vmem>>) semaphore(%arg7 : memref<!tpu.dma_semaphore, #tpu.memory_space<semaphore_mem>>)
    %dma_start3A_102 = arith.constant 10 : i32
    %dma_start3A_103 = arith.constant 640 : i32
    %dma_start3A_104 = arith.constant 0 : i32
    %dma_start3A_105 = tpu.memref_slice %arg6[%dma_start3A_103, %dma_start3A_104] : memref<960x128xf32, #tpu.memory_space<vmem>> -> memref<64x128xf32, #tpu.memory_space<vmem>>
    %dma_start3A_106 = arith.constant 0 : i32
    %dma_start3A_107 = tpu.memref_slice %arg5[%dma_start3A_102, %dma_start3A_106] : memref<15x64xi32, #tpu.memory_space<vmem>> -> memref<1x64xi32, #tpu.memory_space<vmem>>
    %dma_start3A_108 = tpu.memref_squeeze %dma_start3A_107 : memref<1x64xi32, #tpu.memory_space<vmem>> -> memref<64xi32, #tpu.memory_space<vmem>>
    %dma_start3A_109 = arith.constant 0 : i32
    %dma_start3A_110 = arith.constant 0 : i32
    %dma_start3A_111 = tpu.memref_slice %arg2[%dma_start3A_109, %dma_start3A_110] : memref<30000x128xf32, #tpu.memory_space<hbm>> -> memref<30000x128xf32, #tpu.memory_space<hbm>>
    tpu.enqueue_indirect_dma source(%dma_start3A_111 : memref<30000x128xf32, #tpu.memory_space<hbm>>) target(%dma_start3A_105 : memref<64x128xf32, #tpu.memory_space<vmem>>) offsets(%dma_start3A_108 : memref<64xi32, #tpu.memory_space<vmem>>) semaphore(%arg7 : memref<!tpu.dma_semaphore, #tpu.memory_space<semaphore_mem>>)
    %dma_start3A_112 = arith.constant 11 : i32
    %dma_start3A_113 = arith.constant 704 : i32
    %dma_start3A_114 = arith.constant 0 : i32
    %dma_start3A_115 = tpu.memref_slice %arg6[%dma_start3A_113, %dma_start3A_114] : memref<960x128xf32, #tpu.memory_space<vmem>> -> memref<64x128xf32, #tpu.memory_space<vmem>>
    %dma_start3A_116 = arith.constant 0 : i32
    %dma_start3A_117 = tpu.memref_slice %arg5[%dma_start3A_112, %dma_start3A_116] : memref<15x64xi32, #tpu.memory_space<vmem>> -> memref<1x64xi32, #tpu.memory_space<vmem>>
    %dma_start3A_118 = tpu.memref_squeeze %dma_start3A_117 : memref<1x64xi32, #tpu.memory_space<vmem>> -> memref<64xi32, #tpu.memory_space<vmem>>
    %dma_start3A_119 = arith.constant 0 : i32
    %dma_start3A_120 = arith.constant 0 : i32
    %dma_start3A_121 = tpu.memref_slice %arg2[%dma_start3A_119, %dma_start3A_120] : memref<30000x128xf32, #tpu.memory_space<hbm>> -> memref<30000x128xf32, #tpu.memory_space<hbm>>
    tpu.enqueue_indirect_dma source(%dma_start3A_121 : memref<30000x128xf32, #tpu.memory_space<hbm>>) target(%dma_start3A_115 : memref<64x128xf32, #tpu.memory_space<vmem>>) offsets(%dma_start3A_118 : memref<64xi32, #tpu.memory_space<vmem>>) semaphore(%arg7 : memref<!tpu.dma_semaphore, #tpu.memory_space<semaphore_mem>>)
    %dma_start3A_122 = arith.constant 12 : i32
    %dma_start3A_123 = arith.constant 768 : i32
    %dma_start3A_124 = arith.constant 0 : i32
    %dma_start3A_125 = tpu.memref_slice %arg6[%dma_start3A_123, %dma_start3A_124] : memref<960x128xf32, #tpu.memory_space<vmem>> -> memref<64x128xf32, #tpu.memory_space<vmem>>
    %dma_start3A_126 = arith.constant 0 : i32
    %dma_start3A_127 = tpu.memref_slice %arg5[%dma_start3A_122, %dma_start3A_126] : memref<15x64xi32, #tpu.memory_space<vmem>> -> memref<1x64xi32, #tpu.memory_space<vmem>>
    %dma_start3A_128 = tpu.memref_squeeze %dma_start3A_127 : memref<1x64xi32, #tpu.memory_space<vmem>> -> memref<64xi32, #tpu.memory_space<vmem>>
    %dma_start3A_129 = arith.constant 0 : i32
    %dma_start3A_130 = arith.constant 0 : i32
    %dma_start3A_131 = tpu.memref_slice %arg2[%dma_start3A_129, %dma_start3A_130] : memref<30000x128xf32, #tpu.memory_space<hbm>> -> memref<30000x128xf32, #tpu.memory_space<hbm>>
    tpu.enqueue_indirect_dma source(%dma_start3A_131 : memref<30000x128xf32, #tpu.memory_space<hbm>>) target(%dma_start3A_125 : memref<64x128xf32, #tpu.memory_space<vmem>>) offsets(%dma_start3A_128 : memref<64xi32, #tpu.memory_space<vmem>>) semaphore(%arg7 : memref<!tpu.dma_semaphore, #tpu.memory_space<semaphore_mem>>)
    %dma_start3A_132 = arith.constant 13 : i32
    %dma_start3A_133 = arith.constant 832 : i32
    %dma_start3A_134 = arith.constant 0 : i32
    %dma_start3A_135 = tpu.memref_slice %arg6[%dma_start3A_133, %dma_start3A_134] : memref<960x128xf32, #tpu.memory_space<vmem>> -> memref<64x128xf32, #tpu.memory_space<vmem>>
    %dma_start3A_136 = arith.constant 0 : i32
    %dma_start3A_137 = tpu.memref_slice %arg5[%dma_start3A_132, %dma_start3A_136] : memref<15x64xi32, #tpu.memory_space<vmem>> -> memref<1x64xi32, #tpu.memory_space<vmem>>
    %dma_start3A_138 = tpu.memref_squeeze %dma_start3A_137 : memref<1x64xi32, #tpu.memory_space<vmem>> -> memref<64xi32, #tpu.memory_space<vmem>>
    %dma_start3A_139 = arith.constant 0 : i32
    %dma_start3A_140 = arith.constant 0 : i32
    %dma_start3A_141 = tpu.memref_slice %arg2[%dma_start3A_139, %dma_start3A_140] : memref<30000x128xf32, #tpu.memory_space<hbm>> -> memref<30000x128xf32, #tpu.memory_space<hbm>>
    tpu.enqueue_indirect_dma source(%dma_start3A_141 : memref<30000x128xf32, #tpu.memory_space<hbm>>) target(%dma_start3A_135 : memref<64x128xf32, #tpu.memory_space<vmem>>) offsets(%dma_start3A_138 : memref<64xi32, #tpu.memory_space<vmem>>) semaphore(%arg7 : memref<!tpu.dma_semaphore, #tpu.memory_space<semaphore_mem>>)
    %dma_start3A_142 = arith.constant 14 : i32
    %dma_start3A_143 = arith.constant 896 : i32
    %dma_start3A_144 = arith.constant 0 : i32
    %dma_start3A_145 = tpu.memref_slice %arg6[%dma_start3A_143, %dma_start3A_144] : memref<960x128xf32, #tpu.memory_space<vmem>> -> memref<64x128xf32, #tpu.memory_space<vmem>>
    %dma_start3A_146 = arith.constant 0 : i32
    %dma_start3A_147 = tpu.memref_slice %arg5[%dma_start3A_142, %dma_start3A_146] : memref<15x64xi32, #tpu.memory_space<vmem>> -> memref<1x64xi32, #tpu.memory_space<vmem>>
    %dma_start3A_148 = tpu.memref_squeeze %dma_start3A_147 : memref<1x64xi32, #tpu.memory_space<vmem>> -> memref<64xi32, #tpu.memory_space<vmem>>
    %dma_start3A_149 = arith.constant 0 : i32
    %dma_start3A_150 = arith.constant 0 : i32
    %dma_start3A_151 = tpu.memref_slice %arg2[%dma_start3A_149, %dma_start3A_150] : memref<30000x128xf32, #tpu.memory_space<hbm>> -> memref<30000x128xf32, #tpu.memory_space<hbm>>
    tpu.enqueue_indirect_dma source(%dma_start3A_151 : memref<30000x128xf32, #tpu.memory_space<hbm>>) target(%dma_start3A_145 : memref<64x128xf32, #tpu.memory_space<vmem>>) offsets(%dma_start3A_148 : memref<64xi32, #tpu.memory_space<vmem>>) semaphore(%arg7 : memref<!tpu.dma_semaphore, #tpu.memory_space<semaphore_mem>>)
    %dma_wait3A = arith.constant 0 : i32
    %dma_wait3A_152 = arith.constant 0 : i32
    %dma_wait3A_153 = arith.constant 0 : i32
    %dma_wait3A_154 = tpu.memref_slice %arg6[%dma_wait3A_152, %dma_wait3A_153] : memref<960x128xf32, #tpu.memory_space<vmem>> -> memref<64x128xf32, #tpu.memory_space<vmem>>
    %dma_wait3A_155 = arith.constant 0 : i32
    %dma_wait3A_156 = tpu.memref_slice %arg5[%dma_wait3A, %dma_wait3A_155] : memref<15x64xi32, #tpu.memory_space<vmem>> -> memref<1x64xi32, #tpu.memory_space<vmem>>
    %dma_wait3A_157 = tpu.memref_squeeze %dma_wait3A_156 : memref<1x64xi32, #tpu.memory_space<vmem>> -> memref<64xi32, #tpu.memory_space<vmem>>
    %dma_wait3A_158 = arith.constant 0 : i32
    %dma_wait3A_159 = arith.constant 0 : i32
    %dma_wait3A_160 = tpu.memref_slice %arg2[%dma_wait3A_158, %dma_wait3A_159] : memref<30000x128xf32, #tpu.memory_space<hbm>> -> memref<30000x128xf32, #tpu.memory_space<hbm>>
    tpu.wait_indirect_dma semaphore(%arg7 : memref<!tpu.dma_semaphore, #tpu.memory_space<semaphore_mem>>) src(%dma_wait3A_160 : memref<30000x128xf32, #tpu.memory_space<hbm>>) dst(%dma_wait3A_154 : memref<64x128xf32, #tpu.memory_space<vmem>>)
    %dma_wait3A_161 = arith.constant 1 : i32
    %dma_wait3A_162 = arith.constant 64 : i32
    %dma_wait3A_163 = arith.constant 0 : i32
    %dma_wait3A_164 = tpu.memref_slice %arg6[%dma_wait3A_162, %dma_wait3A_163] : memref<960x128xf32, #tpu.memory_space<vmem>> -> memref<64x128xf32, #tpu.memory_space<vmem>>
    %dma_wait3A_165 = arith.constant 0 : i32
    %dma_wait3A_166 = tpu.memref_slice %arg5[%dma_wait3A_161, %dma_wait3A_165] : memref<15x64xi32, #tpu.memory_space<vmem>> -> memref<1x64xi32, #tpu.memory_space<vmem>>
    %dma_wait3A_167 = tpu.memref_squeeze %dma_wait3A_166 : memref<1x64xi32, #tpu.memory_space<vmem>> -> memref<64xi32, #tpu.memory_space<vmem>>
    %dma_wait3A_168 = arith.constant 0 : i32
    %dma_wait3A_169 = arith.constant 0 : i32
    %dma_wait3A_170 = tpu.memref_slice %arg2[%dma_wait3A_168, %dma_wait3A_169] : memref<30000x128xf32, #tpu.memory_space<hbm>> -> memref<30000x128xf32, #tpu.memory_space<hbm>>
    tpu.wait_indirect_dma semaphore(%arg7 : memref<!tpu.dma_semaphore, #tpu.memory_space<semaphore_mem>>) src(%dma_wait3A_170 : memref<30000x128xf32, #tpu.memory_space<hbm>>) dst(%dma_wait3A_164 : memref<64x128xf32, #tpu.memory_space<vmem>>)
    %dma_wait3A_171 = arith.constant 2 : i32
    %dma_wait3A_172 = arith.constant 128 : i32
    %dma_wait3A_173 = arith.constant 0 : i32
    %dma_wait3A_174 = tpu.memref_slice %arg6[%dma_wait3A_172, %dma_wait3A_173] : memref<960x128xf32, #tpu.memory_space<vmem>> -> memref<64x128xf32, #tpu.memory_space<vmem>>
    %dma_wait3A_175 = arith.constant 0 : i32
    %dma_wait3A_176 = tpu.memref_slice %arg5[%dma_wait3A_171, %dma_wait3A_175] : memref<15x64xi32, #tpu.memory_space<vmem>> -> memref<1x64xi32, #tpu.memory_space<vmem>>
    %dma_wait3A_177 = tpu.memref_squeeze %dma_wait3A_176 : memref<1x64xi32, #tpu.memory_space<vmem>> -> memref<64xi32, #tpu.memory_space<vmem>>
    %dma_wait3A_178 = arith.constant 0 : i32
    %dma_wait3A_179 = arith.constant 0 : i32
    %dma_wait3A_180 = tpu.memref_slice %arg2[%dma_wait3A_178, %dma_wait3A_179] : memref<30000x128xf32, #tpu.memory_space<hbm>> -> memref<30000x128xf32, #tpu.memory_space<hbm>>
    tpu.wait_indirect_dma semaphore(%arg7 : memref<!tpu.dma_semaphore, #tpu.memory_space<semaphore_mem>>) src(%dma_wait3A_180 : memref<30000x128xf32, #tpu.memory_space<hbm>>) dst(%dma_wait3A_174 : memref<64x128xf32, #tpu.memory_space<vmem>>)
    %dma_wait3A_181 = arith.constant 3 : i32
    %dma_wait3A_182 = arith.constant 192 : i32
    %dma_wait3A_183 = arith.constant 0 : i32
    %dma_wait3A_184 = tpu.memref_slice %arg6[%dma_wait3A_182, %dma_wait3A_183] : memref<960x128xf32, #tpu.memory_space<vmem>> -> memref<64x128xf32, #tpu.memory_space<vmem>>
    %dma_wait3A_185 = arith.constant 0 : i32
    %dma_wait3A_186 = tpu.memref_slice %arg5[%dma_wait3A_181, %dma_wait3A_185] : memref<15x64xi32, #tpu.memory_space<vmem>> -> memref<1x64xi32, #tpu.memory_space<vmem>>
    %dma_wait3A_187 = tpu.memref_squeeze %dma_wait3A_186 : memref<1x64xi32, #tpu.memory_space<vmem>> -> memref<64xi32, #tpu.memory_space<vmem>>
    %dma_wait3A_188 = arith.constant 0 : i32
    %dma_wait3A_189 = arith.constant 0 : i32
    %dma_wait3A_190 = tpu.memref_slice %arg2[%dma_wait3A_188, %dma_wait3A_189] : memref<30000x128xf32, #tpu.memory_space<hbm>> -> memref<30000x128xf32, #tpu.memory_space<hbm>>
    tpu.wait_indirect_dma semaphore(%arg7 : memref<!tpu.dma_semaphore, #tpu.memory_space<semaphore_mem>>) src(%dma_wait3A_190 : memref<30000x128xf32, #tpu.memory_space<hbm>>) dst(%dma_wait3A_184 : memref<64x128xf32, #tpu.memory_space<vmem>>)
    %dma_wait3A_191 = arith.constant 4 : i32
    %dma_wait3A_192 = arith.constant 256 : i32
    %dma_wait3A_193 = arith.constant 0 : i32
    %dma_wait3A_194 = tpu.memref_slice %arg6[%dma_wait3A_192, %dma_wait3A_193] : memref<960x128xf32, #tpu.memory_space<vmem>> -> memref<64x128xf32, #tpu.memory_space<vmem>>
    %dma_wait3A_195 = arith.constant 0 : i32
    %dma_wait3A_196 = tpu.memref_slice %arg5[%dma_wait3A_191, %dma_wait3A_195] : memref<15x64xi32, #tpu.memory_space<vmem>> -> memref<1x64xi32, #tpu.memory_space<vmem>>
    %dma_wait3A_197 = tpu.memref_squeeze %dma_wait3A_196 : memref<1x64xi32, #tpu.memory_space<vmem>> -> memref<64xi32, #tpu.memory_space<vmem>>
    %dma_wait3A_198 = arith.constant 0 : i32
    %dma_wait3A_199 = arith.constant 0 : i32
    %dma_wait3A_200 = tpu.memref_slice %arg2[%dma_wait3A_198, %dma_wait3A_199] : memref<30000x128xf32, #tpu.memory_space<hbm>> -> memref<30000x128xf32, #tpu.memory_space<hbm>>
    tpu.wait_indirect_dma semaphore(%arg7 : memref<!tpu.dma_semaphore, #tpu.memory_space<semaphore_mem>>) src(%dma_wait3A_200 : memref<30000x128xf32, #tpu.memory_space<hbm>>) dst(%dma_wait3A_194 : memref<64x128xf32, #tpu.memory_space<vmem>>)
    %dma_wait3A_201 = arith.constant 5 : i32
    %dma_wait3A_202 = arith.constant 320 : i32
    %dma_wait3A_203 = arith.constant 0 : i32
    %dma_wait3A_204 = tpu.memref_slice %arg6[%dma_wait3A_202, %dma_wait3A_203] : memref<960x128xf32, #tpu.memory_space<vmem>> -> memref<64x128xf32, #tpu.memory_space<vmem>>
    %dma_wait3A_205 = arith.constant 0 : i32
    %dma_wait3A_206 = tpu.memref_slice %arg5[%dma_wait3A_201, %dma_wait3A_205] : memref<15x64xi32, #tpu.memory_space<vmem>> -> memref<1x64xi32, #tpu.memory_space<vmem>>
    %dma_wait3A_207 = tpu.memref_squeeze %dma_wait3A_206 : memref<1x64xi32, #tpu.memory_space<vmem>> -> memref<64xi32, #tpu.memory_space<vmem>>
    %dma_wait3A_208 = arith.constant 0 : i32
    %dma_wait3A_209 = arith.constant 0 : i32
    %dma_wait3A_210 = tpu.memref_slice %arg2[%dma_wait3A_208, %dma_wait3A_209] : memref<30000x128xf32, #tpu.memory_space<hbm>> -> memref<30000x128xf32, #tpu.memory_space<hbm>>
    tpu.wait_indirect_dma semaphore(%arg7 : memref<!tpu.dma_semaphore, #tpu.memory_space<semaphore_mem>>) src(%dma_wait3A_210 : memref<30000x128xf32, #tpu.memory_space<hbm>>) dst(%dma_wait3A_204 : memref<64x128xf32, #tpu.memory_space<vmem>>)
    %dma_wait3A_211 = arith.constant 6 : i32
    %dma_wait3A_212 = arith.constant 384 : i32
    %dma_wait3A_213 = arith.constant 0 : i32
    %dma_wait3A_214 = tpu.memref_slice %arg6[%dma_wait3A_212, %dma_wait3A_213] : memref<960x128xf32, #tpu.memory_space<vmem>> -> memref<64x128xf32, #tpu.memory_space<vmem>>
    %dma_wait3A_215 = arith.constant 0 : i32
    %dma_wait3A_216 = tpu.memref_slice %arg5[%dma_wait3A_211, %dma_wait3A_215] : memref<15x64xi32, #tpu.memory_space<vmem>> -> memref<1x64xi32, #tpu.memory_space<vmem>>
    %dma_wait3A_217 = tpu.memref_squeeze %dma_wait3A_216 : memref<1x64xi32, #tpu.memory_space<vmem>> -> memref<64xi32, #tpu.memory_space<vmem>>
    %dma_wait3A_218 = arith.constant 0 : i32
    %dma_wait3A_219 = arith.constant 0 : i32
    %dma_wait3A_220 = tpu.memref_slice %arg2[%dma_wait3A_218, %dma_wait3A_219] : memref<30000x128xf32, #tpu.memory_space<hbm>> -> memref<30000x128xf32, #tpu.memory_space<hbm>>
    tpu.wait_indirect_dma semaphore(%arg7 : memref<!tpu.dma_semaphore, #tpu.memory_space<semaphore_mem>>) src(%dma_wait3A_220 : memref<30000x128xf32, #tpu.memory_space<hbm>>) dst(%dma_wait3A_214 : memref<64x128xf32, #tpu.memory_space<vmem>>)
    %dma_wait3A_221 = arith.constant 7 : i32
    %dma_wait3A_222 = arith.constant 448 : i32
    %dma_wait3A_223 = arith.constant 0 : i32
    %dma_wait3A_224 = tpu.memref_slice %arg6[%dma_wait3A_222, %dma_wait3A_223] : memref<960x128xf32, #tpu.memory_space<vmem>> -> memref<64x128xf32, #tpu.memory_space<vmem>>
    %dma_wait3A_225 = arith.constant 0 : i32
    %dma_wait3A_226 = tpu.memref_slice %arg5[%dma_wait3A_221, %dma_wait3A_225] : memref<15x64xi32, #tpu.memory_space<vmem>> -> memref<1x64xi32, #tpu.memory_space<vmem>>
    %dma_wait3A_227 = tpu.memref_squeeze %dma_wait3A_226 : memref<1x64xi32, #tpu.memory_space<vmem>> -> memref<64xi32, #tpu.memory_space<vmem>>
    %dma_wait3A_228 = arith.constant 0 : i32
    %dma_wait3A_229 = arith.constant 0 : i32
    %dma_wait3A_230 = tpu.memref_slice %arg2[%dma_wait3A_228, %dma_wait3A_229] : memref<30000x128xf32, #tpu.memory_space<hbm>> -> memref<30000x128xf32, #tpu.memory_space<hbm>>
    tpu.wait_indirect_dma semaphore(%arg7 : memref<!tpu.dma_semaphore, #tpu.memory_space<semaphore_mem>>) src(%dma_wait3A_230 : memref<30000x128xf32, #tpu.memory_space<hbm>>) dst(%dma_wait3A_224 : memref<64x128xf32, #tpu.memory_space<vmem>>)
    %dma_wait3A_231 = arith.constant 8 : i32
    %dma_wait3A_232 = arith.constant 512 : i32
    %dma_wait3A_233 = arith.constant 0 : i32
    %dma_wait3A_234 = tpu.memref_slice %arg6[%dma_wait3A_232, %dma_wait3A_233] : memref<960x128xf32, #tpu.memory_space<vmem>> -> memref<64x128xf32, #tpu.memory_space<vmem>>
    %dma_wait3A_235 = arith.constant 0 : i32
    %dma_wait3A_236 = tpu.memref_slice %arg5[%dma_wait3A_231, %dma_wait3A_235] : memref<15x64xi32, #tpu.memory_space<vmem>> -> memref<1x64xi32, #tpu.memory_space<vmem>>
    %dma_wait3A_237 = tpu.memref_squeeze %dma_wait3A_236 : memref<1x64xi32, #tpu.memory_space<vmem>> -> memref<64xi32, #tpu.memory_space<vmem>>
    %dma_wait3A_238 = arith.constant 0 : i32
    %dma_wait3A_239 = arith.constant 0 : i32
    %dma_wait3A_240 = tpu.memref_slice %arg2[%dma_wait3A_238, %dma_wait3A_239] : memref<30000x128xf32, #tpu.memory_space<hbm>> -> memref<30000x128xf32, #tpu.memory_space<hbm>>
    tpu.wait_indirect_dma semaphore(%arg7 : memref<!tpu.dma_semaphore, #tpu.memory_space<semaphore_mem>>) src(%dma_wait3A_240 : memref<30000x128xf32, #tpu.memory_space<hbm>>) dst(%dma_wait3A_234 : memref<64x128xf32, #tpu.memory_space<vmem>>)
    %dma_wait3A_241 = arith.constant 9 : i32
    %dma_wait3A_242 = arith.constant 576 : i32
    %dma_wait3A_243 = arith.constant 0 : i32
    %dma_wait3A_244 = tpu.memref_slice %arg6[%dma_wait3A_242, %dma_wait3A_243] : memref<960x128xf32, #tpu.memory_space<vmem>> -> memref<64x128xf32, #tpu.memory_space<vmem>>
    %dma_wait3A_245 = arith.constant 0 : i32
    %dma_wait3A_246 = tpu.memref_slice %arg5[%dma_wait3A_241, %dma_wait3A_245] : memref<15x64xi32, #tpu.memory_space<vmem>> -> memref<1x64xi32, #tpu.memory_space<vmem>>
    %dma_wait3A_247 = tpu.memref_squeeze %dma_wait3A_246 : memref<1x64xi32, #tpu.memory_space<vmem>> -> memref<64xi32, #tpu.memory_space<vmem>>
    %dma_wait3A_248 = arith.constant 0 : i32
    %dma_wait3A_249 = arith.constant 0 : i32
    %dma_wait3A_250 = tpu.memref_slice %arg2[%dma_wait3A_248, %dma_wait3A_249] : memref<30000x128xf32, #tpu.memory_space<hbm>> -> memref<30000x128xf32, #tpu.memory_space<hbm>>
    tpu.wait_indirect_dma semaphore(%arg7 : memref<!tpu.dma_semaphore, #tpu.memory_space<semaphore_mem>>) src(%dma_wait3A_250 : memref<30000x128xf32, #tpu.memory_space<hbm>>) dst(%dma_wait3A_244 : memref<64x128xf32, #tpu.memory_space<vmem>>)
    %dma_wait3A_251 = arith.constant 10 : i32
    %dma_wait3A_252 = arith.constant 640 : i32
    %dma_wait3A_253 = arith.constant 0 : i32
    %dma_wait3A_254 = tpu.memref_slice %arg6[%dma_wait3A_252, %dma_wait3A_253] : memref<960x128xf32, #tpu.memory_space<vmem>> -> memref<64x128xf32, #tpu.memory_space<vmem>>
    %dma_wait3A_255 = arith.constant 0 : i32
    %dma_wait3A_256 = tpu.memref_slice %arg5[%dma_wait3A_251, %dma_wait3A_255] : memref<15x64xi32, #tpu.memory_space<vmem>> -> memref<1x64xi32, #tpu.memory_space<vmem>>
    %dma_wait3A_257 = tpu.memref_squeeze %dma_wait3A_256 : memref<1x64xi32, #tpu.memory_space<vmem>> -> memref<64xi32, #tpu.memory_space<vmem>>
    %dma_wait3A_258 = arith.constant 0 : i32
    %dma_wait3A_259 = arith.constant 0 : i32
    %dma_wait3A_260 = tpu.memref_slice %arg2[%dma_wait3A_258, %dma_wait3A_259] : memref<30000x128xf32, #tpu.memory_space<hbm>> -> memref<30000x128xf32, #tpu.memory_space<hbm>>
    tpu.wait_indirect_dma semaphore(%arg7 : memref<!tpu.dma_semaphore, #tpu.memory_space<semaphore_mem>>) src(%dma_wait3A_260 : memref<30000x128xf32, #tpu.memory_space<hbm>>) dst(%dma_wait3A_254 : memref<64x128xf32, #tpu.memory_space<vmem>>)
    %dma_wait3A_261 = arith.constant 11 : i32
    %dma_wait3A_262 = arith.constant 704 : i32
    %dma_wait3A_263 = arith.constant 0 : i32
    %dma_wait3A_264 = tpu.memref_slice %arg6[%dma_wait3A_262, %dma_wait3A_263] : memref<960x128xf32, #tpu.memory_space<vmem>> -> memref<64x128xf32, #tpu.memory_space<vmem>>
    %dma_wait3A_265 = arith.constant 0 : i32
    %dma_wait3A_266 = tpu.memref_slice %arg5[%dma_wait3A_261, %dma_wait3A_265] : memref<15x64xi32, #tpu.memory_space<vmem>> -> memref<1x64xi32, #tpu.memory_space<vmem>>
    %dma_wait3A_267 = tpu.memref_squeeze %dma_wait3A_266 : memref<1x64xi32, #tpu.memory_space<vmem>> -> memref<64xi32, #tpu.memory_space<vmem>>
    %dma_wait3A_268 = arith.constant 0 : i32
    %dma_wait3A_269 = arith.constant 0 : i32
    %dma_wait3A_270 = tpu.memref_slice %arg2[%dma_wait3A_268, %dma_wait3A_269] : memref<30000x128xf32, #tpu.memory_space<hbm>> -> memref<30000x128xf32, #tpu.memory_space<hbm>>
    tpu.wait_indirect_dma semaphore(%arg7 : memref<!tpu.dma_semaphore, #tpu.memory_space<semaphore_mem>>) src(%dma_wait3A_270 : memref<30000x128xf32, #tpu.memory_space<hbm>>) dst(%dma_wait3A_264 : memref<64x128xf32, #tpu.memory_space<vmem>>)
    %dma_wait3A_271 = arith.constant 12 : i32
    %dma_wait3A_272 = arith.constant 768 : i32
    %dma_wait3A_273 = arith.constant 0 : i32
    %dma_wait3A_274 = tpu.memref_slice %arg6[%dma_wait3A_272, %dma_wait3A_273] : memref<960x128xf32, #tpu.memory_space<vmem>> -> memref<64x128xf32, #tpu.memory_space<vmem>>
    %dma_wait3A_275 = arith.constant 0 : i32
    %dma_wait3A_276 = tpu.memref_slice %arg5[%dma_wait3A_271, %dma_wait3A_275] : memref<15x64xi32, #tpu.memory_space<vmem>> -> memref<1x64xi32, #tpu.memory_space<vmem>>
    %dma_wait3A_277 = tpu.memref_squeeze %dma_wait3A_276 : memref<1x64xi32, #tpu.memory_space<vmem>> -> memref<64xi32, #tpu.memory_space<vmem>>
    %dma_wait3A_278 = arith.constant 0 : i32
    %dma_wait3A_279 = arith.constant 0 : i32
    %dma_wait3A_280 = tpu.memref_slice %arg2[%dma_wait3A_278, %dma_wait3A_279] : memref<30000x128xf32, #tpu.memory_space<hbm>> -> memref<30000x128xf32, #tpu.memory_space<hbm>>
    tpu.wait_indirect_dma semaphore(%arg7 : memref<!tpu.dma_semaphore, #tpu.memory_space<semaphore_mem>>) src(%dma_wait3A_280 : memref<30000x128xf32, #tpu.memory_space<hbm>>) dst(%dma_wait3A_274 : memref<64x128xf32, #tpu.memory_space<vmem>>)
    %dma_wait3A_281 = arith.constant 13 : i32
    %dma_wait3A_282 = arith.constant 832 : i32
    %dma_wait3A_283 = arith.constant 0 : i32
    %dma_wait3A_284 = tpu.memref_slice %arg6[%dma_wait3A_282, %dma_wait3A_283] : memref<960x128xf32, #tpu.memory_space<vmem>> -> memref<64x128xf32, #tpu.memory_space<vmem>>
    %dma_wait3A_285 = arith.constant 0 : i32
    %dma_wait3A_286 = tpu.memref_slice %arg5[%dma_wait3A_281, %dma_wait3A_285] : memref<15x64xi32, #tpu.memory_space<vmem>> -> memref<1x64xi32, #tpu.memory_space<vmem>>
    %dma_wait3A_287 = tpu.memref_squeeze %dma_wait3A_286 : memref<1x64xi32, #tpu.memory_space<vmem>> -> memref<64xi32, #tpu.memory_space<vmem>>
    %dma_wait3A_288 = arith.constant 0 : i32
    %dma_wait3A_289 = arith.constant 0 : i32
    %dma_wait3A_290 = tpu.memref_slice %arg2[%dma_wait3A_288, %dma_wait3A_289] : memref<30000x128xf32, #tpu.memory_space<hbm>> -> memref<30000x128xf32, #tpu.memory_space<hbm>>
    tpu.wait_indirect_dma semaphore(%arg7 : memref<!tpu.dma_semaphore, #tpu.memory_space<semaphore_mem>>) src(%dma_wait3A_290 : memref<30000x128xf32, #tpu.memory_space<hbm>>) dst(%dma_wait3A_284 : memref<64x128xf32, #tpu.memory_space<vmem>>)
    %dma_wait3A_291 = arith.constant 14 : i32
    %dma_wait3A_292 = arith.constant 896 : i32
    %dma_wait3A_293 = arith.constant 0 : i32
    %dma_wait3A_294 = tpu.memref_slice %arg6[%dma_wait3A_292, %dma_wait3A_293] : memref<960x128xf32, #tpu.memory_space<vmem>> -> memref<64x128xf32, #tpu.memory_space<vmem>>
    %dma_wait3A_295 = arith.constant 0 : i32
    %dma_wait3A_296 = tpu.memref_slice %arg5[%dma_wait3A_291, %dma_wait3A_295] : memref<15x64xi32, #tpu.memory_space<vmem>> -> memref<1x64xi32, #tpu.memory_space<vmem>>
    %dma_wait3A_297 = tpu.memref_squeeze %dma_wait3A_296 : memref<1x64xi32, #tpu.memory_space<vmem>> -> memref<64xi32, #tpu.memory_space<vmem>>
    %dma_wait3A_298 = arith.constant 0 : i32
    %dma_wait3A_299 = arith.constant 0 : i32
    %dma_wait3A_300 = tpu.memref_slice %arg2[%dma_wait3A_298, %dma_wait3A_299] : memref<30000x128xf32, #tpu.memory_space<hbm>> -> memref<30000x128xf32, #tpu.memory_space<hbm>>
    tpu.wait_indirect_dma semaphore(%arg7 : memref<!tpu.dma_semaphore, #tpu.memory_space<semaphore_mem>>) src(%dma_wait3A_300 : memref<30000x128xf32, #tpu.memory_space<hbm>>) dst(%dma_wait3A_294 : memref<64x128xf32, #tpu.memory_space<vmem>>)
    "tpu.region"() ({
      %run_scoped3A = tpu.sem_alloc : memref<!tpu.dma_semaphore, #tpu.memory_space<semaphore_mem>>
      %dma_start3A_301 = arith.constant 0 : i32
      %dma_start3A_302 = tpu.memref_slice %arg4[%mul3A_2, %dma_start3A_301] : memref<30720x128xf32, #tpu.memory_space<hbm>> -> memref<960x128xf32, #tpu.memory_space<hbm>>
      %dma_start3A_303 = arith.constant 0 : i32
      %dma_start3A_304 = tpu.memref_slice %arg4[%mul3A_2, %dma_start3A_303] : memref<30720x128xf32, #tpu.memory_space<hbm>> -> memref<960x128xf32, #tpu.memory_space<hbm>>
      tpu.enqueue_dma source(%arg6 : memref<960x128xf32, #tpu.memory_space<vmem>>) target(%dma_start3A_304 : memref<960x128xf32, #tpu.memory_space<hbm>>) target_semaphore(%run_scoped3A : memref<!tpu.dma_semaphore, #tpu.memory_space<semaphore_mem>>)
      %dma_wait3A_305 = arith.constant 0 : i32
      %dma_wait3A_306 = tpu.memref_slice %arg4[%mul3A_2, %dma_wait3A_305] : memref<30720x128xf32, #tpu.memory_space<hbm>> -> memref<960x128xf32, #tpu.memory_space<hbm>>
      %dma_wait3A_307 = arith.constant 0 : i32
      %dma_wait3A_308 = tpu.memref_slice %arg4[%mul3A_2, %dma_wait3A_307] : memref<30720x128xf32, #tpu.memory_space<hbm>> -> memref<960x128xf32, #tpu.memory_space<hbm>>
      tpu.wait_dma2 semaphore(%run_scoped3A : memref<!tpu.dma_semaphore, #tpu.memory_space<semaphore_mem>>) src(%arg6 : memref<960x128xf32, #tpu.memory_space<vmem>>) dst(%dma_wait3A_308 : memref<960x128xf32, #tpu.memory_space<hbm>>)
      tpu.yield
    }) : () -> ()
    return
  }
}

#map = affine_map<(d0, d1) -> (0, 0)>
#map1 = affine_map<(d0, d1) -> (0, 0, 0)>
module attributes {stable_mosaic.version = 14 : i64} {
  func.func @k(%arg0: i32, %arg1: i32, %arg2: memref<20000x128xf32, #tpu.memory_space<hbm>>, %arg3: memref<32x80x128xi32, #tpu.memory_space<hbm>>, %arg4: memref<32x80x128xi32, #tpu.memory_space<hbm>>, %arg5: memref<320x128xf32, #tpu.memory_space<hbm>>, %arg6: memref<10240x128xf32, #tpu.memory_space<hbm>>, %arg7: memref<80x128xi32, #tpu.memory_space<vmem>>, %arg8: memref<80x128xi32, #tpu.memory_space<vmem>>, %arg9: memref<4x128x128xf32, #tpu.memory_space<vmem>>, %arg10: memref<5120x128xf32, #tpu.memory_space<vmem_shared>>, %arg11: memref<!tpu.dma_semaphore, #tpu.memory_space<semaphore_mem>>, %arg12: memref<!tpu.dma_semaphore, #tpu.memory_space<semaphore_mem>>, %arg13: memref<!tpu.dma_semaphore, #tpu.memory_space<semaphore_mem>>) attributes {dimension_semantics = [#tpu.dimension_semantics<core_parallel>, #tpu.dimension_semantics<subcore_parallel>], iteration_bounds = array<i64: 2, 16>, scalar_prefetch = 0 : i64, scratch_operands = 7 : i64, tpu.core_type = #tpu.core_type<sc_vector_subcore>, window_params = [{transform_indices = #map}, {transform_indices = #map1}, {transform_indices = #map1}, {transform_indices = #map}, {transform_indices = #map}]} {
    %mul3A = arith.constant 2 : i32
    %mul3A_0 = arith.muli %arg1, %mul3A : i32
    %add3A = arith.addi %mul3A_0, %arg0 : i32
    "tpu.region"() ({
      %run_scoped3A = tpu.sem_alloc : memref<!tpu.dma_semaphore, #tpu.memory_space<semaphore_mem>>
      %dma_start3A_58 = arith.constant 0 : i32
      %dma_start3A_59 = arith.constant 0 : i32
      %dma_start3A_60 = tpu.memref_slice %arg3[%add3A, %dma_start3A_58, %dma_start3A_59] : memref<32x80x128xi32, #tpu.memory_space<hbm>> -> memref<1x80x128xi32, #tpu.memory_space<hbm>>
      %dma_start3A_61 = tpu.memref_squeeze %dma_start3A_60 : memref<1x80x128xi32, #tpu.memory_space<hbm>> -> memref<80x128xi32, #tpu.memory_space<hbm>>
      %dma_start3A_62 = arith.constant 0 : i32
      %dma_start3A_63 = arith.constant 0 : i32
      %dma_start3A_64 = tpu.memref_slice %arg3[%add3A, %dma_start3A_62, %dma_start3A_63] : memref<32x80x128xi32, #tpu.memory_space<hbm>> -> memref<1x80x128xi32, #tpu.memory_space<hbm>>
      %dma_start3A_65 = tpu.memref_squeeze %dma_start3A_64 : memref<1x80x128xi32, #tpu.memory_space<hbm>> -> memref<80x128xi32, #tpu.memory_space<hbm>>
      tpu.enqueue_dma source(%dma_start3A_65 : memref<80x128xi32, #tpu.memory_space<hbm>>) target(%arg7 : memref<80x128xi32, #tpu.memory_space<vmem>>) target_semaphore(%run_scoped3A : memref<!tpu.dma_semaphore, #tpu.memory_space<semaphore_mem>>)
      %dma_wait3A_66 = arith.constant 0 : i32
      %dma_wait3A_67 = arith.constant 0 : i32
      %dma_wait3A_68 = tpu.memref_slice %arg3[%add3A, %dma_wait3A_66, %dma_wait3A_67] : memref<32x80x128xi32, #tpu.memory_space<hbm>> -> memref<1x80x128xi32, #tpu.memory_space<hbm>>
      %dma_wait3A_69 = tpu.memref_squeeze %dma_wait3A_68 : memref<1x80x128xi32, #tpu.memory_space<hbm>> -> memref<80x128xi32, #tpu.memory_space<hbm>>
      %dma_wait3A_70 = arith.constant 0 : i32
      %dma_wait3A_71 = arith.constant 0 : i32
      %dma_wait3A_72 = tpu.memref_slice %arg3[%add3A, %dma_wait3A_70, %dma_wait3A_71] : memref<32x80x128xi32, #tpu.memory_space<hbm>> -> memref<1x80x128xi32, #tpu.memory_space<hbm>>
      %dma_wait3A_73 = tpu.memref_squeeze %dma_wait3A_72 : memref<1x80x128xi32, #tpu.memory_space<hbm>> -> memref<80x128xi32, #tpu.memory_space<hbm>>
      tpu.wait_dma2 semaphore(%run_scoped3A : memref<!tpu.dma_semaphore, #tpu.memory_space<semaphore_mem>>) src(%dma_wait3A_73 : memref<80x128xi32, #tpu.memory_space<hbm>>) dst(%arg7 : memref<80x128xi32, #tpu.memory_space<vmem>>)
      tpu.yield
    }) : () -> ()
    "tpu.region"() ({
      %run_scoped3A = tpu.sem_alloc : memref<!tpu.dma_semaphore, #tpu.memory_space<semaphore_mem>>
      %dma_start3A_58 = arith.constant 0 : i32
      %dma_start3A_59 = arith.constant 0 : i32
      %dma_start3A_60 = tpu.memref_slice %arg4[%add3A, %dma_start3A_58, %dma_start3A_59] : memref<32x80x128xi32, #tpu.memory_space<hbm>> -> memref<1x80x128xi32, #tpu.memory_space<hbm>>
      %dma_start3A_61 = tpu.memref_squeeze %dma_start3A_60 : memref<1x80x128xi32, #tpu.memory_space<hbm>> -> memref<80x128xi32, #tpu.memory_space<hbm>>
      %dma_start3A_62 = arith.constant 0 : i32
      %dma_start3A_63 = arith.constant 0 : i32
      %dma_start3A_64 = tpu.memref_slice %arg4[%add3A, %dma_start3A_62, %dma_start3A_63] : memref<32x80x128xi32, #tpu.memory_space<hbm>> -> memref<1x80x128xi32, #tpu.memory_space<hbm>>
      %dma_start3A_65 = tpu.memref_squeeze %dma_start3A_64 : memref<1x80x128xi32, #tpu.memory_space<hbm>> -> memref<80x128xi32, #tpu.memory_space<hbm>>
      tpu.enqueue_dma source(%dma_start3A_65 : memref<80x128xi32, #tpu.memory_space<hbm>>) target(%arg8 : memref<80x128xi32, #tpu.memory_space<vmem>>) target_semaphore(%run_scoped3A : memref<!tpu.dma_semaphore, #tpu.memory_space<semaphore_mem>>)
      %dma_wait3A_66 = arith.constant 0 : i32
      %dma_wait3A_67 = arith.constant 0 : i32
      %dma_wait3A_68 = tpu.memref_slice %arg4[%add3A, %dma_wait3A_66, %dma_wait3A_67] : memref<32x80x128xi32, #tpu.memory_space<hbm>> -> memref<1x80x128xi32, #tpu.memory_space<hbm>>
      %dma_wait3A_69 = tpu.memref_squeeze %dma_wait3A_68 : memref<1x80x128xi32, #tpu.memory_space<hbm>> -> memref<80x128xi32, #tpu.memory_space<hbm>>
      %dma_wait3A_70 = arith.constant 0 : i32
      %dma_wait3A_71 = arith.constant 0 : i32
      %dma_wait3A_72 = tpu.memref_slice %arg4[%add3A, %dma_wait3A_70, %dma_wait3A_71] : memref<32x80x128xi32, #tpu.memory_space<hbm>> -> memref<1x80x128xi32, #tpu.memory_space<hbm>>
      %dma_wait3A_73 = tpu.memref_squeeze %dma_wait3A_72 : memref<1x80x128xi32, #tpu.memory_space<hbm>> -> memref<80x128xi32, #tpu.memory_space<hbm>>
      tpu.wait_dma2 semaphore(%run_scoped3A : memref<!tpu.dma_semaphore, #tpu.memory_space<semaphore_mem>>) src(%dma_wait3A_73 : memref<80x128xi32, #tpu.memory_space<hbm>>) dst(%arg8 : memref<80x128xi32, #tpu.memory_space<vmem>>)
      tpu.yield
    }) : () -> ()
    %mul3A_1 = arith.constant 320 : i32
    %mul3A_2 = arith.muli %arg1, %mul3A_1 : i32
    "tpu.region"() ({
      %run_scoped3A = tpu.sem_alloc : memref<!tpu.dma_semaphore, #tpu.memory_space<semaphore_mem>>
      %dma_start3A_58 = arith.constant 0 : i32
      %dma_start3A_59 = tpu.memref_slice %arg10[%mul3A_2, %dma_start3A_58] : memref<5120x128xf32, #tpu.memory_space<vmem_shared>> -> memref<320x128xf32, #tpu.memory_space<vmem_shared>>
      tpu.enqueue_dma source(%arg5 : memref<320x128xf32, #tpu.memory_space<hbm>>) target(%dma_start3A_59 : memref<320x128xf32, #tpu.memory_space<vmem_shared>>) target_semaphore(%run_scoped3A : memref<!tpu.dma_semaphore, #tpu.memory_space<semaphore_mem>>)
      %dma_wait3A_60 = arith.constant 0 : i32
      %dma_wait3A_61 = tpu.memref_slice %arg10[%mul3A_2, %dma_wait3A_60] : memref<5120x128xf32, #tpu.memory_space<vmem_shared>> -> memref<320x128xf32, #tpu.memory_space<vmem_shared>>
      tpu.wait_dma2 semaphore(%run_scoped3A : memref<!tpu.dma_semaphore, #tpu.memory_space<semaphore_mem>>) src(%arg5 : memref<320x128xf32, #tpu.memory_space<hbm>>) dst(%dma_wait3A_61 : memref<320x128xf32, #tpu.memory_space<vmem_shared>>)
      tpu.yield
    }) : () -> ()
    %dma_start3A = arith.constant 0 : i32
    %dma_start3A_3 = arith.constant 0 : i32
    %dma_start3A_4 = arith.constant 0 : i32
    %dma_start3A_5 = arith.constant 0 : i32
    %dma_start3A_6 = tpu.memref_slice %arg9[%dma_start3A_3, %dma_start3A_4, %dma_start3A_5] : memref<4x128x128xf32, #tpu.memory_space<vmem>> -> memref<1x128x128xf32, #tpu.memory_space<vmem>>
    %dma_start3A_7 = tpu.memref_squeeze %dma_start3A_6 : memref<1x128x128xf32, #tpu.memory_space<vmem>> -> memref<128x128xf32, #tpu.memory_space<vmem>>
    %dma_start3A_8 = arith.constant 0 : i32
    %dma_start3A_9 = tpu.memref_slice %arg7[%dma_start3A, %dma_start3A_8] : memref<80x128xi32, #tpu.memory_space<vmem>> -> memref<1x128xi32, #tpu.memory_space<vmem>>
    %dma_start3A_10 = tpu.memref_squeeze %dma_start3A_9 : memref<1x128xi32, #tpu.memory_space<vmem>> -> memref<128xi32, #tpu.memory_space<vmem>>
    %dma_start3A_11 = arith.constant 0 : i32
    %dma_start3A_12 = arith.constant 0 : i32
    %dma_start3A_13 = tpu.memref_slice %arg2[%dma_start3A_11, %dma_start3A_12] : memref<20000x128xf32, #tpu.memory_space<hbm>> -> memref<20000x128xf32, #tpu.memory_space<hbm>>
    tpu.enqueue_indirect_dma source(%dma_start3A_13 : memref<20000x128xf32, #tpu.memory_space<hbm>>) target(%dma_start3A_7 : memref<128x128xf32, #tpu.memory_space<vmem>>) offsets(%dma_start3A_10 : memref<128xi32, #tpu.memory_space<vmem>>) semaphore(%arg11 : memref<!tpu.dma_semaphore, #tpu.memory_space<semaphore_mem>>)
    %dma_start3A_14 = arith.constant 1 : i32
    %dma_start3A_15 = arith.constant 1 : i32
    %dma_start3A_16 = arith.constant 0 : i32
    %dma_start3A_17 = arith.constant 0 : i32
    %dma_start3A_18 = tpu.memref_slice %arg9[%dma_start3A_15, %dma_start3A_16, %dma_start3A_17] : memref<4x128x128xf32, #tpu.memory_space<vmem>> -> memref<1x128x128xf32, #tpu.memory_space<vmem>>
    %dma_start3A_19 = tpu.memref_squeeze %dma_start3A_18 : memref<1x128x128xf32, #tpu.memory_space<vmem>> -> memref<128x128xf32, #tpu.memory_space<vmem>>
    %dma_start3A_20 = arith.constant 0 : i32
    %dma_start3A_21 = tpu.memref_slice %arg7[%dma_start3A_14, %dma_start3A_20] : memref<80x128xi32, #tpu.memory_space<vmem>> -> memref<1x128xi32, #tpu.memory_space<vmem>>
    %dma_start3A_22 = tpu.memref_squeeze %dma_start3A_21 : memref<1x128xi32, #tpu.memory_space<vmem>> -> memref<128xi32, #tpu.memory_space<vmem>>
    %dma_start3A_23 = arith.constant 0 : i32
    %dma_start3A_24 = arith.constant 0 : i32
    %dma_start3A_25 = tpu.memref_slice %arg2[%dma_start3A_23, %dma_start3A_24] : memref<20000x128xf32, #tpu.memory_space<hbm>> -> memref<20000x128xf32, #tpu.memory_space<hbm>>
    tpu.enqueue_indirect_dma source(%dma_start3A_25 : memref<20000x128xf32, #tpu.memory_space<hbm>>) target(%dma_start3A_19 : memref<128x128xf32, #tpu.memory_space<vmem>>) offsets(%dma_start3A_22 : memref<128xi32, #tpu.memory_space<vmem>>) semaphore(%arg11 : memref<!tpu.dma_semaphore, #tpu.memory_space<semaphore_mem>>)
    %scan3A = arith.constant 0 : i32
    %scan3A_26 = arith.constant 0 : i32
    %scan3A_27 = arith.constant 40 : i32
    %scan3A_28 = arith.addi %scan3A_26, %scan3A_27 : i32
    %scan3A_29 = arith.constant 1 : i32
    scf.for %scan3A_58 = %scan3A_26 to %scan3A_28 step %scan3A_29  : i32 {
      %rem3A = arith.constant 2 : i32
      %rem3A_59 = arith.remsi %scan3A_58, %rem3A : i32
      %eq3A = arith.constant 0 : i32
      %eq3A_60 = arith.cmpi eq, %rem3A_59, %eq3A : i32
      %convert_element_type3A = arith.extui %eq3A_60 : i1 to i32
      %cond3A = arith.constant 0 : i32
      %cond3A_61 = arith.cmpi ne, %convert_element_type3A, %cond3A : i32
      scf.if %cond3A_61 {
        %mul3A_66 = arith.constant 2 : i32
        %mul3A_67 = arith.muli %scan3A_58, %mul3A_66 : i32
        %dma_wait3A_68 = arith.constant 0 : i32
        %dma_wait3A_69 = arith.constant 0 : i32
        %dma_wait3A_70 = arith.constant 0 : i32
        %dma_wait3A_71 = arith.constant 0 : i32
        %dma_wait3A_72 = tpu.memref_slice %arg9[%dma_wait3A_69, %dma_wait3A_70, %dma_wait3A_71] : memref<4x128x128xf32, #tpu.memory_space<vmem>> -> memref<1x128x128xf32, #tpu.memory_space<vmem>>
        %dma_wait3A_73 = tpu.memref_squeeze %dma_wait3A_72 : memref<1x128x128xf32, #tpu.memory_space<vmem>> -> memref<128x128xf32, #tpu.memory_space<vmem>>
        %dma_wait3A_74 = arith.constant 0 : i32
        %dma_wait3A_75 = tpu.memref_slice %arg7[%dma_wait3A_68, %dma_wait3A_74] : memref<80x128xi32, #tpu.memory_space<vmem>> -> memref<1x128xi32, #tpu.memory_space<vmem>>
        %dma_wait3A_76 = tpu.memref_squeeze %dma_wait3A_75 : memref<1x128xi32, #tpu.memory_space<vmem>> -> memref<128xi32, #tpu.memory_space<vmem>>
        %dma_wait3A_77 = arith.constant 0 : i32
        %dma_wait3A_78 = arith.constant 0 : i32
        %dma_wait3A_79 = tpu.memref_slice %arg2[%dma_wait3A_77, %dma_wait3A_78] : memref<20000x128xf32, #tpu.memory_space<hbm>> -> memref<20000x128xf32, #tpu.memory_space<hbm>>
        tpu.wait_indirect_dma semaphore(%arg11 : memref<!tpu.dma_semaphore, #tpu.memory_space<semaphore_mem>>) src(%dma_wait3A_79 : memref<20000x128xf32, #tpu.memory_space<hbm>>) dst(%dma_wait3A_73 : memref<128x128xf32, #tpu.memory_space<vmem>>)
        %dma_wait3A_80 = arith.constant 0 : i32
        %dma_wait3A_81 = arith.constant 1 : i32
        %dma_wait3A_82 = arith.constant 0 : i32
        %dma_wait3A_83 = arith.constant 0 : i32
        %dma_wait3A_84 = tpu.memref_slice %arg9[%dma_wait3A_81, %dma_wait3A_82, %dma_wait3A_83] : memref<4x128x128xf32, #tpu.memory_space<vmem>> -> memref<1x128x128xf32, #tpu.memory_space<vmem>>
        %dma_wait3A_85 = tpu.memref_squeeze %dma_wait3A_84 : memref<1x128x128xf32, #tpu.memory_space<vmem>> -> memref<128x128xf32, #tpu.memory_space<vmem>>
        %dma_wait3A_86 = arith.constant 0 : i32
        %dma_wait3A_87 = tpu.memref_slice %arg7[%dma_wait3A_80, %dma_wait3A_86] : memref<80x128xi32, #tpu.memory_space<vmem>> -> memref<1x128xi32, #tpu.memory_space<vmem>>
        %dma_wait3A_88 = tpu.memref_squeeze %dma_wait3A_87 : memref<1x128xi32, #tpu.memory_space<vmem>> -> memref<128xi32, #tpu.memory_space<vmem>>
        %dma_wait3A_89 = arith.constant 0 : i32
        %dma_wait3A_90 = arith.constant 0 : i32
        %dma_wait3A_91 = tpu.memref_slice %arg2[%dma_wait3A_89, %dma_wait3A_90] : memref<20000x128xf32, #tpu.memory_space<hbm>> -> memref<20000x128xf32, #tpu.memory_space<hbm>>
        tpu.wait_indirect_dma semaphore(%arg11 : memref<!tpu.dma_semaphore, #tpu.memory_space<semaphore_mem>>) src(%dma_wait3A_91 : memref<20000x128xf32, #tpu.memory_space<hbm>>) dst(%dma_wait3A_85 : memref<128x128xf32, #tpu.memory_space<vmem>>)
        %add3A_92 = arith.constant 0 : i32
        %add3A_93 = arith.addi %mul3A_67, %add3A_92 : i32
        %dma_start3A_94 = arith.constant 0 : i32
        %dma_start3A_95 = arith.constant 0 : i32
        %dma_start3A_96 = arith.constant 0 : i32
        %dma_start3A_97 = tpu.memref_slice %arg9[%dma_start3A_94, %dma_start3A_95, %dma_start3A_96] : memref<4x128x128xf32, #tpu.memory_space<vmem>> -> memref<1x128x128xf32, #tpu.memory_space<vmem>>
        %dma_start3A_98 = tpu.memref_squeeze %dma_start3A_97 : memref<1x128x128xf32, #tpu.memory_space<vmem>> -> memref<128x128xf32, #tpu.memory_space<vmem>>
        %dma_start3A_99 = arith.constant 0 : i32
        %dma_start3A_100 = tpu.memref_slice %arg8[%add3A_93, %dma_start3A_99] : memref<80x128xi32, #tpu.memory_space<vmem>> -> memref<1x128xi32, #tpu.memory_space<vmem>>
        %dma_start3A_101 = tpu.memref_squeeze %dma_start3A_100 : memref<1x128xi32, #tpu.memory_space<vmem>> -> memref<128xi32, #tpu.memory_space<vmem>>
        %dma_start3A_102 = arith.constant 0 : i32
        %dma_start3A_103 = arith.constant 0 : i32
        %dma_start3A_104 = tpu.memref_slice %arg10[%dma_start3A_102, %dma_start3A_103] : memref<5120x128xf32, #tpu.memory_space<vmem_shared>> -> memref<5120x128xf32, #tpu.memory_space<vmem_shared>>
        tpu.enqueue_indirect_dma source(%dma_start3A_98 : memref<128x128xf32, #tpu.memory_space<vmem>>) target(%dma_start3A_104 : memref<5120x128xf32, #tpu.memory_space<vmem_shared>>) offsets(%dma_start3A_101 : memref<128xi32, #tpu.memory_space<vmem>>) semaphore(%arg12 : memref<!tpu.dma_semaphore, #tpu.memory_space<semaphore_mem>>) {add = true}
        %add3A_105 = arith.constant 1 : i32
        %add3A_106 = arith.addi %mul3A_67, %add3A_105 : i32
        %dma_start3A_107 = arith.constant 1 : i32
        %dma_start3A_108 = arith.constant 0 : i32
        %dma_start3A_109 = arith.constant 0 : i32
        %dma_start3A_110 = tpu.memref_slice %arg9[%dma_start3A_107, %dma_start3A_108, %dma_start3A_109] : memref<4x128x128xf32, #tpu.memory_space<vmem>> -> memref<1x128x128xf32, #tpu.memory_space<vmem>>
        %dma_start3A_111 = tpu.memref_squeeze %dma_start3A_110 : memref<1x128x128xf32, #tpu.memory_space<vmem>> -> memref<128x128xf32, #tpu.memory_space<vmem>>
        %dma_start3A_112 = arith.constant 0 : i32
        %dma_start3A_113 = tpu.memref_slice %arg8[%add3A_106, %dma_start3A_112] : memref<80x128xi32, #tpu.memory_space<vmem>> -> memref<1x128xi32, #tpu.memory_space<vmem>>
        %dma_start3A_114 = tpu.memref_squeeze %dma_start3A_113 : memref<1x128xi32, #tpu.memory_space<vmem>> -> memref<128xi32, #tpu.memory_space<vmem>>
        %dma_start3A_115 = arith.constant 0 : i32
        %dma_start3A_116 = arith.constant 0 : i32
        %dma_start3A_117 = tpu.memref_slice %arg10[%dma_start3A_115, %dma_start3A_116] : memref<5120x128xf32, #tpu.memory_space<vmem_shared>> -> memref<5120x128xf32, #tpu.memory_space<vmem_shared>>
        tpu.enqueue_indirect_dma source(%dma_start3A_111 : memref<128x128xf32, #tpu.memory_space<vmem>>) target(%dma_start3A_117 : memref<5120x128xf32, #tpu.memory_space<vmem_shared>>) offsets(%dma_start3A_114 : memref<128xi32, #tpu.memory_space<vmem>>) semaphore(%arg12 : memref<!tpu.dma_semaphore, #tpu.memory_space<semaphore_mem>>) {add = true}
        %gt3A = arith.constant 0 : i32
        %gt3A_118 = arith.cmpi sgt, %scan3A_58, %gt3A : i32
        %convert_element_type3A_119 = arith.extui %gt3A_118 : i1 to i32
        %cond3A_120 = arith.constant 0 : i32
        %cond3A_121 = arith.cmpi ne, %convert_element_type3A_119, %cond3A_120 : i32
        scf.if %cond3A_121 {
          %dma_wait3A_126 = arith.constant 2 : i32
          %dma_wait3A_127 = arith.constant 0 : i32
          %dma_wait3A_128 = arith.constant 0 : i32
          %dma_wait3A_129 = arith.constant 0 : i32
          %dma_wait3A_130 = tpu.memref_slice %arg9[%dma_wait3A_126, %dma_wait3A_128, %dma_wait3A_129] : memref<4x128x128xf32, #tpu.memory_space<vmem>> -> memref<1x128x128xf32, #tpu.memory_space<vmem>>
          %dma_wait3A_131 = tpu.memref_squeeze %dma_wait3A_130 : memref<1x128x128xf32, #tpu.memory_space<vmem>> -> memref<128x128xf32, #tpu.memory_space<vmem>>
          %dma_wait3A_132 = arith.constant 0 : i32
          %dma_wait3A_133 = tpu.memref_slice %arg8[%dma_wait3A_127, %dma_wait3A_132] : memref<80x128xi32, #tpu.memory_space<vmem>> -> memref<1x128xi32, #tpu.memory_space<vmem>>
          %dma_wait3A_134 = tpu.memref_squeeze %dma_wait3A_133 : memref<1x128xi32, #tpu.memory_space<vmem>> -> memref<128xi32, #tpu.memory_space<vmem>>
          %dma_wait3A_135 = arith.constant 0 : i32
          %dma_wait3A_136 = arith.constant 0 : i32
          %dma_wait3A_137 = tpu.memref_slice %arg10[%dma_wait3A_135, %dma_wait3A_136] : memref<5120x128xf32, #tpu.memory_space<vmem_shared>> -> memref<5120x128xf32, #tpu.memory_space<vmem_shared>>
          tpu.wait_indirect_dma semaphore(%arg13 : memref<!tpu.dma_semaphore, #tpu.memory_space<semaphore_mem>>) src(%dma_wait3A_131 : memref<128x128xf32, #tpu.memory_space<vmem>>) dst(%dma_wait3A_137 : memref<5120x128xf32, #tpu.memory_space<vmem_shared>>)
          %dma_wait3A_138 = arith.constant 3 : i32
          %dma_wait3A_139 = arith.constant 0 : i32
          %dma_wait3A_140 = arith.constant 0 : i32
          %dma_wait3A_141 = arith.constant 0 : i32
          %dma_wait3A_142 = tpu.memref_slice %arg9[%dma_wait3A_138, %dma_wait3A_140, %dma_wait3A_141] : memref<4x128x128xf32, #tpu.memory_space<vmem>> -> memref<1x128x128xf32, #tpu.memory_space<vmem>>
          %dma_wait3A_143 = tpu.memref_squeeze %dma_wait3A_142 : memref<1x128x128xf32, #tpu.memory_space<vmem>> -> memref<128x128xf32, #tpu.memory_space<vmem>>
          %dma_wait3A_144 = arith.constant 0 : i32
          %dma_wait3A_145 = tpu.memref_slice %arg8[%dma_wait3A_139, %dma_wait3A_144] : memref<80x128xi32, #tpu.memory_space<vmem>> -> memref<1x128xi32, #tpu.memory_space<vmem>>
          %dma_wait3A_146 = tpu.memref_squeeze %dma_wait3A_145 : memref<1x128xi32, #tpu.memory_space<vmem>> -> memref<128xi32, #tpu.memory_space<vmem>>
          %dma_wait3A_147 = arith.constant 0 : i32
          %dma_wait3A_148 = arith.constant 0 : i32
          %dma_wait3A_149 = tpu.memref_slice %arg10[%dma_wait3A_147, %dma_wait3A_148] : memref<5120x128xf32, #tpu.memory_space<vmem_shared>> -> memref<5120x128xf32, #tpu.memory_space<vmem_shared>>
          tpu.wait_indirect_dma semaphore(%arg13 : memref<!tpu.dma_semaphore, #tpu.memory_space<semaphore_mem>>) src(%dma_wait3A_143 : memref<128x128xf32, #tpu.memory_space<vmem>>) dst(%dma_wait3A_149 : memref<5120x128xf32, #tpu.memory_space<vmem_shared>>)
        } else {
        }
        %lt3A = arith.constant 39 : i32
        %lt3A_122 = arith.cmpi slt, %scan3A_58, %lt3A : i32
        %convert_element_type3A_123 = arith.extui %lt3A_122 : i1 to i32
        %cond3A_124 = arith.constant 0 : i32
        %cond3A_125 = arith.cmpi ne, %convert_element_type3A_123, %cond3A_124 : i32
        scf.if %cond3A_125 {
          %add3A_126 = arith.constant 2 : i32
          %add3A_127 = arith.addi %mul3A_67, %add3A_126 : i32
          %add3A_128 = arith.constant 0 : i32
          %add3A_129 = arith.addi %add3A_127, %add3A_128 : i32
          %dma_start3A_130 = arith.constant 2 : i32
          %dma_start3A_131 = arith.constant 0 : i32
          %dma_start3A_132 = arith.constant 0 : i32
          %dma_start3A_133 = tpu.memref_slice %arg9[%dma_start3A_130, %dma_start3A_131, %dma_start3A_132] : memref<4x128x128xf32, #tpu.memory_space<vmem>> -> memref<1x128x128xf32, #tpu.memory_space<vmem>>
          %dma_start3A_134 = tpu.memref_squeeze %dma_start3A_133 : memref<1x128x128xf32, #tpu.memory_space<vmem>> -> memref<128x128xf32, #tpu.memory_space<vmem>>
          %dma_start3A_135 = arith.constant 0 : i32
          %dma_start3A_136 = tpu.memref_slice %arg7[%add3A_129, %dma_start3A_135] : memref<80x128xi32, #tpu.memory_space<vmem>> -> memref<1x128xi32, #tpu.memory_space<vmem>>
          %dma_start3A_137 = tpu.memref_squeeze %dma_start3A_136 : memref<1x128xi32, #tpu.memory_space<vmem>> -> memref<128xi32, #tpu.memory_space<vmem>>
          %dma_start3A_138 = arith.constant 0 : i32
          %dma_start3A_139 = arith.constant 0 : i32
          %dma_start3A_140 = tpu.memref_slice %arg2[%dma_start3A_138, %dma_start3A_139] : memref<20000x128xf32, #tpu.memory_space<hbm>> -> memref<20000x128xf32, #tpu.memory_space<hbm>>
          tpu.enqueue_indirect_dma source(%dma_start3A_140 : memref<20000x128xf32, #tpu.memory_space<hbm>>) target(%dma_start3A_134 : memref<128x128xf32, #tpu.memory_space<vmem>>) offsets(%dma_start3A_137 : memref<128xi32, #tpu.memory_space<vmem>>) semaphore(%arg11 : memref<!tpu.dma_semaphore, #tpu.memory_space<semaphore_mem>>)
          %add3A_141 = arith.constant 2 : i32
          %add3A_142 = arith.addi %mul3A_67, %add3A_141 : i32
          %add3A_143 = arith.constant 1 : i32
          %add3A_144 = arith.addi %add3A_142, %add3A_143 : i32
          %dma_start3A_145 = arith.constant 3 : i32
          %dma_start3A_146 = arith.constant 0 : i32
          %dma_start3A_147 = arith.constant 0 : i32
          %dma_start3A_148 = tpu.memref_slice %arg9[%dma_start3A_145, %dma_start3A_146, %dma_start3A_147] : memref<4x128x128xf32, #tpu.memory_space<vmem>> -> memref<1x128x128xf32, #tpu.memory_space<vmem>>
          %dma_start3A_149 = tpu.memref_squeeze %dma_start3A_148 : memref<1x128x128xf32, #tpu.memory_space<vmem>> -> memref<128x128xf32, #tpu.memory_space<vmem>>
          %dma_start3A_150 = arith.constant 0 : i32
          %dma_start3A_151 = tpu.memref_slice %arg7[%add3A_144, %dma_start3A_150] : memref<80x128xi32, #tpu.memory_space<vmem>> -> memref<1x128xi32, #tpu.memory_space<vmem>>
          %dma_start3A_152 = tpu.memref_squeeze %dma_start3A_151 : memref<1x128xi32, #tpu.memory_space<vmem>> -> memref<128xi32, #tpu.memory_space<vmem>>
          %dma_start3A_153 = arith.constant 0 : i32
          %dma_start3A_154 = arith.constant 0 : i32
          %dma_start3A_155 = tpu.memref_slice %arg2[%dma_start3A_153, %dma_start3A_154] : memref<20000x128xf32, #tpu.memory_space<hbm>> -> memref<20000x128xf32, #tpu.memory_space<hbm>>
          tpu.enqueue_indirect_dma source(%dma_start3A_155 : memref<20000x128xf32, #tpu.memory_space<hbm>>) target(%dma_start3A_149 : memref<128x128xf32, #tpu.memory_space<vmem>>) offsets(%dma_start3A_152 : memref<128xi32, #tpu.memory_space<vmem>>) semaphore(%arg11 : memref<!tpu.dma_semaphore, #tpu.memory_space<semaphore_mem>>)
        } else {
        }
      } else {
      }
      %not3A = arith.constant true
      %not3A_62 = arith.xori %eq3A_60, %not3A : i1
      %convert_element_type3A_63 = arith.extui %not3A_62 : i1 to i32
      %cond3A_64 = arith.constant 0 : i32
      %cond3A_65 = arith.cmpi ne, %convert_element_type3A_63, %cond3A_64 : i32
      scf.if %cond3A_65 {
        %mul3A_66 = arith.constant 2 : i32
        %mul3A_67 = arith.muli %scan3A_58, %mul3A_66 : i32
        %dma_wait3A_68 = arith.constant 0 : i32
        %dma_wait3A_69 = arith.constant 2 : i32
        %dma_wait3A_70 = arith.constant 0 : i32
        %dma_wait3A_71 = arith.constant 0 : i32
        %dma_wait3A_72 = tpu.memref_slice %arg9[%dma_wait3A_69, %dma_wait3A_70, %dma_wait3A_71] : memref<4x128x128xf32, #tpu.memory_space<vmem>> -> memref<1x128x128xf32, #tpu.memory_space<vmem>>
        %dma_wait3A_73 = tpu.memref_squeeze %dma_wait3A_72 : memref<1x128x128xf32, #tpu.memory_space<vmem>> -> memref<128x128xf32, #tpu.memory_space<vmem>>
        %dma_wait3A_74 = arith.constant 0 : i32
        %dma_wait3A_75 = tpu.memref_slice %arg7[%dma_wait3A_68, %dma_wait3A_74] : memref<80x128xi32, #tpu.memory_space<vmem>> -> memref<1x128xi32, #tpu.memory_space<vmem>>
        %dma_wait3A_76 = tpu.memref_squeeze %dma_wait3A_75 : memref<1x128xi32, #tpu.memory_space<vmem>> -> memref<128xi32, #tpu.memory_space<vmem>>
        %dma_wait3A_77 = arith.constant 0 : i32
        %dma_wait3A_78 = arith.constant 0 : i32
        %dma_wait3A_79 = tpu.memref_slice %arg2[%dma_wait3A_77, %dma_wait3A_78] : memref<20000x128xf32, #tpu.memory_space<hbm>> -> memref<20000x128xf32, #tpu.memory_space<hbm>>
        tpu.wait_indirect_dma semaphore(%arg11 : memref<!tpu.dma_semaphore, #tpu.memory_space<semaphore_mem>>) src(%dma_wait3A_79 : memref<20000x128xf32, #tpu.memory_space<hbm>>) dst(%dma_wait3A_73 : memref<128x128xf32, #tpu.memory_space<vmem>>)
        %dma_wait3A_80 = arith.constant 0 : i32
        %dma_wait3A_81 = arith.constant 3 : i32
        %dma_wait3A_82 = arith.constant 0 : i32
        %dma_wait3A_83 = arith.constant 0 : i32
        %dma_wait3A_84 = tpu.memref_slice %arg9[%dma_wait3A_81, %dma_wait3A_82, %dma_wait3A_83] : memref<4x128x128xf32, #tpu.memory_space<vmem>> -> memref<1x128x128xf32, #tpu.memory_space<vmem>>
        %dma_wait3A_85 = tpu.memref_squeeze %dma_wait3A_84 : memref<1x128x128xf32, #tpu.memory_space<vmem>> -> memref<128x128xf32, #tpu.memory_space<vmem>>
        %dma_wait3A_86 = arith.constant 0 : i32
        %dma_wait3A_87 = tpu.memref_slice %arg7[%dma_wait3A_80, %dma_wait3A_86] : memref<80x128xi32, #tpu.memory_space<vmem>> -> memref<1x128xi32, #tpu.memory_space<vmem>>
        %dma_wait3A_88 = tpu.memref_squeeze %dma_wait3A_87 : memref<1x128xi32, #tpu.memory_space<vmem>> -> memref<128xi32, #tpu.memory_space<vmem>>
        %dma_wait3A_89 = arith.constant 0 : i32
        %dma_wait3A_90 = arith.constant 0 : i32
        %dma_wait3A_91 = tpu.memref_slice %arg2[%dma_wait3A_89, %dma_wait3A_90] : memref<20000x128xf32, #tpu.memory_space<hbm>> -> memref<20000x128xf32, #tpu.memory_space<hbm>>
        tpu.wait_indirect_dma semaphore(%arg11 : memref<!tpu.dma_semaphore, #tpu.memory_space<semaphore_mem>>) src(%dma_wait3A_91 : memref<20000x128xf32, #tpu.memory_space<hbm>>) dst(%dma_wait3A_85 : memref<128x128xf32, #tpu.memory_space<vmem>>)
        %add3A_92 = arith.constant 0 : i32
        %add3A_93 = arith.addi %mul3A_67, %add3A_92 : i32
        %dma_start3A_94 = arith.constant 2 : i32
        %dma_start3A_95 = arith.constant 0 : i32
        %dma_start3A_96 = arith.constant 0 : i32
        %dma_start3A_97 = tpu.memref_slice %arg9[%dma_start3A_94, %dma_start3A_95, %dma_start3A_96] : memref<4x128x128xf32, #tpu.memory_space<vmem>> -> memref<1x128x128xf32, #tpu.memory_space<vmem>>
        %dma_start3A_98 = tpu.memref_squeeze %dma_start3A_97 : memref<1x128x128xf32, #tpu.memory_space<vmem>> -> memref<128x128xf32, #tpu.memory_space<vmem>>
        %dma_start3A_99 = arith.constant 0 : i32
        %dma_start3A_100 = tpu.memref_slice %arg8[%add3A_93, %dma_start3A_99] : memref<80x128xi32, #tpu.memory_space<vmem>> -> memref<1x128xi32, #tpu.memory_space<vmem>>
        %dma_start3A_101 = tpu.memref_squeeze %dma_start3A_100 : memref<1x128xi32, #tpu.memory_space<vmem>> -> memref<128xi32, #tpu.memory_space<vmem>>
        %dma_start3A_102 = arith.constant 0 : i32
        %dma_start3A_103 = arith.constant 0 : i32
        %dma_start3A_104 = tpu.memref_slice %arg10[%dma_start3A_102, %dma_start3A_103] : memref<5120x128xf32, #tpu.memory_space<vmem_shared>> -> memref<5120x128xf32, #tpu.memory_space<vmem_shared>>
        tpu.enqueue_indirect_dma source(%dma_start3A_98 : memref<128x128xf32, #tpu.memory_space<vmem>>) target(%dma_start3A_104 : memref<5120x128xf32, #tpu.memory_space<vmem_shared>>) offsets(%dma_start3A_101 : memref<128xi32, #tpu.memory_space<vmem>>) semaphore(%arg13 : memref<!tpu.dma_semaphore, #tpu.memory_space<semaphore_mem>>) {add = true}
        %add3A_105 = arith.constant 1 : i32
        %add3A_106 = arith.addi %mul3A_67, %add3A_105 : i32
        %dma_start3A_107 = arith.constant 3 : i32
        %dma_start3A_108 = arith.constant 0 : i32
        %dma_start3A_109 = arith.constant 0 : i32
        %dma_start3A_110 = tpu.memref_slice %arg9[%dma_start3A_107, %dma_start3A_108, %dma_start3A_109] : memref<4x128x128xf32, #tpu.memory_space<vmem>> -> memref<1x128x128xf32, #tpu.memory_space<vmem>>
        %dma_start3A_111 = tpu.memref_squeeze %dma_start3A_110 : memref<1x128x128xf32, #tpu.memory_space<vmem>> -> memref<128x128xf32, #tpu.memory_space<vmem>>
        %dma_start3A_112 = arith.constant 0 : i32
        %dma_start3A_113 = tpu.memref_slice %arg8[%add3A_106, %dma_start3A_112] : memref<80x128xi32, #tpu.memory_space<vmem>> -> memref<1x128xi32, #tpu.memory_space<vmem>>
        %dma_start3A_114 = tpu.memref_squeeze %dma_start3A_113 : memref<1x128xi32, #tpu.memory_space<vmem>> -> memref<128xi32, #tpu.memory_space<vmem>>
        %dma_start3A_115 = arith.constant 0 : i32
        %dma_start3A_116 = arith.constant 0 : i32
        %dma_start3A_117 = tpu.memref_slice %arg10[%dma_start3A_115, %dma_start3A_116] : memref<5120x128xf32, #tpu.memory_space<vmem_shared>> -> memref<5120x128xf32, #tpu.memory_space<vmem_shared>>
        tpu.enqueue_indirect_dma source(%dma_start3A_111 : memref<128x128xf32, #tpu.memory_space<vmem>>) target(%dma_start3A_117 : memref<5120x128xf32, #tpu.memory_space<vmem_shared>>) offsets(%dma_start3A_114 : memref<128xi32, #tpu.memory_space<vmem>>) semaphore(%arg13 : memref<!tpu.dma_semaphore, #tpu.memory_space<semaphore_mem>>) {add = true}
        %gt3A = arith.constant 0 : i32
        %gt3A_118 = arith.cmpi sgt, %scan3A_58, %gt3A : i32
        %convert_element_type3A_119 = arith.extui %gt3A_118 : i1 to i32
        %cond3A_120 = arith.constant 0 : i32
        %cond3A_121 = arith.cmpi ne, %convert_element_type3A_119, %cond3A_120 : i32
        scf.if %cond3A_121 {
          %dma_wait3A_126 = arith.constant 0 : i32
          %dma_wait3A_127 = arith.constant 0 : i32
          %dma_wait3A_128 = arith.constant 0 : i32
          %dma_wait3A_129 = arith.constant 0 : i32
          %dma_wait3A_130 = tpu.memref_slice %arg9[%dma_wait3A_126, %dma_wait3A_128, %dma_wait3A_129] : memref<4x128x128xf32, #tpu.memory_space<vmem>> -> memref<1x128x128xf32, #tpu.memory_space<vmem>>
          %dma_wait3A_131 = tpu.memref_squeeze %dma_wait3A_130 : memref<1x128x128xf32, #tpu.memory_space<vmem>> -> memref<128x128xf32, #tpu.memory_space<vmem>>
          %dma_wait3A_132 = arith.constant 0 : i32
          %dma_wait3A_133 = tpu.memref_slice %arg8[%dma_wait3A_127, %dma_wait3A_132] : memref<80x128xi32, #tpu.memory_space<vmem>> -> memref<1x128xi32, #tpu.memory_space<vmem>>
          %dma_wait3A_134 = tpu.memref_squeeze %dma_wait3A_133 : memref<1x128xi32, #tpu.memory_space<vmem>> -> memref<128xi32, #tpu.memory_space<vmem>>
          %dma_wait3A_135 = arith.constant 0 : i32
          %dma_wait3A_136 = arith.constant 0 : i32
          %dma_wait3A_137 = tpu.memref_slice %arg10[%dma_wait3A_135, %dma_wait3A_136] : memref<5120x128xf32, #tpu.memory_space<vmem_shared>> -> memref<5120x128xf32, #tpu.memory_space<vmem_shared>>
          tpu.wait_indirect_dma semaphore(%arg12 : memref<!tpu.dma_semaphore, #tpu.memory_space<semaphore_mem>>) src(%dma_wait3A_131 : memref<128x128xf32, #tpu.memory_space<vmem>>) dst(%dma_wait3A_137 : memref<5120x128xf32, #tpu.memory_space<vmem_shared>>)
          %dma_wait3A_138 = arith.constant 1 : i32
          %dma_wait3A_139 = arith.constant 0 : i32
          %dma_wait3A_140 = arith.constant 0 : i32
          %dma_wait3A_141 = arith.constant 0 : i32
          %dma_wait3A_142 = tpu.memref_slice %arg9[%dma_wait3A_138, %dma_wait3A_140, %dma_wait3A_141] : memref<4x128x128xf32, #tpu.memory_space<vmem>> -> memref<1x128x128xf32, #tpu.memory_space<vmem>>
          %dma_wait3A_143 = tpu.memref_squeeze %dma_wait3A_142 : memref<1x128x128xf32, #tpu.memory_space<vmem>> -> memref<128x128xf32, #tpu.memory_space<vmem>>
          %dma_wait3A_144 = arith.constant 0 : i32
          %dma_wait3A_145 = tpu.memref_slice %arg8[%dma_wait3A_139, %dma_wait3A_144] : memref<80x128xi32, #tpu.memory_space<vmem>> -> memref<1x128xi32, #tpu.memory_space<vmem>>
          %dma_wait3A_146 = tpu.memref_squeeze %dma_wait3A_145 : memref<1x128xi32, #tpu.memory_space<vmem>> -> memref<128xi32, #tpu.memory_space<vmem>>
          %dma_wait3A_147 = arith.constant 0 : i32
          %dma_wait3A_148 = arith.constant 0 : i32
          %dma_wait3A_149 = tpu.memref_slice %arg10[%dma_wait3A_147, %dma_wait3A_148] : memref<5120x128xf32, #tpu.memory_space<vmem_shared>> -> memref<5120x128xf32, #tpu.memory_space<vmem_shared>>
          tpu.wait_indirect_dma semaphore(%arg12 : memref<!tpu.dma_semaphore, #tpu.memory_space<semaphore_mem>>) src(%dma_wait3A_143 : memref<128x128xf32, #tpu.memory_space<vmem>>) dst(%dma_wait3A_149 : memref<5120x128xf32, #tpu.memory_space<vmem_shared>>)
        } else {
        }
        %lt3A = arith.constant 39 : i32
        %lt3A_122 = arith.cmpi slt, %scan3A_58, %lt3A : i32
        %convert_element_type3A_123 = arith.extui %lt3A_122 : i1 to i32
        %cond3A_124 = arith.constant 0 : i32
        %cond3A_125 = arith.cmpi ne, %convert_element_type3A_123, %cond3A_124 : i32
        scf.if %cond3A_125 {
          %add3A_126 = arith.constant 2 : i32
          %add3A_127 = arith.addi %mul3A_67, %add3A_126 : i32
          %add3A_128 = arith.constant 0 : i32
          %add3A_129 = arith.addi %add3A_127, %add3A_128 : i32
          %dma_start3A_130 = arith.constant 0 : i32
          %dma_start3A_131 = arith.constant 0 : i32
          %dma_start3A_132 = arith.constant 0 : i32
          %dma_start3A_133 = tpu.memref_slice %arg9[%dma_start3A_130, %dma_start3A_131, %dma_start3A_132] : memref<4x128x128xf32, #tpu.memory_space<vmem>> -> memref<1x128x128xf32, #tpu.memory_space<vmem>>
          %dma_start3A_134 = tpu.memref_squeeze %dma_start3A_133 : memref<1x128x128xf32, #tpu.memory_space<vmem>> -> memref<128x128xf32, #tpu.memory_space<vmem>>
          %dma_start3A_135 = arith.constant 0 : i32
          %dma_start3A_136 = tpu.memref_slice %arg7[%add3A_129, %dma_start3A_135] : memref<80x128xi32, #tpu.memory_space<vmem>> -> memref<1x128xi32, #tpu.memory_space<vmem>>
          %dma_start3A_137 = tpu.memref_squeeze %dma_start3A_136 : memref<1x128xi32, #tpu.memory_space<vmem>> -> memref<128xi32, #tpu.memory_space<vmem>>
          %dma_start3A_138 = arith.constant 0 : i32
          %dma_start3A_139 = arith.constant 0 : i32
          %dma_start3A_140 = tpu.memref_slice %arg2[%dma_start3A_138, %dma_start3A_139] : memref<20000x128xf32, #tpu.memory_space<hbm>> -> memref<20000x128xf32, #tpu.memory_space<hbm>>
          tpu.enqueue_indirect_dma source(%dma_start3A_140 : memref<20000x128xf32, #tpu.memory_space<hbm>>) target(%dma_start3A_134 : memref<128x128xf32, #tpu.memory_space<vmem>>) offsets(%dma_start3A_137 : memref<128xi32, #tpu.memory_space<vmem>>) semaphore(%arg11 : memref<!tpu.dma_semaphore, #tpu.memory_space<semaphore_mem>>)
          %add3A_141 = arith.constant 2 : i32
          %add3A_142 = arith.addi %mul3A_67, %add3A_141 : i32
          %add3A_143 = arith.constant 1 : i32
          %add3A_144 = arith.addi %add3A_142, %add3A_143 : i32
          %dma_start3A_145 = arith.constant 1 : i32
          %dma_start3A_146 = arith.constant 0 : i32
          %dma_start3A_147 = arith.constant 0 : i32
          %dma_start3A_148 = tpu.memref_slice %arg9[%dma_start3A_145, %dma_start3A_146, %dma_start3A_147] : memref<4x128x128xf32, #tpu.memory_space<vmem>> -> memref<1x128x128xf32, #tpu.memory_space<vmem>>
          %dma_start3A_149 = tpu.memref_squeeze %dma_start3A_148 : memref<1x128x128xf32, #tpu.memory_space<vmem>> -> memref<128x128xf32, #tpu.memory_space<vmem>>
          %dma_start3A_150 = arith.constant 0 : i32
          %dma_start3A_151 = tpu.memref_slice %arg7[%add3A_144, %dma_start3A_150] : memref<80x128xi32, #tpu.memory_space<vmem>> -> memref<1x128xi32, #tpu.memory_space<vmem>>
          %dma_start3A_152 = tpu.memref_squeeze %dma_start3A_151 : memref<1x128xi32, #tpu.memory_space<vmem>> -> memref<128xi32, #tpu.memory_space<vmem>>
          %dma_start3A_153 = arith.constant 0 : i32
          %dma_start3A_154 = arith.constant 0 : i32
          %dma_start3A_155 = tpu.memref_slice %arg2[%dma_start3A_153, %dma_start3A_154] : memref<20000x128xf32, #tpu.memory_space<hbm>> -> memref<20000x128xf32, #tpu.memory_space<hbm>>
          tpu.enqueue_indirect_dma source(%dma_start3A_155 : memref<20000x128xf32, #tpu.memory_space<hbm>>) target(%dma_start3A_149 : memref<128x128xf32, #tpu.memory_space<vmem>>) offsets(%dma_start3A_152 : memref<128xi32, #tpu.memory_space<vmem>>) semaphore(%arg11 : memref<!tpu.dma_semaphore, #tpu.memory_space<semaphore_mem>>)
        } else {
        }
      } else {
      }
    }
    %scan3A_30 = arith.constant 40 : i32
    %dma_wait3A = arith.constant 2 : i32
    %dma_wait3A_31 = arith.constant 0 : i32
    %dma_wait3A_32 = arith.constant 0 : i32
    %dma_wait3A_33 = arith.constant 0 : i32
    %dma_wait3A_34 = tpu.memref_slice %arg9[%dma_wait3A, %dma_wait3A_32, %dma_wait3A_33] : memref<4x128x128xf32, #tpu.memory_space<vmem>> -> memref<1x128x128xf32, #tpu.memory_space<vmem>>
    %dma_wait3A_35 = tpu.memref_squeeze %dma_wait3A_34 : memref<1x128x128xf32, #tpu.memory_space<vmem>> -> memref<128x128xf32, #tpu.memory_space<vmem>>
    %dma_wait3A_36 = arith.constant 0 : i32
    %dma_wait3A_37 = tpu.memref_slice %arg8[%dma_wait3A_31, %dma_wait3A_36] : memref<80x128xi32, #tpu.memory_space<vmem>> -> memref<1x128xi32, #tpu.memory_space<vmem>>
    %dma_wait3A_38 = tpu.memref_squeeze %dma_wait3A_37 : memref<1x128xi32, #tpu.memory_space<vmem>> -> memref<128xi32, #tpu.memory_space<vmem>>
    %dma_wait3A_39 = arith.constant 0 : i32
    %dma_wait3A_40 = arith.constant 0 : i32
    %dma_wait3A_41 = tpu.memref_slice %arg10[%dma_wait3A_39, %dma_wait3A_40] : memref<5120x128xf32, #tpu.memory_space<vmem_shared>> -> memref<5120x128xf32, #tpu.memory_space<vmem_shared>>
    tpu.wait_indirect_dma semaphore(%arg13 : memref<!tpu.dma_semaphore, #tpu.memory_space<semaphore_mem>>) src(%dma_wait3A_35 : memref<128x128xf32, #tpu.memory_space<vmem>>) dst(%dma_wait3A_41 : memref<5120x128xf32, #tpu.memory_space<vmem_shared>>)
    %dma_wait3A_42 = arith.constant 3 : i32
    %dma_wait3A_43 = arith.constant 0 : i32
    %dma_wait3A_44 = arith.constant 0 : i32
    %dma_wait3A_45 = arith.constant 0 : i32
    %dma_wait3A_46 = tpu.memref_slice %arg9[%dma_wait3A_42, %dma_wait3A_44, %dma_wait3A_45] : memref<4x128x128xf32, #tpu.memory_space<vmem>> -> memref<1x128x128xf32, #tpu.memory_space<vmem>>
    %dma_wait3A_47 = tpu.memref_squeeze %dma_wait3A_46 : memref<1x128x128xf32, #tpu.memory_space<vmem>> -> memref<128x128xf32, #tpu.memory_space<vmem>>
    %dma_wait3A_48 = arith.constant 0 : i32
    %dma_wait3A_49 = tpu.memref_slice %arg8[%dma_wait3A_43, %dma_wait3A_48] : memref<80x128xi32, #tpu.memory_space<vmem>> -> memref<1x128xi32, #tpu.memory_space<vmem>>
    %dma_wait3A_50 = tpu.memref_squeeze %dma_wait3A_49 : memref<1x128xi32, #tpu.memory_space<vmem>> -> memref<128xi32, #tpu.memory_space<vmem>>
    %dma_wait3A_51 = arith.constant 0 : i32
    %dma_wait3A_52 = arith.constant 0 : i32
    %dma_wait3A_53 = tpu.memref_slice %arg10[%dma_wait3A_51, %dma_wait3A_52] : memref<5120x128xf32, #tpu.memory_space<vmem_shared>> -> memref<5120x128xf32, #tpu.memory_space<vmem_shared>>
    tpu.wait_indirect_dma semaphore(%arg13 : memref<!tpu.dma_semaphore, #tpu.memory_space<semaphore_mem>>) src(%dma_wait3A_47 : memref<128x128xf32, #tpu.memory_space<vmem>>) dst(%dma_wait3A_53 : memref<5120x128xf32, #tpu.memory_space<vmem_shared>>)
    %mul3A_54 = arith.constant 320 : i32
    %mul3A_55 = arith.muli %arg1, %mul3A_54 : i32
    %mul3A_56 = arith.constant 320 : i32
    %mul3A_57 = arith.muli %add3A, %mul3A_56 : i32
    "tpu.region"() ({
      %run_scoped3A = tpu.sem_alloc : memref<!tpu.dma_semaphore, #tpu.memory_space<semaphore_mem>>
      %dma_start3A_58 = arith.constant 0 : i32
      %dma_start3A_59 = tpu.memref_slice %arg6[%mul3A_57, %dma_start3A_58] : memref<10240x128xf32, #tpu.memory_space<hbm>> -> memref<320x128xf32, #tpu.memory_space<hbm>>
      %dma_start3A_60 = arith.constant 0 : i32
      %dma_start3A_61 = tpu.memref_slice %arg10[%mul3A_55, %dma_start3A_60] : memref<5120x128xf32, #tpu.memory_space<vmem_shared>> -> memref<320x128xf32, #tpu.memory_space<vmem_shared>>
      tpu.enqueue_dma source(%dma_start3A_61 : memref<320x128xf32, #tpu.memory_space<vmem_shared>>) target(%dma_start3A_59 : memref<320x128xf32, #tpu.memory_space<hbm>>) target_semaphore(%run_scoped3A : memref<!tpu.dma_semaphore, #tpu.memory_space<semaphore_mem>>)
      %dma_wait3A_62 = arith.constant 0 : i32
      %dma_wait3A_63 = tpu.memref_slice %arg6[%mul3A_57, %dma_wait3A_62] : memref<10240x128xf32, #tpu.memory_space<hbm>> -> memref<320x128xf32, #tpu.memory_space<hbm>>
      %dma_wait3A_64 = arith.constant 0 : i32
      %dma_wait3A_65 = tpu.memref_slice %arg10[%mul3A_55, %dma_wait3A_64] : memref<5120x128xf32, #tpu.memory_space<vmem_shared>> -> memref<320x128xf32, #tpu.memory_space<vmem_shared>>
      tpu.wait_dma2 semaphore(%run_scoped3A : memref<!tpu.dma_semaphore, #tpu.memory_space<semaphore_mem>>) src(%dma_wait3A_65 : memref<320x128xf32, #tpu.memory_space<vmem_shared>>) dst(%dma_wait3A_63 : memref<320x128xf32, #tpu.memory_space<hbm>>)
      tpu.yield
    }) : () -> ()
    return
  }
}

#map = affine_map<(d0, d1) -> (0, 0)>
#map1 = affine_map<(d0, d1) -> (0, 0, 0)>
module attributes {stable_mosaic.version = 14 : i64} {
  func.func @k(%arg0: i32, %arg1: i32, %arg2: memref<20000x128xf32, #tpu.memory_space<hbm>>, %arg3: memref<32x80x128xi32, #tpu.memory_space<hbm>>, %arg4: memref<32x80x128xi32, #tpu.memory_space<hbm>>, %arg5: memref<320x128xf32, #tpu.memory_space<hbm>>, %arg6: memref<10240x128xf32, #tpu.memory_space<hbm>>, %arg7: memref<80x128xi32, #tpu.memory_space<vmem>>, %arg8: memref<80x128xi32, #tpu.memory_space<vmem>>, %arg9: memref<4x128x128xf32, #tpu.memory_space<vmem>>, %arg10: memref<5120x128xf32, #tpu.memory_space<vmem_shared>>, %arg11: memref<!tpu.dma_semaphore, #tpu.memory_space<semaphore_mem>>, %arg12: memref<!tpu.dma_semaphore, #tpu.memory_space<semaphore_mem>>, %arg13: memref<!tpu.dma_semaphore, #tpu.memory_space<semaphore_mem>>) attributes {dimension_semantics = [#tpu.dimension_semantics<core_parallel>, #tpu.dimension_semantics<subcore_parallel>], iteration_bounds = array<i64: 2, 16>, scalar_prefetch = 0 : i64, scratch_operands = 7 : i64, tpu.core_type = #tpu.core_type<sc_vector_subcore>, window_params = [{transform_indices = #map}, {transform_indices = #map1}, {transform_indices = #map1}, {transform_indices = #map}, {transform_indices = #map}]} {
    %mul3A = arith.constant 2 : i32
    %mul3A_0 = arith.muli %arg1, %mul3A : i32
    %add3A = arith.addi %mul3A_0, %arg0 : i32
    "tpu.region"() ({
      %run_scoped3A = tpu.sem_alloc : memref<!tpu.dma_semaphore, #tpu.memory_space<semaphore_mem>>
      %dma_start3A_58 = arith.constant 0 : i32
      %dma_start3A_59 = arith.constant 0 : i32
      %dma_start3A_60 = tpu.memref_slice %arg3[%add3A, %dma_start3A_58, %dma_start3A_59] : memref<32x80x128xi32, #tpu.memory_space<hbm>> -> memref<1x80x128xi32, #tpu.memory_space<hbm>>
      %dma_start3A_61 = tpu.memref_squeeze %dma_start3A_60 : memref<1x80x128xi32, #tpu.memory_space<hbm>> -> memref<80x128xi32, #tpu.memory_space<hbm>>
      %dma_start3A_62 = arith.constant 0 : i32
      %dma_start3A_63 = arith.constant 0 : i32
      %dma_start3A_64 = tpu.memref_slice %arg3[%add3A, %dma_start3A_62, %dma_start3A_63] : memref<32x80x128xi32, #tpu.memory_space<hbm>> -> memref<1x80x128xi32, #tpu.memory_space<hbm>>
      %dma_start3A_65 = tpu.memref_squeeze %dma_start3A_64 : memref<1x80x128xi32, #tpu.memory_space<hbm>> -> memref<80x128xi32, #tpu.memory_space<hbm>>
      tpu.enqueue_dma source(%dma_start3A_65 : memref<80x128xi32, #tpu.memory_space<hbm>>) target(%arg7 : memref<80x128xi32, #tpu.memory_space<vmem>>) target_semaphore(%run_scoped3A : memref<!tpu.dma_semaphore, #tpu.memory_space<semaphore_mem>>)
      %dma_wait3A_66 = arith.constant 0 : i32
      %dma_wait3A_67 = arith.constant 0 : i32
      %dma_wait3A_68 = tpu.memref_slice %arg3[%add3A, %dma_wait3A_66, %dma_wait3A_67] : memref<32x80x128xi32, #tpu.memory_space<hbm>> -> memref<1x80x128xi32, #tpu.memory_space<hbm>>
      %dma_wait3A_69 = tpu.memref_squeeze %dma_wait3A_68 : memref<1x80x128xi32, #tpu.memory_space<hbm>> -> memref<80x128xi32, #tpu.memory_space<hbm>>
      %dma_wait3A_70 = arith.constant 0 : i32
      %dma_wait3A_71 = arith.constant 0 : i32
      %dma_wait3A_72 = tpu.memref_slice %arg3[%add3A, %dma_wait3A_70, %dma_wait3A_71] : memref<32x80x128xi32, #tpu.memory_space<hbm>> -> memref<1x80x128xi32, #tpu.memory_space<hbm>>
      %dma_wait3A_73 = tpu.memref_squeeze %dma_wait3A_72 : memref<1x80x128xi32, #tpu.memory_space<hbm>> -> memref<80x128xi32, #tpu.memory_space<hbm>>
      tpu.wait_dma2 semaphore(%run_scoped3A : memref<!tpu.dma_semaphore, #tpu.memory_space<semaphore_mem>>) src(%dma_wait3A_73 : memref<80x128xi32, #tpu.memory_space<hbm>>) dst(%arg7 : memref<80x128xi32, #tpu.memory_space<vmem>>)
      tpu.yield
    }) : () -> ()
    "tpu.region"() ({
      %run_scoped3A = tpu.sem_alloc : memref<!tpu.dma_semaphore, #tpu.memory_space<semaphore_mem>>
      %dma_start3A_58 = arith.constant 0 : i32
      %dma_start3A_59 = arith.constant 0 : i32
      %dma_start3A_60 = tpu.memref_slice %arg4[%add3A, %dma_start3A_58, %dma_start3A_59] : memref<32x80x128xi32, #tpu.memory_space<hbm>> -> memref<1x80x128xi32, #tpu.memory_space<hbm>>
      %dma_start3A_61 = tpu.memref_squeeze %dma_start3A_60 : memref<1x80x128xi32, #tpu.memory_space<hbm>> -> memref<80x128xi32, #tpu.memory_space<hbm>>
      %dma_start3A_62 = arith.constant 0 : i32
      %dma_start3A_63 = arith.constant 0 : i32
      %dma_start3A_64 = tpu.memref_slice %arg4[%add3A, %dma_start3A_62, %dma_start3A_63] : memref<32x80x128xi32, #tpu.memory_space<hbm>> -> memref<1x80x128xi32, #tpu.memory_space<hbm>>
      %dma_start3A_65 = tpu.memref_squeeze %dma_start3A_64 : memref<1x80x128xi32, #tpu.memory_space<hbm>> -> memref<80x128xi32, #tpu.memory_space<hbm>>
      tpu.enqueue_dma source(%dma_start3A_65 : memref<80x128xi32, #tpu.memory_space<hbm>>) target(%arg8 : memref<80x128xi32, #tpu.memory_space<vmem>>) target_semaphore(%run_scoped3A : memref<!tpu.dma_semaphore, #tpu.memory_space<semaphore_mem>>)
      %dma_wait3A_66 = arith.constant 0 : i32
      %dma_wait3A_67 = arith.constant 0 : i32
      %dma_wait3A_68 = tpu.memref_slice %arg4[%add3A, %dma_wait3A_66, %dma_wait3A_67] : memref<32x80x128xi32, #tpu.memory_space<hbm>> -> memref<1x80x128xi32, #tpu.memory_space<hbm>>
      %dma_wait3A_69 = tpu.memref_squeeze %dma_wait3A_68 : memref<1x80x128xi32, #tpu.memory_space<hbm>> -> memref<80x128xi32, #tpu.memory_space<hbm>>
      %dma_wait3A_70 = arith.constant 0 : i32
      %dma_wait3A_71 = arith.constant 0 : i32
      %dma_wait3A_72 = tpu.memref_slice %arg4[%add3A, %dma_wait3A_70, %dma_wait3A_71] : memref<32x80x128xi32, #tpu.memory_space<hbm>> -> memref<1x80x128xi32, #tpu.memory_space<hbm>>
      %dma_wait3A_73 = tpu.memref_squeeze %dma_wait3A_72 : memref<1x80x128xi32, #tpu.memory_space<hbm>> -> memref<80x128xi32, #tpu.memory_space<hbm>>
      tpu.wait_dma2 semaphore(%run_scoped3A : memref<!tpu.dma_semaphore, #tpu.memory_space<semaphore_mem>>) src(%dma_wait3A_73 : memref<80x128xi32, #tpu.memory_space<hbm>>) dst(%arg8 : memref<80x128xi32, #tpu.memory_space<vmem>>)
      tpu.yield
    }) : () -> ()
    %mul3A_1 = arith.constant 320 : i32
    %mul3A_2 = arith.muli %arg1, %mul3A_1 : i32
    "tpu.region"() ({
      %run_scoped3A = tpu.sem_alloc : memref<!tpu.dma_semaphore, #tpu.memory_space<semaphore_mem>>
      %dma_start3A_58 = arith.constant 0 : i32
      %dma_start3A_59 = tpu.memref_slice %arg10[%mul3A_2, %dma_start3A_58] : memref<5120x128xf32, #tpu.memory_space<vmem_shared>> -> memref<320x128xf32, #tpu.memory_space<vmem_shared>>
      tpu.enqueue_dma source(%arg5 : memref<320x128xf32, #tpu.memory_space<hbm>>) target(%dma_start3A_59 : memref<320x128xf32, #tpu.memory_space<vmem_shared>>) target_semaphore(%run_scoped3A : memref<!tpu.dma_semaphore, #tpu.memory_space<semaphore_mem>>)
      %dma_wait3A_60 = arith.constant 0 : i32
      %dma_wait3A_61 = tpu.memref_slice %arg10[%mul3A_2, %dma_wait3A_60] : memref<5120x128xf32, #tpu.memory_space<vmem_shared>> -> memref<320x128xf32, #tpu.memory_space<vmem_shared>>
      tpu.wait_dma2 semaphore(%run_scoped3A : memref<!tpu.dma_semaphore, #tpu.memory_space<semaphore_mem>>) src(%arg5 : memref<320x128xf32, #tpu.memory_space<hbm>>) dst(%dma_wait3A_61 : memref<320x128xf32, #tpu.memory_space<vmem_shared>>)
      tpu.yield
    }) : () -> ()
    %dma_start3A = arith.constant 0 : i32
    %dma_start3A_3 = arith.constant 0 : i32
    %dma_start3A_4 = arith.constant 0 : i32
    %dma_start3A_5 = arith.constant 0 : i32
    %dma_start3A_6 = tpu.memref_slice %arg9[%dma_start3A_3, %dma_start3A_4, %dma_start3A_5] : memref<4x128x128xf32, #tpu.memory_space<vmem>> -> memref<1x128x128xf32, #tpu.memory_space<vmem>>
    %dma_start3A_7 = tpu.memref_squeeze %dma_start3A_6 : memref<1x128x128xf32, #tpu.memory_space<vmem>> -> memref<128x128xf32, #tpu.memory_space<vmem>>
    %dma_start3A_8 = arith.constant 0 : i32
    %dma_start3A_9 = tpu.memref_slice %arg7[%dma_start3A, %dma_start3A_8] : memref<80x128xi32, #tpu.memory_space<vmem>> -> memref<1x128xi32, #tpu.memory_space<vmem>>
    %dma_start3A_10 = tpu.memref_squeeze %dma_start3A_9 : memref<1x128xi32, #tpu.memory_space<vmem>> -> memref<128xi32, #tpu.memory_space<vmem>>
    %dma_start3A_11 = arith.constant 0 : i32
    %dma_start3A_12 = arith.constant 0 : i32
    %dma_start3A_13 = tpu.memref_slice %arg2[%dma_start3A_11, %dma_start3A_12] : memref<20000x128xf32, #tpu.memory_space<hbm>> -> memref<20000x128xf32, #tpu.memory_space<hbm>>
    tpu.enqueue_indirect_dma source(%dma_start3A_13 : memref<20000x128xf32, #tpu.memory_space<hbm>>) target(%dma_start3A_7 : memref<128x128xf32, #tpu.memory_space<vmem>>) offsets(%dma_start3A_10 : memref<128xi32, #tpu.memory_space<vmem>>) semaphore(%arg11 : memref<!tpu.dma_semaphore, #tpu.memory_space<semaphore_mem>>)
    %dma_start3A_14 = arith.constant 1 : i32
    %dma_start3A_15 = arith.constant 1 : i32
    %dma_start3A_16 = arith.constant 0 : i32
    %dma_start3A_17 = arith.constant 0 : i32
    %dma_start3A_18 = tpu.memref_slice %arg9[%dma_start3A_15, %dma_start3A_16, %dma_start3A_17] : memref<4x128x128xf32, #tpu.memory_space<vmem>> -> memref<1x128x128xf32, #tpu.memory_space<vmem>>
    %dma_start3A_19 = tpu.memref_squeeze %dma_start3A_18 : memref<1x128x128xf32, #tpu.memory_space<vmem>> -> memref<128x128xf32, #tpu.memory_space<vmem>>
    %dma_start3A_20 = arith.constant 0 : i32
    %dma_start3A_21 = tpu.memref_slice %arg7[%dma_start3A_14, %dma_start3A_20] : memref<80x128xi32, #tpu.memory_space<vmem>> -> memref<1x128xi32, #tpu.memory_space<vmem>>
    %dma_start3A_22 = tpu.memref_squeeze %dma_start3A_21 : memref<1x128xi32, #tpu.memory_space<vmem>> -> memref<128xi32, #tpu.memory_space<vmem>>
    %dma_start3A_23 = arith.constant 0 : i32
    %dma_start3A_24 = arith.constant 0 : i32
    %dma_start3A_25 = tpu.memref_slice %arg2[%dma_start3A_23, %dma_start3A_24] : memref<20000x128xf32, #tpu.memory_space<hbm>> -> memref<20000x128xf32, #tpu.memory_space<hbm>>
    tpu.enqueue_indirect_dma source(%dma_start3A_25 : memref<20000x128xf32, #tpu.memory_space<hbm>>) target(%dma_start3A_19 : memref<128x128xf32, #tpu.memory_space<vmem>>) offsets(%dma_start3A_22 : memref<128xi32, #tpu.memory_space<vmem>>) semaphore(%arg11 : memref<!tpu.dma_semaphore, #tpu.memory_space<semaphore_mem>>)
    %scan3A = arith.constant 0 : i32
    %scan3A_26 = arith.constant 0 : i32
    %scan3A_27 = arith.constant 40 : i32
    %scan3A_28 = arith.addi %scan3A_26, %scan3A_27 : i32
    %scan3A_29 = arith.constant 1 : i32
    scf.for %scan3A_58 = %scan3A_26 to %scan3A_28 step %scan3A_29  : i32 {
      %rem3A = arith.constant 2 : i32
      %rem3A_59 = arith.remsi %scan3A_58, %rem3A : i32
      %eq3A = arith.constant 0 : i32
      %eq3A_60 = arith.cmpi eq, %rem3A_59, %eq3A : i32
      %convert_element_type3A = arith.extui %eq3A_60 : i1 to i32
      %cond3A = arith.constant 0 : i32
      %cond3A_61 = arith.cmpi ne, %convert_element_type3A, %cond3A : i32
      scf.if %cond3A_61 {
        %mul3A_66 = arith.constant 2 : i32
        %mul3A_67 = arith.muli %scan3A_58, %mul3A_66 : i32
        %dma_wait3A_68 = arith.constant 0 : i32
        %dma_wait3A_69 = arith.constant 0 : i32
        %dma_wait3A_70 = arith.constant 0 : i32
        %dma_wait3A_71 = arith.constant 0 : i32
        %dma_wait3A_72 = tpu.memref_slice %arg9[%dma_wait3A_69, %dma_wait3A_70, %dma_wait3A_71] : memref<4x128x128xf32, #tpu.memory_space<vmem>> -> memref<1x128x128xf32, #tpu.memory_space<vmem>>
        %dma_wait3A_73 = tpu.memref_squeeze %dma_wait3A_72 : memref<1x128x128xf32, #tpu.memory_space<vmem>> -> memref<128x128xf32, #tpu.memory_space<vmem>>
        %dma_wait3A_74 = arith.constant 0 : i32
        %dma_wait3A_75 = tpu.memref_slice %arg7[%dma_wait3A_68, %dma_wait3A_74] : memref<80x128xi32, #tpu.memory_space<vmem>> -> memref<1x128xi32, #tpu.memory_space<vmem>>
        %dma_wait3A_76 = tpu.memref_squeeze %dma_wait3A_75 : memref<1x128xi32, #tpu.memory_space<vmem>> -> memref<128xi32, #tpu.memory_space<vmem>>
        %dma_wait3A_77 = arith.constant 0 : i32
        %dma_wait3A_78 = arith.constant 0 : i32
        %dma_wait3A_79 = tpu.memref_slice %arg2[%dma_wait3A_77, %dma_wait3A_78] : memref<20000x128xf32, #tpu.memory_space<hbm>> -> memref<20000x128xf32, #tpu.memory_space<hbm>>
        tpu.wait_indirect_dma semaphore(%arg11 : memref<!tpu.dma_semaphore, #tpu.memory_space<semaphore_mem>>) src(%dma_wait3A_79 : memref<20000x128xf32, #tpu.memory_space<hbm>>) dst(%dma_wait3A_73 : memref<128x128xf32, #tpu.memory_space<vmem>>)
        %dma_wait3A_80 = arith.constant 0 : i32
        %dma_wait3A_81 = arith.constant 1 : i32
        %dma_wait3A_82 = arith.constant 0 : i32
        %dma_wait3A_83 = arith.constant 0 : i32
        %dma_wait3A_84 = tpu.memref_slice %arg9[%dma_wait3A_81, %dma_wait3A_82, %dma_wait3A_83] : memref<4x128x128xf32, #tpu.memory_space<vmem>> -> memref<1x128x128xf32, #tpu.memory_space<vmem>>
        %dma_wait3A_85 = tpu.memref_squeeze %dma_wait3A_84 : memref<1x128x128xf32, #tpu.memory_space<vmem>> -> memref<128x128xf32, #tpu.memory_space<vmem>>
        %dma_wait3A_86 = arith.constant 0 : i32
        %dma_wait3A_87 = tpu.memref_slice %arg7[%dma_wait3A_80, %dma_wait3A_86] : memref<80x128xi32, #tpu.memory_space<vmem>> -> memref<1x128xi32, #tpu.memory_space<vmem>>
        %dma_wait3A_88 = tpu.memref_squeeze %dma_wait3A_87 : memref<1x128xi32, #tpu.memory_space<vmem>> -> memref<128xi32, #tpu.memory_space<vmem>>
        %dma_wait3A_89 = arith.constant 0 : i32
        %dma_wait3A_90 = arith.constant 0 : i32
        %dma_wait3A_91 = tpu.memref_slice %arg2[%dma_wait3A_89, %dma_wait3A_90] : memref<20000x128xf32, #tpu.memory_space<hbm>> -> memref<20000x128xf32, #tpu.memory_space<hbm>>
        tpu.wait_indirect_dma semaphore(%arg11 : memref<!tpu.dma_semaphore, #tpu.memory_space<semaphore_mem>>) src(%dma_wait3A_91 : memref<20000x128xf32, #tpu.memory_space<hbm>>) dst(%dma_wait3A_85 : memref<128x128xf32, #tpu.memory_space<vmem>>)
        %add3A_92 = arith.constant 0 : i32
        %add3A_93 = arith.addi %mul3A_67, %add3A_92 : i32
        %dma_start3A_94 = arith.constant 0 : i32
        %dma_start3A_95 = arith.constant 0 : i32
        %dma_start3A_96 = arith.constant 0 : i32
        %dma_start3A_97 = tpu.memref_slice %arg9[%dma_start3A_94, %dma_start3A_95, %dma_start3A_96] : memref<4x128x128xf32, #tpu.memory_space<vmem>> -> memref<1x128x128xf32, #tpu.memory_space<vmem>>
        %dma_start3A_98 = tpu.memref_squeeze %dma_start3A_97 : memref<1x128x128xf32, #tpu.memory_space<vmem>> -> memref<128x128xf32, #tpu.memory_space<vmem>>
        %dma_start3A_99 = arith.constant 0 : i32
        %dma_start3A_100 = tpu.memref_slice %arg8[%add3A_93, %dma_start3A_99] : memref<80x128xi32, #tpu.memory_space<vmem>> -> memref<1x128xi32, #tpu.memory_space<vmem>>
        %dma_start3A_101 = tpu.memref_squeeze %dma_start3A_100 : memref<1x128xi32, #tpu.memory_space<vmem>> -> memref<128xi32, #tpu.memory_space<vmem>>
        %dma_start3A_102 = arith.constant 0 : i32
        %dma_start3A_103 = arith.constant 0 : i32
        %dma_start3A_104 = tpu.memref_slice %arg10[%dma_start3A_102, %dma_start3A_103] : memref<5120x128xf32, #tpu.memory_space<vmem_shared>> -> memref<5120x128xf32, #tpu.memory_space<vmem_shared>>
        tpu.enqueue_indirect_dma source(%dma_start3A_98 : memref<128x128xf32, #tpu.memory_space<vmem>>) target(%dma_start3A_104 : memref<5120x128xf32, #tpu.memory_space<vmem_shared>>) offsets(%dma_start3A_101 : memref<128xi32, #tpu.memory_space<vmem>>) semaphore(%arg12 : memref<!tpu.dma_semaphore, #tpu.memory_space<semaphore_mem>>) {add = true}
        %add3A_105 = arith.constant 1 : i32
        %add3A_106 = arith.addi %mul3A_67, %add3A_105 : i32
        %dma_start3A_107 = arith.constant 1 : i32
        %dma_start3A_108 = arith.constant 0 : i32
        %dma_start3A_109 = arith.constant 0 : i32
        %dma_start3A_110 = tpu.memref_slice %arg9[%dma_start3A_107, %dma_start3A_108, %dma_start3A_109] : memref<4x128x128xf32, #tpu.memory_space<vmem>> -> memref<1x128x128xf32, #tpu.memory_space<vmem>>
        %dma_start3A_111 = tpu.memref_squeeze %dma_start3A_110 : memref<1x128x128xf32, #tpu.memory_space<vmem>> -> memref<128x128xf32, #tpu.memory_space<vmem>>
        %dma_start3A_112 = arith.constant 0 : i32
        %dma_start3A_113 = tpu.memref_slice %arg8[%add3A_106, %dma_start3A_112] : memref<80x128xi32, #tpu.memory_space<vmem>> -> memref<1x128xi32, #tpu.memory_space<vmem>>
        %dma_start3A_114 = tpu.memref_squeeze %dma_start3A_113 : memref<1x128xi32, #tpu.memory_space<vmem>> -> memref<128xi32, #tpu.memory_space<vmem>>
        %dma_start3A_115 = arith.constant 0 : i32
        %dma_start3A_116 = arith.constant 0 : i32
        %dma_start3A_117 = tpu.memref_slice %arg10[%dma_start3A_115, %dma_start3A_116] : memref<5120x128xf32, #tpu.memory_space<vmem_shared>> -> memref<5120x128xf32, #tpu.memory_space<vmem_shared>>
        tpu.enqueue_indirect_dma source(%dma_start3A_111 : memref<128x128xf32, #tpu.memory_space<vmem>>) target(%dma_start3A_117 : memref<5120x128xf32, #tpu.memory_space<vmem_shared>>) offsets(%dma_start3A_114 : memref<128xi32, #tpu.memory_space<vmem>>) semaphore(%arg12 : memref<!tpu.dma_semaphore, #tpu.memory_space<semaphore_mem>>) {add = true}
        %gt3A = arith.constant 0 : i32
        %gt3A_118 = arith.cmpi sgt, %scan3A_58, %gt3A : i32
        %convert_element_type3A_119 = arith.extui %gt3A_118 : i1 to i32
        %cond3A_120 = arith.constant 0 : i32
        %cond3A_121 = arith.cmpi ne, %convert_element_type3A_119, %cond3A_120 : i32
        scf.if %cond3A_121 {
          %dma_wait3A_126 = arith.constant 2 : i32
          %dma_wait3A_127 = arith.constant 0 : i32
          %dma_wait3A_128 = arith.constant 0 : i32
          %dma_wait3A_129 = arith.constant 0 : i32
          %dma_wait3A_130 = tpu.memref_slice %arg9[%dma_wait3A_126, %dma_wait3A_128, %dma_wait3A_129] : memref<4x128x128xf32, #tpu.memory_space<vmem>> -> memref<1x128x128xf32, #tpu.memory_space<vmem>>
          %dma_wait3A_131 = tpu.memref_squeeze %dma_wait3A_130 : memref<1x128x128xf32, #tpu.memory_space<vmem>> -> memref<128x128xf32, #tpu.memory_space<vmem>>
          %dma_wait3A_132 = arith.constant 0 : i32
          %dma_wait3A_133 = tpu.memref_slice %arg8[%dma_wait3A_127, %dma_wait3A_132] : memref<80x128xi32, #tpu.memory_space<vmem>> -> memref<1x128xi32, #tpu.memory_space<vmem>>
          %dma_wait3A_134 = tpu.memref_squeeze %dma_wait3A_133 : memref<1x128xi32, #tpu.memory_space<vmem>> -> memref<128xi32, #tpu.memory_space<vmem>>
          %dma_wait3A_135 = arith.constant 0 : i32
          %dma_wait3A_136 = arith.constant 0 : i32
          %dma_wait3A_137 = tpu.memref_slice %arg10[%dma_wait3A_135, %dma_wait3A_136] : memref<5120x128xf32, #tpu.memory_space<vmem_shared>> -> memref<5120x128xf32, #tpu.memory_space<vmem_shared>>
          tpu.wait_indirect_dma semaphore(%arg13 : memref<!tpu.dma_semaphore, #tpu.memory_space<semaphore_mem>>) src(%dma_wait3A_131 : memref<128x128xf32, #tpu.memory_space<vmem>>) dst(%dma_wait3A_137 : memref<5120x128xf32, #tpu.memory_space<vmem_shared>>)
          %dma_wait3A_138 = arith.constant 3 : i32
          %dma_wait3A_139 = arith.constant 0 : i32
          %dma_wait3A_140 = arith.constant 0 : i32
          %dma_wait3A_141 = arith.constant 0 : i32
          %dma_wait3A_142 = tpu.memref_slice %arg9[%dma_wait3A_138, %dma_wait3A_140, %dma_wait3A_141] : memref<4x128x128xf32, #tpu.memory_space<vmem>> -> memref<1x128x128xf32, #tpu.memory_space<vmem>>
          %dma_wait3A_143 = tpu.memref_squeeze %dma_wait3A_142 : memref<1x128x128xf32, #tpu.memory_space<vmem>> -> memref<128x128xf32, #tpu.memory_space<vmem>>
          %dma_wait3A_144 = arith.constant 0 : i32
          %dma_wait3A_145 = tpu.memref_slice %arg8[%dma_wait3A_139, %dma_wait3A_144] : memref<80x128xi32, #tpu.memory_space<vmem>> -> memref<1x128xi32, #tpu.memory_space<vmem>>
          %dma_wait3A_146 = tpu.memref_squeeze %dma_wait3A_145 : memref<1x128xi32, #tpu.memory_space<vmem>> -> memref<128xi32, #tpu.memory_space<vmem>>
          %dma_wait3A_147 = arith.constant 0 : i32
          %dma_wait3A_148 = arith.constant 0 : i32
          %dma_wait3A_149 = tpu.memref_slice %arg10[%dma_wait3A_147, %dma_wait3A_148] : memref<5120x128xf32, #tpu.memory_space<vmem_shared>> -> memref<5120x128xf32, #tpu.memory_space<vmem_shared>>
          tpu.wait_indirect_dma semaphore(%arg13 : memref<!tpu.dma_semaphore, #tpu.memory_space<semaphore_mem>>) src(%dma_wait3A_143 : memref<128x128xf32, #tpu.memory_space<vmem>>) dst(%dma_wait3A_149 : memref<5120x128xf32, #tpu.memory_space<vmem_shared>>)
        } else {
        }
        %lt3A = arith.constant 39 : i32
        %lt3A_122 = arith.cmpi slt, %scan3A_58, %lt3A : i32
        %convert_element_type3A_123 = arith.extui %lt3A_122 : i1 to i32
        %cond3A_124 = arith.constant 0 : i32
        %cond3A_125 = arith.cmpi ne, %convert_element_type3A_123, %cond3A_124 : i32
        scf.if %cond3A_125 {
          %add3A_126 = arith.constant 2 : i32
          %add3A_127 = arith.addi %mul3A_67, %add3A_126 : i32
          %add3A_128 = arith.constant 0 : i32
          %add3A_129 = arith.addi %add3A_127, %add3A_128 : i32
          %dma_start3A_130 = arith.constant 2 : i32
          %dma_start3A_131 = arith.constant 0 : i32
          %dma_start3A_132 = arith.constant 0 : i32
          %dma_start3A_133 = tpu.memref_slice %arg9[%dma_start3A_130, %dma_start3A_131, %dma_start3A_132] : memref<4x128x128xf32, #tpu.memory_space<vmem>> -> memref<1x128x128xf32, #tpu.memory_space<vmem>>
          %dma_start3A_134 = tpu.memref_squeeze %dma_start3A_133 : memref<1x128x128xf32, #tpu.memory_space<vmem>> -> memref<128x128xf32, #tpu.memory_space<vmem>>
          %dma_start3A_135 = arith.constant 0 : i32
          %dma_start3A_136 = tpu.memref_slice %arg7[%add3A_129, %dma_start3A_135] : memref<80x128xi32, #tpu.memory_space<vmem>> -> memref<1x128xi32, #tpu.memory_space<vmem>>
          %dma_start3A_137 = tpu.memref_squeeze %dma_start3A_136 : memref<1x128xi32, #tpu.memory_space<vmem>> -> memref<128xi32, #tpu.memory_space<vmem>>
          %dma_start3A_138 = arith.constant 0 : i32
          %dma_start3A_139 = arith.constant 0 : i32
          %dma_start3A_140 = tpu.memref_slice %arg2[%dma_start3A_138, %dma_start3A_139] : memref<20000x128xf32, #tpu.memory_space<hbm>> -> memref<20000x128xf32, #tpu.memory_space<hbm>>
          tpu.enqueue_indirect_dma source(%dma_start3A_140 : memref<20000x128xf32, #tpu.memory_space<hbm>>) target(%dma_start3A_134 : memref<128x128xf32, #tpu.memory_space<vmem>>) offsets(%dma_start3A_137 : memref<128xi32, #tpu.memory_space<vmem>>) semaphore(%arg11 : memref<!tpu.dma_semaphore, #tpu.memory_space<semaphore_mem>>)
          %add3A_141 = arith.constant 2 : i32
          %add3A_142 = arith.addi %mul3A_67, %add3A_141 : i32
          %add3A_143 = arith.constant 1 : i32
          %add3A_144 = arith.addi %add3A_142, %add3A_143 : i32
          %dma_start3A_145 = arith.constant 3 : i32
          %dma_start3A_146 = arith.constant 0 : i32
          %dma_start3A_147 = arith.constant 0 : i32
          %dma_start3A_148 = tpu.memref_slice %arg9[%dma_start3A_145, %dma_start3A_146, %dma_start3A_147] : memref<4x128x128xf32, #tpu.memory_space<vmem>> -> memref<1x128x128xf32, #tpu.memory_space<vmem>>
          %dma_start3A_149 = tpu.memref_squeeze %dma_start3A_148 : memref<1x128x128xf32, #tpu.memory_space<vmem>> -> memref<128x128xf32, #tpu.memory_space<vmem>>
          %dma_start3A_150 = arith.constant 0 : i32
          %dma_start3A_151 = tpu.memref_slice %arg7[%add3A_144, %dma_start3A_150] : memref<80x128xi32, #tpu.memory_space<vmem>> -> memref<1x128xi32, #tpu.memory_space<vmem>>
          %dma_start3A_152 = tpu.memref_squeeze %dma_start3A_151 : memref<1x128xi32, #tpu.memory_space<vmem>> -> memref<128xi32, #tpu.memory_space<vmem>>
          %dma_start3A_153 = arith.constant 0 : i32
          %dma_start3A_154 = arith.constant 0 : i32
          %dma_start3A_155 = tpu.memref_slice %arg2[%dma_start3A_153, %dma_start3A_154] : memref<20000x128xf32, #tpu.memory_space<hbm>> -> memref<20000x128xf32, #tpu.memory_space<hbm>>
          tpu.enqueue_indirect_dma source(%dma_start3A_155 : memref<20000x128xf32, #tpu.memory_space<hbm>>) target(%dma_start3A_149 : memref<128x128xf32, #tpu.memory_space<vmem>>) offsets(%dma_start3A_152 : memref<128xi32, #tpu.memory_space<vmem>>) semaphore(%arg11 : memref<!tpu.dma_semaphore, #tpu.memory_space<semaphore_mem>>)
        } else {
        }
      } else {
      }
      %not3A = arith.constant true
      %not3A_62 = arith.xori %eq3A_60, %not3A : i1
      %convert_element_type3A_63 = arith.extui %not3A_62 : i1 to i32
      %cond3A_64 = arith.constant 0 : i32
      %cond3A_65 = arith.cmpi ne, %convert_element_type3A_63, %cond3A_64 : i32
      scf.if %cond3A_65 {
        %mul3A_66 = arith.constant 2 : i32
        %mul3A_67 = arith.muli %scan3A_58, %mul3A_66 : i32
        %dma_wait3A_68 = arith.constant 0 : i32
        %dma_wait3A_69 = arith.constant 2 : i32
        %dma_wait3A_70 = arith.constant 0 : i32
        %dma_wait3A_71 = arith.constant 0 : i32
        %dma_wait3A_72 = tpu.memref_slice %arg9[%dma_wait3A_69, %dma_wait3A_70, %dma_wait3A_71] : memref<4x128x128xf32, #tpu.memory_space<vmem>> -> memref<1x128x128xf32, #tpu.memory_space<vmem>>
        %dma_wait3A_73 = tpu.memref_squeeze %dma_wait3A_72 : memref<1x128x128xf32, #tpu.memory_space<vmem>> -> memref<128x128xf32, #tpu.memory_space<vmem>>
        %dma_wait3A_74 = arith.constant 0 : i32
        %dma_wait3A_75 = tpu.memref_slice %arg7[%dma_wait3A_68, %dma_wait3A_74] : memref<80x128xi32, #tpu.memory_space<vmem>> -> memref<1x128xi32, #tpu.memory_space<vmem>>
        %dma_wait3A_76 = tpu.memref_squeeze %dma_wait3A_75 : memref<1x128xi32, #tpu.memory_space<vmem>> -> memref<128xi32, #tpu.memory_space<vmem>>
        %dma_wait3A_77 = arith.constant 0 : i32
        %dma_wait3A_78 = arith.constant 0 : i32
        %dma_wait3A_79 = tpu.memref_slice %arg2[%dma_wait3A_77, %dma_wait3A_78] : memref<20000x128xf32, #tpu.memory_space<hbm>> -> memref<20000x128xf32, #tpu.memory_space<hbm>>
        tpu.wait_indirect_dma semaphore(%arg11 : memref<!tpu.dma_semaphore, #tpu.memory_space<semaphore_mem>>) src(%dma_wait3A_79 : memref<20000x128xf32, #tpu.memory_space<hbm>>) dst(%dma_wait3A_73 : memref<128x128xf32, #tpu.memory_space<vmem>>)
        %dma_wait3A_80 = arith.constant 0 : i32
        %dma_wait3A_81 = arith.constant 3 : i32
        %dma_wait3A_82 = arith.constant 0 : i32
        %dma_wait3A_83 = arith.constant 0 : i32
        %dma_wait3A_84 = tpu.memref_slice %arg9[%dma_wait3A_81, %dma_wait3A_82, %dma_wait3A_83] : memref<4x128x128xf32, #tpu.memory_space<vmem>> -> memref<1x128x128xf32, #tpu.memory_space<vmem>>
        %dma_wait3A_85 = tpu.memref_squeeze %dma_wait3A_84 : memref<1x128x128xf32, #tpu.memory_space<vmem>> -> memref<128x128xf32, #tpu.memory_space<vmem>>
        %dma_wait3A_86 = arith.constant 0 : i32
        %dma_wait3A_87 = tpu.memref_slice %arg7[%dma_wait3A_80, %dma_wait3A_86] : memref<80x128xi32, #tpu.memory_space<vmem>> -> memref<1x128xi32, #tpu.memory_space<vmem>>
        %dma_wait3A_88 = tpu.memref_squeeze %dma_wait3A_87 : memref<1x128xi32, #tpu.memory_space<vmem>> -> memref<128xi32, #tpu.memory_space<vmem>>
        %dma_wait3A_89 = arith.constant 0 : i32
        %dma_wait3A_90 = arith.constant 0 : i32
        %dma_wait3A_91 = tpu.memref_slice %arg2[%dma_wait3A_89, %dma_wait3A_90] : memref<20000x128xf32, #tpu.memory_space<hbm>> -> memref<20000x128xf32, #tpu.memory_space<hbm>>
        tpu.wait_indirect_dma semaphore(%arg11 : memref<!tpu.dma_semaphore, #tpu.memory_space<semaphore_mem>>) src(%dma_wait3A_91 : memref<20000x128xf32, #tpu.memory_space<hbm>>) dst(%dma_wait3A_85 : memref<128x128xf32, #tpu.memory_space<vmem>>)
        %add3A_92 = arith.constant 0 : i32
        %add3A_93 = arith.addi %mul3A_67, %add3A_92 : i32
        %dma_start3A_94 = arith.constant 2 : i32
        %dma_start3A_95 = arith.constant 0 : i32
        %dma_start3A_96 = arith.constant 0 : i32
        %dma_start3A_97 = tpu.memref_slice %arg9[%dma_start3A_94, %dma_start3A_95, %dma_start3A_96] : memref<4x128x128xf32, #tpu.memory_space<vmem>> -> memref<1x128x128xf32, #tpu.memory_space<vmem>>
        %dma_start3A_98 = tpu.memref_squeeze %dma_start3A_97 : memref<1x128x128xf32, #tpu.memory_space<vmem>> -> memref<128x128xf32, #tpu.memory_space<vmem>>
        %dma_start3A_99 = arith.constant 0 : i32
        %dma_start3A_100 = tpu.memref_slice %arg8[%add3A_93, %dma_start3A_99] : memref<80x128xi32, #tpu.memory_space<vmem>> -> memref<1x128xi32, #tpu.memory_space<vmem>>
        %dma_start3A_101 = tpu.memref_squeeze %dma_start3A_100 : memref<1x128xi32, #tpu.memory_space<vmem>> -> memref<128xi32, #tpu.memory_space<vmem>>
        %dma_start3A_102 = arith.constant 0 : i32
        %dma_start3A_103 = arith.constant 0 : i32
        %dma_start3A_104 = tpu.memref_slice %arg10[%dma_start3A_102, %dma_start3A_103] : memref<5120x128xf32, #tpu.memory_space<vmem_shared>> -> memref<5120x128xf32, #tpu.memory_space<vmem_shared>>
        tpu.enqueue_indirect_dma source(%dma_start3A_98 : memref<128x128xf32, #tpu.memory_space<vmem>>) target(%dma_start3A_104 : memref<5120x128xf32, #tpu.memory_space<vmem_shared>>) offsets(%dma_start3A_101 : memref<128xi32, #tpu.memory_space<vmem>>) semaphore(%arg13 : memref<!tpu.dma_semaphore, #tpu.memory_space<semaphore_mem>>) {add = true}
        %add3A_105 = arith.constant 1 : i32
        %add3A_106 = arith.addi %mul3A_67, %add3A_105 : i32
        %dma_start3A_107 = arith.constant 3 : i32
        %dma_start3A_108 = arith.constant 0 : i32
        %dma_start3A_109 = arith.constant 0 : i32
        %dma_start3A_110 = tpu.memref_slice %arg9[%dma_start3A_107, %dma_start3A_108, %dma_start3A_109] : memref<4x128x128xf32, #tpu.memory_space<vmem>> -> memref<1x128x128xf32, #tpu.memory_space<vmem>>
        %dma_start3A_111 = tpu.memref_squeeze %dma_start3A_110 : memref<1x128x128xf32, #tpu.memory_space<vmem>> -> memref<128x128xf32, #tpu.memory_space<vmem>>
        %dma_start3A_112 = arith.constant 0 : i32
        %dma_start3A_113 = tpu.memref_slice %arg8[%add3A_106, %dma_start3A_112] : memref<80x128xi32, #tpu.memory_space<vmem>> -> memref<1x128xi32, #tpu.memory_space<vmem>>
        %dma_start3A_114 = tpu.memref_squeeze %dma_start3A_113 : memref<1x128xi32, #tpu.memory_space<vmem>> -> memref<128xi32, #tpu.memory_space<vmem>>
        %dma_start3A_115 = arith.constant 0 : i32
        %dma_start3A_116 = arith.constant 0 : i32
        %dma_start3A_117 = tpu.memref_slice %arg10[%dma_start3A_115, %dma_start3A_116] : memref<5120x128xf32, #tpu.memory_space<vmem_shared>> -> memref<5120x128xf32, #tpu.memory_space<vmem_shared>>
        tpu.enqueue_indirect_dma source(%dma_start3A_111 : memref<128x128xf32, #tpu.memory_space<vmem>>) target(%dma_start3A_117 : memref<5120x128xf32, #tpu.memory_space<vmem_shared>>) offsets(%dma_start3A_114 : memref<128xi32, #tpu.memory_space<vmem>>) semaphore(%arg13 : memref<!tpu.dma_semaphore, #tpu.memory_space<semaphore_mem>>) {add = true}
        %gt3A = arith.constant 0 : i32
        %gt3A_118 = arith.cmpi sgt, %scan3A_58, %gt3A : i32
        %convert_element_type3A_119 = arith.extui %gt3A_118 : i1 to i32
        %cond3A_120 = arith.constant 0 : i32
        %cond3A_121 = arith.cmpi ne, %convert_element_type3A_119, %cond3A_120 : i32
        scf.if %cond3A_121 {
          %dma_wait3A_126 = arith.constant 0 : i32
          %dma_wait3A_127 = arith.constant 0 : i32
          %dma_wait3A_128 = arith.constant 0 : i32
          %dma_wait3A_129 = arith.constant 0 : i32
          %dma_wait3A_130 = tpu.memref_slice %arg9[%dma_wait3A_126, %dma_wait3A_128, %dma_wait3A_129] : memref<4x128x128xf32, #tpu.memory_space<vmem>> -> memref<1x128x128xf32, #tpu.memory_space<vmem>>
          %dma_wait3A_131 = tpu.memref_squeeze %dma_wait3A_130 : memref<1x128x128xf32, #tpu.memory_space<vmem>> -> memref<128x128xf32, #tpu.memory_space<vmem>>
          %dma_wait3A_132 = arith.constant 0 : i32
          %dma_wait3A_133 = tpu.memref_slice %arg8[%dma_wait3A_127, %dma_wait3A_132] : memref<80x128xi32, #tpu.memory_space<vmem>> -> memref<1x128xi32, #tpu.memory_space<vmem>>
          %dma_wait3A_134 = tpu.memref_squeeze %dma_wait3A_133 : memref<1x128xi32, #tpu.memory_space<vmem>> -> memref<128xi32, #tpu.memory_space<vmem>>
          %dma_wait3A_135 = arith.constant 0 : i32
          %dma_wait3A_136 = arith.constant 0 : i32
          %dma_wait3A_137 = tpu.memref_slice %arg10[%dma_wait3A_135, %dma_wait3A_136] : memref<5120x128xf32, #tpu.memory_space<vmem_shared>> -> memref<5120x128xf32, #tpu.memory_space<vmem_shared>>
          tpu.wait_indirect_dma semaphore(%arg12 : memref<!tpu.dma_semaphore, #tpu.memory_space<semaphore_mem>>) src(%dma_wait3A_131 : memref<128x128xf32, #tpu.memory_space<vmem>>) dst(%dma_wait3A_137 : memref<5120x128xf32, #tpu.memory_space<vmem_shared>>)
          %dma_wait3A_138 = arith.constant 1 : i32
          %dma_wait3A_139 = arith.constant 0 : i32
          %dma_wait3A_140 = arith.constant 0 : i32
          %dma_wait3A_141 = arith.constant 0 : i32
          %dma_wait3A_142 = tpu.memref_slice %arg9[%dma_wait3A_138, %dma_wait3A_140, %dma_wait3A_141] : memref<4x128x128xf32, #tpu.memory_space<vmem>> -> memref<1x128x128xf32, #tpu.memory_space<vmem>>
          %dma_wait3A_143 = tpu.memref_squeeze %dma_wait3A_142 : memref<1x128x128xf32, #tpu.memory_space<vmem>> -> memref<128x128xf32, #tpu.memory_space<vmem>>
          %dma_wait3A_144 = arith.constant 0 : i32
          %dma_wait3A_145 = tpu.memref_slice %arg8[%dma_wait3A_139, %dma_wait3A_144] : memref<80x128xi32, #tpu.memory_space<vmem>> -> memref<1x128xi32, #tpu.memory_space<vmem>>
          %dma_wait3A_146 = tpu.memref_squeeze %dma_wait3A_145 : memref<1x128xi32, #tpu.memory_space<vmem>> -> memref<128xi32, #tpu.memory_space<vmem>>
          %dma_wait3A_147 = arith.constant 0 : i32
          %dma_wait3A_148 = arith.constant 0 : i32
          %dma_wait3A_149 = tpu.memref_slice %arg10[%dma_wait3A_147, %dma_wait3A_148] : memref<5120x128xf32, #tpu.memory_space<vmem_shared>> -> memref<5120x128xf32, #tpu.memory_space<vmem_shared>>
          tpu.wait_indirect_dma semaphore(%arg12 : memref<!tpu.dma_semaphore, #tpu.memory_space<semaphore_mem>>) src(%dma_wait3A_143 : memref<128x128xf32, #tpu.memory_space<vmem>>) dst(%dma_wait3A_149 : memref<5120x128xf32, #tpu.memory_space<vmem_shared>>)
        } else {
        }
        %lt3A = arith.constant 39 : i32
        %lt3A_122 = arith.cmpi slt, %scan3A_58, %lt3A : i32
        %convert_element_type3A_123 = arith.extui %lt3A_122 : i1 to i32
        %cond3A_124 = arith.constant 0 : i32
        %cond3A_125 = arith.cmpi ne, %convert_element_type3A_123, %cond3A_124 : i32
        scf.if %cond3A_125 {
          %add3A_126 = arith.constant 2 : i32
          %add3A_127 = arith.addi %mul3A_67, %add3A_126 : i32
          %add3A_128 = arith.constant 0 : i32
          %add3A_129 = arith.addi %add3A_127, %add3A_128 : i32
          %dma_start3A_130 = arith.constant 0 : i32
          %dma_start3A_131 = arith.constant 0 : i32
          %dma_start3A_132 = arith.constant 0 : i32
          %dma_start3A_133 = tpu.memref_slice %arg9[%dma_start3A_130, %dma_start3A_131, %dma_start3A_132] : memref<4x128x128xf32, #tpu.memory_space<vmem>> -> memref<1x128x128xf32, #tpu.memory_space<vmem>>
          %dma_start3A_134 = tpu.memref_squeeze %dma_start3A_133 : memref<1x128x128xf32, #tpu.memory_space<vmem>> -> memref<128x128xf32, #tpu.memory_space<vmem>>
          %dma_start3A_135 = arith.constant 0 : i32
          %dma_start3A_136 = tpu.memref_slice %arg7[%add3A_129, %dma_start3A_135] : memref<80x128xi32, #tpu.memory_space<vmem>> -> memref<1x128xi32, #tpu.memory_space<vmem>>
          %dma_start3A_137 = tpu.memref_squeeze %dma_start3A_136 : memref<1x128xi32, #tpu.memory_space<vmem>> -> memref<128xi32, #tpu.memory_space<vmem>>
          %dma_start3A_138 = arith.constant 0 : i32
          %dma_start3A_139 = arith.constant 0 : i32
          %dma_start3A_140 = tpu.memref_slice %arg2[%dma_start3A_138, %dma_start3A_139] : memref<20000x128xf32, #tpu.memory_space<hbm>> -> memref<20000x128xf32, #tpu.memory_space<hbm>>
          tpu.enqueue_indirect_dma source(%dma_start3A_140 : memref<20000x128xf32, #tpu.memory_space<hbm>>) target(%dma_start3A_134 : memref<128x128xf32, #tpu.memory_space<vmem>>) offsets(%dma_start3A_137 : memref<128xi32, #tpu.memory_space<vmem>>) semaphore(%arg11 : memref<!tpu.dma_semaphore, #tpu.memory_space<semaphore_mem>>)
          %add3A_141 = arith.constant 2 : i32
          %add3A_142 = arith.addi %mul3A_67, %add3A_141 : i32
          %add3A_143 = arith.constant 1 : i32
          %add3A_144 = arith.addi %add3A_142, %add3A_143 : i32
          %dma_start3A_145 = arith.constant 1 : i32
          %dma_start3A_146 = arith.constant 0 : i32
          %dma_start3A_147 = arith.constant 0 : i32
          %dma_start3A_148 = tpu.memref_slice %arg9[%dma_start3A_145, %dma_start3A_146, %dma_start3A_147] : memref<4x128x128xf32, #tpu.memory_space<vmem>> -> memref<1x128x128xf32, #tpu.memory_space<vmem>>
          %dma_start3A_149 = tpu.memref_squeeze %dma_start3A_148 : memref<1x128x128xf32, #tpu.memory_space<vmem>> -> memref<128x128xf32, #tpu.memory_space<vmem>>
          %dma_start3A_150 = arith.constant 0 : i32
          %dma_start3A_151 = tpu.memref_slice %arg7[%add3A_144, %dma_start3A_150] : memref<80x128xi32, #tpu.memory_space<vmem>> -> memref<1x128xi32, #tpu.memory_space<vmem>>
          %dma_start3A_152 = tpu.memref_squeeze %dma_start3A_151 : memref<1x128xi32, #tpu.memory_space<vmem>> -> memref<128xi32, #tpu.memory_space<vmem>>
          %dma_start3A_153 = arith.constant 0 : i32
          %dma_start3A_154 = arith.constant 0 : i32
          %dma_start3A_155 = tpu.memref_slice %arg2[%dma_start3A_153, %dma_start3A_154] : memref<20000x128xf32, #tpu.memory_space<hbm>> -> memref<20000x128xf32, #tpu.memory_space<hbm>>
          tpu.enqueue_indirect_dma source(%dma_start3A_155 : memref<20000x128xf32, #tpu.memory_space<hbm>>) target(%dma_start3A_149 : memref<128x128xf32, #tpu.memory_space<vmem>>) offsets(%dma_start3A_152 : memref<128xi32, #tpu.memory_space<vmem>>) semaphore(%arg11 : memref<!tpu.dma_semaphore, #tpu.memory_space<semaphore_mem>>)
        } else {
        }
      } else {
      }
    }
    %scan3A_30 = arith.constant 40 : i32
    %dma_wait3A = arith.constant 2 : i32
    %dma_wait3A_31 = arith.constant 0 : i32
    %dma_wait3A_32 = arith.constant 0 : i32
    %dma_wait3A_33 = arith.constant 0 : i32
    %dma_wait3A_34 = tpu.memref_slice %arg9[%dma_wait3A, %dma_wait3A_32, %dma_wait3A_33] : memref<4x128x128xf32, #tpu.memory_space<vmem>> -> memref<1x128x128xf32, #tpu.memory_space<vmem>>
    %dma_wait3A_35 = tpu.memref_squeeze %dma_wait3A_34 : memref<1x128x128xf32, #tpu.memory_space<vmem>> -> memref<128x128xf32, #tpu.memory_space<vmem>>
    %dma_wait3A_36 = arith.constant 0 : i32
    %dma_wait3A_37 = tpu.memref_slice %arg8[%dma_wait3A_31, %dma_wait3A_36] : memref<80x128xi32, #tpu.memory_space<vmem>> -> memref<1x128xi32, #tpu.memory_space<vmem>>
    %dma_wait3A_38 = tpu.memref_squeeze %dma_wait3A_37 : memref<1x128xi32, #tpu.memory_space<vmem>> -> memref<128xi32, #tpu.memory_space<vmem>>
    %dma_wait3A_39 = arith.constant 0 : i32
    %dma_wait3A_40 = arith.constant 0 : i32
    %dma_wait3A_41 = tpu.memref_slice %arg10[%dma_wait3A_39, %dma_wait3A_40] : memref<5120x128xf32, #tpu.memory_space<vmem_shared>> -> memref<5120x128xf32, #tpu.memory_space<vmem_shared>>
    tpu.wait_indirect_dma semaphore(%arg13 : memref<!tpu.dma_semaphore, #tpu.memory_space<semaphore_mem>>) src(%dma_wait3A_35 : memref<128x128xf32, #tpu.memory_space<vmem>>) dst(%dma_wait3A_41 : memref<5120x128xf32, #tpu.memory_space<vmem_shared>>)
    %dma_wait3A_42 = arith.constant 3 : i32
    %dma_wait3A_43 = arith.constant 0 : i32
    %dma_wait3A_44 = arith.constant 0 : i32
    %dma_wait3A_45 = arith.constant 0 : i32
    %dma_wait3A_46 = tpu.memref_slice %arg9[%dma_wait3A_42, %dma_wait3A_44, %dma_wait3A_45] : memref<4x128x128xf32, #tpu.memory_space<vmem>> -> memref<1x128x128xf32, #tpu.memory_space<vmem>>
    %dma_wait3A_47 = tpu.memref_squeeze %dma_wait3A_46 : memref<1x128x128xf32, #tpu.memory_space<vmem>> -> memref<128x128xf32, #tpu.memory_space<vmem>>
    %dma_wait3A_48 = arith.constant 0 : i32
    %dma_wait3A_49 = tpu.memref_slice %arg8[%dma_wait3A_43, %dma_wait3A_48] : memref<80x128xi32, #tpu.memory_space<vmem>> -> memref<1x128xi32, #tpu.memory_space<vmem>>
    %dma_wait3A_50 = tpu.memref_squeeze %dma_wait3A_49 : memref<1x128xi32, #tpu.memory_space<vmem>> -> memref<128xi32, #tpu.memory_space<vmem>>
    %dma_wait3A_51 = arith.constant 0 : i32
    %dma_wait3A_52 = arith.constant 0 : i32
    %dma_wait3A_53 = tpu.memref_slice %arg10[%dma_wait3A_51, %dma_wait3A_52] : memref<5120x128xf32, #tpu.memory_space<vmem_shared>> -> memref<5120x128xf32, #tpu.memory_space<vmem_shared>>
    tpu.wait_indirect_dma semaphore(%arg13 : memref<!tpu.dma_semaphore, #tpu.memory_space<semaphore_mem>>) src(%dma_wait3A_47 : memref<128x128xf32, #tpu.memory_space<vmem>>) dst(%dma_wait3A_53 : memref<5120x128xf32, #tpu.memory_space<vmem_shared>>)
    %mul3A_54 = arith.constant 320 : i32
    %mul3A_55 = arith.muli %arg1, %mul3A_54 : i32
    %mul3A_56 = arith.constant 320 : i32
    %mul3A_57 = arith.muli %add3A, %mul3A_56 : i32
    "tpu.region"() ({
      %run_scoped3A = tpu.sem_alloc : memref<!tpu.dma_semaphore, #tpu.memory_space<semaphore_mem>>
      %dma_start3A_58 = arith.constant 0 : i32
      %dma_start3A_59 = tpu.memref_slice %arg6[%mul3A_57, %dma_start3A_58] : memref<10240x128xf32, #tpu.memory_space<hbm>> -> memref<320x128xf32, #tpu.memory_space<hbm>>
      %dma_start3A_60 = arith.constant 0 : i32
      %dma_start3A_61 = tpu.memref_slice %arg10[%mul3A_55, %dma_start3A_60] : memref<5120x128xf32, #tpu.memory_space<vmem_shared>> -> memref<320x128xf32, #tpu.memory_space<vmem_shared>>
      tpu.enqueue_dma source(%dma_start3A_61 : memref<320x128xf32, #tpu.memory_space<vmem_shared>>) target(%dma_start3A_59 : memref<320x128xf32, #tpu.memory_space<hbm>>) target_semaphore(%run_scoped3A : memref<!tpu.dma_semaphore, #tpu.memory_space<semaphore_mem>>)
      %dma_wait3A_62 = arith.constant 0 : i32
      %dma_wait3A_63 = tpu.memref_slice %arg6[%mul3A_57, %dma_wait3A_62] : memref<10240x128xf32, #tpu.memory_space<hbm>> -> memref<320x128xf32, #tpu.memory_space<hbm>>
      %dma_wait3A_64 = arith.constant 0 : i32
      %dma_wait3A_65 = tpu.memref_slice %arg10[%mul3A_55, %dma_wait3A_64] : memref<5120x128xf32, #tpu.memory_space<vmem_shared>> -> memref<320x128xf32, #tpu.memory_space<vmem_shared>>
      tpu.wait_dma2 semaphore(%run_scoped3A : memref<!tpu.dma_semaphore, #tpu.memory_space<semaphore_mem>>) src(%dma_wait3A_65 : memref<320x128xf32, #tpu.memory_space<vmem_shared>>) dst(%dma_wait3A_63 : memref<320x128xf32, #tpu.memory_space<hbm>>)
      tpu.yield
    }) : () -> ()
    return
  }
}

#map = affine_map<(d0, d1) -> (0, 0)>
#map1 = affine_map<(d0, d1) -> (0, 0, 0)>
module attributes {stable_mosaic.version = 14 : i64} {
  func.func @k(%arg0: i32, %arg1: i32, %arg2: memref<20000x128xf32, #tpu.memory_space<hbm>>, %arg3: memref<32x80x128xi32, #tpu.memory_space<hbm>>, %arg4: memref<32x80x128xi32, #tpu.memory_space<hbm>>, %arg5: memref<320x128xf32, #tpu.memory_space<hbm>>, %arg6: memref<10240x128xf32, #tpu.memory_space<hbm>>, %arg7: memref<80x128xi32, #tpu.memory_space<vmem>>, %arg8: memref<80x128xi32, #tpu.memory_space<vmem>>, %arg9: memref<4x128x128xf32, #tpu.memory_space<vmem>>, %arg10: memref<5120x128xf32, #tpu.memory_space<vmem_shared>>, %arg11: memref<!tpu.dma_semaphore, #tpu.memory_space<semaphore_mem>>, %arg12: memref<!tpu.dma_semaphore, #tpu.memory_space<semaphore_mem>>, %arg13: memref<!tpu.dma_semaphore, #tpu.memory_space<semaphore_mem>>) attributes {dimension_semantics = [#tpu.dimension_semantics<core_parallel>, #tpu.dimension_semantics<subcore_parallel>], iteration_bounds = array<i64: 2, 16>, scalar_prefetch = 0 : i64, scratch_operands = 7 : i64, tpu.core_type = #tpu.core_type<sc_vector_subcore>, window_params = [{transform_indices = #map}, {transform_indices = #map1}, {transform_indices = #map1}, {transform_indices = #map}, {transform_indices = #map}]} {
    %mul3A = arith.constant 2 : i32
    %mul3A_0 = arith.muli %arg1, %mul3A : i32
    %add3A = arith.addi %mul3A_0, %arg0 : i32
    "tpu.region"() ({
      %run_scoped3A = tpu.sem_alloc : memref<!tpu.dma_semaphore, #tpu.memory_space<semaphore_mem>>
      %dma_start3A_58 = arith.constant 0 : i32
      %dma_start3A_59 = arith.constant 0 : i32
      %dma_start3A_60 = tpu.memref_slice %arg3[%add3A, %dma_start3A_58, %dma_start3A_59] : memref<32x80x128xi32, #tpu.memory_space<hbm>> -> memref<1x80x128xi32, #tpu.memory_space<hbm>>
      %dma_start3A_61 = tpu.memref_squeeze %dma_start3A_60 : memref<1x80x128xi32, #tpu.memory_space<hbm>> -> memref<80x128xi32, #tpu.memory_space<hbm>>
      %dma_start3A_62 = arith.constant 0 : i32
      %dma_start3A_63 = arith.constant 0 : i32
      %dma_start3A_64 = tpu.memref_slice %arg3[%add3A, %dma_start3A_62, %dma_start3A_63] : memref<32x80x128xi32, #tpu.memory_space<hbm>> -> memref<1x80x128xi32, #tpu.memory_space<hbm>>
      %dma_start3A_65 = tpu.memref_squeeze %dma_start3A_64 : memref<1x80x128xi32, #tpu.memory_space<hbm>> -> memref<80x128xi32, #tpu.memory_space<hbm>>
      tpu.enqueue_dma source(%dma_start3A_65 : memref<80x128xi32, #tpu.memory_space<hbm>>) target(%arg7 : memref<80x128xi32, #tpu.memory_space<vmem>>) target_semaphore(%run_scoped3A : memref<!tpu.dma_semaphore, #tpu.memory_space<semaphore_mem>>)
      %dma_wait3A_66 = arith.constant 0 : i32
      %dma_wait3A_67 = arith.constant 0 : i32
      %dma_wait3A_68 = tpu.memref_slice %arg3[%add3A, %dma_wait3A_66, %dma_wait3A_67] : memref<32x80x128xi32, #tpu.memory_space<hbm>> -> memref<1x80x128xi32, #tpu.memory_space<hbm>>
      %dma_wait3A_69 = tpu.memref_squeeze %dma_wait3A_68 : memref<1x80x128xi32, #tpu.memory_space<hbm>> -> memref<80x128xi32, #tpu.memory_space<hbm>>
      %dma_wait3A_70 = arith.constant 0 : i32
      %dma_wait3A_71 = arith.constant 0 : i32
      %dma_wait3A_72 = tpu.memref_slice %arg3[%add3A, %dma_wait3A_70, %dma_wait3A_71] : memref<32x80x128xi32, #tpu.memory_space<hbm>> -> memref<1x80x128xi32, #tpu.memory_space<hbm>>
      %dma_wait3A_73 = tpu.memref_squeeze %dma_wait3A_72 : memref<1x80x128xi32, #tpu.memory_space<hbm>> -> memref<80x128xi32, #tpu.memory_space<hbm>>
      tpu.wait_dma2 semaphore(%run_scoped3A : memref<!tpu.dma_semaphore, #tpu.memory_space<semaphore_mem>>) src(%dma_wait3A_73 : memref<80x128xi32, #tpu.memory_space<hbm>>) dst(%arg7 : memref<80x128xi32, #tpu.memory_space<vmem>>)
      tpu.yield
    }) : () -> ()
    "tpu.region"() ({
      %run_scoped3A = tpu.sem_alloc : memref<!tpu.dma_semaphore, #tpu.memory_space<semaphore_mem>>
      %dma_start3A_58 = arith.constant 0 : i32
      %dma_start3A_59 = arith.constant 0 : i32
      %dma_start3A_60 = tpu.memref_slice %arg4[%add3A, %dma_start3A_58, %dma_start3A_59] : memref<32x80x128xi32, #tpu.memory_space<hbm>> -> memref<1x80x128xi32, #tpu.memory_space<hbm>>
      %dma_start3A_61 = tpu.memref_squeeze %dma_start3A_60 : memref<1x80x128xi32, #tpu.memory_space<hbm>> -> memref<80x128xi32, #tpu.memory_space<hbm>>
      %dma_start3A_62 = arith.constant 0 : i32
      %dma_start3A_63 = arith.constant 0 : i32
      %dma_start3A_64 = tpu.memref_slice %arg4[%add3A, %dma_start3A_62, %dma_start3A_63] : memref<32x80x128xi32, #tpu.memory_space<hbm>> -> memref<1x80x128xi32, #tpu.memory_space<hbm>>
      %dma_start3A_65 = tpu.memref_squeeze %dma_start3A_64 : memref<1x80x128xi32, #tpu.memory_space<hbm>> -> memref<80x128xi32, #tpu.memory_space<hbm>>
      tpu.enqueue_dma source(%dma_start3A_65 : memref<80x128xi32, #tpu.memory_space<hbm>>) target(%arg8 : memref<80x128xi32, #tpu.memory_space<vmem>>) target_semaphore(%run_scoped3A : memref<!tpu.dma_semaphore, #tpu.memory_space<semaphore_mem>>)
      %dma_wait3A_66 = arith.constant 0 : i32
      %dma_wait3A_67 = arith.constant 0 : i32
      %dma_wait3A_68 = tpu.memref_slice %arg4[%add3A, %dma_wait3A_66, %dma_wait3A_67] : memref<32x80x128xi32, #tpu.memory_space<hbm>> -> memref<1x80x128xi32, #tpu.memory_space<hbm>>
      %dma_wait3A_69 = tpu.memref_squeeze %dma_wait3A_68 : memref<1x80x128xi32, #tpu.memory_space<hbm>> -> memref<80x128xi32, #tpu.memory_space<hbm>>
      %dma_wait3A_70 = arith.constant 0 : i32
      %dma_wait3A_71 = arith.constant 0 : i32
      %dma_wait3A_72 = tpu.memref_slice %arg4[%add3A, %dma_wait3A_70, %dma_wait3A_71] : memref<32x80x128xi32, #tpu.memory_space<hbm>> -> memref<1x80x128xi32, #tpu.memory_space<hbm>>
      %dma_wait3A_73 = tpu.memref_squeeze %dma_wait3A_72 : memref<1x80x128xi32, #tpu.memory_space<hbm>> -> memref<80x128xi32, #tpu.memory_space<hbm>>
      tpu.wait_dma2 semaphore(%run_scoped3A : memref<!tpu.dma_semaphore, #tpu.memory_space<semaphore_mem>>) src(%dma_wait3A_73 : memref<80x128xi32, #tpu.memory_space<hbm>>) dst(%arg8 : memref<80x128xi32, #tpu.memory_space<vmem>>)
      tpu.yield
    }) : () -> ()
    %mul3A_1 = arith.constant 320 : i32
    %mul3A_2 = arith.muli %arg1, %mul3A_1 : i32
    "tpu.region"() ({
      %run_scoped3A = tpu.sem_alloc : memref<!tpu.dma_semaphore, #tpu.memory_space<semaphore_mem>>
      %dma_start3A_58 = arith.constant 0 : i32
      %dma_start3A_59 = tpu.memref_slice %arg10[%mul3A_2, %dma_start3A_58] : memref<5120x128xf32, #tpu.memory_space<vmem_shared>> -> memref<320x128xf32, #tpu.memory_space<vmem_shared>>
      tpu.enqueue_dma source(%arg5 : memref<320x128xf32, #tpu.memory_space<hbm>>) target(%dma_start3A_59 : memref<320x128xf32, #tpu.memory_space<vmem_shared>>) target_semaphore(%run_scoped3A : memref<!tpu.dma_semaphore, #tpu.memory_space<semaphore_mem>>)
      %dma_wait3A_60 = arith.constant 0 : i32
      %dma_wait3A_61 = tpu.memref_slice %arg10[%mul3A_2, %dma_wait3A_60] : memref<5120x128xf32, #tpu.memory_space<vmem_shared>> -> memref<320x128xf32, #tpu.memory_space<vmem_shared>>
      tpu.wait_dma2 semaphore(%run_scoped3A : memref<!tpu.dma_semaphore, #tpu.memory_space<semaphore_mem>>) src(%arg5 : memref<320x128xf32, #tpu.memory_space<hbm>>) dst(%dma_wait3A_61 : memref<320x128xf32, #tpu.memory_space<vmem_shared>>)
      tpu.yield
    }) : () -> ()
    %dma_start3A = arith.constant 0 : i32
    %dma_start3A_3 = arith.constant 0 : i32
    %dma_start3A_4 = arith.constant 0 : i32
    %dma_start3A_5 = arith.constant 0 : i32
    %dma_start3A_6 = tpu.memref_slice %arg9[%dma_start3A_3, %dma_start3A_4, %dma_start3A_5] : memref<4x128x128xf32, #tpu.memory_space<vmem>> -> memref<1x128x128xf32, #tpu.memory_space<vmem>>
    %dma_start3A_7 = tpu.memref_squeeze %dma_start3A_6 : memref<1x128x128xf32, #tpu.memory_space<vmem>> -> memref<128x128xf32, #tpu.memory_space<vmem>>
    %dma_start3A_8 = arith.constant 0 : i32
    %dma_start3A_9 = tpu.memref_slice %arg7[%dma_start3A, %dma_start3A_8] : memref<80x128xi32, #tpu.memory_space<vmem>> -> memref<1x128xi32, #tpu.memory_space<vmem>>
    %dma_start3A_10 = tpu.memref_squeeze %dma_start3A_9 : memref<1x128xi32, #tpu.memory_space<vmem>> -> memref<128xi32, #tpu.memory_space<vmem>>
    %dma_start3A_11 = arith.constant 0 : i32
    %dma_start3A_12 = arith.constant 0 : i32
    %dma_start3A_13 = tpu.memref_slice %arg2[%dma_start3A_11, %dma_start3A_12] : memref<20000x128xf32, #tpu.memory_space<hbm>> -> memref<20000x128xf32, #tpu.memory_space<hbm>>
    tpu.enqueue_indirect_dma source(%dma_start3A_13 : memref<20000x128xf32, #tpu.memory_space<hbm>>) target(%dma_start3A_7 : memref<128x128xf32, #tpu.memory_space<vmem>>) offsets(%dma_start3A_10 : memref<128xi32, #tpu.memory_space<vmem>>) semaphore(%arg11 : memref<!tpu.dma_semaphore, #tpu.memory_space<semaphore_mem>>)
    %dma_start3A_14 = arith.constant 1 : i32
    %dma_start3A_15 = arith.constant 1 : i32
    %dma_start3A_16 = arith.constant 0 : i32
    %dma_start3A_17 = arith.constant 0 : i32
    %dma_start3A_18 = tpu.memref_slice %arg9[%dma_start3A_15, %dma_start3A_16, %dma_start3A_17] : memref<4x128x128xf32, #tpu.memory_space<vmem>> -> memref<1x128x128xf32, #tpu.memory_space<vmem>>
    %dma_start3A_19 = tpu.memref_squeeze %dma_start3A_18 : memref<1x128x128xf32, #tpu.memory_space<vmem>> -> memref<128x128xf32, #tpu.memory_space<vmem>>
    %dma_start3A_20 = arith.constant 0 : i32
    %dma_start3A_21 = tpu.memref_slice %arg7[%dma_start3A_14, %dma_start3A_20] : memref<80x128xi32, #tpu.memory_space<vmem>> -> memref<1x128xi32, #tpu.memory_space<vmem>>
    %dma_start3A_22 = tpu.memref_squeeze %dma_start3A_21 : memref<1x128xi32, #tpu.memory_space<vmem>> -> memref<128xi32, #tpu.memory_space<vmem>>
    %dma_start3A_23 = arith.constant 0 : i32
    %dma_start3A_24 = arith.constant 0 : i32
    %dma_start3A_25 = tpu.memref_slice %arg2[%dma_start3A_23, %dma_start3A_24] : memref<20000x128xf32, #tpu.memory_space<hbm>> -> memref<20000x128xf32, #tpu.memory_space<hbm>>
    tpu.enqueue_indirect_dma source(%dma_start3A_25 : memref<20000x128xf32, #tpu.memory_space<hbm>>) target(%dma_start3A_19 : memref<128x128xf32, #tpu.memory_space<vmem>>) offsets(%dma_start3A_22 : memref<128xi32, #tpu.memory_space<vmem>>) semaphore(%arg11 : memref<!tpu.dma_semaphore, #tpu.memory_space<semaphore_mem>>)
    %scan3A = arith.constant 0 : i32
    %scan3A_26 = arith.constant 0 : i32
    %scan3A_27 = arith.constant 40 : i32
    %scan3A_28 = arith.addi %scan3A_26, %scan3A_27 : i32
    %scan3A_29 = arith.constant 1 : i32
    scf.for %scan3A_58 = %scan3A_26 to %scan3A_28 step %scan3A_29  : i32 {
      %rem3A = arith.constant 2 : i32
      %rem3A_59 = arith.remsi %scan3A_58, %rem3A : i32
      %eq3A = arith.constant 0 : i32
      %eq3A_60 = arith.cmpi eq, %rem3A_59, %eq3A : i32
      %convert_element_type3A = arith.extui %eq3A_60 : i1 to i32
      %cond3A = arith.constant 0 : i32
      %cond3A_61 = arith.cmpi ne, %convert_element_type3A, %cond3A : i32
      scf.if %cond3A_61 {
        %mul3A_66 = arith.constant 2 : i32
        %mul3A_67 = arith.muli %scan3A_58, %mul3A_66 : i32
        %dma_wait3A_68 = arith.constant 0 : i32
        %dma_wait3A_69 = arith.constant 0 : i32
        %dma_wait3A_70 = arith.constant 0 : i32
        %dma_wait3A_71 = arith.constant 0 : i32
        %dma_wait3A_72 = tpu.memref_slice %arg9[%dma_wait3A_69, %dma_wait3A_70, %dma_wait3A_71] : memref<4x128x128xf32, #tpu.memory_space<vmem>> -> memref<1x128x128xf32, #tpu.memory_space<vmem>>
        %dma_wait3A_73 = tpu.memref_squeeze %dma_wait3A_72 : memref<1x128x128xf32, #tpu.memory_space<vmem>> -> memref<128x128xf32, #tpu.memory_space<vmem>>
        %dma_wait3A_74 = arith.constant 0 : i32
        %dma_wait3A_75 = tpu.memref_slice %arg7[%dma_wait3A_68, %dma_wait3A_74] : memref<80x128xi32, #tpu.memory_space<vmem>> -> memref<1x128xi32, #tpu.memory_space<vmem>>
        %dma_wait3A_76 = tpu.memref_squeeze %dma_wait3A_75 : memref<1x128xi32, #tpu.memory_space<vmem>> -> memref<128xi32, #tpu.memory_space<vmem>>
        %dma_wait3A_77 = arith.constant 0 : i32
        %dma_wait3A_78 = arith.constant 0 : i32
        %dma_wait3A_79 = tpu.memref_slice %arg2[%dma_wait3A_77, %dma_wait3A_78] : memref<20000x128xf32, #tpu.memory_space<hbm>> -> memref<20000x128xf32, #tpu.memory_space<hbm>>
        tpu.wait_indirect_dma semaphore(%arg11 : memref<!tpu.dma_semaphore, #tpu.memory_space<semaphore_mem>>) src(%dma_wait3A_79 : memref<20000x128xf32, #tpu.memory_space<hbm>>) dst(%dma_wait3A_73 : memref<128x128xf32, #tpu.memory_space<vmem>>)
        %dma_wait3A_80 = arith.constant 0 : i32
        %dma_wait3A_81 = arith.constant 1 : i32
        %dma_wait3A_82 = arith.constant 0 : i32
        %dma_wait3A_83 = arith.constant 0 : i32
        %dma_wait3A_84 = tpu.memref_slice %arg9[%dma_wait3A_81, %dma_wait3A_82, %dma_wait3A_83] : memref<4x128x128xf32, #tpu.memory_space<vmem>> -> memref<1x128x128xf32, #tpu.memory_space<vmem>>
        %dma_wait3A_85 = tpu.memref_squeeze %dma_wait3A_84 : memref<1x128x128xf32, #tpu.memory_space<vmem>> -> memref<128x128xf32, #tpu.memory_space<vmem>>
        %dma_wait3A_86 = arith.constant 0 : i32
        %dma_wait3A_87 = tpu.memref_slice %arg7[%dma_wait3A_80, %dma_wait3A_86] : memref<80x128xi32, #tpu.memory_space<vmem>> -> memref<1x128xi32, #tpu.memory_space<vmem>>
        %dma_wait3A_88 = tpu.memref_squeeze %dma_wait3A_87 : memref<1x128xi32, #tpu.memory_space<vmem>> -> memref<128xi32, #tpu.memory_space<vmem>>
        %dma_wait3A_89 = arith.constant 0 : i32
        %dma_wait3A_90 = arith.constant 0 : i32
        %dma_wait3A_91 = tpu.memref_slice %arg2[%dma_wait3A_89, %dma_wait3A_90] : memref<20000x128xf32, #tpu.memory_space<hbm>> -> memref<20000x128xf32, #tpu.memory_space<hbm>>
        tpu.wait_indirect_dma semaphore(%arg11 : memref<!tpu.dma_semaphore, #tpu.memory_space<semaphore_mem>>) src(%dma_wait3A_91 : memref<20000x128xf32, #tpu.memory_space<hbm>>) dst(%dma_wait3A_85 : memref<128x128xf32, #tpu.memory_space<vmem>>)
        %add3A_92 = arith.constant 0 : i32
        %add3A_93 = arith.addi %mul3A_67, %add3A_92 : i32
        %dma_start3A_94 = arith.constant 0 : i32
        %dma_start3A_95 = arith.constant 0 : i32
        %dma_start3A_96 = arith.constant 0 : i32
        %dma_start3A_97 = tpu.memref_slice %arg9[%dma_start3A_94, %dma_start3A_95, %dma_start3A_96] : memref<4x128x128xf32, #tpu.memory_space<vmem>> -> memref<1x128x128xf32, #tpu.memory_space<vmem>>
        %dma_start3A_98 = tpu.memref_squeeze %dma_start3A_97 : memref<1x128x128xf32, #tpu.memory_space<vmem>> -> memref<128x128xf32, #tpu.memory_space<vmem>>
        %dma_start3A_99 = arith.constant 0 : i32
        %dma_start3A_100 = tpu.memref_slice %arg8[%add3A_93, %dma_start3A_99] : memref<80x128xi32, #tpu.memory_space<vmem>> -> memref<1x128xi32, #tpu.memory_space<vmem>>
        %dma_start3A_101 = tpu.memref_squeeze %dma_start3A_100 : memref<1x128xi32, #tpu.memory_space<vmem>> -> memref<128xi32, #tpu.memory_space<vmem>>
        %dma_start3A_102 = arith.constant 0 : i32
        %dma_start3A_103 = arith.constant 0 : i32
        %dma_start3A_104 = tpu.memref_slice %arg10[%dma_start3A_102, %dma_start3A_103] : memref<5120x128xf32, #tpu.memory_space<vmem_shared>> -> memref<5120x128xf32, #tpu.memory_space<vmem_shared>>
        tpu.enqueue_indirect_dma source(%dma_start3A_98 : memref<128x128xf32, #tpu.memory_space<vmem>>) target(%dma_start3A_104 : memref<5120x128xf32, #tpu.memory_space<vmem_shared>>) offsets(%dma_start3A_101 : memref<128xi32, #tpu.memory_space<vmem>>) semaphore(%arg12 : memref<!tpu.dma_semaphore, #tpu.memory_space<semaphore_mem>>) {add = true}
        %add3A_105 = arith.constant 1 : i32
        %add3A_106 = arith.addi %mul3A_67, %add3A_105 : i32
        %dma_start3A_107 = arith.constant 1 : i32
        %dma_start3A_108 = arith.constant 0 : i32
        %dma_start3A_109 = arith.constant 0 : i32
        %dma_start3A_110 = tpu.memref_slice %arg9[%dma_start3A_107, %dma_start3A_108, %dma_start3A_109] : memref<4x128x128xf32, #tpu.memory_space<vmem>> -> memref<1x128x128xf32, #tpu.memory_space<vmem>>
        %dma_start3A_111 = tpu.memref_squeeze %dma_start3A_110 : memref<1x128x128xf32, #tpu.memory_space<vmem>> -> memref<128x128xf32, #tpu.memory_space<vmem>>
        %dma_start3A_112 = arith.constant 0 : i32
        %dma_start3A_113 = tpu.memref_slice %arg8[%add3A_106, %dma_start3A_112] : memref<80x128xi32, #tpu.memory_space<vmem>> -> memref<1x128xi32, #tpu.memory_space<vmem>>
        %dma_start3A_114 = tpu.memref_squeeze %dma_start3A_113 : memref<1x128xi32, #tpu.memory_space<vmem>> -> memref<128xi32, #tpu.memory_space<vmem>>
        %dma_start3A_115 = arith.constant 0 : i32
        %dma_start3A_116 = arith.constant 0 : i32
        %dma_start3A_117 = tpu.memref_slice %arg10[%dma_start3A_115, %dma_start3A_116] : memref<5120x128xf32, #tpu.memory_space<vmem_shared>> -> memref<5120x128xf32, #tpu.memory_space<vmem_shared>>
        tpu.enqueue_indirect_dma source(%dma_start3A_111 : memref<128x128xf32, #tpu.memory_space<vmem>>) target(%dma_start3A_117 : memref<5120x128xf32, #tpu.memory_space<vmem_shared>>) offsets(%dma_start3A_114 : memref<128xi32, #tpu.memory_space<vmem>>) semaphore(%arg12 : memref<!tpu.dma_semaphore, #tpu.memory_space<semaphore_mem>>) {add = true}
        %gt3A = arith.constant 0 : i32
        %gt3A_118 = arith.cmpi sgt, %scan3A_58, %gt3A : i32
        %convert_element_type3A_119 = arith.extui %gt3A_118 : i1 to i32
        %cond3A_120 = arith.constant 0 : i32
        %cond3A_121 = arith.cmpi ne, %convert_element_type3A_119, %cond3A_120 : i32
        scf.if %cond3A_121 {
          %dma_wait3A_126 = arith.constant 2 : i32
          %dma_wait3A_127 = arith.constant 0 : i32
          %dma_wait3A_128 = arith.constant 0 : i32
          %dma_wait3A_129 = arith.constant 0 : i32
          %dma_wait3A_130 = tpu.memref_slice %arg9[%dma_wait3A_126, %dma_wait3A_128, %dma_wait3A_129] : memref<4x128x128xf32, #tpu.memory_space<vmem>> -> memref<1x128x128xf32, #tpu.memory_space<vmem>>
          %dma_wait3A_131 = tpu.memref_squeeze %dma_wait3A_130 : memref<1x128x128xf32, #tpu.memory_space<vmem>> -> memref<128x128xf32, #tpu.memory_space<vmem>>
          %dma_wait3A_132 = arith.constant 0 : i32
          %dma_wait3A_133 = tpu.memref_slice %arg8[%dma_wait3A_127, %dma_wait3A_132] : memref<80x128xi32, #tpu.memory_space<vmem>> -> memref<1x128xi32, #tpu.memory_space<vmem>>
          %dma_wait3A_134 = tpu.memref_squeeze %dma_wait3A_133 : memref<1x128xi32, #tpu.memory_space<vmem>> -> memref<128xi32, #tpu.memory_space<vmem>>
          %dma_wait3A_135 = arith.constant 0 : i32
          %dma_wait3A_136 = arith.constant 0 : i32
          %dma_wait3A_137 = tpu.memref_slice %arg10[%dma_wait3A_135, %dma_wait3A_136] : memref<5120x128xf32, #tpu.memory_space<vmem_shared>> -> memref<5120x128xf32, #tpu.memory_space<vmem_shared>>
          tpu.wait_indirect_dma semaphore(%arg13 : memref<!tpu.dma_semaphore, #tpu.memory_space<semaphore_mem>>) src(%dma_wait3A_131 : memref<128x128xf32, #tpu.memory_space<vmem>>) dst(%dma_wait3A_137 : memref<5120x128xf32, #tpu.memory_space<vmem_shared>>)
          %dma_wait3A_138 = arith.constant 3 : i32
          %dma_wait3A_139 = arith.constant 0 : i32
          %dma_wait3A_140 = arith.constant 0 : i32
          %dma_wait3A_141 = arith.constant 0 : i32
          %dma_wait3A_142 = tpu.memref_slice %arg9[%dma_wait3A_138, %dma_wait3A_140, %dma_wait3A_141] : memref<4x128x128xf32, #tpu.memory_space<vmem>> -> memref<1x128x128xf32, #tpu.memory_space<vmem>>
          %dma_wait3A_143 = tpu.memref_squeeze %dma_wait3A_142 : memref<1x128x128xf32, #tpu.memory_space<vmem>> -> memref<128x128xf32, #tpu.memory_space<vmem>>
          %dma_wait3A_144 = arith.constant 0 : i32
          %dma_wait3A_145 = tpu.memref_slice %arg8[%dma_wait3A_139, %dma_wait3A_144] : memref<80x128xi32, #tpu.memory_space<vmem>> -> memref<1x128xi32, #tpu.memory_space<vmem>>
          %dma_wait3A_146 = tpu.memref_squeeze %dma_wait3A_145 : memref<1x128xi32, #tpu.memory_space<vmem>> -> memref<128xi32, #tpu.memory_space<vmem>>
          %dma_wait3A_147 = arith.constant 0 : i32
          %dma_wait3A_148 = arith.constant 0 : i32
          %dma_wait3A_149 = tpu.memref_slice %arg10[%dma_wait3A_147, %dma_wait3A_148] : memref<5120x128xf32, #tpu.memory_space<vmem_shared>> -> memref<5120x128xf32, #tpu.memory_space<vmem_shared>>
          tpu.wait_indirect_dma semaphore(%arg13 : memref<!tpu.dma_semaphore, #tpu.memory_space<semaphore_mem>>) src(%dma_wait3A_143 : memref<128x128xf32, #tpu.memory_space<vmem>>) dst(%dma_wait3A_149 : memref<5120x128xf32, #tpu.memory_space<vmem_shared>>)
        } else {
        }
        %lt3A = arith.constant 39 : i32
        %lt3A_122 = arith.cmpi slt, %scan3A_58, %lt3A : i32
        %convert_element_type3A_123 = arith.extui %lt3A_122 : i1 to i32
        %cond3A_124 = arith.constant 0 : i32
        %cond3A_125 = arith.cmpi ne, %convert_element_type3A_123, %cond3A_124 : i32
        scf.if %cond3A_125 {
          %add3A_126 = arith.constant 2 : i32
          %add3A_127 = arith.addi %mul3A_67, %add3A_126 : i32
          %add3A_128 = arith.constant 0 : i32
          %add3A_129 = arith.addi %add3A_127, %add3A_128 : i32
          %dma_start3A_130 = arith.constant 2 : i32
          %dma_start3A_131 = arith.constant 0 : i32
          %dma_start3A_132 = arith.constant 0 : i32
          %dma_start3A_133 = tpu.memref_slice %arg9[%dma_start3A_130, %dma_start3A_131, %dma_start3A_132] : memref<4x128x128xf32, #tpu.memory_space<vmem>> -> memref<1x128x128xf32, #tpu.memory_space<vmem>>
          %dma_start3A_134 = tpu.memref_squeeze %dma_start3A_133 : memref<1x128x128xf32, #tpu.memory_space<vmem>> -> memref<128x128xf32, #tpu.memory_space<vmem>>
          %dma_start3A_135 = arith.constant 0 : i32
          %dma_start3A_136 = tpu.memref_slice %arg7[%add3A_129, %dma_start3A_135] : memref<80x128xi32, #tpu.memory_space<vmem>> -> memref<1x128xi32, #tpu.memory_space<vmem>>
          %dma_start3A_137 = tpu.memref_squeeze %dma_start3A_136 : memref<1x128xi32, #tpu.memory_space<vmem>> -> memref<128xi32, #tpu.memory_space<vmem>>
          %dma_start3A_138 = arith.constant 0 : i32
          %dma_start3A_139 = arith.constant 0 : i32
          %dma_start3A_140 = tpu.memref_slice %arg2[%dma_start3A_138, %dma_start3A_139] : memref<20000x128xf32, #tpu.memory_space<hbm>> -> memref<20000x128xf32, #tpu.memory_space<hbm>>
          tpu.enqueue_indirect_dma source(%dma_start3A_140 : memref<20000x128xf32, #tpu.memory_space<hbm>>) target(%dma_start3A_134 : memref<128x128xf32, #tpu.memory_space<vmem>>) offsets(%dma_start3A_137 : memref<128xi32, #tpu.memory_space<vmem>>) semaphore(%arg11 : memref<!tpu.dma_semaphore, #tpu.memory_space<semaphore_mem>>)
          %add3A_141 = arith.constant 2 : i32
          %add3A_142 = arith.addi %mul3A_67, %add3A_141 : i32
          %add3A_143 = arith.constant 1 : i32
          %add3A_144 = arith.addi %add3A_142, %add3A_143 : i32
          %dma_start3A_145 = arith.constant 3 : i32
          %dma_start3A_146 = arith.constant 0 : i32
          %dma_start3A_147 = arith.constant 0 : i32
          %dma_start3A_148 = tpu.memref_slice %arg9[%dma_start3A_145, %dma_start3A_146, %dma_start3A_147] : memref<4x128x128xf32, #tpu.memory_space<vmem>> -> memref<1x128x128xf32, #tpu.memory_space<vmem>>
          %dma_start3A_149 = tpu.memref_squeeze %dma_start3A_148 : memref<1x128x128xf32, #tpu.memory_space<vmem>> -> memref<128x128xf32, #tpu.memory_space<vmem>>
          %dma_start3A_150 = arith.constant 0 : i32
          %dma_start3A_151 = tpu.memref_slice %arg7[%add3A_144, %dma_start3A_150] : memref<80x128xi32, #tpu.memory_space<vmem>> -> memref<1x128xi32, #tpu.memory_space<vmem>>
          %dma_start3A_152 = tpu.memref_squeeze %dma_start3A_151 : memref<1x128xi32, #tpu.memory_space<vmem>> -> memref<128xi32, #tpu.memory_space<vmem>>
          %dma_start3A_153 = arith.constant 0 : i32
          %dma_start3A_154 = arith.constant 0 : i32
          %dma_start3A_155 = tpu.memref_slice %arg2[%dma_start3A_153, %dma_start3A_154] : memref<20000x128xf32, #tpu.memory_space<hbm>> -> memref<20000x128xf32, #tpu.memory_space<hbm>>
          tpu.enqueue_indirect_dma source(%dma_start3A_155 : memref<20000x128xf32, #tpu.memory_space<hbm>>) target(%dma_start3A_149 : memref<128x128xf32, #tpu.memory_space<vmem>>) offsets(%dma_start3A_152 : memref<128xi32, #tpu.memory_space<vmem>>) semaphore(%arg11 : memref<!tpu.dma_semaphore, #tpu.memory_space<semaphore_mem>>)
        } else {
        }
      } else {
      }
      %not3A = arith.constant true
      %not3A_62 = arith.xori %eq3A_60, %not3A : i1
      %convert_element_type3A_63 = arith.extui %not3A_62 : i1 to i32
      %cond3A_64 = arith.constant 0 : i32
      %cond3A_65 = arith.cmpi ne, %convert_element_type3A_63, %cond3A_64 : i32
      scf.if %cond3A_65 {
        %mul3A_66 = arith.constant 2 : i32
        %mul3A_67 = arith.muli %scan3A_58, %mul3A_66 : i32
        %dma_wait3A_68 = arith.constant 0 : i32
        %dma_wait3A_69 = arith.constant 2 : i32
        %dma_wait3A_70 = arith.constant 0 : i32
        %dma_wait3A_71 = arith.constant 0 : i32
        %dma_wait3A_72 = tpu.memref_slice %arg9[%dma_wait3A_69, %dma_wait3A_70, %dma_wait3A_71] : memref<4x128x128xf32, #tpu.memory_space<vmem>> -> memref<1x128x128xf32, #tpu.memory_space<vmem>>
        %dma_wait3A_73 = tpu.memref_squeeze %dma_wait3A_72 : memref<1x128x128xf32, #tpu.memory_space<vmem>> -> memref<128x128xf32, #tpu.memory_space<vmem>>
        %dma_wait3A_74 = arith.constant 0 : i32
        %dma_wait3A_75 = tpu.memref_slice %arg7[%dma_wait3A_68, %dma_wait3A_74] : memref<80x128xi32, #tpu.memory_space<vmem>> -> memref<1x128xi32, #tpu.memory_space<vmem>>
        %dma_wait3A_76 = tpu.memref_squeeze %dma_wait3A_75 : memref<1x128xi32, #tpu.memory_space<vmem>> -> memref<128xi32, #tpu.memory_space<vmem>>
        %dma_wait3A_77 = arith.constant 0 : i32
        %dma_wait3A_78 = arith.constant 0 : i32
        %dma_wait3A_79 = tpu.memref_slice %arg2[%dma_wait3A_77, %dma_wait3A_78] : memref<20000x128xf32, #tpu.memory_space<hbm>> -> memref<20000x128xf32, #tpu.memory_space<hbm>>
        tpu.wait_indirect_dma semaphore(%arg11 : memref<!tpu.dma_semaphore, #tpu.memory_space<semaphore_mem>>) src(%dma_wait3A_79 : memref<20000x128xf32, #tpu.memory_space<hbm>>) dst(%dma_wait3A_73 : memref<128x128xf32, #tpu.memory_space<vmem>>)
        %dma_wait3A_80 = arith.constant 0 : i32
        %dma_wait3A_81 = arith.constant 3 : i32
        %dma_wait3A_82 = arith.constant 0 : i32
        %dma_wait3A_83 = arith.constant 0 : i32
        %dma_wait3A_84 = tpu.memref_slice %arg9[%dma_wait3A_81, %dma_wait3A_82, %dma_wait3A_83] : memref<4x128x128xf32, #tpu.memory_space<vmem>> -> memref<1x128x128xf32, #tpu.memory_space<vmem>>
        %dma_wait3A_85 = tpu.memref_squeeze %dma_wait3A_84 : memref<1x128x128xf32, #tpu.memory_space<vmem>> -> memref<128x128xf32, #tpu.memory_space<vmem>>
        %dma_wait3A_86 = arith.constant 0 : i32
        %dma_wait3A_87 = tpu.memref_slice %arg7[%dma_wait3A_80, %dma_wait3A_86] : memref<80x128xi32, #tpu.memory_space<vmem>> -> memref<1x128xi32, #tpu.memory_space<vmem>>
        %dma_wait3A_88 = tpu.memref_squeeze %dma_wait3A_87 : memref<1x128xi32, #tpu.memory_space<vmem>> -> memref<128xi32, #tpu.memory_space<vmem>>
        %dma_wait3A_89 = arith.constant 0 : i32
        %dma_wait3A_90 = arith.constant 0 : i32
        %dma_wait3A_91 = tpu.memref_slice %arg2[%dma_wait3A_89, %dma_wait3A_90] : memref<20000x128xf32, #tpu.memory_space<hbm>> -> memref<20000x128xf32, #tpu.memory_space<hbm>>
        tpu.wait_indirect_dma semaphore(%arg11 : memref<!tpu.dma_semaphore, #tpu.memory_space<semaphore_mem>>) src(%dma_wait3A_91 : memref<20000x128xf32, #tpu.memory_space<hbm>>) dst(%dma_wait3A_85 : memref<128x128xf32, #tpu.memory_space<vmem>>)
        %add3A_92 = arith.constant 0 : i32
        %add3A_93 = arith.addi %mul3A_67, %add3A_92 : i32
        %dma_start3A_94 = arith.constant 2 : i32
        %dma_start3A_95 = arith.constant 0 : i32
        %dma_start3A_96 = arith.constant 0 : i32
        %dma_start3A_97 = tpu.memref_slice %arg9[%dma_start3A_94, %dma_start3A_95, %dma_start3A_96] : memref<4x128x128xf32, #tpu.memory_space<vmem>> -> memref<1x128x128xf32, #tpu.memory_space<vmem>>
        %dma_start3A_98 = tpu.memref_squeeze %dma_start3A_97 : memref<1x128x128xf32, #tpu.memory_space<vmem>> -> memref<128x128xf32, #tpu.memory_space<vmem>>
        %dma_start3A_99 = arith.constant 0 : i32
        %dma_start3A_100 = tpu.memref_slice %arg8[%add3A_93, %dma_start3A_99] : memref<80x128xi32, #tpu.memory_space<vmem>> -> memref<1x128xi32, #tpu.memory_space<vmem>>
        %dma_start3A_101 = tpu.memref_squeeze %dma_start3A_100 : memref<1x128xi32, #tpu.memory_space<vmem>> -> memref<128xi32, #tpu.memory_space<vmem>>
        %dma_start3A_102 = arith.constant 0 : i32
        %dma_start3A_103 = arith.constant 0 : i32
        %dma_start3A_104 = tpu.memref_slice %arg10[%dma_start3A_102, %dma_start3A_103] : memref<5120x128xf32, #tpu.memory_space<vmem_shared>> -> memref<5120x128xf32, #tpu.memory_space<vmem_shared>>
        tpu.enqueue_indirect_dma source(%dma_start3A_98 : memref<128x128xf32, #tpu.memory_space<vmem>>) target(%dma_start3A_104 : memref<5120x128xf32, #tpu.memory_space<vmem_shared>>) offsets(%dma_start3A_101 : memref<128xi32, #tpu.memory_space<vmem>>) semaphore(%arg13 : memref<!tpu.dma_semaphore, #tpu.memory_space<semaphore_mem>>) {add = true}
        %add3A_105 = arith.constant 1 : i32
        %add3A_106 = arith.addi %mul3A_67, %add3A_105 : i32
        %dma_start3A_107 = arith.constant 3 : i32
        %dma_start3A_108 = arith.constant 0 : i32
        %dma_start3A_109 = arith.constant 0 : i32
        %dma_start3A_110 = tpu.memref_slice %arg9[%dma_start3A_107, %dma_start3A_108, %dma_start3A_109] : memref<4x128x128xf32, #tpu.memory_space<vmem>> -> memref<1x128x128xf32, #tpu.memory_space<vmem>>
        %dma_start3A_111 = tpu.memref_squeeze %dma_start3A_110 : memref<1x128x128xf32, #tpu.memory_space<vmem>> -> memref<128x128xf32, #tpu.memory_space<vmem>>
        %dma_start3A_112 = arith.constant 0 : i32
        %dma_start3A_113 = tpu.memref_slice %arg8[%add3A_106, %dma_start3A_112] : memref<80x128xi32, #tpu.memory_space<vmem>> -> memref<1x128xi32, #tpu.memory_space<vmem>>
        %dma_start3A_114 = tpu.memref_squeeze %dma_start3A_113 : memref<1x128xi32, #tpu.memory_space<vmem>> -> memref<128xi32, #tpu.memory_space<vmem>>
        %dma_start3A_115 = arith.constant 0 : i32
        %dma_start3A_116 = arith.constant 0 : i32
        %dma_start3A_117 = tpu.memref_slice %arg10[%dma_start3A_115, %dma_start3A_116] : memref<5120x128xf32, #tpu.memory_space<vmem_shared>> -> memref<5120x128xf32, #tpu.memory_space<vmem_shared>>
        tpu.enqueue_indirect_dma source(%dma_start3A_111 : memref<128x128xf32, #tpu.memory_space<vmem>>) target(%dma_start3A_117 : memref<5120x128xf32, #tpu.memory_space<vmem_shared>>) offsets(%dma_start3A_114 : memref<128xi32, #tpu.memory_space<vmem>>) semaphore(%arg13 : memref<!tpu.dma_semaphore, #tpu.memory_space<semaphore_mem>>) {add = true}
        %gt3A = arith.constant 0 : i32
        %gt3A_118 = arith.cmpi sgt, %scan3A_58, %gt3A : i32
        %convert_element_type3A_119 = arith.extui %gt3A_118 : i1 to i32
        %cond3A_120 = arith.constant 0 : i32
        %cond3A_121 = arith.cmpi ne, %convert_element_type3A_119, %cond3A_120 : i32
        scf.if %cond3A_121 {
          %dma_wait3A_126 = arith.constant 0 : i32
          %dma_wait3A_127 = arith.constant 0 : i32
          %dma_wait3A_128 = arith.constant 0 : i32
          %dma_wait3A_129 = arith.constant 0 : i32
          %dma_wait3A_130 = tpu.memref_slice %arg9[%dma_wait3A_126, %dma_wait3A_128, %dma_wait3A_129] : memref<4x128x128xf32, #tpu.memory_space<vmem>> -> memref<1x128x128xf32, #tpu.memory_space<vmem>>
          %dma_wait3A_131 = tpu.memref_squeeze %dma_wait3A_130 : memref<1x128x128xf32, #tpu.memory_space<vmem>> -> memref<128x128xf32, #tpu.memory_space<vmem>>
          %dma_wait3A_132 = arith.constant 0 : i32
          %dma_wait3A_133 = tpu.memref_slice %arg8[%dma_wait3A_127, %dma_wait3A_132] : memref<80x128xi32, #tpu.memory_space<vmem>> -> memref<1x128xi32, #tpu.memory_space<vmem>>
          %dma_wait3A_134 = tpu.memref_squeeze %dma_wait3A_133 : memref<1x128xi32, #tpu.memory_space<vmem>> -> memref<128xi32, #tpu.memory_space<vmem>>
          %dma_wait3A_135 = arith.constant 0 : i32
          %dma_wait3A_136 = arith.constant 0 : i32
          %dma_wait3A_137 = tpu.memref_slice %arg10[%dma_wait3A_135, %dma_wait3A_136] : memref<5120x128xf32, #tpu.memory_space<vmem_shared>> -> memref<5120x128xf32, #tpu.memory_space<vmem_shared>>
          tpu.wait_indirect_dma semaphore(%arg12 : memref<!tpu.dma_semaphore, #tpu.memory_space<semaphore_mem>>) src(%dma_wait3A_131 : memref<128x128xf32, #tpu.memory_space<vmem>>) dst(%dma_wait3A_137 : memref<5120x128xf32, #tpu.memory_space<vmem_shared>>)
          %dma_wait3A_138 = arith.constant 1 : i32
          %dma_wait3A_139 = arith.constant 0 : i32
          %dma_wait3A_140 = arith.constant 0 : i32
          %dma_wait3A_141 = arith.constant 0 : i32
          %dma_wait3A_142 = tpu.memref_slice %arg9[%dma_wait3A_138, %dma_wait3A_140, %dma_wait3A_141] : memref<4x128x128xf32, #tpu.memory_space<vmem>> -> memref<1x128x128xf32, #tpu.memory_space<vmem>>
          %dma_wait3A_143 = tpu.memref_squeeze %dma_wait3A_142 : memref<1x128x128xf32, #tpu.memory_space<vmem>> -> memref<128x128xf32, #tpu.memory_space<vmem>>
          %dma_wait3A_144 = arith.constant 0 : i32
          %dma_wait3A_145 = tpu.memref_slice %arg8[%dma_wait3A_139, %dma_wait3A_144] : memref<80x128xi32, #tpu.memory_space<vmem>> -> memref<1x128xi32, #tpu.memory_space<vmem>>
          %dma_wait3A_146 = tpu.memref_squeeze %dma_wait3A_145 : memref<1x128xi32, #tpu.memory_space<vmem>> -> memref<128xi32, #tpu.memory_space<vmem>>
          %dma_wait3A_147 = arith.constant 0 : i32
          %dma_wait3A_148 = arith.constant 0 : i32
          %dma_wait3A_149 = tpu.memref_slice %arg10[%dma_wait3A_147, %dma_wait3A_148] : memref<5120x128xf32, #tpu.memory_space<vmem_shared>> -> memref<5120x128xf32, #tpu.memory_space<vmem_shared>>
          tpu.wait_indirect_dma semaphore(%arg12 : memref<!tpu.dma_semaphore, #tpu.memory_space<semaphore_mem>>) src(%dma_wait3A_143 : memref<128x128xf32, #tpu.memory_space<vmem>>) dst(%dma_wait3A_149 : memref<5120x128xf32, #tpu.memory_space<vmem_shared>>)
        } else {
        }
        %lt3A = arith.constant 39 : i32
        %lt3A_122 = arith.cmpi slt, %scan3A_58, %lt3A : i32
        %convert_element_type3A_123 = arith.extui %lt3A_122 : i1 to i32
        %cond3A_124 = arith.constant 0 : i32
        %cond3A_125 = arith.cmpi ne, %convert_element_type3A_123, %cond3A_124 : i32
        scf.if %cond3A_125 {
          %add3A_126 = arith.constant 2 : i32
          %add3A_127 = arith.addi %mul3A_67, %add3A_126 : i32
          %add3A_128 = arith.constant 0 : i32
          %add3A_129 = arith.addi %add3A_127, %add3A_128 : i32
          %dma_start3A_130 = arith.constant 0 : i32
          %dma_start3A_131 = arith.constant 0 : i32
          %dma_start3A_132 = arith.constant 0 : i32
          %dma_start3A_133 = tpu.memref_slice %arg9[%dma_start3A_130, %dma_start3A_131, %dma_start3A_132] : memref<4x128x128xf32, #tpu.memory_space<vmem>> -> memref<1x128x128xf32, #tpu.memory_space<vmem>>
          %dma_start3A_134 = tpu.memref_squeeze %dma_start3A_133 : memref<1x128x128xf32, #tpu.memory_space<vmem>> -> memref<128x128xf32, #tpu.memory_space<vmem>>
          %dma_start3A_135 = arith.constant 0 : i32
          %dma_start3A_136 = tpu.memref_slice %arg7[%add3A_129, %dma_start3A_135] : memref<80x128xi32, #tpu.memory_space<vmem>> -> memref<1x128xi32, #tpu.memory_space<vmem>>
          %dma_start3A_137 = tpu.memref_squeeze %dma_start3A_136 : memref<1x128xi32, #tpu.memory_space<vmem>> -> memref<128xi32, #tpu.memory_space<vmem>>
          %dma_start3A_138 = arith.constant 0 : i32
          %dma_start3A_139 = arith.constant 0 : i32
          %dma_start3A_140 = tpu.memref_slice %arg2[%dma_start3A_138, %dma_start3A_139] : memref<20000x128xf32, #tpu.memory_space<hbm>> -> memref<20000x128xf32, #tpu.memory_space<hbm>>
          tpu.enqueue_indirect_dma source(%dma_start3A_140 : memref<20000x128xf32, #tpu.memory_space<hbm>>) target(%dma_start3A_134 : memref<128x128xf32, #tpu.memory_space<vmem>>) offsets(%dma_start3A_137 : memref<128xi32, #tpu.memory_space<vmem>>) semaphore(%arg11 : memref<!tpu.dma_semaphore, #tpu.memory_space<semaphore_mem>>)
          %add3A_141 = arith.constant 2 : i32
          %add3A_142 = arith.addi %mul3A_67, %add3A_141 : i32
          %add3A_143 = arith.constant 1 : i32
          %add3A_144 = arith.addi %add3A_142, %add3A_143 : i32
          %dma_start3A_145 = arith.constant 1 : i32
          %dma_start3A_146 = arith.constant 0 : i32
          %dma_start3A_147 = arith.constant 0 : i32
          %dma_start3A_148 = tpu.memref_slice %arg9[%dma_start3A_145, %dma_start3A_146, %dma_start3A_147] : memref<4x128x128xf32, #tpu.memory_space<vmem>> -> memref<1x128x128xf32, #tpu.memory_space<vmem>>
          %dma_start3A_149 = tpu.memref_squeeze %dma_start3A_148 : memref<1x128x128xf32, #tpu.memory_space<vmem>> -> memref<128x128xf32, #tpu.memory_space<vmem>>
          %dma_start3A_150 = arith.constant 0 : i32
          %dma_start3A_151 = tpu.memref_slice %arg7[%add3A_144, %dma_start3A_150] : memref<80x128xi32, #tpu.memory_space<vmem>> -> memref<1x128xi32, #tpu.memory_space<vmem>>
          %dma_start3A_152 = tpu.memref_squeeze %dma_start3A_151 : memref<1x128xi32, #tpu.memory_space<vmem>> -> memref<128xi32, #tpu.memory_space<vmem>>
          %dma_start3A_153 = arith.constant 0 : i32
          %dma_start3A_154 = arith.constant 0 : i32
          %dma_start3A_155 = tpu.memref_slice %arg2[%dma_start3A_153, %dma_start3A_154] : memref<20000x128xf32, #tpu.memory_space<hbm>> -> memref<20000x128xf32, #tpu.memory_space<hbm>>
          tpu.enqueue_indirect_dma source(%dma_start3A_155 : memref<20000x128xf32, #tpu.memory_space<hbm>>) target(%dma_start3A_149 : memref<128x128xf32, #tpu.memory_space<vmem>>) offsets(%dma_start3A_152 : memref<128xi32, #tpu.memory_space<vmem>>) semaphore(%arg11 : memref<!tpu.dma_semaphore, #tpu.memory_space<semaphore_mem>>)
        } else {
        }
      } else {
      }
    }
    %scan3A_30 = arith.constant 40 : i32
    %dma_wait3A = arith.constant 2 : i32
    %dma_wait3A_31 = arith.constant 0 : i32
    %dma_wait3A_32 = arith.constant 0 : i32
    %dma_wait3A_33 = arith.constant 0 : i32
    %dma_wait3A_34 = tpu.memref_slice %arg9[%dma_wait3A, %dma_wait3A_32, %dma_wait3A_33] : memref<4x128x128xf32, #tpu.memory_space<vmem>> -> memref<1x128x128xf32, #tpu.memory_space<vmem>>
    %dma_wait3A_35 = tpu.memref_squeeze %dma_wait3A_34 : memref<1x128x128xf32, #tpu.memory_space<vmem>> -> memref<128x128xf32, #tpu.memory_space<vmem>>
    %dma_wait3A_36 = arith.constant 0 : i32
    %dma_wait3A_37 = tpu.memref_slice %arg8[%dma_wait3A_31, %dma_wait3A_36] : memref<80x128xi32, #tpu.memory_space<vmem>> -> memref<1x128xi32, #tpu.memory_space<vmem>>
    %dma_wait3A_38 = tpu.memref_squeeze %dma_wait3A_37 : memref<1x128xi32, #tpu.memory_space<vmem>> -> memref<128xi32, #tpu.memory_space<vmem>>
    %dma_wait3A_39 = arith.constant 0 : i32
    %dma_wait3A_40 = arith.constant 0 : i32
    %dma_wait3A_41 = tpu.memref_slice %arg10[%dma_wait3A_39, %dma_wait3A_40] : memref<5120x128xf32, #tpu.memory_space<vmem_shared>> -> memref<5120x128xf32, #tpu.memory_space<vmem_shared>>
    tpu.wait_indirect_dma semaphore(%arg13 : memref<!tpu.dma_semaphore, #tpu.memory_space<semaphore_mem>>) src(%dma_wait3A_35 : memref<128x128xf32, #tpu.memory_space<vmem>>) dst(%dma_wait3A_41 : memref<5120x128xf32, #tpu.memory_space<vmem_shared>>)
    %dma_wait3A_42 = arith.constant 3 : i32
    %dma_wait3A_43 = arith.constant 0 : i32
    %dma_wait3A_44 = arith.constant 0 : i32
    %dma_wait3A_45 = arith.constant 0 : i32
    %dma_wait3A_46 = tpu.memref_slice %arg9[%dma_wait3A_42, %dma_wait3A_44, %dma_wait3A_45] : memref<4x128x128xf32, #tpu.memory_space<vmem>> -> memref<1x128x128xf32, #tpu.memory_space<vmem>>
    %dma_wait3A_47 = tpu.memref_squeeze %dma_wait3A_46 : memref<1x128x128xf32, #tpu.memory_space<vmem>> -> memref<128x128xf32, #tpu.memory_space<vmem>>
    %dma_wait3A_48 = arith.constant 0 : i32
    %dma_wait3A_49 = tpu.memref_slice %arg8[%dma_wait3A_43, %dma_wait3A_48] : memref<80x128xi32, #tpu.memory_space<vmem>> -> memref<1x128xi32, #tpu.memory_space<vmem>>
    %dma_wait3A_50 = tpu.memref_squeeze %dma_wait3A_49 : memref<1x128xi32, #tpu.memory_space<vmem>> -> memref<128xi32, #tpu.memory_space<vmem>>
    %dma_wait3A_51 = arith.constant 0 : i32
    %dma_wait3A_52 = arith.constant 0 : i32
    %dma_wait3A_53 = tpu.memref_slice %arg10[%dma_wait3A_51, %dma_wait3A_52] : memref<5120x128xf32, #tpu.memory_space<vmem_shared>> -> memref<5120x128xf32, #tpu.memory_space<vmem_shared>>
    tpu.wait_indirect_dma semaphore(%arg13 : memref<!tpu.dma_semaphore, #tpu.memory_space<semaphore_mem>>) src(%dma_wait3A_47 : memref<128x128xf32, #tpu.memory_space<vmem>>) dst(%dma_wait3A_53 : memref<5120x128xf32, #tpu.memory_space<vmem_shared>>)
    %mul3A_54 = arith.constant 320 : i32
    %mul3A_55 = arith.muli %arg1, %mul3A_54 : i32
    %mul3A_56 = arith.constant 320 : i32
    %mul3A_57 = arith.muli %add3A, %mul3A_56 : i32
    "tpu.region"() ({
      %run_scoped3A = tpu.sem_alloc : memref<!tpu.dma_semaphore, #tpu.memory_space<semaphore_mem>>
      %dma_start3A_58 = arith.constant 0 : i32
      %dma_start3A_59 = tpu.memref_slice %arg6[%mul3A_57, %dma_start3A_58] : memref<10240x128xf32, #tpu.memory_space<hbm>> -> memref<320x128xf32, #tpu.memory_space<hbm>>
      %dma_start3A_60 = arith.constant 0 : i32
      %dma_start3A_61 = tpu.memref_slice %arg10[%mul3A_55, %dma_start3A_60] : memref<5120x128xf32, #tpu.memory_space<vmem_shared>> -> memref<320x128xf32, #tpu.memory_space<vmem_shared>>
      tpu.enqueue_dma source(%dma_start3A_61 : memref<320x128xf32, #tpu.memory_space<vmem_shared>>) target(%dma_start3A_59 : memref<320x128xf32, #tpu.memory_space<hbm>>) target_semaphore(%run_scoped3A : memref<!tpu.dma_semaphore, #tpu.memory_space<semaphore_mem>>)
      %dma_wait3A_62 = arith.constant 0 : i32
      %dma_wait3A_63 = tpu.memref_slice %arg6[%mul3A_57, %dma_wait3A_62] : memref<10240x128xf32, #tpu.memory_space<hbm>> -> memref<320x128xf32, #tpu.memory_space<hbm>>
      %dma_wait3A_64 = arith.constant 0 : i32
      %dma_wait3A_65 = tpu.memref_slice %arg10[%mul3A_55, %dma_wait3A_64] : memref<5120x128xf32, #tpu.memory_space<vmem_shared>> -> memref<320x128xf32, #tpu.memory_space<vmem_shared>>
      tpu.wait_dma2 semaphore(%run_scoped3A : memref<!tpu.dma_semaphore, #tpu.memory_space<semaphore_mem>>) src(%dma_wait3A_65 : memref<320x128xf32, #tpu.memory_space<vmem_shared>>) dst(%dma_wait3A_63 : memref<320x128xf32, #tpu.memory_space<hbm>>)
      tpu.yield
    }) : () -> ()
    return
  }
}

#map = affine_map<(d0, d1) -> (0, 0)>
#map1 = affine_map<(d0, d1) -> (0, 0, 0)>
module attributes {stable_mosaic.version = 14 : i64} {
  func.func @k(%arg0: i32, %arg1: i32, %arg2: memref<20000x128xf32, #tpu.memory_space<hbm>>, %arg3: memref<32x80x128xi32, #tpu.memory_space<hbm>>, %arg4: memref<32x80x128xi32, #tpu.memory_space<hbm>>, %arg5: memref<320x128xf32, #tpu.memory_space<hbm>>, %arg6: memref<10240x128xf32, #tpu.memory_space<hbm>>, %arg7: memref<80x128xi32, #tpu.memory_space<vmem>>, %arg8: memref<80x128xi32, #tpu.memory_space<vmem>>, %arg9: memref<4x128x128xf32, #tpu.memory_space<vmem>>, %arg10: memref<5120x128xf32, #tpu.memory_space<vmem_shared>>, %arg11: memref<!tpu.dma_semaphore, #tpu.memory_space<semaphore_mem>>, %arg12: memref<!tpu.dma_semaphore, #tpu.memory_space<semaphore_mem>>, %arg13: memref<!tpu.dma_semaphore, #tpu.memory_space<semaphore_mem>>) attributes {dimension_semantics = [#tpu.dimension_semantics<core_parallel>, #tpu.dimension_semantics<subcore_parallel>], iteration_bounds = array<i64: 2, 16>, scalar_prefetch = 0 : i64, scratch_operands = 7 : i64, tpu.core_type = #tpu.core_type<sc_vector_subcore>, window_params = [{transform_indices = #map}, {transform_indices = #map1}, {transform_indices = #map1}, {transform_indices = #map}, {transform_indices = #map}]} {
    %mul3A = arith.constant 2 : i32
    %mul3A_0 = arith.muli %arg1, %mul3A : i32
    %add3A = arith.addi %mul3A_0, %arg0 : i32
    "tpu.region"() ({
      %run_scoped3A = tpu.sem_alloc : memref<!tpu.dma_semaphore, #tpu.memory_space<semaphore_mem>>
      %dma_start3A_58 = arith.constant 0 : i32
      %dma_start3A_59 = arith.constant 0 : i32
      %dma_start3A_60 = tpu.memref_slice %arg3[%add3A, %dma_start3A_58, %dma_start3A_59] : memref<32x80x128xi32, #tpu.memory_space<hbm>> -> memref<1x80x128xi32, #tpu.memory_space<hbm>>
      %dma_start3A_61 = tpu.memref_squeeze %dma_start3A_60 : memref<1x80x128xi32, #tpu.memory_space<hbm>> -> memref<80x128xi32, #tpu.memory_space<hbm>>
      %dma_start3A_62 = arith.constant 0 : i32
      %dma_start3A_63 = arith.constant 0 : i32
      %dma_start3A_64 = tpu.memref_slice %arg3[%add3A, %dma_start3A_62, %dma_start3A_63] : memref<32x80x128xi32, #tpu.memory_space<hbm>> -> memref<1x80x128xi32, #tpu.memory_space<hbm>>
      %dma_start3A_65 = tpu.memref_squeeze %dma_start3A_64 : memref<1x80x128xi32, #tpu.memory_space<hbm>> -> memref<80x128xi32, #tpu.memory_space<hbm>>
      tpu.enqueue_dma source(%dma_start3A_65 : memref<80x128xi32, #tpu.memory_space<hbm>>) target(%arg7 : memref<80x128xi32, #tpu.memory_space<vmem>>) target_semaphore(%run_scoped3A : memref<!tpu.dma_semaphore, #tpu.memory_space<semaphore_mem>>)
      %dma_wait3A_66 = arith.constant 0 : i32
      %dma_wait3A_67 = arith.constant 0 : i32
      %dma_wait3A_68 = tpu.memref_slice %arg3[%add3A, %dma_wait3A_66, %dma_wait3A_67] : memref<32x80x128xi32, #tpu.memory_space<hbm>> -> memref<1x80x128xi32, #tpu.memory_space<hbm>>
      %dma_wait3A_69 = tpu.memref_squeeze %dma_wait3A_68 : memref<1x80x128xi32, #tpu.memory_space<hbm>> -> memref<80x128xi32, #tpu.memory_space<hbm>>
      %dma_wait3A_70 = arith.constant 0 : i32
      %dma_wait3A_71 = arith.constant 0 : i32
      %dma_wait3A_72 = tpu.memref_slice %arg3[%add3A, %dma_wait3A_70, %dma_wait3A_71] : memref<32x80x128xi32, #tpu.memory_space<hbm>> -> memref<1x80x128xi32, #tpu.memory_space<hbm>>
      %dma_wait3A_73 = tpu.memref_squeeze %dma_wait3A_72 : memref<1x80x128xi32, #tpu.memory_space<hbm>> -> memref<80x128xi32, #tpu.memory_space<hbm>>
      tpu.wait_dma2 semaphore(%run_scoped3A : memref<!tpu.dma_semaphore, #tpu.memory_space<semaphore_mem>>) src(%dma_wait3A_73 : memref<80x128xi32, #tpu.memory_space<hbm>>) dst(%arg7 : memref<80x128xi32, #tpu.memory_space<vmem>>)
      tpu.yield
    }) : () -> ()
    "tpu.region"() ({
      %run_scoped3A = tpu.sem_alloc : memref<!tpu.dma_semaphore, #tpu.memory_space<semaphore_mem>>
      %dma_start3A_58 = arith.constant 0 : i32
      %dma_start3A_59 = arith.constant 0 : i32
      %dma_start3A_60 = tpu.memref_slice %arg4[%add3A, %dma_start3A_58, %dma_start3A_59] : memref<32x80x128xi32, #tpu.memory_space<hbm>> -> memref<1x80x128xi32, #tpu.memory_space<hbm>>
      %dma_start3A_61 = tpu.memref_squeeze %dma_start3A_60 : memref<1x80x128xi32, #tpu.memory_space<hbm>> -> memref<80x128xi32, #tpu.memory_space<hbm>>
      %dma_start3A_62 = arith.constant 0 : i32
      %dma_start3A_63 = arith.constant 0 : i32
      %dma_start3A_64 = tpu.memref_slice %arg4[%add3A, %dma_start3A_62, %dma_start3A_63] : memref<32x80x128xi32, #tpu.memory_space<hbm>> -> memref<1x80x128xi32, #tpu.memory_space<hbm>>
      %dma_start3A_65 = tpu.memref_squeeze %dma_start3A_64 : memref<1x80x128xi32, #tpu.memory_space<hbm>> -> memref<80x128xi32, #tpu.memory_space<hbm>>
      tpu.enqueue_dma source(%dma_start3A_65 : memref<80x128xi32, #tpu.memory_space<hbm>>) target(%arg8 : memref<80x128xi32, #tpu.memory_space<vmem>>) target_semaphore(%run_scoped3A : memref<!tpu.dma_semaphore, #tpu.memory_space<semaphore_mem>>)
      %dma_wait3A_66 = arith.constant 0 : i32
      %dma_wait3A_67 = arith.constant 0 : i32
      %dma_wait3A_68 = tpu.memref_slice %arg4[%add3A, %dma_wait3A_66, %dma_wait3A_67] : memref<32x80x128xi32, #tpu.memory_space<hbm>> -> memref<1x80x128xi32, #tpu.memory_space<hbm>>
      %dma_wait3A_69 = tpu.memref_squeeze %dma_wait3A_68 : memref<1x80x128xi32, #tpu.memory_space<hbm>> -> memref<80x128xi32, #tpu.memory_space<hbm>>
      %dma_wait3A_70 = arith.constant 0 : i32
      %dma_wait3A_71 = arith.constant 0 : i32
      %dma_wait3A_72 = tpu.memref_slice %arg4[%add3A, %dma_wait3A_70, %dma_wait3A_71] : memref<32x80x128xi32, #tpu.memory_space<hbm>> -> memref<1x80x128xi32, #tpu.memory_space<hbm>>
      %dma_wait3A_73 = tpu.memref_squeeze %dma_wait3A_72 : memref<1x80x128xi32, #tpu.memory_space<hbm>> -> memref<80x128xi32, #tpu.memory_space<hbm>>
      tpu.wait_dma2 semaphore(%run_scoped3A : memref<!tpu.dma_semaphore, #tpu.memory_space<semaphore_mem>>) src(%dma_wait3A_73 : memref<80x128xi32, #tpu.memory_space<hbm>>) dst(%arg8 : memref<80x128xi32, #tpu.memory_space<vmem>>)
      tpu.yield
    }) : () -> ()
    %mul3A_1 = arith.constant 320 : i32
    %mul3A_2 = arith.muli %arg1, %mul3A_1 : i32
    "tpu.region"() ({
      %run_scoped3A = tpu.sem_alloc : memref<!tpu.dma_semaphore, #tpu.memory_space<semaphore_mem>>
      %dma_start3A_58 = arith.constant 0 : i32
      %dma_start3A_59 = tpu.memref_slice %arg10[%mul3A_2, %dma_start3A_58] : memref<5120x128xf32, #tpu.memory_space<vmem_shared>> -> memref<320x128xf32, #tpu.memory_space<vmem_shared>>
      tpu.enqueue_dma source(%arg5 : memref<320x128xf32, #tpu.memory_space<hbm>>) target(%dma_start3A_59 : memref<320x128xf32, #tpu.memory_space<vmem_shared>>) target_semaphore(%run_scoped3A : memref<!tpu.dma_semaphore, #tpu.memory_space<semaphore_mem>>)
      %dma_wait3A_60 = arith.constant 0 : i32
      %dma_wait3A_61 = tpu.memref_slice %arg10[%mul3A_2, %dma_wait3A_60] : memref<5120x128xf32, #tpu.memory_space<vmem_shared>> -> memref<320x128xf32, #tpu.memory_space<vmem_shared>>
      tpu.wait_dma2 semaphore(%run_scoped3A : memref<!tpu.dma_semaphore, #tpu.memory_space<semaphore_mem>>) src(%arg5 : memref<320x128xf32, #tpu.memory_space<hbm>>) dst(%dma_wait3A_61 : memref<320x128xf32, #tpu.memory_space<vmem_shared>>)
      tpu.yield
    }) : () -> ()
    %dma_start3A = arith.constant 0 : i32
    %dma_start3A_3 = arith.constant 0 : i32
    %dma_start3A_4 = arith.constant 0 : i32
    %dma_start3A_5 = arith.constant 0 : i32
    %dma_start3A_6 = tpu.memref_slice %arg9[%dma_start3A_3, %dma_start3A_4, %dma_start3A_5] : memref<4x128x128xf32, #tpu.memory_space<vmem>> -> memref<1x128x128xf32, #tpu.memory_space<vmem>>
    %dma_start3A_7 = tpu.memref_squeeze %dma_start3A_6 : memref<1x128x128xf32, #tpu.memory_space<vmem>> -> memref<128x128xf32, #tpu.memory_space<vmem>>
    %dma_start3A_8 = arith.constant 0 : i32
    %dma_start3A_9 = tpu.memref_slice %arg7[%dma_start3A, %dma_start3A_8] : memref<80x128xi32, #tpu.memory_space<vmem>> -> memref<1x128xi32, #tpu.memory_space<vmem>>
    %dma_start3A_10 = tpu.memref_squeeze %dma_start3A_9 : memref<1x128xi32, #tpu.memory_space<vmem>> -> memref<128xi32, #tpu.memory_space<vmem>>
    %dma_start3A_11 = arith.constant 0 : i32
    %dma_start3A_12 = arith.constant 0 : i32
    %dma_start3A_13 = tpu.memref_slice %arg2[%dma_start3A_11, %dma_start3A_12] : memref<20000x128xf32, #tpu.memory_space<hbm>> -> memref<20000x128xf32, #tpu.memory_space<hbm>>
    tpu.enqueue_indirect_dma source(%dma_start3A_13 : memref<20000x128xf32, #tpu.memory_space<hbm>>) target(%dma_start3A_7 : memref<128x128xf32, #tpu.memory_space<vmem>>) offsets(%dma_start3A_10 : memref<128xi32, #tpu.memory_space<vmem>>) semaphore(%arg11 : memref<!tpu.dma_semaphore, #tpu.memory_space<semaphore_mem>>)
    %dma_start3A_14 = arith.constant 1 : i32
    %dma_start3A_15 = arith.constant 1 : i32
    %dma_start3A_16 = arith.constant 0 : i32
    %dma_start3A_17 = arith.constant 0 : i32
    %dma_start3A_18 = tpu.memref_slice %arg9[%dma_start3A_15, %dma_start3A_16, %dma_start3A_17] : memref<4x128x128xf32, #tpu.memory_space<vmem>> -> memref<1x128x128xf32, #tpu.memory_space<vmem>>
    %dma_start3A_19 = tpu.memref_squeeze %dma_start3A_18 : memref<1x128x128xf32, #tpu.memory_space<vmem>> -> memref<128x128xf32, #tpu.memory_space<vmem>>
    %dma_start3A_20 = arith.constant 0 : i32
    %dma_start3A_21 = tpu.memref_slice %arg7[%dma_start3A_14, %dma_start3A_20] : memref<80x128xi32, #tpu.memory_space<vmem>> -> memref<1x128xi32, #tpu.memory_space<vmem>>
    %dma_start3A_22 = tpu.memref_squeeze %dma_start3A_21 : memref<1x128xi32, #tpu.memory_space<vmem>> -> memref<128xi32, #tpu.memory_space<vmem>>
    %dma_start3A_23 = arith.constant 0 : i32
    %dma_start3A_24 = arith.constant 0 : i32
    %dma_start3A_25 = tpu.memref_slice %arg2[%dma_start3A_23, %dma_start3A_24] : memref<20000x128xf32, #tpu.memory_space<hbm>> -> memref<20000x128xf32, #tpu.memory_space<hbm>>
    tpu.enqueue_indirect_dma source(%dma_start3A_25 : memref<20000x128xf32, #tpu.memory_space<hbm>>) target(%dma_start3A_19 : memref<128x128xf32, #tpu.memory_space<vmem>>) offsets(%dma_start3A_22 : memref<128xi32, #tpu.memory_space<vmem>>) semaphore(%arg11 : memref<!tpu.dma_semaphore, #tpu.memory_space<semaphore_mem>>)
    %scan3A = arith.constant 0 : i32
    %scan3A_26 = arith.constant 0 : i32
    %scan3A_27 = arith.constant 40 : i32
    %scan3A_28 = arith.addi %scan3A_26, %scan3A_27 : i32
    %scan3A_29 = arith.constant 1 : i32
    scf.for %scan3A_58 = %scan3A_26 to %scan3A_28 step %scan3A_29  : i32 {
      %rem3A = arith.constant 2 : i32
      %rem3A_59 = arith.remsi %scan3A_58, %rem3A : i32
      %eq3A = arith.constant 0 : i32
      %eq3A_60 = arith.cmpi eq, %rem3A_59, %eq3A : i32
      %convert_element_type3A = arith.extui %eq3A_60 : i1 to i32
      %cond3A = arith.constant 0 : i32
      %cond3A_61 = arith.cmpi ne, %convert_element_type3A, %cond3A : i32
      scf.if %cond3A_61 {
        %mul3A_66 = arith.constant 2 : i32
        %mul3A_67 = arith.muli %scan3A_58, %mul3A_66 : i32
        %dma_wait3A_68 = arith.constant 0 : i32
        %dma_wait3A_69 = arith.constant 0 : i32
        %dma_wait3A_70 = arith.constant 0 : i32
        %dma_wait3A_71 = arith.constant 0 : i32
        %dma_wait3A_72 = tpu.memref_slice %arg9[%dma_wait3A_69, %dma_wait3A_70, %dma_wait3A_71] : memref<4x128x128xf32, #tpu.memory_space<vmem>> -> memref<1x128x128xf32, #tpu.memory_space<vmem>>
        %dma_wait3A_73 = tpu.memref_squeeze %dma_wait3A_72 : memref<1x128x128xf32, #tpu.memory_space<vmem>> -> memref<128x128xf32, #tpu.memory_space<vmem>>
        %dma_wait3A_74 = arith.constant 0 : i32
        %dma_wait3A_75 = tpu.memref_slice %arg7[%dma_wait3A_68, %dma_wait3A_74] : memref<80x128xi32, #tpu.memory_space<vmem>> -> memref<1x128xi32, #tpu.memory_space<vmem>>
        %dma_wait3A_76 = tpu.memref_squeeze %dma_wait3A_75 : memref<1x128xi32, #tpu.memory_space<vmem>> -> memref<128xi32, #tpu.memory_space<vmem>>
        %dma_wait3A_77 = arith.constant 0 : i32
        %dma_wait3A_78 = arith.constant 0 : i32
        %dma_wait3A_79 = tpu.memref_slice %arg2[%dma_wait3A_77, %dma_wait3A_78] : memref<20000x128xf32, #tpu.memory_space<hbm>> -> memref<20000x128xf32, #tpu.memory_space<hbm>>
        tpu.wait_indirect_dma semaphore(%arg11 : memref<!tpu.dma_semaphore, #tpu.memory_space<semaphore_mem>>) src(%dma_wait3A_79 : memref<20000x128xf32, #tpu.memory_space<hbm>>) dst(%dma_wait3A_73 : memref<128x128xf32, #tpu.memory_space<vmem>>)
        %dma_wait3A_80 = arith.constant 0 : i32
        %dma_wait3A_81 = arith.constant 1 : i32
        %dma_wait3A_82 = arith.constant 0 : i32
        %dma_wait3A_83 = arith.constant 0 : i32
        %dma_wait3A_84 = tpu.memref_slice %arg9[%dma_wait3A_81, %dma_wait3A_82, %dma_wait3A_83] : memref<4x128x128xf32, #tpu.memory_space<vmem>> -> memref<1x128x128xf32, #tpu.memory_space<vmem>>
        %dma_wait3A_85 = tpu.memref_squeeze %dma_wait3A_84 : memref<1x128x128xf32, #tpu.memory_space<vmem>> -> memref<128x128xf32, #tpu.memory_space<vmem>>
        %dma_wait3A_86 = arith.constant 0 : i32
        %dma_wait3A_87 = tpu.memref_slice %arg7[%dma_wait3A_80, %dma_wait3A_86] : memref<80x128xi32, #tpu.memory_space<vmem>> -> memref<1x128xi32, #tpu.memory_space<vmem>>
        %dma_wait3A_88 = tpu.memref_squeeze %dma_wait3A_87 : memref<1x128xi32, #tpu.memory_space<vmem>> -> memref<128xi32, #tpu.memory_space<vmem>>
        %dma_wait3A_89 = arith.constant 0 : i32
        %dma_wait3A_90 = arith.constant 0 : i32
        %dma_wait3A_91 = tpu.memref_slice %arg2[%dma_wait3A_89, %dma_wait3A_90] : memref<20000x128xf32, #tpu.memory_space<hbm>> -> memref<20000x128xf32, #tpu.memory_space<hbm>>
        tpu.wait_indirect_dma semaphore(%arg11 : memref<!tpu.dma_semaphore, #tpu.memory_space<semaphore_mem>>) src(%dma_wait3A_91 : memref<20000x128xf32, #tpu.memory_space<hbm>>) dst(%dma_wait3A_85 : memref<128x128xf32, #tpu.memory_space<vmem>>)
        %add3A_92 = arith.constant 0 : i32
        %add3A_93 = arith.addi %mul3A_67, %add3A_92 : i32
        %dma_start3A_94 = arith.constant 0 : i32
        %dma_start3A_95 = arith.constant 0 : i32
        %dma_start3A_96 = arith.constant 0 : i32
        %dma_start3A_97 = tpu.memref_slice %arg9[%dma_start3A_94, %dma_start3A_95, %dma_start3A_96] : memref<4x128x128xf32, #tpu.memory_space<vmem>> -> memref<1x128x128xf32, #tpu.memory_space<vmem>>
        %dma_start3A_98 = tpu.memref_squeeze %dma_start3A_97 : memref<1x128x128xf32, #tpu.memory_space<vmem>> -> memref<128x128xf32, #tpu.memory_space<vmem>>
        %dma_start3A_99 = arith.constant 0 : i32
        %dma_start3A_100 = tpu.memref_slice %arg8[%add3A_93, %dma_start3A_99] : memref<80x128xi32, #tpu.memory_space<vmem>> -> memref<1x128xi32, #tpu.memory_space<vmem>>
        %dma_start3A_101 = tpu.memref_squeeze %dma_start3A_100 : memref<1x128xi32, #tpu.memory_space<vmem>> -> memref<128xi32, #tpu.memory_space<vmem>>
        %dma_start3A_102 = arith.constant 0 : i32
        %dma_start3A_103 = arith.constant 0 : i32
        %dma_start3A_104 = tpu.memref_slice %arg10[%dma_start3A_102, %dma_start3A_103] : memref<5120x128xf32, #tpu.memory_space<vmem_shared>> -> memref<5120x128xf32, #tpu.memory_space<vmem_shared>>
        tpu.enqueue_indirect_dma source(%dma_start3A_98 : memref<128x128xf32, #tpu.memory_space<vmem>>) target(%dma_start3A_104 : memref<5120x128xf32, #tpu.memory_space<vmem_shared>>) offsets(%dma_start3A_101 : memref<128xi32, #tpu.memory_space<vmem>>) semaphore(%arg12 : memref<!tpu.dma_semaphore, #tpu.memory_space<semaphore_mem>>) {add = true}
        %add3A_105 = arith.constant 1 : i32
        %add3A_106 = arith.addi %mul3A_67, %add3A_105 : i32
        %dma_start3A_107 = arith.constant 1 : i32
        %dma_start3A_108 = arith.constant 0 : i32
        %dma_start3A_109 = arith.constant 0 : i32
        %dma_start3A_110 = tpu.memref_slice %arg9[%dma_start3A_107, %dma_start3A_108, %dma_start3A_109] : memref<4x128x128xf32, #tpu.memory_space<vmem>> -> memref<1x128x128xf32, #tpu.memory_space<vmem>>
        %dma_start3A_111 = tpu.memref_squeeze %dma_start3A_110 : memref<1x128x128xf32, #tpu.memory_space<vmem>> -> memref<128x128xf32, #tpu.memory_space<vmem>>
        %dma_start3A_112 = arith.constant 0 : i32
        %dma_start3A_113 = tpu.memref_slice %arg8[%add3A_106, %dma_start3A_112] : memref<80x128xi32, #tpu.memory_space<vmem>> -> memref<1x128xi32, #tpu.memory_space<vmem>>
        %dma_start3A_114 = tpu.memref_squeeze %dma_start3A_113 : memref<1x128xi32, #tpu.memory_space<vmem>> -> memref<128xi32, #tpu.memory_space<vmem>>
        %dma_start3A_115 = arith.constant 0 : i32
        %dma_start3A_116 = arith.constant 0 : i32
        %dma_start3A_117 = tpu.memref_slice %arg10[%dma_start3A_115, %dma_start3A_116] : memref<5120x128xf32, #tpu.memory_space<vmem_shared>> -> memref<5120x128xf32, #tpu.memory_space<vmem_shared>>
        tpu.enqueue_indirect_dma source(%dma_start3A_111 : memref<128x128xf32, #tpu.memory_space<vmem>>) target(%dma_start3A_117 : memref<5120x128xf32, #tpu.memory_space<vmem_shared>>) offsets(%dma_start3A_114 : memref<128xi32, #tpu.memory_space<vmem>>) semaphore(%arg12 : memref<!tpu.dma_semaphore, #tpu.memory_space<semaphore_mem>>) {add = true}
        %gt3A = arith.constant 0 : i32
        %gt3A_118 = arith.cmpi sgt, %scan3A_58, %gt3A : i32
        %convert_element_type3A_119 = arith.extui %gt3A_118 : i1 to i32
        %cond3A_120 = arith.constant 0 : i32
        %cond3A_121 = arith.cmpi ne, %convert_element_type3A_119, %cond3A_120 : i32
        scf.if %cond3A_121 {
          %dma_wait3A_126 = arith.constant 2 : i32
          %dma_wait3A_127 = arith.constant 0 : i32
          %dma_wait3A_128 = arith.constant 0 : i32
          %dma_wait3A_129 = arith.constant 0 : i32
          %dma_wait3A_130 = tpu.memref_slice %arg9[%dma_wait3A_126, %dma_wait3A_128, %dma_wait3A_129] : memref<4x128x128xf32, #tpu.memory_space<vmem>> -> memref<1x128x128xf32, #tpu.memory_space<vmem>>
          %dma_wait3A_131 = tpu.memref_squeeze %dma_wait3A_130 : memref<1x128x128xf32, #tpu.memory_space<vmem>> -> memref<128x128xf32, #tpu.memory_space<vmem>>
          %dma_wait3A_132 = arith.constant 0 : i32
          %dma_wait3A_133 = tpu.memref_slice %arg8[%dma_wait3A_127, %dma_wait3A_132] : memref<80x128xi32, #tpu.memory_space<vmem>> -> memref<1x128xi32, #tpu.memory_space<vmem>>
          %dma_wait3A_134 = tpu.memref_squeeze %dma_wait3A_133 : memref<1x128xi32, #tpu.memory_space<vmem>> -> memref<128xi32, #tpu.memory_space<vmem>>
          %dma_wait3A_135 = arith.constant 0 : i32
          %dma_wait3A_136 = arith.constant 0 : i32
          %dma_wait3A_137 = tpu.memref_slice %arg10[%dma_wait3A_135, %dma_wait3A_136] : memref<5120x128xf32, #tpu.memory_space<vmem_shared>> -> memref<5120x128xf32, #tpu.memory_space<vmem_shared>>
          tpu.wait_indirect_dma semaphore(%arg13 : memref<!tpu.dma_semaphore, #tpu.memory_space<semaphore_mem>>) src(%dma_wait3A_131 : memref<128x128xf32, #tpu.memory_space<vmem>>) dst(%dma_wait3A_137 : memref<5120x128xf32, #tpu.memory_space<vmem_shared>>)
          %dma_wait3A_138 = arith.constant 3 : i32
          %dma_wait3A_139 = arith.constant 0 : i32
          %dma_wait3A_140 = arith.constant 0 : i32
          %dma_wait3A_141 = arith.constant 0 : i32
          %dma_wait3A_142 = tpu.memref_slice %arg9[%dma_wait3A_138, %dma_wait3A_140, %dma_wait3A_141] : memref<4x128x128xf32, #tpu.memory_space<vmem>> -> memref<1x128x128xf32, #tpu.memory_space<vmem>>
          %dma_wait3A_143 = tpu.memref_squeeze %dma_wait3A_142 : memref<1x128x128xf32, #tpu.memory_space<vmem>> -> memref<128x128xf32, #tpu.memory_space<vmem>>
          %dma_wait3A_144 = arith.constant 0 : i32
          %dma_wait3A_145 = tpu.memref_slice %arg8[%dma_wait3A_139, %dma_wait3A_144] : memref<80x128xi32, #tpu.memory_space<vmem>> -> memref<1x128xi32, #tpu.memory_space<vmem>>
          %dma_wait3A_146 = tpu.memref_squeeze %dma_wait3A_145 : memref<1x128xi32, #tpu.memory_space<vmem>> -> memref<128xi32, #tpu.memory_space<vmem>>
          %dma_wait3A_147 = arith.constant 0 : i32
          %dma_wait3A_148 = arith.constant 0 : i32
          %dma_wait3A_149 = tpu.memref_slice %arg10[%dma_wait3A_147, %dma_wait3A_148] : memref<5120x128xf32, #tpu.memory_space<vmem_shared>> -> memref<5120x128xf32, #tpu.memory_space<vmem_shared>>
          tpu.wait_indirect_dma semaphore(%arg13 : memref<!tpu.dma_semaphore, #tpu.memory_space<semaphore_mem>>) src(%dma_wait3A_143 : memref<128x128xf32, #tpu.memory_space<vmem>>) dst(%dma_wait3A_149 : memref<5120x128xf32, #tpu.memory_space<vmem_shared>>)
        } else {
        }
        %lt3A = arith.constant 39 : i32
        %lt3A_122 = arith.cmpi slt, %scan3A_58, %lt3A : i32
        %convert_element_type3A_123 = arith.extui %lt3A_122 : i1 to i32
        %cond3A_124 = arith.constant 0 : i32
        %cond3A_125 = arith.cmpi ne, %convert_element_type3A_123, %cond3A_124 : i32
        scf.if %cond3A_125 {
          %add3A_126 = arith.constant 2 : i32
          %add3A_127 = arith.addi %mul3A_67, %add3A_126 : i32
          %add3A_128 = arith.constant 0 : i32
          %add3A_129 = arith.addi %add3A_127, %add3A_128 : i32
          %dma_start3A_130 = arith.constant 2 : i32
          %dma_start3A_131 = arith.constant 0 : i32
          %dma_start3A_132 = arith.constant 0 : i32
          %dma_start3A_133 = tpu.memref_slice %arg9[%dma_start3A_130, %dma_start3A_131, %dma_start3A_132] : memref<4x128x128xf32, #tpu.memory_space<vmem>> -> memref<1x128x128xf32, #tpu.memory_space<vmem>>
          %dma_start3A_134 = tpu.memref_squeeze %dma_start3A_133 : memref<1x128x128xf32, #tpu.memory_space<vmem>> -> memref<128x128xf32, #tpu.memory_space<vmem>>
          %dma_start3A_135 = arith.constant 0 : i32
          %dma_start3A_136 = tpu.memref_slice %arg7[%add3A_129, %dma_start3A_135] : memref<80x128xi32, #tpu.memory_space<vmem>> -> memref<1x128xi32, #tpu.memory_space<vmem>>
          %dma_start3A_137 = tpu.memref_squeeze %dma_start3A_136 : memref<1x128xi32, #tpu.memory_space<vmem>> -> memref<128xi32, #tpu.memory_space<vmem>>
          %dma_start3A_138 = arith.constant 0 : i32
          %dma_start3A_139 = arith.constant 0 : i32
          %dma_start3A_140 = tpu.memref_slice %arg2[%dma_start3A_138, %dma_start3A_139] : memref<20000x128xf32, #tpu.memory_space<hbm>> -> memref<20000x128xf32, #tpu.memory_space<hbm>>
          tpu.enqueue_indirect_dma source(%dma_start3A_140 : memref<20000x128xf32, #tpu.memory_space<hbm>>) target(%dma_start3A_134 : memref<128x128xf32, #tpu.memory_space<vmem>>) offsets(%dma_start3A_137 : memref<128xi32, #tpu.memory_space<vmem>>) semaphore(%arg11 : memref<!tpu.dma_semaphore, #tpu.memory_space<semaphore_mem>>)
          %add3A_141 = arith.constant 2 : i32
          %add3A_142 = arith.addi %mul3A_67, %add3A_141 : i32
          %add3A_143 = arith.constant 1 : i32
          %add3A_144 = arith.addi %add3A_142, %add3A_143 : i32
          %dma_start3A_145 = arith.constant 3 : i32
          %dma_start3A_146 = arith.constant 0 : i32
          %dma_start3A_147 = arith.constant 0 : i32
          %dma_start3A_148 = tpu.memref_slice %arg9[%dma_start3A_145, %dma_start3A_146, %dma_start3A_147] : memref<4x128x128xf32, #tpu.memory_space<vmem>> -> memref<1x128x128xf32, #tpu.memory_space<vmem>>
          %dma_start3A_149 = tpu.memref_squeeze %dma_start3A_148 : memref<1x128x128xf32, #tpu.memory_space<vmem>> -> memref<128x128xf32, #tpu.memory_space<vmem>>
          %dma_start3A_150 = arith.constant 0 : i32
          %dma_start3A_151 = tpu.memref_slice %arg7[%add3A_144, %dma_start3A_150] : memref<80x128xi32, #tpu.memory_space<vmem>> -> memref<1x128xi32, #tpu.memory_space<vmem>>
          %dma_start3A_152 = tpu.memref_squeeze %dma_start3A_151 : memref<1x128xi32, #tpu.memory_space<vmem>> -> memref<128xi32, #tpu.memory_space<vmem>>
          %dma_start3A_153 = arith.constant 0 : i32
          %dma_start3A_154 = arith.constant 0 : i32
          %dma_start3A_155 = tpu.memref_slice %arg2[%dma_start3A_153, %dma_start3A_154] : memref<20000x128xf32, #tpu.memory_space<hbm>> -> memref<20000x128xf32, #tpu.memory_space<hbm>>
          tpu.enqueue_indirect_dma source(%dma_start3A_155 : memref<20000x128xf32, #tpu.memory_space<hbm>>) target(%dma_start3A_149 : memref<128x128xf32, #tpu.memory_space<vmem>>) offsets(%dma_start3A_152 : memref<128xi32, #tpu.memory_space<vmem>>) semaphore(%arg11 : memref<!tpu.dma_semaphore, #tpu.memory_space<semaphore_mem>>)
        } else {
        }
      } else {
      }
      %not3A = arith.constant true
      %not3A_62 = arith.xori %eq3A_60, %not3A : i1
      %convert_element_type3A_63 = arith.extui %not3A_62 : i1 to i32
      %cond3A_64 = arith.constant 0 : i32
      %cond3A_65 = arith.cmpi ne, %convert_element_type3A_63, %cond3A_64 : i32
      scf.if %cond3A_65 {
        %mul3A_66 = arith.constant 2 : i32
        %mul3A_67 = arith.muli %scan3A_58, %mul3A_66 : i32
        %dma_wait3A_68 = arith.constant 0 : i32
        %dma_wait3A_69 = arith.constant 2 : i32
        %dma_wait3A_70 = arith.constant 0 : i32
        %dma_wait3A_71 = arith.constant 0 : i32
        %dma_wait3A_72 = tpu.memref_slice %arg9[%dma_wait3A_69, %dma_wait3A_70, %dma_wait3A_71] : memref<4x128x128xf32, #tpu.memory_space<vmem>> -> memref<1x128x128xf32, #tpu.memory_space<vmem>>
        %dma_wait3A_73 = tpu.memref_squeeze %dma_wait3A_72 : memref<1x128x128xf32, #tpu.memory_space<vmem>> -> memref<128x128xf32, #tpu.memory_space<vmem>>
        %dma_wait3A_74 = arith.constant 0 : i32
        %dma_wait3A_75 = tpu.memref_slice %arg7[%dma_wait3A_68, %dma_wait3A_74] : memref<80x128xi32, #tpu.memory_space<vmem>> -> memref<1x128xi32, #tpu.memory_space<vmem>>
        %dma_wait3A_76 = tpu.memref_squeeze %dma_wait3A_75 : memref<1x128xi32, #tpu.memory_space<vmem>> -> memref<128xi32, #tpu.memory_space<vmem>>
        %dma_wait3A_77 = arith.constant 0 : i32
        %dma_wait3A_78 = arith.constant 0 : i32
        %dma_wait3A_79 = tpu.memref_slice %arg2[%dma_wait3A_77, %dma_wait3A_78] : memref<20000x128xf32, #tpu.memory_space<hbm>> -> memref<20000x128xf32, #tpu.memory_space<hbm>>
        tpu.wait_indirect_dma semaphore(%arg11 : memref<!tpu.dma_semaphore, #tpu.memory_space<semaphore_mem>>) src(%dma_wait3A_79 : memref<20000x128xf32, #tpu.memory_space<hbm>>) dst(%dma_wait3A_73 : memref<128x128xf32, #tpu.memory_space<vmem>>)
        %dma_wait3A_80 = arith.constant 0 : i32
        %dma_wait3A_81 = arith.constant 3 : i32
        %dma_wait3A_82 = arith.constant 0 : i32
        %dma_wait3A_83 = arith.constant 0 : i32
        %dma_wait3A_84 = tpu.memref_slice %arg9[%dma_wait3A_81, %dma_wait3A_82, %dma_wait3A_83] : memref<4x128x128xf32, #tpu.memory_space<vmem>> -> memref<1x128x128xf32, #tpu.memory_space<vmem>>
        %dma_wait3A_85 = tpu.memref_squeeze %dma_wait3A_84 : memref<1x128x128xf32, #tpu.memory_space<vmem>> -> memref<128x128xf32, #tpu.memory_space<vmem>>
        %dma_wait3A_86 = arith.constant 0 : i32
        %dma_wait3A_87 = tpu.memref_slice %arg7[%dma_wait3A_80, %dma_wait3A_86] : memref<80x128xi32, #tpu.memory_space<vmem>> -> memref<1x128xi32, #tpu.memory_space<vmem>>
        %dma_wait3A_88 = tpu.memref_squeeze %dma_wait3A_87 : memref<1x128xi32, #tpu.memory_space<vmem>> -> memref<128xi32, #tpu.memory_space<vmem>>
        %dma_wait3A_89 = arith.constant 0 : i32
        %dma_wait3A_90 = arith.constant 0 : i32
        %dma_wait3A_91 = tpu.memref_slice %arg2[%dma_wait3A_89, %dma_wait3A_90] : memref<20000x128xf32, #tpu.memory_space<hbm>> -> memref<20000x128xf32, #tpu.memory_space<hbm>>
        tpu.wait_indirect_dma semaphore(%arg11 : memref<!tpu.dma_semaphore, #tpu.memory_space<semaphore_mem>>) src(%dma_wait3A_91 : memref<20000x128xf32, #tpu.memory_space<hbm>>) dst(%dma_wait3A_85 : memref<128x128xf32, #tpu.memory_space<vmem>>)
        %add3A_92 = arith.constant 0 : i32
        %add3A_93 = arith.addi %mul3A_67, %add3A_92 : i32
        %dma_start3A_94 = arith.constant 2 : i32
        %dma_start3A_95 = arith.constant 0 : i32
        %dma_start3A_96 = arith.constant 0 : i32
        %dma_start3A_97 = tpu.memref_slice %arg9[%dma_start3A_94, %dma_start3A_95, %dma_start3A_96] : memref<4x128x128xf32, #tpu.memory_space<vmem>> -> memref<1x128x128xf32, #tpu.memory_space<vmem>>
        %dma_start3A_98 = tpu.memref_squeeze %dma_start3A_97 : memref<1x128x128xf32, #tpu.memory_space<vmem>> -> memref<128x128xf32, #tpu.memory_space<vmem>>
        %dma_start3A_99 = arith.constant 0 : i32
        %dma_start3A_100 = tpu.memref_slice %arg8[%add3A_93, %dma_start3A_99] : memref<80x128xi32, #tpu.memory_space<vmem>> -> memref<1x128xi32, #tpu.memory_space<vmem>>
        %dma_start3A_101 = tpu.memref_squeeze %dma_start3A_100 : memref<1x128xi32, #tpu.memory_space<vmem>> -> memref<128xi32, #tpu.memory_space<vmem>>
        %dma_start3A_102 = arith.constant 0 : i32
        %dma_start3A_103 = arith.constant 0 : i32
        %dma_start3A_104 = tpu.memref_slice %arg10[%dma_start3A_102, %dma_start3A_103] : memref<5120x128xf32, #tpu.memory_space<vmem_shared>> -> memref<5120x128xf32, #tpu.memory_space<vmem_shared>>
        tpu.enqueue_indirect_dma source(%dma_start3A_98 : memref<128x128xf32, #tpu.memory_space<vmem>>) target(%dma_start3A_104 : memref<5120x128xf32, #tpu.memory_space<vmem_shared>>) offsets(%dma_start3A_101 : memref<128xi32, #tpu.memory_space<vmem>>) semaphore(%arg13 : memref<!tpu.dma_semaphore, #tpu.memory_space<semaphore_mem>>) {add = true}
        %add3A_105 = arith.constant 1 : i32
        %add3A_106 = arith.addi %mul3A_67, %add3A_105 : i32
        %dma_start3A_107 = arith.constant 3 : i32
        %dma_start3A_108 = arith.constant 0 : i32
        %dma_start3A_109 = arith.constant 0 : i32
        %dma_start3A_110 = tpu.memref_slice %arg9[%dma_start3A_107, %dma_start3A_108, %dma_start3A_109] : memref<4x128x128xf32, #tpu.memory_space<vmem>> -> memref<1x128x128xf32, #tpu.memory_space<vmem>>
        %dma_start3A_111 = tpu.memref_squeeze %dma_start3A_110 : memref<1x128x128xf32, #tpu.memory_space<vmem>> -> memref<128x128xf32, #tpu.memory_space<vmem>>
        %dma_start3A_112 = arith.constant 0 : i32
        %dma_start3A_113 = tpu.memref_slice %arg8[%add3A_106, %dma_start3A_112] : memref<80x128xi32, #tpu.memory_space<vmem>> -> memref<1x128xi32, #tpu.memory_space<vmem>>
        %dma_start3A_114 = tpu.memref_squeeze %dma_start3A_113 : memref<1x128xi32, #tpu.memory_space<vmem>> -> memref<128xi32, #tpu.memory_space<vmem>>
        %dma_start3A_115 = arith.constant 0 : i32
        %dma_start3A_116 = arith.constant 0 : i32
        %dma_start3A_117 = tpu.memref_slice %arg10[%dma_start3A_115, %dma_start3A_116] : memref<5120x128xf32, #tpu.memory_space<vmem_shared>> -> memref<5120x128xf32, #tpu.memory_space<vmem_shared>>
        tpu.enqueue_indirect_dma source(%dma_start3A_111 : memref<128x128xf32, #tpu.memory_space<vmem>>) target(%dma_start3A_117 : memref<5120x128xf32, #tpu.memory_space<vmem_shared>>) offsets(%dma_start3A_114 : memref<128xi32, #tpu.memory_space<vmem>>) semaphore(%arg13 : memref<!tpu.dma_semaphore, #tpu.memory_space<semaphore_mem>>) {add = true}
        %gt3A = arith.constant 0 : i32
        %gt3A_118 = arith.cmpi sgt, %scan3A_58, %gt3A : i32
        %convert_element_type3A_119 = arith.extui %gt3A_118 : i1 to i32
        %cond3A_120 = arith.constant 0 : i32
        %cond3A_121 = arith.cmpi ne, %convert_element_type3A_119, %cond3A_120 : i32
        scf.if %cond3A_121 {
          %dma_wait3A_126 = arith.constant 0 : i32
          %dma_wait3A_127 = arith.constant 0 : i32
          %dma_wait3A_128 = arith.constant 0 : i32
          %dma_wait3A_129 = arith.constant 0 : i32
          %dma_wait3A_130 = tpu.memref_slice %arg9[%dma_wait3A_126, %dma_wait3A_128, %dma_wait3A_129] : memref<4x128x128xf32, #tpu.memory_space<vmem>> -> memref<1x128x128xf32, #tpu.memory_space<vmem>>
          %dma_wait3A_131 = tpu.memref_squeeze %dma_wait3A_130 : memref<1x128x128xf32, #tpu.memory_space<vmem>> -> memref<128x128xf32, #tpu.memory_space<vmem>>
          %dma_wait3A_132 = arith.constant 0 : i32
          %dma_wait3A_133 = tpu.memref_slice %arg8[%dma_wait3A_127, %dma_wait3A_132] : memref<80x128xi32, #tpu.memory_space<vmem>> -> memref<1x128xi32, #tpu.memory_space<vmem>>
          %dma_wait3A_134 = tpu.memref_squeeze %dma_wait3A_133 : memref<1x128xi32, #tpu.memory_space<vmem>> -> memref<128xi32, #tpu.memory_space<vmem>>
          %dma_wait3A_135 = arith.constant 0 : i32
          %dma_wait3A_136 = arith.constant 0 : i32
          %dma_wait3A_137 = tpu.memref_slice %arg10[%dma_wait3A_135, %dma_wait3A_136] : memref<5120x128xf32, #tpu.memory_space<vmem_shared>> -> memref<5120x128xf32, #tpu.memory_space<vmem_shared>>
          tpu.wait_indirect_dma semaphore(%arg12 : memref<!tpu.dma_semaphore, #tpu.memory_space<semaphore_mem>>) src(%dma_wait3A_131 : memref<128x128xf32, #tpu.memory_space<vmem>>) dst(%dma_wait3A_137 : memref<5120x128xf32, #tpu.memory_space<vmem_shared>>)
          %dma_wait3A_138 = arith.constant 1 : i32
          %dma_wait3A_139 = arith.constant 0 : i32
          %dma_wait3A_140 = arith.constant 0 : i32
          %dma_wait3A_141 = arith.constant 0 : i32
          %dma_wait3A_142 = tpu.memref_slice %arg9[%dma_wait3A_138, %dma_wait3A_140, %dma_wait3A_141] : memref<4x128x128xf32, #tpu.memory_space<vmem>> -> memref<1x128x128xf32, #tpu.memory_space<vmem>>
          %dma_wait3A_143 = tpu.memref_squeeze %dma_wait3A_142 : memref<1x128x128xf32, #tpu.memory_space<vmem>> -> memref<128x128xf32, #tpu.memory_space<vmem>>
          %dma_wait3A_144 = arith.constant 0 : i32
          %dma_wait3A_145 = tpu.memref_slice %arg8[%dma_wait3A_139, %dma_wait3A_144] : memref<80x128xi32, #tpu.memory_space<vmem>> -> memref<1x128xi32, #tpu.memory_space<vmem>>
          %dma_wait3A_146 = tpu.memref_squeeze %dma_wait3A_145 : memref<1x128xi32, #tpu.memory_space<vmem>> -> memref<128xi32, #tpu.memory_space<vmem>>
          %dma_wait3A_147 = arith.constant 0 : i32
          %dma_wait3A_148 = arith.constant 0 : i32
          %dma_wait3A_149 = tpu.memref_slice %arg10[%dma_wait3A_147, %dma_wait3A_148] : memref<5120x128xf32, #tpu.memory_space<vmem_shared>> -> memref<5120x128xf32, #tpu.memory_space<vmem_shared>>
          tpu.wait_indirect_dma semaphore(%arg12 : memref<!tpu.dma_semaphore, #tpu.memory_space<semaphore_mem>>) src(%dma_wait3A_143 : memref<128x128xf32, #tpu.memory_space<vmem>>) dst(%dma_wait3A_149 : memref<5120x128xf32, #tpu.memory_space<vmem_shared>>)
        } else {
        }
        %lt3A = arith.constant 39 : i32
        %lt3A_122 = arith.cmpi slt, %scan3A_58, %lt3A : i32
        %convert_element_type3A_123 = arith.extui %lt3A_122 : i1 to i32
        %cond3A_124 = arith.constant 0 : i32
        %cond3A_125 = arith.cmpi ne, %convert_element_type3A_123, %cond3A_124 : i32
        scf.if %cond3A_125 {
          %add3A_126 = arith.constant 2 : i32
          %add3A_127 = arith.addi %mul3A_67, %add3A_126 : i32
          %add3A_128 = arith.constant 0 : i32
          %add3A_129 = arith.addi %add3A_127, %add3A_128 : i32
          %dma_start3A_130 = arith.constant 0 : i32
          %dma_start3A_131 = arith.constant 0 : i32
          %dma_start3A_132 = arith.constant 0 : i32
          %dma_start3A_133 = tpu.memref_slice %arg9[%dma_start3A_130, %dma_start3A_131, %dma_start3A_132] : memref<4x128x128xf32, #tpu.memory_space<vmem>> -> memref<1x128x128xf32, #tpu.memory_space<vmem>>
          %dma_start3A_134 = tpu.memref_squeeze %dma_start3A_133 : memref<1x128x128xf32, #tpu.memory_space<vmem>> -> memref<128x128xf32, #tpu.memory_space<vmem>>
          %dma_start3A_135 = arith.constant 0 : i32
          %dma_start3A_136 = tpu.memref_slice %arg7[%add3A_129, %dma_start3A_135] : memref<80x128xi32, #tpu.memory_space<vmem>> -> memref<1x128xi32, #tpu.memory_space<vmem>>
          %dma_start3A_137 = tpu.memref_squeeze %dma_start3A_136 : memref<1x128xi32, #tpu.memory_space<vmem>> -> memref<128xi32, #tpu.memory_space<vmem>>
          %dma_start3A_138 = arith.constant 0 : i32
          %dma_start3A_139 = arith.constant 0 : i32
          %dma_start3A_140 = tpu.memref_slice %arg2[%dma_start3A_138, %dma_start3A_139] : memref<20000x128xf32, #tpu.memory_space<hbm>> -> memref<20000x128xf32, #tpu.memory_space<hbm>>
          tpu.enqueue_indirect_dma source(%dma_start3A_140 : memref<20000x128xf32, #tpu.memory_space<hbm>>) target(%dma_start3A_134 : memref<128x128xf32, #tpu.memory_space<vmem>>) offsets(%dma_start3A_137 : memref<128xi32, #tpu.memory_space<vmem>>) semaphore(%arg11 : memref<!tpu.dma_semaphore, #tpu.memory_space<semaphore_mem>>)
          %add3A_141 = arith.constant 2 : i32
          %add3A_142 = arith.addi %mul3A_67, %add3A_141 : i32
          %add3A_143 = arith.constant 1 : i32
          %add3A_144 = arith.addi %add3A_142, %add3A_143 : i32
          %dma_start3A_145 = arith.constant 1 : i32
          %dma_start3A_146 = arith.constant 0 : i32
          %dma_start3A_147 = arith.constant 0 : i32
          %dma_start3A_148 = tpu.memref_slice %arg9[%dma_start3A_145, %dma_start3A_146, %dma_start3A_147] : memref<4x128x128xf32, #tpu.memory_space<vmem>> -> memref<1x128x128xf32, #tpu.memory_space<vmem>>
          %dma_start3A_149 = tpu.memref_squeeze %dma_start3A_148 : memref<1x128x128xf32, #tpu.memory_space<vmem>> -> memref<128x128xf32, #tpu.memory_space<vmem>>
          %dma_start3A_150 = arith.constant 0 : i32
          %dma_start3A_151 = tpu.memref_slice %arg7[%add3A_144, %dma_start3A_150] : memref<80x128xi32, #tpu.memory_space<vmem>> -> memref<1x128xi32, #tpu.memory_space<vmem>>
          %dma_start3A_152 = tpu.memref_squeeze %dma_start3A_151 : memref<1x128xi32, #tpu.memory_space<vmem>> -> memref<128xi32, #tpu.memory_space<vmem>>
          %dma_start3A_153 = arith.constant 0 : i32
          %dma_start3A_154 = arith.constant 0 : i32
          %dma_start3A_155 = tpu.memref_slice %arg2[%dma_start3A_153, %dma_start3A_154] : memref<20000x128xf32, #tpu.memory_space<hbm>> -> memref<20000x128xf32, #tpu.memory_space<hbm>>
          tpu.enqueue_indirect_dma source(%dma_start3A_155 : memref<20000x128xf32, #tpu.memory_space<hbm>>) target(%dma_start3A_149 : memref<128x128xf32, #tpu.memory_space<vmem>>) offsets(%dma_start3A_152 : memref<128xi32, #tpu.memory_space<vmem>>) semaphore(%arg11 : memref<!tpu.dma_semaphore, #tpu.memory_space<semaphore_mem>>)
        } else {
        }
      } else {
      }
    }
    %scan3A_30 = arith.constant 40 : i32
    %dma_wait3A = arith.constant 2 : i32
    %dma_wait3A_31 = arith.constant 0 : i32
    %dma_wait3A_32 = arith.constant 0 : i32
    %dma_wait3A_33 = arith.constant 0 : i32
    %dma_wait3A_34 = tpu.memref_slice %arg9[%dma_wait3A, %dma_wait3A_32, %dma_wait3A_33] : memref<4x128x128xf32, #tpu.memory_space<vmem>> -> memref<1x128x128xf32, #tpu.memory_space<vmem>>
    %dma_wait3A_35 = tpu.memref_squeeze %dma_wait3A_34 : memref<1x128x128xf32, #tpu.memory_space<vmem>> -> memref<128x128xf32, #tpu.memory_space<vmem>>
    %dma_wait3A_36 = arith.constant 0 : i32
    %dma_wait3A_37 = tpu.memref_slice %arg8[%dma_wait3A_31, %dma_wait3A_36] : memref<80x128xi32, #tpu.memory_space<vmem>> -> memref<1x128xi32, #tpu.memory_space<vmem>>
    %dma_wait3A_38 = tpu.memref_squeeze %dma_wait3A_37 : memref<1x128xi32, #tpu.memory_space<vmem>> -> memref<128xi32, #tpu.memory_space<vmem>>
    %dma_wait3A_39 = arith.constant 0 : i32
    %dma_wait3A_40 = arith.constant 0 : i32
    %dma_wait3A_41 = tpu.memref_slice %arg10[%dma_wait3A_39, %dma_wait3A_40] : memref<5120x128xf32, #tpu.memory_space<vmem_shared>> -> memref<5120x128xf32, #tpu.memory_space<vmem_shared>>
    tpu.wait_indirect_dma semaphore(%arg13 : memref<!tpu.dma_semaphore, #tpu.memory_space<semaphore_mem>>) src(%dma_wait3A_35 : memref<128x128xf32, #tpu.memory_space<vmem>>) dst(%dma_wait3A_41 : memref<5120x128xf32, #tpu.memory_space<vmem_shared>>)
    %dma_wait3A_42 = arith.constant 3 : i32
    %dma_wait3A_43 = arith.constant 0 : i32
    %dma_wait3A_44 = arith.constant 0 : i32
    %dma_wait3A_45 = arith.constant 0 : i32
    %dma_wait3A_46 = tpu.memref_slice %arg9[%dma_wait3A_42, %dma_wait3A_44, %dma_wait3A_45] : memref<4x128x128xf32, #tpu.memory_space<vmem>> -> memref<1x128x128xf32, #tpu.memory_space<vmem>>
    %dma_wait3A_47 = tpu.memref_squeeze %dma_wait3A_46 : memref<1x128x128xf32, #tpu.memory_space<vmem>> -> memref<128x128xf32, #tpu.memory_space<vmem>>
    %dma_wait3A_48 = arith.constant 0 : i32
    %dma_wait3A_49 = tpu.memref_slice %arg8[%dma_wait3A_43, %dma_wait3A_48] : memref<80x128xi32, #tpu.memory_space<vmem>> -> memref<1x128xi32, #tpu.memory_space<vmem>>
    %dma_wait3A_50 = tpu.memref_squeeze %dma_wait3A_49 : memref<1x128xi32, #tpu.memory_space<vmem>> -> memref<128xi32, #tpu.memory_space<vmem>>
    %dma_wait3A_51 = arith.constant 0 : i32
    %dma_wait3A_52 = arith.constant 0 : i32
    %dma_wait3A_53 = tpu.memref_slice %arg10[%dma_wait3A_51, %dma_wait3A_52] : memref<5120x128xf32, #tpu.memory_space<vmem_shared>> -> memref<5120x128xf32, #tpu.memory_space<vmem_shared>>
    tpu.wait_indirect_dma semaphore(%arg13 : memref<!tpu.dma_semaphore, #tpu.memory_space<semaphore_mem>>) src(%dma_wait3A_47 : memref<128x128xf32, #tpu.memory_space<vmem>>) dst(%dma_wait3A_53 : memref<5120x128xf32, #tpu.memory_space<vmem_shared>>)
    %mul3A_54 = arith.constant 320 : i32
    %mul3A_55 = arith.muli %arg1, %mul3A_54 : i32
    %mul3A_56 = arith.constant 320 : i32
    %mul3A_57 = arith.muli %add3A, %mul3A_56 : i32
    "tpu.region"() ({
      %run_scoped3A = tpu.sem_alloc : memref<!tpu.dma_semaphore, #tpu.memory_space<semaphore_mem>>
      %dma_start3A_58 = arith.constant 0 : i32
      %dma_start3A_59 = tpu.memref_slice %arg6[%mul3A_57, %dma_start3A_58] : memref<10240x128xf32, #tpu.memory_space<hbm>> -> memref<320x128xf32, #tpu.memory_space<hbm>>
      %dma_start3A_60 = arith.constant 0 : i32
      %dma_start3A_61 = tpu.memref_slice %arg10[%mul3A_55, %dma_start3A_60] : memref<5120x128xf32, #tpu.memory_space<vmem_shared>> -> memref<320x128xf32, #tpu.memory_space<vmem_shared>>
      tpu.enqueue_dma source(%dma_start3A_61 : memref<320x128xf32, #tpu.memory_space<vmem_shared>>) target(%dma_start3A_59 : memref<320x128xf32, #tpu.memory_space<hbm>>) target_semaphore(%run_scoped3A : memref<!tpu.dma_semaphore, #tpu.memory_space<semaphore_mem>>)
      %dma_wait3A_62 = arith.constant 0 : i32
      %dma_wait3A_63 = tpu.memref_slice %arg6[%mul3A_57, %dma_wait3A_62] : memref<10240x128xf32, #tpu.memory_space<hbm>> -> memref<320x128xf32, #tpu.memory_space<hbm>>
      %dma_wait3A_64 = arith.constant 0 : i32
      %dma_wait3A_65 = tpu.memref_slice %arg10[%mul3A_55, %dma_wait3A_64] : memref<5120x128xf32, #tpu.memory_space<vmem_shared>> -> memref<320x128xf32, #tpu.memory_space<vmem_shared>>
      tpu.wait_dma2 semaphore(%run_scoped3A : memref<!tpu.dma_semaphore, #tpu.memory_space<semaphore_mem>>) src(%dma_wait3A_65 : memref<320x128xf32, #tpu.memory_space<vmem_shared>>) dst(%dma_wait3A_63 : memref<320x128xf32, #tpu.memory_space<hbm>>)
      tpu.yield
    }) : () -> ()
    return
  }
}

module attributes {stable_mosaic.version = 14 : i64} {
  func.func @_lstm_body(%arg0: memref<100x100x128xf32, #tpu.memory_space<vmem>>, %arg1: memref<128x256xf32, #tpu.memory_space<vmem>>, %arg2: memref<64x256xf32, #tpu.memory_space<vmem>>, %arg3: memref<1x256xf32, #tpu.memory_space<vmem>>, %arg4: memref<128x256xf32, #tpu.memory_space<vmem>>, %arg5: memref<64x256xf32, #tpu.memory_space<vmem>>, %arg6: memref<1x256xf32, #tpu.memory_space<vmem>>, %arg7: memref<100x100x64xf32, #tpu.memory_space<vmem>>, %arg8: memref<100x100x64xf32, #tpu.memory_space<vmem>>) attributes {dimension_semantics = [], scalar_prefetch = 0 : i64, scratch_operands = 0 : i64, tpu.core_type = #tpu.core_type<tc>} {
    %broadcast_in_dim3A = arith.constant 0.000000e+00 : f32
    %broadcast_in_dim3A_0 = vector.broadcast %broadcast_in_dim3A : f32 to vector<100x64xf32>
    %scan3A = arith.constant 0 : i32
    %scan3A_1 = arith.constant 100 : i32
    %scan3A_2 = arith.addi %scan3A, %scan3A_1 : i32
    %scan3A_3 = arith.constant 1 : i32
    %scan3A_4:2 = scf.for %scan3A_14 = %scan3A to %scan3A_2 step %scan3A_3 iter_args(%scan3A_15 = %broadcast_in_dim3A_0, %scan3A_16 = %broadcast_in_dim3A_0) -> (vector<100x64xf32>, vector<100x64xf32>)  : i32 {
      %get3A = arith.index_cast %scan3A_14 : i32 to index
      %get3A_17 = arith.constant 0 : index
      %get3A_18 = arith.constant 0 : index
      %get3A_19 = vector.load %arg0[%get3A, %get3A_17, %get3A_18] : memref<100x100x128xf32, #tpu.memory_space<vmem>>, vector<1x100x128xf32>
      %get3A_20 = vector.shape_cast %get3A_19 : vector<1x100x128xf32> to vector<100x128xf32>
      %get3A_21 = arith.constant 0 : index
      %get3A_22 = arith.constant 0 : index
      %get3A_23 = vector.load %arg1[%get3A_21, %get3A_22] : memref<128x256xf32, #tpu.memory_space<vmem>>, vector<128x256xf32>
      %dot_general3A = arith.constant dense<0.000000e+00> : vector<100x256xf32>
      %dot_general3A_24 = tpu.matmul %get3A_20, %get3A_23, %dot_general3A {dimension_numbers = #tpu.dot_dimension_numbers<[1], [0], [0], [1], [0, 0, 1, 1], [], []>, transpose_lhs_hint = false} : vector<100x128xf32>, vector<128x256xf32>, vector<100x256xf32> -> vector<100x256xf32>
      %get3A_25 = arith.constant 0 : index
      %get3A_26 = arith.constant 0 : index
      %get3A_27 = vector.load %arg2[%get3A_25, %get3A_26] : memref<64x256xf32, #tpu.memory_space<vmem>>, vector<64x256xf32>
      %dot_general3A_28 = arith.constant dense<0.000000e+00> : vector<100x256xf32>
      %dot_general3A_29 = tpu.matmul %scan3A_15, %get3A_27, %dot_general3A_28 {dimension_numbers = #tpu.dot_dimension_numbers<[1], [0], [0], [1], [0, 0, 1, 1], [], []>, transpose_lhs_hint = false} : vector<100x64xf32>, vector<64x256xf32>, vector<100x256xf32> -> vector<100x256xf32>
      %add3A = arith.addf %dot_general3A_24, %dot_general3A_29 : vector<100x256xf32>
      %get3A_30 = arith.constant 0 : index
      %get3A_31 = arith.constant 0 : index
      %get3A_32 = vector.load %arg3[%get3A_30, %get3A_31] : memref<1x256xf32, #tpu.memory_space<vmem>>, vector<1x256xf32>
      %add3A_33 = vector.broadcast %get3A_32 : vector<1x256xf32> to vector<100x256xf32>
      %add3A_34 = arith.addf %add3A, %add3A_33 : vector<100x256xf32>
      %slice3A = vector.extract_strided_slice %add3A_34 {offsets = [0, 0], sizes = [100, 64], strides = [1, 1]} : vector<100x256xf32> to vector<100x64xf32>
      %logistic3A = arith.negf %slice3A : vector<100x64xf32>
      %logistic3A_35 = math.exp %logistic3A : vector<100x64xf32>
      %logistic3A_36 = arith.constant 1.000000e+00 : f32
      %logistic3A_37 = vector.broadcast %logistic3A_36 : f32 to vector<100x64xf32>
      %logistic3A_38 = arith.addf %logistic3A_37, %logistic3A_35 : vector<100x64xf32>
      %logistic3A_39 = arith.divf %logistic3A_37, %logistic3A_38 : vector<100x64xf32>
      %slice3A_40 = vector.extract_strided_slice %add3A_34 {offsets = [0, 64], sizes = [100, 64], strides = [1, 1]} : vector<100x256xf32> to vector<100x64xf32>
      %logistic3A_41 = arith.negf %slice3A_40 : vector<100x64xf32>
      %logistic3A_42 = math.exp %logistic3A_41 : vector<100x64xf32>
      %logistic3A_43 = arith.constant 1.000000e+00 : f32
      %logistic3A_44 = vector.broadcast %logistic3A_43 : f32 to vector<100x64xf32>
      %logistic3A_45 = arith.addf %logistic3A_44, %logistic3A_42 : vector<100x64xf32>
      %logistic3A_46 = arith.divf %logistic3A_44, %logistic3A_45 : vector<100x64xf32>
      %slice3A_47 = vector.extract_strided_slice %add3A_34 {offsets = [0, 128], sizes = [100, 64], strides = [1, 1]} : vector<100x256xf32> to vector<100x64xf32>
      %tanh3A = math.tanh %slice3A_47 : vector<100x64xf32>
      %slice3A_48 = vector.extract_strided_slice %add3A_34 {offsets = [0, 192], sizes = [100, 64], strides = [1, 1]} : vector<100x256xf32> to vector<100x64xf32>
      %logistic3A_49 = arith.negf %slice3A_48 : vector<100x64xf32>
      %logistic3A_50 = math.exp %logistic3A_49 : vector<100x64xf32>
      %logistic3A_51 = arith.constant 1.000000e+00 : f32
      %logistic3A_52 = vector.broadcast %logistic3A_51 : f32 to vector<100x64xf32>
      %logistic3A_53 = arith.addf %logistic3A_52, %logistic3A_50 : vector<100x64xf32>
      %logistic3A_54 = arith.divf %logistic3A_52, %logistic3A_53 : vector<100x64xf32>
      %mul3A = arith.mulf %logistic3A_46, %scan3A_16 : vector<100x64xf32>
      %mul3A_55 = arith.mulf %logistic3A_39, %tanh3A : vector<100x64xf32>
      %add3A_56 = arith.addf %mul3A, %mul3A_55 : vector<100x64xf32>
      %tanh3A_57 = math.tanh %add3A_56 : vector<100x64xf32>
      %mul3A_58 = arith.mulf %logistic3A_54, %tanh3A_57 : vector<100x64xf32>
      %swap3A = arith.index_cast %scan3A_14 : i32 to index
      %swap3A_59 = arith.constant 0 : index
      %swap3A_60 = arith.constant 0 : index
      %swap3A_61 = vector.load %arg7[%swap3A, %swap3A_59, %swap3A_60] : memref<100x100x64xf32, #tpu.memory_space<vmem>>, vector<1x100x64xf32>
      %swap3A_62 = vector.shape_cast %swap3A_61 : vector<1x100x64xf32> to vector<100x64xf32>
      %swap3A_63 = vector.shape_cast %mul3A_58 : vector<100x64xf32> to vector<1x100x64xf32>
      tpu.vector_store %arg7[%swap3A, %swap3A_59, %swap3A_60], %swap3A_63 {strides = array<i32>} : memref<100x100x64xf32, #tpu.memory_space<vmem>>, vector<1x100x64xf32>,
      scf.yield %mul3A_58, %add3A_56 : vector<100x64xf32>, vector<100x64xf32>
    }
    %scan3A_5 = arith.constant 100 : i32
    %broadcast_in_dim3A_6 = arith.constant 0.000000e+00 : f32
    %broadcast_in_dim3A_7 = vector.broadcast %broadcast_in_dim3A_6 : f32 to vector<100x64xf32>
    %scan3A_8 = arith.constant 0 : i32
    %scan3A_9 = arith.constant 100 : i32
    %scan3A_10 = arith.addi %scan3A_8, %scan3A_9 : i32
    %scan3A_11 = arith.constant 1 : i32
    %scan3A_12:2 = scf.for %scan3A_14 = %scan3A_8 to %scan3A_10 step %scan3A_11 iter_args(%scan3A_15 = %broadcast_in_dim3A_7, %scan3A_16 = %broadcast_in_dim3A_7) -> (vector<100x64xf32>, vector<100x64xf32>)  : i32 {
      %sub3A = arith.constant 99 : i32
      %sub3A_17 = arith.subi %sub3A, %scan3A_14 : i32
      %get3A = arith.index_cast %sub3A_17 : i32 to index
      %get3A_18 = arith.constant 0 : index
      %get3A_19 = arith.constant 0 : index
      %get3A_20 = vector.load %arg0[%get3A, %get3A_18, %get3A_19] : memref<100x100x128xf32, #tpu.memory_space<vmem>>, vector<1x100x128xf32>
      %get3A_21 = vector.shape_cast %get3A_20 : vector<1x100x128xf32> to vector<100x128xf32>
      %get3A_22 = arith.constant 0 : index
      %get3A_23 = arith.constant 0 : index
      %get3A_24 = vector.load %arg4[%get3A_22, %get3A_23] : memref<128x256xf32, #tpu.memory_space<vmem>>, vector<128x256xf32>
      %dot_general3A = arith.constant dense<0.000000e+00> : vector<100x256xf32>
      %dot_general3A_25 = tpu.matmul %get3A_21, %get3A_24, %dot_general3A {dimension_numbers = #tpu.dot_dimension_numbers<[1], [0], [0], [1], [0, 0, 1, 1], [], []>, transpose_lhs_hint = false} : vector<100x128xf32>, vector<128x256xf32>, vector<100x256xf32> -> vector<100x256xf32>
      %get3A_26 = arith.constant 0 : index
      %get3A_27 = arith.constant 0 : index
      %get3A_28 = vector.load %arg5[%get3A_26, %get3A_27] : memref<64x256xf32, #tpu.memory_space<vmem>>, vector<64x256xf32>
      %dot_general3A_29 = arith.constant dense<0.000000e+00> : vector<100x256xf32>
      %dot_general3A_30 = tpu.matmul %scan3A_15, %get3A_28, %dot_general3A_29 {dimension_numbers = #tpu.dot_dimension_numbers<[1], [0], [0], [1], [0, 0, 1, 1], [], []>, transpose_lhs_hint = false} : vector<100x64xf32>, vector<64x256xf32>, vector<100x256xf32> -> vector<100x256xf32>
      %add3A = arith.addf %dot_general3A_25, %dot_general3A_30 : vector<100x256xf32>
      %get3A_31 = arith.constant 0 : index
      %get3A_32 = arith.constant 0 : index
      %get3A_33 = vector.load %arg6[%get3A_31, %get3A_32] : memref<1x256xf32, #tpu.memory_space<vmem>>, vector<1x256xf32>
      %add3A_34 = vector.broadcast %get3A_33 : vector<1x256xf32> to vector<100x256xf32>
      %add3A_35 = arith.addf %add3A, %add3A_34 : vector<100x256xf32>
      %slice3A = vector.extract_strided_slice %add3A_35 {offsets = [0, 0], sizes = [100, 64], strides = [1, 1]} : vector<100x256xf32> to vector<100x64xf32>
      %logistic3A = arith.negf %slice3A : vector<100x64xf32>
      %logistic3A_36 = math.exp %logistic3A : vector<100x64xf32>
      %logistic3A_37 = arith.constant 1.000000e+00 : f32
      %logistic3A_38 = vector.broadcast %logistic3A_37 : f32 to vector<100x64xf32>
      %logistic3A_39 = arith.addf %logistic3A_38, %logistic3A_36 : vector<100x64xf32>
      %logistic3A_40 = arith.divf %logistic3A_38, %logistic3A_39 : vector<100x64xf32>
      %slice3A_41 = vector.extract_strided_slice %add3A_35 {offsets = [0, 64], sizes = [100, 64], strides = [1, 1]} : vector<100x256xf32> to vector<100x64xf32>
      %logistic3A_42 = arith.negf %slice3A_41 : vector<100x64xf32>
      %logistic3A_43 = math.exp %logistic3A_42 : vector<100x64xf32>
      %logistic3A_44 = arith.constant 1.000000e+00 : f32
      %logistic3A_45 = vector.broadcast %logistic3A_44 : f32 to vector<100x64xf32>
      %logistic3A_46 = arith.addf %logistic3A_45, %logistic3A_43 : vector<100x64xf32>
      %logistic3A_47 = arith.divf %logistic3A_45, %logistic3A_46 : vector<100x64xf32>
      %slice3A_48 = vector.extract_strided_slice %add3A_35 {offsets = [0, 128], sizes = [100, 64], strides = [1, 1]} : vector<100x256xf32> to vector<100x64xf32>
      %tanh3A = math.tanh %slice3A_48 : vector<100x64xf32>
      %slice3A_49 = vector.extract_strided_slice %add3A_35 {offsets = [0, 192], sizes = [100, 64], strides = [1, 1]} : vector<100x256xf32> to vector<100x64xf32>
      %logistic3A_50 = arith.negf %slice3A_49 : vector<100x64xf32>
      %logistic3A_51 = math.exp %logistic3A_50 : vector<100x64xf32>
      %logistic3A_52 = arith.constant 1.000000e+00 : f32
      %logistic3A_53 = vector.broadcast %logistic3A_52 : f32 to vector<100x64xf32>
      %logistic3A_54 = arith.addf %logistic3A_53, %logistic3A_51 : vector<100x64xf32>
      %logistic3A_55 = arith.divf %logistic3A_53, %logistic3A_54 : vector<100x64xf32>
      %mul3A = arith.mulf %logistic3A_47, %scan3A_16 : vector<100x64xf32>
      %mul3A_56 = arith.mulf %logistic3A_40, %tanh3A : vector<100x64xf32>
      %add3A_57 = arith.addf %mul3A, %mul3A_56 : vector<100x64xf32>
      %tanh3A_58 = math.tanh %add3A_57 : vector<100x64xf32>
      %mul3A_59 = arith.mulf %logistic3A_55, %tanh3A_58 : vector<100x64xf32>
      %swap3A = arith.index_cast %sub3A_17 : i32 to index
      %swap3A_60 = arith.constant 0 : index
      %swap3A_61 = arith.constant 0 : index
      %swap3A_62 = vector.load %arg8[%swap3A, %swap3A_60, %swap3A_61] : memref<100x100x64xf32, #tpu.memory_space<vmem>>, vector<1x100x64xf32>
      %swap3A_63 = vector.shape_cast %swap3A_62 : vector<1x100x64xf32> to vector<100x64xf32>
      %swap3A_64 = vector.shape_cast %mul3A_59 : vector<100x64xf32> to vector<1x100x64xf32>
      tpu.vector_store %arg8[%swap3A, %swap3A_60, %swap3A_61], %swap3A_64 {strides = array<i32>} : memref<100x100x64xf32, #tpu.memory_space<vmem>>, vector<1x100x64xf32>,
      scf.yield %mul3A_59, %add3A_57 : vector<100x64xf32>, vector<100x64xf32>
    }
    %scan3A_13 = arith.constant 100 : i32
    return
  }
}

module attributes {stable_mosaic.version = 14 : i64} {
  func.func @_agg0_body(%arg0: i32, %arg1: memref<400x128xf32, #tpu.memory_space<vmem>>, %arg2: memref<400x32x128xf32, #tpu.memory_space<vmem>>, %arg3: memref<1x256x128xf32, #tpu.memory_space<vmem>>, %arg4: memref<400x128xf32, #tpu.memory_space<vmem>>, %arg5: memref<400x1xf32, #tpu.memory_space<vmem>>) attributes {dimension_semantics = [#tpu.dimension_semantics<arbitrary>], iteration_bounds = array<i64: 50>, scalar_prefetch = 0 : i64, scratch_operands = 0 : i64, tpu.core_type = #tpu.core_type<tc>, window_params = [{transform_indices = @transform_0, window_bounds = array<i64: 400, 128>}, {transform_indices = @transform_1, window_bounds = array<i64: 400, 32, 128>}, {transform_indices = @transform_2, window_bounds = array<i64: 1, 256, 128>}, {transform_indices = @transform_3, window_bounds = array<i64: 400, 128>}, {transform_indices = @transform_4, window_bounds = array<i64: 400, 1>}]} {
    %get3A = arith.constant 0 : index
    %get3A_0 = arith.constant 0 : index
    %get3A_1 = arith.constant 0 : index
    %get3A_2 = vector.load %arg2[%get3A, %get3A_0, %get3A_1] : memref<400x32x128xf32, #tpu.memory_space<vmem>>, vector<400x32x128xf32>
    %max3A = arith.constant 0.000000e+00 : f32
    %max3A_3 = vector.broadcast %max3A : f32 to vector<400x32x128xf32>
    %max3A_4 = arith.maximumf %get3A_2, %max3A_3 : vector<400x32x128xf32>
    %reduce_sum3A = arith.constant dense<0.000000e+00> : vector<400x32xf32>
    %reduce_sum3A_5 = vector.multi_reduction <add>, %max3A_4, %reduce_sum3A [2] : vector<400x32x128xf32> to vector<400x32xf32>
    %sign3A = tpu.bitcast %reduce_sum3A_5 : vector<400x32xf32> -> vector<400x32xi32>
    %sign3A_6 = arith.constant -2147483648 : i32
    %sign3A_7 = vector.broadcast %sign3A_6 : i32 to vector<400x32xi32>
    %sign3A_8 = arith.andi %sign3A, %sign3A_7 : vector<400x32xi32>
    %sign3A_9 = arith.constant 1065353216 : i32
    %sign3A_10 = vector.broadcast %sign3A_9 : i32 to vector<400x32xi32>
    %sign3A_11 = arith.ori %sign3A_10, %sign3A_8 : vector<400x32xi32>
    %sign3A_12 = tpu.bitcast %sign3A_11 : vector<400x32xi32> -> vector<400x32xf32>
    %sign3A_13 = math.absf %reduce_sum3A_5 : vector<400x32xf32>
    %sign3A_14 = arith.constant 0.000000e+00 : f32
    %sign3A_15 = vector.broadcast %sign3A_14 : f32 to vector<400x32xf32>
    %sign3A_16 = arith.cmpf ogt, %sign3A_13, %sign3A_15 : vector<400x32xf32>
    %sign3A_17 = arith.select %sign3A_16, %sign3A_12, %reduce_sum3A_5 : vector<400x32xi1>, vector<400x32xf32>
    %reduce_sum3A_18 = arith.constant dense<0.000000e+00> : vector<400xf32>
    %reduce_sum3A_19 = vector.multi_reduction <add>, %sign3A_17, %reduce_sum3A_18 [1] : vector<400x32xf32> to vector<400xf32>
    %broadcast_in_dim3A = vector.shape_cast %reduce_sum3A_19 : vector<400xf32> to vector<400x1xf32>
    %swap3A = arith.constant 0 : index
    %swap3A_20 = arith.constant 0 : index
    %swap3A_21 = vector.load %arg5[%swap3A, %swap3A_20] : memref<400x1xf32, #tpu.memory_space<vmem>>, vector<400x1xf32>
    tpu.vector_store %arg5[%swap3A, %swap3A_20], %broadcast_in_dim3A {strides = array<i32>} : memref<400x1xf32, #tpu.memory_space<vmem>>, vector<400x1xf32>,
    %reduce_sum3A_22 = arith.constant dense<0.000000e+00> : vector<400x128xf32>
    %reduce_sum3A_23 = vector.multi_reduction <add>, %get3A_2, %reduce_sum3A_22 [1] : vector<400x32x128xf32> to vector<400x128xf32>
    %max3A_24 = arith.constant 1.000000e+00 : f32
    %max3A_25 = vector.broadcast %max3A_24 : f32 to vector<400x1xf32>
    %max3A_26 = arith.maximumf %broadcast_in_dim3A, %max3A_25 : vector<400x1xf32>
    %div3A = vector.broadcast %max3A_26 : vector<400x1xf32> to vector<400x128xf32>
    %div3A_27 = arith.divf %reduce_sum3A_23, %div3A : vector<400x128xf32>
    %get3A_28 = arith.constant 0 : index
    %get3A_29 = arith.constant 0 : index
    %get3A_30 = arith.constant 0 : index
    %get3A_31 = vector.load %arg3[%get3A_28, %get3A_29, %get3A_30] : memref<1x256x128xf32, #tpu.memory_space<vmem>>, vector<1x256x128xf32>
    %get3A_32 = vector.shape_cast %get3A_31 : vector<1x256x128xf32> to vector<256x128xf32>
    %get3A_33 = arith.constant 0 : index
    %get3A_34 = arith.constant 0 : index
    %get3A_35 = vector.load %arg1[%get3A_33, %get3A_34] : memref<400x128xf32, #tpu.memory_space<vmem>>, vector<400x128xf32>
    %slice3A = vector.extract_strided_slice %get3A_32 {offsets = [0, 0], sizes = [128, 128], strides = [1, 1]} : vector<256x128xf32> to vector<128x128xf32>
    %dot_general3A = arith.constant dense<0.000000e+00> : vector<400x128xf32>
    %dot_general3A_36 = tpu.matmul %get3A_35, %slice3A, %dot_general3A {dimension_numbers = #tpu.dot_dimension_numbers<[1], [0], [0], [1], [0, 0, 1, 1], [], []>, transpose_lhs_hint = false} : vector<400x128xf32>, vector<128x128xf32>, vector<400x128xf32> -> vector<400x128xf32>
    %slice3A_37 = vector.extract_strided_slice %get3A_32 {offsets = [128, 0], sizes = [128, 128], strides = [1, 1]} : vector<256x128xf32> to vector<128x128xf32>
    %dot_general3A_38 = arith.constant dense<0.000000e+00> : vector<400x128xf32>
    %dot_general3A_39 = tpu.matmul %div3A_27, %slice3A_37, %dot_general3A_38 {dimension_numbers = #tpu.dot_dimension_numbers<[1], [0], [0], [1], [0, 0, 1, 1], [], []>, transpose_lhs_hint = false} : vector<400x128xf32>, vector<128x128xf32>, vector<400x128xf32> -> vector<400x128xf32>
    %add3A = arith.addf %dot_general3A_36, %dot_general3A_39 : vector<400x128xf32>
    %max3A_40 = arith.constant 0.000000e+00 : f32
    %max3A_41 = vector.broadcast %max3A_40 : f32 to vector<400x128xf32>
    %max3A_42 = arith.maximumf %add3A, %max3A_41 : vector<400x128xf32>
    %swap3A_43 = arith.constant 0 : index
    %swap3A_44 = arith.constant 0 : index
    %swap3A_45 = vector.load %arg4[%swap3A_43, %swap3A_44] : memref<400x128xf32, #tpu.memory_space<vmem>>, vector<400x128xf32>
    tpu.vector_store %arg4[%swap3A_43, %swap3A_44], %max3A_42 {strides = array<i32>} : memref<400x128xf32, #tpu.memory_space<vmem>>, vector<400x128xf32>,
    return
  }
  func.func @transform_0(%arg0: i32) -> (i32, i32) {
    %c0_i32 = arith.constant 0 : i32
    %c0_i32_0 = arith.constant 0 : i32
    return %arg0, %c0_i32 : i32, i32
  }
  func.func @transform_1(%arg0: i32) -> (i32, i32, i32) {
    %c0_i32 = arith.constant 0 : i32
    %c0_i32_0 = arith.constant 0 : i32
    %c0_i32_1 = arith.constant 0 : i32
    return %arg0, %c0_i32, %c0_i32_0 : i32, i32, i32
  }
  func.func @transform_2(%arg0: i32) -> (i32, i32, i32) {
    %jit3A = arith.constant 25 : i32
    %div3A = arith.divsi %arg0, %jit3A : i32
    %sign3A = arith.constant 0 : i32
    %sign3A_0 = arith.cmpi sgt, %arg0, %sign3A : i32
    %sign3A_1 = arith.extui %sign3A_0 : i1 to i32
    %sign3A_2 = arith.constant 0 : i32
    %sign3A_3 = arith.cmpi slt, %arg0, %sign3A_2 : i32
    %sign3A_4 = arith.extui %sign3A_3 : i1 to i32
    %sign3A_5 = arith.subi %sign3A_1, %sign3A_4 : i32
    %sign3A_6 = arith.constant 0 : i32
    %sign3A_7 = arith.cmpi sgt, %jit3A, %sign3A_6 : i32
    %sign3A_8 = arith.extui %sign3A_7 : i1 to i32
    %sign3A_9 = arith.constant 0 : i32
    %sign3A_10 = arith.cmpi slt, %jit3A, %sign3A_9 : i32
    %sign3A_11 = arith.extui %sign3A_10 : i1 to i32
    %sign3A_12 = arith.subi %sign3A_8, %sign3A_11 : i32
    %ne3A = arith.cmpi ne, %sign3A_5, %sign3A_12 : i32
    %rem3A = arith.remsi %arg0, %jit3A : i32
    %ne3A_13 = arith.constant 0 : i32
    %ne3A_14 = arith.cmpi ne, %rem3A, %ne3A_13 : i32
    %and3A = arith.andi %ne3A, %ne3A_14 : i1
    %sub3A = arith.constant 1 : i32
    %sub3A_15 = arith.subi %div3A, %sub3A : i32
    %select_n3A = arith.select %and3A, %sub3A_15, %div3A : i32
    %c0_i32 = arith.constant 0 : i32
    %c0_i32_16 = arith.constant 0 : i32
    %c0_i32_17 = arith.constant 0 : i32
    return %select_n3A, %c0_i32, %c0_i32_16 : i32, i32, i32
  }
  func.func @transform_3(%arg0: i32) -> (i32, i32) {
    %c0_i32 = arith.constant 0 : i32
    %c0_i32_0 = arith.constant 0 : i32
    return %arg0, %c0_i32 : i32, i32
  }
  func.func @transform_4(%arg0: i32) -> (i32, i32) {
    %c0_i32 = arith.constant 0 : i32
    %c0_i32_0 = arith.constant 0 : i32
    return %arg0, %c0_i32 : i32, i32
  }
}

module attributes {stable_mosaic.version = 14 : i64} {
  func.func @_aggk_body(%arg0: i32, %arg1: memref<400x128xf32, #tpu.memory_space<vmem>>, %arg2: memref<400x128xf32, #tpu.memory_space<vmem>>, %arg3: memref<400x1xf32, #tpu.memory_space<vmem>>, %arg4: memref<1x256x128xf32, #tpu.memory_space<vmem>>, %arg5: memref<400x128xf32, #tpu.memory_space<vmem>>) attributes {dimension_semantics = [#tpu.dimension_semantics<arbitrary>], iteration_bounds = array<i64: 50>, scalar_prefetch = 0 : i64, scratch_operands = 0 : i64, tpu.core_type = #tpu.core_type<tc>, window_params = [{transform_indices = @transform_0, window_bounds = array<i64: 400, 128>}, {transform_indices = @transform_1, window_bounds = array<i64: 400, 128>}, {transform_indices = @transform_2, window_bounds = array<i64: 400, 1>}, {transform_indices = @transform_3, window_bounds = array<i64: 1, 256, 128>}, {transform_indices = @transform_4, window_bounds = array<i64: 400, 128>}]} {
    %get3A = arith.constant 0 : index
    %get3A_0 = arith.constant 0 : index
    %get3A_1 = vector.load %arg2[%get3A, %get3A_0] : memref<400x128xf32, #tpu.memory_space<vmem>>, vector<400x128xf32>
    %get3A_2 = arith.constant 0 : index
    %get3A_3 = arith.constant 0 : index
    %get3A_4 = vector.load %arg3[%get3A_2, %get3A_3] : memref<400x1xf32, #tpu.memory_space<vmem>>, vector<400x1xf32>
    %max3A = arith.constant 1.000000e+00 : f32
    %max3A_5 = vector.broadcast %max3A : f32 to vector<400x1xf32>
    %max3A_6 = arith.maximumf %get3A_4, %max3A_5 : vector<400x1xf32>
    %div3A = vector.broadcast %max3A_6 : vector<400x1xf32> to vector<400x128xf32>
    %div3A_7 = arith.divf %get3A_1, %div3A : vector<400x128xf32>
    %get3A_8 = arith.constant 0 : index
    %get3A_9 = arith.constant 0 : index
    %get3A_10 = arith.constant 0 : index
    %get3A_11 = vector.load %arg4[%get3A_8, %get3A_9, %get3A_10] : memref<1x256x128xf32, #tpu.memory_space<vmem>>, vector<1x256x128xf32>
    %get3A_12 = vector.shape_cast %get3A_11 : vector<1x256x128xf32> to vector<256x128xf32>
    %get3A_13 = arith.constant 0 : index
    %get3A_14 = arith.constant 0 : index
    %get3A_15 = vector.load %arg1[%get3A_13, %get3A_14] : memref<400x128xf32, #tpu.memory_space<vmem>>, vector<400x128xf32>
    %slice3A = vector.extract_strided_slice %get3A_12 {offsets = [0, 0], sizes = [128, 128], strides = [1, 1]} : vector<256x128xf32> to vector<128x128xf32>
    %dot_general3A = arith.constant dense<0.000000e+00> : vector<400x128xf32>
    %dot_general3A_16 = tpu.matmul %get3A_15, %slice3A, %dot_general3A {dimension_numbers = #tpu.dot_dimension_numbers<[1], [0], [0], [1], [0, 0, 1, 1], [], []>, transpose_lhs_hint = false} : vector<400x128xf32>, vector<128x128xf32>, vector<400x128xf32> -> vector<400x128xf32>
    %slice3A_17 = vector.extract_strided_slice %get3A_12 {offsets = [128, 0], sizes = [128, 128], strides = [1, 1]} : vector<256x128xf32> to vector<128x128xf32>
    %dot_general3A_18 = arith.constant dense<0.000000e+00> : vector<400x128xf32>
    %dot_general3A_19 = tpu.matmul %div3A_7, %slice3A_17, %dot_general3A_18 {dimension_numbers = #tpu.dot_dimension_numbers<[1], [0], [0], [1], [0, 0, 1, 1], [], []>, transpose_lhs_hint = false} : vector<400x128xf32>, vector<128x128xf32>, vector<400x128xf32> -> vector<400x128xf32>
    %add3A = arith.addf %dot_general3A_16, %dot_general3A_19 : vector<400x128xf32>
    %max3A_20 = arith.constant 0.000000e+00 : f32
    %max3A_21 = vector.broadcast %max3A_20 : f32 to vector<400x128xf32>
    %max3A_22 = arith.maximumf %add3A, %max3A_21 : vector<400x128xf32>
    %swap3A = arith.constant 0 : index
    %swap3A_23 = arith.constant 0 : index
    %swap3A_24 = vector.load %arg5[%swap3A, %swap3A_23] : memref<400x128xf32, #tpu.memory_space<vmem>>, vector<400x128xf32>
    tpu.vector_store %arg5[%swap3A, %swap3A_23], %max3A_22 {strides = array<i32>} : memref<400x128xf32, #tpu.memory_space<vmem>>, vector<400x128xf32>,
    return
  }
  func.func @transform_0(%arg0: i32) -> (i32, i32) {
    %c0_i32 = arith.constant 0 : i32
    %c0_i32_0 = arith.constant 0 : i32
    return %arg0, %c0_i32 : i32, i32
  }
  func.func @transform_1(%arg0: i32) -> (i32, i32) {
    %c0_i32 = arith.constant 0 : i32
    %c0_i32_0 = arith.constant 0 : i32
    return %arg0, %c0_i32 : i32, i32
  }
  func.func @transform_2(%arg0: i32) -> (i32, i32) {
    %c0_i32 = arith.constant 0 : i32
    %c0_i32_0 = arith.constant 0 : i32
    return %arg0, %c0_i32 : i32, i32
  }
  func.func @transform_3(%arg0: i32) -> (i32, i32, i32) {
    %jit3A = arith.constant 25 : i32
    %div3A = arith.divsi %arg0, %jit3A : i32
    %sign3A = arith.constant 0 : i32
    %sign3A_0 = arith.cmpi sgt, %arg0, %sign3A : i32
    %sign3A_1 = arith.extui %sign3A_0 : i1 to i32
    %sign3A_2 = arith.constant 0 : i32
    %sign3A_3 = arith.cmpi slt, %arg0, %sign3A_2 : i32
    %sign3A_4 = arith.extui %sign3A_3 : i1 to i32
    %sign3A_5 = arith.subi %sign3A_1, %sign3A_4 : i32
    %sign3A_6 = arith.constant 0 : i32
    %sign3A_7 = arith.cmpi sgt, %jit3A, %sign3A_6 : i32
    %sign3A_8 = arith.extui %sign3A_7 : i1 to i32
    %sign3A_9 = arith.constant 0 : i32
    %sign3A_10 = arith.cmpi slt, %jit3A, %sign3A_9 : i32
    %sign3A_11 = arith.extui %sign3A_10 : i1 to i32
    %sign3A_12 = arith.subi %sign3A_8, %sign3A_11 : i32
    %ne3A = arith.cmpi ne, %sign3A_5, %sign3A_12 : i32
    %rem3A = arith.remsi %arg0, %jit3A : i32
    %ne3A_13 = arith.constant 0 : i32
    %ne3A_14 = arith.cmpi ne, %rem3A, %ne3A_13 : i32
    %and3A = arith.andi %ne3A, %ne3A_14 : i1
    %sub3A = arith.constant 1 : i32
    %sub3A_15 = arith.subi %div3A, %sub3A : i32
    %select_n3A = arith.select %and3A, %sub3A_15, %div3A : i32
    %c0_i32 = arith.constant 0 : i32
    %c0_i32_16 = arith.constant 0 : i32
    %c0_i32_17 = arith.constant 0 : i32
    return %select_n3A, %c0_i32, %c0_i32_16 : i32, i32, i32
  }
  func.func @transform_4(%arg0: i32) -> (i32, i32) {
    %c0_i32 = arith.constant 0 : i32
    %c0_i32_0 = arith.constant 0 : i32
    return %arg0, %c0_i32 : i32, i32
  }
}

module attributes {stable_mosaic.version = 14 : i64} {
  func.func @_pool_body(%arg0: memref<50x200x128xf32, #tpu.memory_space<vmem>>, %arg1: memref<50x200x128xf32, #tpu.memory_space<vmem>>, %arg2: memref<50x256xf32, #tpu.memory_space<vmem>>) attributes {dimension_semantics = [], scalar_prefetch = 0 : i64, scratch_operands = 0 : i64, tpu.core_type = #tpu.core_type<tc>} {
    %get3A = arith.constant 0 : index
    %get3A_0 = arith.constant 0 : index
    %get3A_1 = arith.constant 0 : index
    %get3A_2 = vector.load %arg0[%get3A, %get3A_0, %get3A_1] : memref<50x200x128xf32, #tpu.memory_space<vmem>>, vector<50x200x128xf32>
    %reduce_max3A = arith.constant dense<0xFF800000> : vector<50x128xf32>
    %reduce_max3A_3 = vector.multi_reduction <maximumf>, %get3A_2, %reduce_max3A [1] : vector<50x200x128xf32> to vector<50x128xf32>
    %get3A_4 = arith.constant 0 : index
    %get3A_5 = arith.constant 0 : index
    %get3A_6 = arith.constant 0 : index
    %get3A_7 = vector.load %arg1[%get3A_4, %get3A_5, %get3A_6] : memref<50x200x128xf32, #tpu.memory_space<vmem>>, vector<50x200x128xf32>
    %reduce_max3A_8 = arith.constant dense<0xFF800000> : vector<50x128xf32>
    %reduce_max3A_9 = vector.multi_reduction <maximumf>, %get3A_7, %reduce_max3A_8 [1] : vector<50x200x128xf32> to vector<50x128xf32>
    %concatenate3A = tpu.concatenate %reduce_max3A_3, %reduce_max3A_9 in 1 : vector<50x128xf32>, vector<50x128xf32> -> vector<50x256xf32>
    %swap3A = arith.constant 0 : index
    %swap3A_10 = arith.constant 0 : index
    %swap3A_11 = vector.load %arg2[%swap3A, %swap3A_10] : memref<50x256xf32, #tpu.memory_space<vmem>>, vector<50x256xf32>
    tpu.vector_store %arg2[%swap3A, %swap3A_10], %concatenate3A {strides = array<i32>} : memref<50x256xf32, #tpu.memory_space<vmem>>, vector<50x256xf32>,
    return
  }
}

</mosaic_0001>

<sc_bundles>
// kernel: gather_offload_async_start
scs
__scs_entry_jumppad:
0x0: {  	(pc) =	sbr.rel $0x88, $3  }
0x1: {  	(tag) =	ssettag $0x0;
	lr =	simm.s32 $0x1  }
0x2: {  	[smem:$0x3F94] =	sst lr;
	_ =	strace $0xD0000000  }
0x3: {  	_ = 	snop  }
0x4: {  	_ = 	snop  }
0x5: {  	_ = 	snop  }
0x6: {  	_ = 	snop  }
0x7: {  	_ = 	snop  }
__scs_overlays_trampoline_lowered:
0x8: {  	[smem:$0x3FA3] =	sst s0  }
0x9: {  	[smem:$0x3FA4] =	sst s1  }
0xa: {  	[smem:$0x3FA5] =	sst s2  }
0xb: {  	[smem:$0x3FA6] =	sst s3  }
0xc: {  	[smem:$0x3FA7] =	sst s4  }
0xd: {  	[smem:$0x3FA8] =	sst s5  }
0xe: {  	[smem:$0x3FA9] =	sst s6  }
0xf: {  	[smem:$0x3FAA] =	sst s7  }
0x10: {  	[smem:$0x3FAB] =	sst s8  }
0x11: {  	[smem:$0x3FAC] =	sst s9;
	s0 =	simm.s32 @!p0 $0x0  }
0x12: {  	s1 =	sld [smem:$0x3F92];
	s0 =	simm.s32 @p0 $0x1  }
0x13: {  	[smem:$0x3FAD] =	sst s0;
	s0 =	simm.s32 @!p1 $0x0  }
0x14: {  	s2 =	sld [smem:$0x3F91];
	s0 =	simm.s32 @p1 $0x1  }
0x15: {  	[smem:$0x3FAE] =	sst s0;
	s0 =	simm.s32 @!p2 $0x0  }
0x16: {  	s3 =	sld [smem:$0x3FDB];
	s0 =	simm.s32 @p2 $0x1  }
0x17: {  	s4 =	simm.s32 $0x1BF5;
	[smem:$0x3FB0] =	sst s0  }
0x18: {  	s0 =	sld [smem:$0x3F93];
	_ =	swait.ge [sflag:s4], $0x0  }
0x19: {  	s7 =	sld [smem:$0x3F94]  }
0x1a: {  	s8 =	sadd.s32 $0xFFFFE003, lr  }
0x1b: {  	s9 =	sadd.s32 $0xFFFFFEF7, lr;
	s5 =	simm.s32 $0xFFFFFFFF;
	p2 =	slt.u32 s8, $0xFFFFF086  }
0x1c: {  	p1 =	slt.u32 s9, $0xF7A;
	s5 =	simm.s32 @!p2 $0x0  }
0x1d: {  	s5 =	simm.s32 @p1 $0x1;
	p0 =	seq.s32 s7, s2  }
0x1e: {  	s7 =	smul.u32 @!p0 $0xF7A, s2;
	p2 =	seq.s32 @!p0 s5, $0x0  }
0x1f: {  	s9 =	smul.u32 $0xF7A, s1;
	s8 =	simm.s32 @!p0 $0x1BF5;
	p2 =	por !p2, p0  }
0x20: {  	[sflag:s8] =	ssyncset.s32 @!p0 $0xFFFFF086;
	s6 =	sadd.s32 @!p0 s3, s7;
	s7 =	simm.s32 @!p0 $0x108  }
0x21: {  	s3 =	sadd.s32 s3, s9;
	s6 =	sadd.s32 @!p0 $0x88, s6;
	s7 =	simm.s32 @p2 $0x1082  }
0x22: {  	[simem:s7], [sflag:s8] =	dma.local @!p0 [hbm:s6], $0xF7A  }
0x23: {  	s9 =	sor.u32 $0xD0000000, s2;
	s6 =	simm.s32 $0x108;
	_ =	swait.ge @!p0 [sflag:s8], $0x0  }
0x24: {  	s3 =	sadd.s32 $0x88, s3;
	s6 =	simm.s32 @!p1 $0x1082;
	[sflag:s4] =	ssyncset.s32 $0xFFFFF086  }
0x25: {  	[simem:s6], [sflag:s4] =	dma.local [hbm:s3], $0xF7A  }
0x26: {  	[smem:$0x3F94] =	sst s1;
	(tag) =	ssettag s2;
	_ =	strace s9  }
0x27: {  	s1 =	sld [smem:$0x3FA4]  }
0x28: {  	s2 =	sld [smem:$0x3FA5]  }
0x29: {  	s4 =	sld [smem:$0x3FA7]  }
0x2a: {  	p0 =	seq.s32 s5, $0x0;
	s5 =	sld [smem:$0x3FA8]  }
0x2b: {  	s6 =	sld [smem:$0x3FA9]  }
0x2c: {  	s7 =	sld [smem:$0x3FAA]  }
0x2d: {  	s3 =	simm.s32 $0x108;
	s8 =	sld [smem:$0x3FAB]  }
0x2e: {  	s3 =	simm.s32 @!p0 $0x1082;
	s9 =	sld [smem:$0x3FAC]  }
0x2f: {  	lr =	sadd.s32 s0, s3;
	s0 =	sld [smem:$0x3FA3]  }
0x30: {  	s3 =	sld [smem:$0x3FA6]  }
0x31: {  	[smem:$0x3FAF] =	sst s10  }
0x32: {  	s10 =	sld [smem:$0x3FAD];
	_ =	sdelay $0x3  }
0x33: {  	p0 =	seq.s32 s10, $0x1;
	s10 =	sld [smem:$0x3FAF];
	_ =	sdelay $0x3  }
0x34: {  	[smem:$0x3FAF] =	sst s10  }
0x35: {  	s10 =	sld [smem:$0x3FAE];
	_ =	sdelay $0x3  }
0x36: {  	p1 =	seq.s32 s10, $0x1;
	s10 =	sld [smem:$0x3FAF];
	_ =	sdelay $0x3  }
0x37: {  	[smem:$0x3FAF] =	sst s10  }
0x38: {  	s10 =	sld [smem:$0x3FB0]  }
0x39: {  	_ = 	snop;
	(pc) =	sbr.ind lr, $3  }
0x3a: {  	_ = 	snop  }
0x3b: {  	_ = 	snop  }
0x3c: {  	p2 =	seq.s32 s10, $0x1;
	s10 =	sld [smem:$0x3FAF]  }
0x3d: {  	_ =	shalt  }
0x3e: {  	_ =	shalt  }
0x3f: {  	_ =	shalt  }
0x40: {  	_ =	shalt  }
0x41: {  	_ =	shalt  }
0x42: {  	_ =	shalt  }
0x43: {  	_ =	shalt  }
0x44: {  	_ =	shalt  }
0x45: {  	_ =	shalt  }
0x46: {  	_ =	shalt  }
0x47: {  	_ =	shalt  }
0x48: {  	_ =	shalt  }
0x49: {  	_ =	shalt  }
0x4a: {  	_ =	shalt  }
0x4b: {  	_ =	shalt  }
0x4c: {  	_ =	shalt  }
0x4d: {  	_ =	shalt  }
0x4e: {  	_ =	shalt  }
0x4f: {  	_ =	shalt  }
0x50: {  	_ =	shalt  }
0x51: {  	_ =	shalt  }
0x52: {  	_ =	shalt  }
0x53: {  	_ =	shalt  }
0x54: {  	_ =	shalt  }
0x55: {  	_ =	shalt  }
0x56: {  	_ =	shalt  }
0x57: {  	_ =	shalt  }
0x58: {  	_ =	shalt  }
0x59: {  	_ =	shalt  }
0x5a: {  	_ =	shalt  }
0x5b: {  	_ =	shalt  }
0x5c: {  	_ =	shalt  }
0x5d: {  	_ =	shalt  }
0x5e: {  	_ =	shalt  }
0x5f: {  	_ =	shalt  }
0x60: {  	_ =	shalt  }
0x61: {  	_ =	shalt  }
0x62: {  	_ =	shalt  }
0x63: {  	_ =	shalt  }
0x64: {  	_ =	shalt  }
0x65: {  	_ =	shalt  }
0x66: {  	_ =	shalt  }
0x67: {  	_ =	shalt  }
0x68: {  	_ =	shalt  }
0x69: {  	_ =	shalt  }
0x6a: {  	_ =	shalt  }
0x6b: {  	_ =	shalt  }
0x6c: {  	_ =	shalt  }
0x6d: {  	_ =	shalt  }
0x6e: {  	_ =	shalt  }
0x6f: {  	_ =	shalt  }
0x70: {  	_ =	shalt  }
0x71: {  	_ =	shalt  }
0x72: {  	_ =	shalt  }
0x73: {  	_ =	shalt  }
0x74: {  	_ =	shalt  }
0x75: {  	_ =	shalt  }
0x76: {  	_ =	shalt  }
0x77: {  	_ =	shalt  }
0x78: {  	_ =	shalt  }
0x79: {  	_ =	shalt  }
0x7a: {  	_ =	shalt  }
0x7b: {  	_ =	shalt  }
0x7c: {  	_ =	shalt  }
0x7d: {  	_ =	shalt  }
0x7e: {  	_ =	shalt  }
0x7f: {  	_ =	shalt  }
0x80: {  	_ =	shalt  }
0x81: {  	_ =	shalt  }
0x82: {  	_ =	shalt  }
0x83: {  	_ =	shalt  }
0x84: {  	_ =	shalt  }
0x85: {  	_ =	shalt  }
0x86: {  	_ =	shalt  }
0x87: {  	_ =	shalt  }
.Lfunc_end0:
.L_simem_size_0:
called_computation_lowered:
.L_overlay_start_0:
0x88: {  	s2 =	sld [smem:$0x3FD9]  }
0x89: {  	s3 =	sld [smem:$0x3FFE];
	_ =	sdelay $0x1  }
0x8a: {  	s1 =	srdreg.scid  }
0x8b: {  	s0 =	sand.u32 $0x1, s1  }
0x8c: {  	s14 =	sshll.u32 s0, $0xA;
	s2 =	sadd.s32 s3, s2  }
0x8d: {  	s2 =	sadd.s32 s2, s14  }
0x8e: {  	[smem:$0x3FBB] =	sst s2  }
0x8f: {  	_ = 	snop  }
0x90: {  	s2 =	sld [smem:$0x3FD0];
	_ =	sdelay $0x2  }
0x91: {  	s15 =	simm.s32 $0xB;
	s4 =	simm.s32 $0x10  }
0x92: {  	[smem:s4], [sflag:s15] =	dma.local [hbm:s2], $0x1  }
0x93: {  	_ =	swait.eq [sflag:s15], $0x1  }
0x94: {  	[sflag:s15] =	ssyncset.done $0x0  }
0x95: {  	[sflag:s15] =	ssyncadd.s32 $0xFFFFFFFF  }
0x96: {  	s16 =	sld [smem:$0x11];
	(tm) =	ssettm $0x1  }
0x97: {  	s17 =	sld [smem:$0x3FFB];
	_ =	sdelay $0x3  }
0x98: {  	_ =	strace s17  }
0x99: {  	s3 =	sld [smem:$0x3FFC];
	_ =	sdelay $0x3  }
0x9a: {  	_ =	strace s3  }
0x9b: {  	s3 =	sld [smem:$0x3FFD];
	_ =	sdelay $0x3  }
0x9c: {  	_ =	strace s3  }
0x9d: {  	_ =	strace $0x8FFFFFFF  }
0x9e: {  	s18 =	sld [smem:$0x3FDB];
	_ =	sdelay $0x1  }
0x9f: {  	s19 =	simm.s32 $_scs_section_size  }
0xa0: {  	s5 =	simm.s32 $_size__tile_overlayer_lowered;
	s6 =	simm.s32 $_tile_overlayer_lowered  }
0xa1: {  	s22 =	simm.s32 $0x1BFF;
	s21 =	sshll.u32 s6, $0x1;
	s3 =	sadd.s32 s19, s18  }
0xa2: {  	s7 =	simm.s32 $0x0;
	s20 =	sshll.u32 s5, $0x1;
	s5 =	sadd.s32 s21, s3  }
0xa3: {  	[timem:s7], [sflag:s22] =	dma.local [hbm:s5], s20  }
0xa4: {  	_ =	swait.ge [sflag:s22], s20  }
0xa5: {  	s4 =	ssub.s32 $0x0, s20;
	[sflag:s22] =	ssyncset.done $0x0  }
0xa6: {  	[sflag:s22] =	ssyncadd.s32 s4;
	_ =	sdelay $0x1  }
0xa7: {  	s23 =	simm.s32 $0x1B8B  }
0xa8: {  	_ =	swait.ge [sflag:s23], $0x1  }
0xa9: {  	[sflag:s23] =	ssyncset.done $0x0  }
0xaa: {  	s25 =	simm.s32 $0x1B8E;
	s24 =	sld [smem:$0x3FFE];
	[sflag:s23] =	ssyncadd.s32 $0xFFFFFFFF  }
0xab: {  	s26 =	simm.s32 $execute0_lowered;
	[smem:$0x3FD2] =	sst s25  }
0xac: {  	s5 =	sshll.u32 s26, $0x1;
	_ =	strace $0x8000004C;
	[dreg:$0x1] =	wrdreg $0xFFFFFFFF  }
0xad: {  	s28 =	simm.s32 $_size_execute0_lowered;
	s3 =	sadd.s32 s3, s5;
	[dreg:$0x0] =	wrdreg $0x0  }
0xae: {  	s5 =	sshll.u32 s28, $0x1;
	[dreg:$0x2] =	wrdreg s3  }
0xaf: {  	[dreg:$0x3] =	wrdreg s5  }
0xb0: {  	[dreg:$0x4] =	wrdreg $0xC0  }
0xb1: {  	_ =	task [dreg:s7], $0x5FFFF  }
0xb2: {  	[dreg:$0x1] =	wrdreg $0xFFFFFFFF  }
0xb3: {  	[dreg:$0x0] =	wrdreg $0x60  }
0xb4: {  	[dreg:$0x2] =	wrdreg s24  }
0xb5: {  	[dreg:$0x3] =	wrdreg s16  }
0xb6: {  	[dreg:$0x4] =	wrdreg $0x9  }
0xb7: {  	_ =	task.clear_ibuf [dreg:s7], $0x5FFFF;
	_ =	strace $0x9000004C  }
0xb8: {  	s29 =	simm.s32 $0x9;
	_ =	strace $0x8000004E  }
0xb9: {  	_ =	swait.ge [sflag:s29], $0x1  }
0xba: {  	[sflag:s29] =	ssyncadd.s32 $0xFFFFFFFF  }
0xbb: {  	_ =	strace $0x9000004E  }
0xbc: {  	_ =	sfence  }
0xbd: {  	s30 =	sld [smem:$0x0];
	_ =	sdelay $0x2  }
0xbe: {  	s31 =	sshll.u32 s1, $0xD;
	s1 =	sshrl.u32 s1, $0x2  }
0xbf: {  	s3 =	sand.u32 $0x4000, s31;
	s1 =	sadd.s32 s1, s30  }
0xc0: {  	s0 =	sor.u32 s3, s0;
	s1 =	sshll.u32 s1, $0x11  }
0xc1: {  	s0 =	sor.u32 s1, s0  }
0xc2: {  	s0 =	sadd.s32 $0x8F2B, s0  }
0xc3: {  	[sflag:s0] =	ssyncadd.remote.s32 $0x1  }
0xc4: {  	_ =	sfence.sel $0xFFFF  }
0xc5: {  	[dreg:$0x0] =	wrdreg $0xFFFFFFFF;
	(pc) =	sbr.abs _section_cstart, $3  }
0xc6: {  	[dreg:$0x1] =	wrdreg $0xFFFFFFFF  }
0xc7: {  	_ =	task.clear_ibuf [dreg:s7], $0x2FFFF;
	_ =	strace $0x9FFFFFFF  }
0xc8: {  	(tm) =	ssettm $0x7FFFFFFF  }
0xc9: {  	_ =	shalt  }
tec
execute0_lowered:
.L_overlay_start_1:
0x0: {  	(tag) =	ssettag $0x1  }
0x1: {  	s7 =	rddreg [dreg:$0x0]  }
0x2: {  	s2 =	rddreg [dreg:$0x1]  }
0x3: {  	s0 =	rddreg [dreg:$0x2]  }
0x4: {  	s1 =	srdreg.scid;
	_ =	strace $0x8000004D;
	s4 =	simm.s32 $0x1  }
0x5: {  	s9 =	simm.s32 $0x3;
	s12 =	simm.s32 $0x0;
	s5 =	sshll.u32 s1, $0x4  }
.Ltmp0:
0x6: {  	s1 =	stileid.u32;
	s5 =	sand.u32 $0x10, s5;
	(pc) =	sbr.rel .LBB2_1-.Ltmp0, $4  }
0x7: {  	s10 =	simm.s32 $0x0;
	s3 =	sadd.s32 $0x3C200, s7;
	s6 =	sor.u32 s1, s5  }
0x8: {  	[sflag:s4] =	ssyncpa.u1 $0x0;
	s5 =	simm.s32 $0x2;
	s6 =	sshll.u32 s6, $0x8  }
0x9: {  	s7 =	sadd.s32 $0x50200, s7;
	[sflag:s5] =	ssyncpa.u1 $0x0;
	s8 =	sadd.s32 $0x100, s6  }
0xa: {  	vm0 =	vmmov $0xff;
	vm1 =	vcmask $0x3F20;
	[sflag:s9] =	ssyncpa.u1 $0x0;
	s9 =	simm.s32 $0x100;
	s11 =	smov.u32 s6  }
.LBB2_9:
0xb: {  	p0 =	seq.s32 s10, $0x2  }
.Ltmp1:
0xc: {  	_ = 	snop;
	(pc) =	sbr.rel @p0 .LBB2_11-.Ltmp1, $1  }
0xd: {  	_ =	sdelay $0x3  }
.LBB2_10:
0xe: {  	s12 =	sadd.s32 $0x100, s11  }
0xf: {  	s13 =	smov.u32 s6;
	p0 =	slt.s32 s12, s8  }
0x10: {  	s13 =	smov.u32 @p0 s12  }
0x11: {  	s10 =	sadd.s32 $0x1, s10;
	s12 =	smov.u32 s11;
	s11 =	smov.u32 s13  }
.LBB2_1:
0x12: {  	p0 =	sne.s32 s10, $0x0  }
.Ltmp2:
0x13: {  	_ = 	snop;
	(pc) =	sbr.rel @!p0 .LBB2_2-.Ltmp2, $1  }
0x14: {  	_ =	sdelay $0x3  }
0x15: {  	s13 =	sand.u32 $0x1, s10  }
0x16: {  	p0 =	seq.s32 s13, $0x0  }
.Ltmp3:
0x17: {  	_ = 	snop;
	(pc) =	sbr.rel @p0 .LBB2_9-.Ltmp3, $1  }
0x18: {  	_ =	sdelay $0x3  }
0x19: {  	_ =	swait.ge [sflag:s5], $0x100  }
0x1a: {  	[sflag:s5] =	ssyncset.done $0x0  }
0x1b: {  	s13 =	simm.s32 $0x0;
	[sflag:s5] =	ssyncadd.s32 $0xFFFFFF00  }
0x1c: {  	v0 =	vld.msk [tilespmem:s13+$0x100 ss:$0x1], $0xffff;
	_ =	sdelay $0x4  }
0x1d: {  	vm2 =	vgt.s32 v0, $0x0  }
0x1e: {  	v0 =	vnsel vm2, $0x0, v0  }
0x1f: {  	v0 =	vmin.u32 v0, $0x13FF  }
0x20: {  	v0 =	vshll.u32 v0, $0x4;
	_ =	sdelay $0x3  }
0x21: {  	s13 =	simm.s32 $0x8200  }
0x22: {  	[tilespmem:s13], [sflag:$0x1] =	stream.indirect_vreg.gather [hbm:s3], $0x80, v0, vm0, $0x38;
	[tilespmem:$0x10200] =	vst v63  }
0x23: {  	s14 =	simm.s32 $0x8600;
	s31 =	simm.s32 $0x10  }
0x24: {  	[tilespmem:s14], [sflag:$0x1] =	stream.indirect_vreg.gather [hbm:s3], $0x80, v0, vm1, $0x38;
	[tilespmem:$0x10200] =	vst v63  }
0x25: {  	s14 =	simm.s32 $0x80;
	v0 =	vld.msk [tilespmem:s31+$0x100 ss:$0x1], $0xffff  }
.LBB2_5:
0x26: {  	p0 =	sne.s32 s14, $0x3C0;
	_ =	sdelay $0x4  }
0x27: {  	vm2 =	vgt.s32 v0, $0x0  }
0x28: {  	v0 =	vnsel vm2, $0x0, v0  }
0x29: {  	v0 =	vmin.u32 v0, $0x13FF  }
0x2a: {  	v0 =	vshll.u32 v0, $0x4;
	_ =	sdelay $0x3  }
.Ltmp4:
0x2b: {  	s13 =	sadd.s32 $0x800, s13;
	(pc) =	sbr.rel @p0 .LBB2_5-.Ltmp4, $4  }
0x2c: {  	[tilespmem:s13], [sflag:$0x1] =	stream.indirect_vreg.gather [hbm:s3], $0x80, v0, vm0, $0x38;
	[tilespmem:$0x10200] =	vst v63  }
0x2d: {  	s15 =	sshra.s32 s14, $0x2;
	s16 =	sadd.s32 $0x400, s13  }
0x2e: {  	[tilespmem:s16], [sflag:$0x1] =	stream.indirect_vreg.gather [hbm:s3], $0x80, v0, vm1, $0x38;
	[tilespmem:$0x10200] =	vst v63  }
0x2f: {  	s14 =	sadd.s32 $0x40, s14;
	v0 =	vld.msk [tilespmem:s15+$0x100 ss:$0x1], $0xffff  }
0x30: {  	_ =	sdelay $0x3  }
0x31: {  	vm2 =	vgt.s32 v0, $0x0  }
0x32: {  	v0 =	vnsel vm2, $0x0, v0  }
0x33: {  	v0 =	vmin.u32 v0, $0x13FF  }
0x34: {  	v0 =	vshll.u32 v0, $0x4;
	_ =	sdelay $0x3  }
0x35: {  	s13 =	sadd.s32 $0x800, s13  }
0x36: {  	[tilespmem:s13], [sflag:$0x1] =	stream.indirect_vreg.gather [hbm:s3], $0x80, v0, vm0, $0x38;
	[tilespmem:$0x10200] =	vst v63  }
0x37: {  	s13 =	sadd.s32 $0x400, s13  }
0x38: {  	[tilespmem:s13], [sflag:$0x1] =	stream.indirect_vreg.gather [hbm:s3], $0x80, v0, vm1, $0x38;
	[tilespmem:$0x10200] =	vst v63  }
0x39: {  	s12 =	sshll.u32 s12, $0x4;
	s14 =	simm.s32 $0x80;
	_ =	swait.ge [sflag:s4], $0x8000  }
0x3a: {  	s15 =	simm.s32 $0x8600;
	s12 =	sadd.s32 s12, s7;
	[sflag:s4] =	ssyncset.done $0x0  }
0x3b: {  	s16 =	sadd.s32 $0x0, s12;
	s13 =	simm.s32 $0x8200;
	[sflag:s4] =	ssyncadd.s32 $0xFFFF8000  }
.LBB2_7:
0x3c: {  	[hbm:s16] =	stream.linear.scatter [tilespmem:s13], [sflag:$0x3], $0x400, $0x38;
	[tilespmem:$0x10200] =	vst v63  }
0x3d: {  	s16 =	smov.u32 s14;
	s13 =	smov.u32 s15;
	p0 =	sne.s32 s14, $0xF80  }
.Ltmp5:
0x3e: {  	s14 =	sadd.s32 $0x80, s14;
	(pc) =	sbr.rel @p0 .LBB2_7-.Ltmp5, $2  }
0x3f: {  	_ =	sdelay $0x2  }
0x40: {  	s15 =	sadd.s32 $0x400, s15;
	s16 =	sadd.s32 s16, s12  }
.Ltmp6:
0x41: {  	(pc) =	sbr.rel .LBB2_9-.Ltmp6, $2  }
0x42: {  	_ =	sdelay $0x2  }
0x43: {  	[hbm:s16] =	stream.linear.scatter [tilespmem:s13], [sflag:$0x3], $0x400, $0x38;
	[tilespmem:$0x10200] =	vst v63  }
.LBB2_2:
.Ltmp7:
0x44: {  	(pc) =	sbr.rel .LBB2_10-.Ltmp7, $4  }
0x45: {  	_ = 	snop  }
0x46: {  	s12 =	sshrl.u32 s11, $0x3  }
0x47: {  	s13 =	sand.u32 $0x7, s11;
	s12 =	sadd.s32 s2, s12  }
0x48: {  	[tilespmem:s9], [sflag:$0x2] =	stream.linear.gather [hbm4b:s12+s13], $0x100, $0x38;
	[tilespmem:$0x10200] =	vst v63  }
.LBB2_11:
0x49: {  	s2 =	simm.s32 $0x3  }
0x4a: {  	_ =	swait.ge [sflag:s2], $0x8000  }
0x4b: {  	[sflag:s2] =	ssyncset.done $0x0  }
0x4c: {  	[sflag:s2] =	ssyncadd.s32 $0xFFFF8000  }
0x4d: {  	_ =	sfence.sel $0x180000  }
0x4e: {  	s3 =	simm.s32 $0x2;
	[bflag:$0x0] =	sbarrier.arrive $0xFFFF  }
0x4f: {  	[sflag:s3] =	ssyncpa.u1 $0x1  }
0x50: {  	s31 =	simm.s32 $0x1;
	[sflag:s2] =	ssyncpa.u1 $0x1  }
0x51: {  	[sflag:s31] =	ssyncpa.u1 $0x1  }
0x52: {  	p0 =	sne.s32 s1, $0x0;
	_ =	strace $0x9000004D  }
0x53: {  	s0 =	sadd.s32 @!p0 $0x100000, s0;
	[bflag:$0x2] =	sbarrier.arrive $0xFFFF  }
0x54: {  	[sflag:s0] =	ssyncadd.tile.s32 @!p0 $0x1;
	_ =	shalt  }
.Lfunc_end2:
_tile_overlayer_lowered:
.L_overlay_start_2:
0x55: {  	(tag) =	ssettag $0x2  }
0x56: {  	s0 =	rddreg [dreg:$0x0];
	s2 =	stileid.u32  }
0x57: {  	s1 =	rddreg [dreg:$0x1];
	p0 =	sne.s32 s2, $0x0  }
0x58: {  	s3 =	rddreg [dreg:$0x2];
	[bflag:$0x3] =	sbarrier.arrive $0xFFFF;
	s2 =	simm.s32 @!p0 $0x1C01  }
0x59: {  	[timem:s3], [sflag:s2] =	dma.local @!p0 [hbm:s0], s1  }
0x5a: {  	s0 =	simm.s32 @!p0 $0x1  }
0x5b: {  	_ =	swait.ge @!p0 [sflag:s0], s1  }
0x5c: {  	s1 =	ssub.s32 @!p0 $0x0, s1;
	[sflag:s0] =	ssyncset.done @!p0 $0x0  }
0x5d: {  	[sflag:s0] =	ssyncadd.s32 @!p0 s1  }
0x5e: {  	[bflag:$0x3] =	sbarrier.arrive $0xFFFF  }
0x5f: {  	_ =	shalt  }

// kernel: kernel.14.cloned.1.call-start
scs
__scs_entry_jumppad:
0x0: {  	(pc) =	sbr.rel $0x88, $3  }
0x1: {  	(tag) =	ssettag $0x0;
	lr =	simm.s32 $0x1  }
0x2: {  	[smem:$0x3F94] =	sst lr;
	_ =	strace $0xD0000000  }
0x3: {  	_ = 	snop  }
0x4: {  	_ = 	snop  }
0x5: {  	_ = 	snop  }
0x6: {  	_ = 	snop  }
0x7: {  	_ = 	snop  }
__scs_overlays_trampoline_lowered:
0x8: {  	[smem:$0x3FA3] =	sst s0  }
0x9: {  	[smem:$0x3FA4] =	sst s1  }
0xa: {  	[smem:$0x3FA5] =	sst s2  }
0xb: {  	[smem:$0x3FA6] =	sst s3  }
0xc: {  	[smem:$0x3FA7] =	sst s4  }
0xd: {  	[smem:$0x3FA8] =	sst s5  }
0xe: {  	[smem:$0x3FA9] =	sst s6  }
0xf: {  	[smem:$0x3FAA] =	sst s7  }
0x10: {  	[smem:$0x3FAB] =	sst s8  }
0x11: {  	[smem:$0x3FAC] =	sst s9;
	s0 =	simm.s32 @!p0 $0x0  }
0x12: {  	s1 =	sld [smem:$0x3F92];
	s0 =	simm.s32 @p0 $0x1  }
0x13: {  	[smem:$0x3FAD] =	sst s0;
	s0 =	simm.s32 @!p1 $0x0  }
0x14: {  	s2 =	sld [smem:$0x3F91];
	s0 =	simm.s32 @p1 $0x1  }
0x15: {  	[smem:$0x3FAE] =	sst s0;
	s0 =	simm.s32 @!p2 $0x0  }
0x16: {  	s3 =	sld [smem:$0x3FDB];
	s0 =	simm.s32 @p2 $0x1  }
0x17: {  	s4 =	simm.s32 $0x1BF5;
	[smem:$0x3FB0] =	sst s0  }
0x18: {  	s0 =	sld [smem:$0x3F93];
	_ =	swait.ge [sflag:s4], $0x0  }
0x19: {  	s7 =	sld [smem:$0x3F94]  }
0x1a: {  	s8 =	sadd.s32 $0xFFFFE003, lr  }
0x1b: {  	s9 =	sadd.s32 $0xFFFFFEF7, lr;
	s5 =	simm.s32 $0xFFFFFFFF;
	p2 =	slt.u32 s8, $0xFFFFF086  }
0x1c: {  	p1 =	slt.u32 s9, $0xF7A;
	s5 =	simm.s32 @!p2 $0x0  }
0x1d: {  	s5 =	simm.s32 @p1 $0x1;
	p0 =	seq.s32 s7, s2  }
0x1e: {  	s7 =	smul.u32 @!p0 $0xF7A, s2;
	p2 =	seq.s32 @!p0 s5, $0x0  }
0x1f: {  	s9 =	smul.u32 $0xF7A, s1;
	s8 =	simm.s32 @!p0 $0x1BF5;
	p2 =	por !p2, p0  }
0x20: {  	[sflag:s8] =	ssyncset.s32 @!p0 $0xFFFFF086;
	s6 =	sadd.s32 @!p0 s3, s7;
	s7 =	simm.s32 @!p0 $0x108  }
0x21: {  	s3 =	sadd.s32 s3, s9;
	s6 =	sadd.s32 @!p0 $0x88, s6;
	s7 =	simm.s32 @p2 $0x1082  }
0x22: {  	[simem:s7], [sflag:s8] =	dma.local @!p0 [hbm:s6], $0xF7A  }
0x23: {  	s9 =	sor.u32 $0xD0000000, s2;
	s6 =	simm.s32 $0x108;
	_ =	swait.ge @!p0 [sflag:s8], $0x0  }
0x24: {  	s3 =	sadd.s32 $0x88, s3;
	s6 =	simm.s32 @!p1 $0x1082;
	[sflag:s4] =	ssyncset.s32 $0xFFFFF086  }
0x25: {  	[simem:s6], [sflag:s4] =	dma.local [hbm:s3], $0xF7A  }
0x26: {  	[smem:$0x3F94] =	sst s1;
	(tag) =	ssettag s2;
	_ =	strace s9  }
0x27: {  	s1 =	sld [smem:$0x3FA4]  }
0x28: {  	s2 =	sld [smem:$0x3FA5]  }
0x29: {  	s4 =	sld [smem:$0x3FA7]  }
0x2a: {  	p0 =	seq.s32 s5, $0x0;
	s5 =	sld [smem:$0x3FA8]  }
0x2b: {  	s6 =	sld [smem:$0x3FA9]  }
0x2c: {  	s7 =	sld [smem:$0x3FAA]  }
0x2d: {  	s3 =	simm.s32 $0x108;
	s8 =	sld [smem:$0x3FAB]  }
0x2e: {  	s3 =	simm.s32 @!p0 $0x1082;
	s9 =	sld [smem:$0x3FAC]  }
0x2f: {  	lr =	sadd.s32 s0, s3;
	s0 =	sld [smem:$0x3FA3]  }
0x30: {  	s3 =	sld [smem:$0x3FA6]  }
0x31: {  	[smem:$0x3FAF] =	sst s10  }
0x32: {  	s10 =	sld [smem:$0x3FAD];
	_ =	sdelay $0x3  }
0x33: {  	p0 =	seq.s32 s10, $0x1;
	s10 =	sld [smem:$0x3FAF];
	_ =	sdelay $0x3  }
0x34: {  	[smem:$0x3FAF] =	sst s10  }
0x35: {  	s10 =	sld [smem:$0x3FAE];
	_ =	sdelay $0x3  }
0x36: {  	p1 =	seq.s32 s10, $0x1;
	s10 =	sld [smem:$0x3FAF];
	_ =	sdelay $0x3  }
0x37: {  	[smem:$0x3FAF] =	sst s10  }
0x38: {  	s10 =	sld [smem:$0x3FB0]  }
0x39: {  	_ = 	snop;
	(pc) =	sbr.ind lr, $3  }
0x3a: {  	_ = 	snop  }
0x3b: {  	_ = 	snop  }
0x3c: {  	p2 =	seq.s32 s10, $0x1;
	s10 =	sld [smem:$0x3FAF]  }
0x3d: {  	_ =	shalt  }
0x3e: {  	_ =	shalt  }
0x3f: {  	_ =	shalt  }
0x40: {  	_ =	shalt  }
0x41: {  	_ =	shalt  }
0x42: {  	_ =	shalt  }
0x43: {  	_ =	shalt  }
0x44: {  	_ =	shalt  }
0x45: {  	_ =	shalt  }
0x46: {  	_ =	shalt  }
0x47: {  	_ =	shalt  }
0x48: {  	_ =	shalt  }
0x49: {  	_ =	shalt  }
0x4a: {  	_ =	shalt  }
0x4b: {  	_ =	shalt  }
0x4c: {  	_ =	shalt  }
0x4d: {  	_ =	shalt  }
0x4e: {  	_ =	shalt  }
0x4f: {  	_ =	shalt  }
0x50: {  	_ =	shalt  }
0x51: {  	_ =	shalt  }
0x52: {  	_ =	shalt  }
0x53: {  	_ =	shalt  }
0x54: {  	_ =	shalt  }
0x55: {  	_ =	shalt  }
0x56: {  	_ =	shalt  }
0x57: {  	_ =	shalt  }
0x58: {  	_ =	shalt  }
0x59: {  	_ =	shalt  }
0x5a: {  	_ =	shalt  }
0x5b: {  	_ =	shalt  }
0x5c: {  	_ =	shalt  }
0x5d: {  	_ =	shalt  }
0x5e: {  	_ =	shalt  }
0x5f: {  	_ =	shalt  }
0x60: {  	_ =	shalt  }
0x61: {  	_ =	shalt  }
0x62: {  	_ =	shalt  }
0x63: {  	_ =	shalt  }
0x64: {  	_ =	shalt  }
0x65: {  	_ =	shalt  }
0x66: {  	_ =	shalt  }
0x67: {  	_ =	shalt  }
0x68: {  	_ =	shalt  }
0x69: {  	_ =	shalt  }
0x6a: {  	_ =	shalt  }
0x6b: {  	_ =	shalt  }
0x6c: {  	_ =	shalt  }
0x6d: {  	_ =	shalt  }
0x6e: {  	_ =	shalt  }
0x6f: {  	_ =	shalt  }
0x70: {  	_ =	shalt  }
0x71: {  	_ =	shalt  }
0x72: {  	_ =	shalt  }
0x73: {  	_ =	shalt  }
0x74: {  	_ =	shalt  }
0x75: {  	_ =	shalt  }
0x76: {  	_ =	shalt  }
0x77: {  	_ =	shalt  }
0x78: {  	_ =	shalt  }
0x79: {  	_ =	shalt  }
0x7a: {  	_ =	shalt  }
0x7b: {  	_ =	shalt  }
0x7c: {  	_ =	shalt  }
0x7d: {  	_ =	shalt  }
0x7e: {  	_ =	shalt  }
0x7f: {  	_ =	shalt  }
0x80: {  	_ =	shalt  }
0x81: {  	_ =	shalt  }
0x82: {  	_ =	shalt  }
0x83: {  	_ =	shalt  }
0x84: {  	_ =	shalt  }
0x85: {  	_ =	shalt  }
0x86: {  	_ =	shalt  }
0x87: {  	_ =	shalt  }
.Lfunc_end0:
.L_simem_size_0:
called_computation.1_lowered:
.L_overlay_start_0:
0x88: {  	s2 =	sld [smem:$0x3FD9]  }
0x89: {  	s3 =	sld [smem:$0x3FFE];
	_ =	sdelay $0x1  }
0x8a: {  	s1 =	srdreg.scid  }
0x8b: {  	s0 =	sand.u32 $0x1, s1  }
0x8c: {  	s14 =	sshll.u32 s0, $0xA;
	s2 =	sadd.s32 s3, s2  }
0x8d: {  	s2 =	sadd.s32 s2, s14  }
0x8e: {  	[smem:$0x3FBB] =	sst s2  }
0x8f: {  	_ = 	snop  }
0x90: {  	s2 =	sld [smem:$0x3FD0];
	_ =	sdelay $0x2  }
0x91: {  	s4 =	simm.s32 $0xB;
	s5 =	simm.s32 $0x10;
	s15 =	sld [smem:$0x3FC5]  }
0x92: {  	[smem:s5], [sflag:s4] =	dma.local [hbm:s2], $0x1  }
0x93: {  	_ =	swait.eq [sflag:s4], $0x1  }
0x94: {  	[sflag:s4] =	ssyncset.done $0x0  }
0x95: {  	[sflag:s4] =	ssyncadd.s32 $0xFFFFFFFF  }
0x96: {  	s16 =	sld [smem:$0x12];
	(tm) =	ssettm $0x1  }
0x97: {  	s17 =	sld [smem:$0x3FFB];
	_ =	sdelay $0x3  }
0x98: {  	_ =	strace s17  }
0x99: {  	s4 =	sld [smem:$0x3FFC];
	_ =	sdelay $0x3  }
0x9a: {  	_ =	strace s4  }
0x9b: {  	s4 =	sld [smem:$0x3FFD];
	_ =	sdelay $0x3  }
0x9c: {  	_ =	strace s4  }
0x9d: {  	_ =	strace $0x8FFFFFFF  }
0x9e: {  	s18 =	sld [smem:$0x3FDB];
	_ =	sdelay $0x1  }
0x9f: {  	s19 =	simm.s32 $_scs_section_size  }
0xa0: {  	s6 =	simm.s32 $_size__tile_overlayer_lowered;
	s7 =	simm.s32 $_tile_overlayer_lowered  }
0xa1: {  	s22 =	simm.s32 $0x1BFF;
	s21 =	sshll.u32 s7, $0x1;
	s4 =	sadd.s32 s19, s18  }
0xa2: {  	s8 =	simm.s32 $0x0;
	s20 =	sshll.u32 s6, $0x1;
	s6 =	sadd.s32 s21, s4  }
0xa3: {  	[timem:s8], [sflag:s22] =	dma.local [hbm:s6], s20  }
0xa4: {  	_ =	swait.ge [sflag:s22], s20  }
0xa5: {  	s5 =	ssub.s32 $0x0, s20;
	[sflag:s22] =	ssyncset.done $0x0  }
0xa6: {  	[sflag:s22] =	ssyncadd.s32 s5;
	_ =	sdelay $0x1  }
0xa7: {  	s23 =	simm.s32 $0x1B8B  }
0xa8: {  	_ =	swait.ge [sflag:s23], $0x1  }
0xa9: {  	[sflag:s23] =	ssyncset.done $0x0  }
0xaa: {  	s25 =	simm.s32 $0x1B8E;
	s24 =	sld [smem:$0x3FFE];
	[sflag:s23] =	ssyncadd.s32 $0xFFFFFFFF  }
0xab: {  	s26 =	simm.s32 $execute0_lowered;
	[smem:$0x3FD2] =	sst s25  }
0xac: {  	s6 =	sshll.u32 s26, $0x1;
	_ =	strace $0x80000046;
	[dreg:$0x1] =	wrdreg $0xFFFFFFFF  }
0xad: {  	s28 =	simm.s32 $_size_execute0_lowered;
	s4 =	sadd.s32 s4, s6;
	[dreg:$0x0] =	wrdreg $0x0  }
0xae: {  	s6 =	sshll.u32 s28, $0x1;
	[dreg:$0x2] =	wrdreg s4  }
0xaf: {  	[dreg:$0x3] =	wrdreg s6  }
0xb0: {  	[dreg:$0x4] =	wrdreg $0xC0  }
0xb1: {  	_ =	task [dreg:s8], $0x5FFFF  }
0xb2: {  	[dreg:$0x1] =	wrdreg $0xFFFFFFFF  }
0xb3: {  	[dreg:$0x0] =	wrdreg $0x60  }
0xb4: {  	[dreg:$0x2] =	wrdreg s15  }
0xb5: {  	[dreg:$0x3] =	wrdreg s24  }
0xb6: {  	[dreg:$0x4] =	wrdreg s16  }
0xb7: {  	[dreg:$0x5] =	wrdreg $0x9  }
0xb8: {  	_ =	task.clear_ibuf [dreg:s8], $0x6FFFF;
	_ =	strace $0x90000046  }
0xb9: {  	s29 =	simm.s32 $0x9;
	_ =	strace $0x80000048  }
0xba: {  	_ =	swait.ge [sflag:s29], $0x1  }
0xbb: {  	[sflag:s29] =	ssyncadd.s32 $0xFFFFFFFF  }
0xbc: {  	_ =	strace $0x90000048  }
0xbd: {  	_ =	sfence  }
0xbe: {  	s30 =	sld [smem:$0x0];
	_ =	sdelay $0x2  }
0xbf: {  	s31 =	sshll.u32 s1, $0xD;
	s1 =	sshrl.u32 s1, $0x2  }
0xc0: {  	s3 =	sand.u32 $0x4000, s31;
	s1 =	sadd.s32 s1, s30  }
0xc1: {  	s0 =	sor.u32 s3, s0;
	s1 =	sshll.u32 s1, $0x11  }
0xc2: {  	s0 =	sor.u32 s1, s0  }
0xc3: {  	s0 =	sadd.s32 $0x8F2B, s0  }
0xc4: {  	[sflag:s0] =	ssyncadd.remote.s32 $0x1  }
0xc5: {  	_ =	sfence.sel $0xFFFF  }
0xc6: {  	[dreg:$0x0] =	wrdreg $0xFFFFFFFF;
	(pc) =	sbr.abs _section_cstart, $3  }
0xc7: {  	[dreg:$0x1] =	wrdreg $0xFFFFFFFF  }
0xc8: {  	_ =	task.clear_ibuf [dreg:s8], $0x2FFFF;
	_ =	strace $0x9FFFFFFF  }
0xc9: {  	(tm) =	ssettm $0x7FFFFFFF  }
tec
execute0_lowered:
.L_overlay_start_1:
0x0: {  	(tag) =	ssettag $0x1  }
0x1: {  	s1 =	rddreg [dreg:$0x0]  }
0x2: {  	s2 =	srdreg.scid;
	s0 =	stileid.u32  }
0x3: {  	s4 =	rddreg [dreg:$0x1];
	s17 =	sand.u32 $0x1, s2;
	s30 =	sshll.u32 s0, $0x1  }
0x4: {  	s18 =	rddreg [dreg:$0x2];
	s19 =	sor.u32 s17, s30  }
0x5: {  	s3 =	simm.s32 $0x0;
	s2 =	rddreg [dreg:$0x3];
	s5 =	sshll.u32 s19, $0x7  }
0x6: {  	[smem:$0x7FF] =	sst s3;
	s4 =	sadd.s32 s5, s4  }
0x7: {  	_ =	strace $0x80000047;
	s5 =	sadd.s32 $0x9A00, s4;
	s4 =	simm.s32 $0x2  }
0x8: {  	[tilespmem:s3], [sflag:$0x2] =	stream.linear.gather [hbm4b:s5+s3], $0x280, $0x38;
	[tilespmem:$0xA400] =	vst v63  }
0x9: {  	_ =	swait.ge [sflag:s4], $0x280  }
0xa: {  	[sflag:s4] =	ssyncset.done $0x0  }
0xb: {  	s6 =	simm.s32 $0x40;
	s7 =	simm.s32 $0x400;
	[sflag:s4] =	ssyncadd.s32 $0xFFFFFD80  }
0xc: {  	[tilespmem:s7], [sflag:$0x1] =	stream.indirect.gather [hbm4b:s1+s6], $0x80, s3, s6, $0xb8;
	[tilespmem:$0xA400] =	vst v63  }
0xd: {  	s8 =	simm.s32 $0x80;
	s9 =	simm.s32 $0x2400  }
0xe: {  	[tilespmem:s9], [sflag:$0x1] =	stream.indirect.gather [hbm4b:s1+s6], $0x80, s8, s6, $0xb8;
	[tilespmem:$0xA400] =	vst v63  }
0xf: {  	s10 =	simm.s32 $0x100;
	s11 =	simm.s32 $0x4400  }
0x10: {  	[tilespmem:s11], [sflag:$0x1] =	stream.indirect.gather [hbm4b:s1+s6], $0x80, s10, s6, $0xb8;
	[tilespmem:$0xA400] =	vst v63  }
0x11: {  	s12 =	simm.s32 $0x180;
	s13 =	simm.s32 $0x6400  }
0x12: {  	[tilespmem:s13], [sflag:$0x1] =	stream.indirect.gather [hbm4b:s1+s6], $0x80, s12, s6, $0xb8;
	[tilespmem:$0xA400] =	vst v63  }
0x13: {  	s14 =	simm.s32 $0x200;
	s15 =	simm.s32 $0x8400;
	s16 =	simm.s32 $0x1  }
0x14: {  	[tilespmem:s15], [sflag:$0x1] =	stream.indirect.gather [hbm4b:s1+s6], $0x80, s14, s6, $0xb8;
	[tilespmem:$0xA400] =	vst v63  }
0x15: {  	_ =	swait.ge [sflag:s16], $0x2000  }
0x16: {  	[sflag:s16] =	ssyncset.done $0x0  }
0x17: {  	[sflag:s16] =	ssyncadd.s32 $0xFFFFE000  }
0x18: {  	_ =	swait.ge [sflag:s16], $0x2000  }
0x19: {  	[sflag:s16] =	ssyncset.done $0x0  }
0x1a: {  	[sflag:s16] =	ssyncadd.s32 $0xFFFFE000  }
0x1b: {  	_ =	swait.ge [sflag:s16], $0x2000  }
0x1c: {  	[sflag:s16] =	ssyncset.done $0x0  }
0x1d: {  	s17 =	ssub.s32 $0x2, s17;
	[sflag:s16] =	ssyncadd.s32 $0xFFFFE000  }
0x1e: {  	s20 =	sshrl.u32 s17, $0x1;
	_ =	swait.ge [sflag:s16], $0x2000  }
0x1f: {  	s20 =	ssub.s32 s17, s20;
	[sflag:s16] =	ssyncset.done $0x0  }
0x20: {  	s31 =	smax.u32 s20, $0x1;
	[sflag:s16] =	ssyncadd.s32 $0xFFFFE000  }
0x21: {  	s19 =	smul.u32 $0x1400, s19;
	p0 =	sne.s32 s31, $0x1;
	_ =	swait.ge [sflag:s16], $0x2000  }
.Ltmp0:
0x22: {  	[sflag:s16] =	ssyncset.done $0x0;
	(pc) =	sbr.rel @!p0 .LBB2_2-.Ltmp0, $4  }
0x23: {  	s17 =	sadd.s32 s18, s19;
	[sflag:s16] =	ssyncadd.s32 $0xFFFFE000  }
0x24: {  	[hbm4b:s17+s3] =	stream.linear.scatter [tilespmem:s7], [sflag:$0x2], $0xA000, $0x38;
	[tilespmem:$0xA400] =	vst v63  }
0x25: {  	_ =	swait.ge [sflag:s4], $0xA000  }
0x26: {  	s18 =	sadd.s32 $0xFFFFFFFF, s31;
	[sflag:s4] =	ssyncset.done $0x0  }
.LBB2_1:
0x27: {  	p0 =	sne.s32 s18, $0x1;
	s18 =	sadd.s32 $0xFFFFFFFF, s18;
	[sflag:s4] =	ssyncadd.s32 $0xFFFF6000  }
0x28: {  	[tilespmem:s3], [sflag:$0x2] =	stream.linear.gather [hbm4b:s5+s3], $0x280, $0x38;
	[tilespmem:$0xA400] =	vst v63  }
0x29: {  	_ =	swait.ge [sflag:s4], $0x280  }
0x2a: {  	[sflag:s4] =	ssyncset.done $0x0  }
0x2b: {  	[sflag:s4] =	ssyncadd.s32 $0xFFFFFD80  }
0x2c: {  	[tilespmem:s7], [sflag:$0x1] =	stream.indirect.gather [hbm4b:s1+s6], $0x80, s3, s6, $0xb8;
	[tilespmem:$0xA400] =	vst v63  }
0x2d: {  	_ = 	snop  }
0x2e: {  	[tilespmem:s9], [sflag:$0x1] =	stream.indirect.gather [hbm4b:s1+s6], $0x80, s8, s6, $0xb8;
	[tilespmem:$0xA400] =	vst v63  }
0x2f: {  	_ = 	snop  }
0x30: {  	[tilespmem:s11], [sflag:$0x1] =	stream.indirect.gather [hbm4b:s1+s6], $0x80, s10, s6, $0xb8;
	[tilespmem:$0xA400] =	vst v63  }
0x31: {  	_ = 	snop  }
0x32: {  	[tilespmem:s13], [sflag:$0x1] =	stream.indirect.gather [hbm4b:s1+s6], $0x80, s12, s6, $0xb8;
	[tilespmem:$0xA400] =	vst v63  }
0x33: {  	_ = 	snop  }
0x34: {  	[tilespmem:s15], [sflag:$0x1] =	stream.indirect.gather [hbm4b:s1+s6], $0x80, s14, s6, $0xb8;
	[tilespmem:$0xA400] =	vst v63  }
0x35: {  	_ =	swait.ge [sflag:s16], $0x2000  }
0x36: {  	[sflag:s16] =	ssyncset.done $0x0  }
0x37: {  	[sflag:s16] =	ssyncadd.s32 $0xFFFFE000  }
0x38: {  	_ =	swait.ge [sflag:s16], $0x2000  }
0x39: {  	[sflag:s16] =	ssyncset.done $0x0  }
0x3a: {  	[sflag:s16] =	ssyncadd.s32 $0xFFFFE000  }
0x3b: {  	_ =	swait.ge [sflag:s16], $0x2000  }
0x3c: {  	[sflag:s16] =	ssyncset.done $0x0  }
0x3d: {  	[sflag:s16] =	ssyncadd.s32 $0xFFFFE000  }
0x3e: {  	_ =	swait.ge [sflag:s16], $0x2000  }
0x3f: {  	[sflag:s16] =	ssyncset.done $0x0  }
0x40: {  	[sflag:s16] =	ssyncadd.s32 $0xFFFFE000  }
0x41: {  	_ =	swait.ge [sflag:s16], $0x2000  }
.Ltmp1:
0x42: {  	[sflag:s16] =	ssyncset.done $0x0;
	(pc) =	sbr.rel @p0 .LBB2_1-.Ltmp1, $4  }
0x43: {  	[sflag:s16] =	ssyncadd.s32 $0xFFFFE000  }
0x44: {  	[hbm4b:s17+s3] =	stream.linear.scatter [tilespmem:s7], [sflag:$0x2], $0xA000, $0x38;
	[tilespmem:$0xA400] =	vst v63  }
0x45: {  	_ =	swait.ge [sflag:s4], $0xA000  }
0x46: {  	[sflag:s4] =	ssyncset.done $0x0  }
.LBB2_2:
0x47: {  	[sflag:s4] =	ssyncadd.s32 $0xFFFF6000  }
0x48: {  	_ =	sfence.sel $0x180000  }
0x49: {  	[bflag:$0x0] =	sbarrier.arrive $0xFFFF  }
0x4a: {  	p0 =	sne.s32 s0, $0x0;
	_ =	strace $0x90000047  }
0x4b: {  	s0 =	sadd.s32 @!p0 $0x100000, s2;
	[bflag:$0x2] =	sbarrier.arrive $0xFFFF  }
0x4c: {  	[sflag:s0] =	ssyncadd.tile.s32 @!p0 $0x1;
	_ =	shalt  }
.Lfunc_end2:
_tile_overlayer_lowered:
.L_overlay_start_2:
0x4d: {  	(tag) =	ssettag $0x2  }
0x4e: {  	s0 =	rddreg [dreg:$0x0];
	s2 =	stileid.u32  }
0x4f: {  	s1 =	rddreg [dreg:$0x1];
	p0 =	sne.s32 s2, $0x0  }
0x50: {  	s3 =	rddreg [dreg:$0x2];
	[bflag:$0x3] =	sbarrier.arrive $0xFFFF;
	s2 =	simm.s32 @!p0 $0x1C02  }
0x51: {  	[timem:s3], [sflag:s2] =	dma.local @!p0 [hbm:s0], s1  }
0x52: {  	s0 =	simm.s32 @!p0 $0x2  }
0x53: {  	_ =	swait.ge @!p0 [sflag:s0], s1  }
0x54: {  	s1 =	ssub.s32 @!p0 $0x0, s1;
	[sflag:s0] =	ssyncset.done @!p0 $0x0  }
0x55: {  	[sflag:s0] =	ssyncadd.s32 @!p0 s1  }
0x56: {  	[bflag:$0x3] =	sbarrier.arrive $0xFFFF  }
0x57: {  	_ =	shalt  }

// kernel: kernel.17.cloned.1.call-start
scs
__scs_entry_jumppad:
0x0: {  	(pc) =	sbr.rel $0x88, $3  }
0x1: {  	(tag) =	ssettag $0x0;
	lr =	simm.s32 $0x1  }
0x2: {  	[smem:$0x3F94] =	sst lr;
	_ =	strace $0xD0000000  }
0x3: {  	_ = 	snop  }
0x4: {  	_ = 	snop  }
0x5: {  	_ = 	snop  }
0x6: {  	_ = 	snop  }
0x7: {  	_ = 	snop  }
__scs_overlays_trampoline_lowered:
0x8: {  	[smem:$0x3FA3] =	sst s0  }
0x9: {  	[smem:$0x3FA4] =	sst s1  }
0xa: {  	[smem:$0x3FA5] =	sst s2  }
0xb: {  	[smem:$0x3FA6] =	sst s3  }
0xc: {  	[smem:$0x3FA7] =	sst s4  }
0xd: {  	[smem:$0x3FA8] =	sst s5  }
0xe: {  	[smem:$0x3FA9] =	sst s6  }
0xf: {  	[smem:$0x3FAA] =	sst s7  }
0x10: {  	[smem:$0x3FAB] =	sst s8  }
0x11: {  	[smem:$0x3FAC] =	sst s9;
	s0 =	simm.s32 @!p0 $0x0  }
0x12: {  	s1 =	sld [smem:$0x3F92];
	s0 =	simm.s32 @p0 $0x1  }
0x13: {  	[smem:$0x3FAD] =	sst s0;
	s0 =	simm.s32 @!p1 $0x0  }
0x14: {  	s2 =	sld [smem:$0x3F91];
	s0 =	simm.s32 @p1 $0x1  }
0x15: {  	[smem:$0x3FAE] =	sst s0;
	s0 =	simm.s32 @!p2 $0x0  }
0x16: {  	s3 =	sld [smem:$0x3FDB];
	s0 =	simm.s32 @p2 $0x1  }
0x17: {  	s4 =	simm.s32 $0x1BF5;
	[smem:$0x3FB0] =	sst s0  }
0x18: {  	s0 =	sld [smem:$0x3F93];
	_ =	swait.ge [sflag:s4], $0x0  }
0x19: {  	s7 =	sld [smem:$0x3F94]  }
0x1a: {  	s8 =	sadd.s32 $0xFFFFE003, lr  }
0x1b: {  	s9 =	sadd.s32 $0xFFFFFEF7, lr;
	s5 =	simm.s32 $0xFFFFFFFF;
	p2 =	slt.u32 s8, $0xFFFFF086  }
0x1c: {  	p1 =	slt.u32 s9, $0xF7A;
	s5 =	simm.s32 @!p2 $0x0  }
0x1d: {  	s5 =	simm.s32 @p1 $0x1;
	p0 =	seq.s32 s7, s2  }
0x1e: {  	s7 =	smul.u32 @!p0 $0xF7A, s2;
	p2 =	seq.s32 @!p0 s5, $0x0  }
0x1f: {  	s9 =	smul.u32 $0xF7A, s1;
	s8 =	simm.s32 @!p0 $0x1BF5;
	p2 =	por !p2, p0  }
0x20: {  	[sflag:s8] =	ssyncset.s32 @!p0 $0xFFFFF086;
	s6 =	sadd.s32 @!p0 s3, s7;
	s7 =	simm.s32 @!p0 $0x108  }
0x21: {  	s3 =	sadd.s32 s3, s9;
	s6 =	sadd.s32 @!p0 $0x88, s6;
	s7 =	simm.s32 @p2 $0x1082  }
0x22: {  	[simem:s7], [sflag:s8] =	dma.local @!p0 [hbm:s6], $0xF7A  }
0x23: {  	s9 =	sor.u32 $0xD0000000, s2;
	s6 =	simm.s32 $0x108;
	_ =	swait.ge @!p0 [sflag:s8], $0x0  }
0x24: {  	s3 =	sadd.s32 $0x88, s3;
	s6 =	simm.s32 @!p1 $0x1082;
	[sflag:s4] =	ssyncset.s32 $0xFFFFF086  }
0x25: {  	[simem:s6], [sflag:s4] =	dma.local [hbm:s3], $0xF7A  }
0x26: {  	[smem:$0x3F94] =	sst s1;
	(tag) =	ssettag s2;
	_ =	strace s9  }
0x27: {  	s1 =	sld [smem:$0x3FA4]  }
0x28: {  	s2 =	sld [smem:$0x3FA5]  }
0x29: {  	s4 =	sld [smem:$0x3FA7]  }
0x2a: {  	p0 =	seq.s32 s5, $0x0;
	s5 =	sld [smem:$0x3FA8]  }
0x2b: {  	s6 =	sld [smem:$0x3FA9]  }
0x2c: {  	s7 =	sld [smem:$0x3FAA]  }
0x2d: {  	s3 =	simm.s32 $0x108;
	s8 =	sld [smem:$0x3FAB]  }
0x2e: {  	s3 =	simm.s32 @!p0 $0x1082;
	s9 =	sld [smem:$0x3FAC]  }
0x2f: {  	lr =	sadd.s32 s0, s3;
	s0 =	sld [smem:$0x3FA3]  }
0x30: {  	s3 =	sld [smem:$0x3FA6]  }
0x31: {  	[smem:$0x3FAF] =	sst s10  }
0x32: {  	s10 =	sld [smem:$0x3FAD];
	_ =	sdelay $0x3  }
0x33: {  	p0 =	seq.s32 s10, $0x1;
	s10 =	sld [smem:$0x3FAF];
	_ =	sdelay $0x3  }
0x34: {  	[smem:$0x3FAF] =	sst s10  }
0x35: {  	s10 =	sld [smem:$0x3FAE];
	_ =	sdelay $0x3  }
0x36: {  	p1 =	seq.s32 s10, $0x1;
	s10 =	sld [smem:$0x3FAF];
	_ =	sdelay $0x3  }
0x37: {  	[smem:$0x3FAF] =	sst s10  }
0x38: {  	s10 =	sld [smem:$0x3FB0]  }
0x39: {  	_ = 	snop;
	(pc) =	sbr.ind lr, $3  }
0x3a: {  	_ = 	snop  }
0x3b: {  	_ = 	snop  }
0x3c: {  	p2 =	seq.s32 s10, $0x1;
	s10 =	sld [smem:$0x3FAF]  }
0x3d: {  	_ =	shalt  }
0x3e: {  	_ =	shalt  }
0x3f: {  	_ =	shalt  }
0x40: {  	_ =	shalt  }
0x41: {  	_ =	shalt  }
0x42: {  	_ =	shalt  }
0x43: {  	_ =	shalt  }
0x44: {  	_ =	shalt  }
0x45: {  	_ =	shalt  }
0x46: {  	_ =	shalt  }
0x47: {  	_ =	shalt  }
0x48: {  	_ =	shalt  }
0x49: {  	_ =	shalt  }
0x4a: {  	_ =	shalt  }
0x4b: {  	_ =	shalt  }
0x4c: {  	_ =	shalt  }
0x4d: {  	_ =	shalt  }
0x4e: {  	_ =	shalt  }
0x4f: {  	_ =	shalt  }
0x50: {  	_ =	shalt  }
0x51: {  	_ =	shalt  }
0x52: {  	_ =	shalt  }
0x53: {  	_ =	shalt  }
0x54: {  	_ =	shalt  }
0x55: {  	_ =	shalt  }
0x56: {  	_ =	shalt  }
0x57: {  	_ =	shalt  }
0x58: {  	_ =	shalt  }
0x59: {  	_ =	shalt  }
0x5a: {  	_ =	shalt  }
0x5b: {  	_ =	shalt  }
0x5c: {  	_ =	shalt  }
0x5d: {  	_ =	shalt  }
0x5e: {  	_ =	shalt  }
0x5f: {  	_ =	shalt  }
0x60: {  	_ =	shalt  }
0x61: {  	_ =	shalt  }
0x62: {  	_ =	shalt  }
0x63: {  	_ =	shalt  }
0x64: {  	_ =	shalt  }
0x65: {  	_ =	shalt  }
0x66: {  	_ =	shalt  }
0x67: {  	_ =	shalt  }
0x68: {  	_ =	shalt  }
0x69: {  	_ =	shalt  }
0x6a: {  	_ =	shalt  }
0x6b: {  	_ =	shalt  }
0x6c: {  	_ =	shalt  }
0x6d: {  	_ =	shalt  }
0x6e: {  	_ =	shalt  }
0x6f: {  	_ =	shalt  }
0x70: {  	_ =	shalt  }
0x71: {  	_ =	shalt  }
0x72: {  	_ =	shalt  }
0x73: {  	_ =	shalt  }
0x74: {  	_ =	shalt  }
0x75: {  	_ =	shalt  }
0x76: {  	_ =	shalt  }
0x77: {  	_ =	shalt  }
0x78: {  	_ =	shalt  }
0x79: {  	_ =	shalt  }
0x7a: {  	_ =	shalt  }
0x7b: {  	_ =	shalt  }
0x7c: {  	_ =	shalt  }
0x7d: {  	_ =	shalt  }
0x7e: {  	_ =	shalt  }
0x7f: {  	_ =	shalt  }
0x80: {  	_ =	shalt  }
0x81: {  	_ =	shalt  }
0x82: {  	_ =	shalt  }
0x83: {  	_ =	shalt  }
0x84: {  	_ =	shalt  }
0x85: {  	_ =	shalt  }
0x86: {  	_ =	shalt  }
0x87: {  	_ =	shalt  }
.Lfunc_end0:
.L_simem_size_0:
called_computation.2_lowered:
.L_overlay_start_0:
0x88: {  	s2 =	sld [smem:$0x3FD9]  }
0x89: {  	s3 =	sld [smem:$0x3FFE];
	_ =	sdelay $0x1  }
0x8a: {  	s1 =	srdreg.scid  }
0x8b: {  	s0 =	sand.u32 $0x1, s1  }
0x8c: {  	s14 =	sshll.u32 s0, $0xA;
	s2 =	sadd.s32 s3, s2  }
0x8d: {  	s2 =	sadd.s32 s2, s14  }
0x8e: {  	[smem:$0x3FBB] =	sst s2  }
0x8f: {  	_ = 	snop  }
0x90: {  	s2 =	sld [smem:$0x3FD0];
	_ =	sdelay $0x2  }
0x91: {  	s15 =	simm.s32 $0xB;
	s4 =	simm.s32 $0x10  }
0x92: {  	[smem:s4], [sflag:s15] =	dma.local [hbm:s2], $0x1  }
0x93: {  	_ =	swait.eq [sflag:s15], $0x1  }
0x94: {  	[sflag:s15] =	ssyncset.done $0x0  }
0x95: {  	[sflag:s15] =	ssyncadd.s32 $0xFFFFFFFF  }
0x96: {  	s16 =	sld [smem:$0x10];
	(tm) =	ssettm $0x1  }
0x97: {  	s17 =	sld [smem:$0x3FFB];
	_ =	sdelay $0x3  }
0x98: {  	_ =	strace s17  }
0x99: {  	s3 =	sld [smem:$0x3FFC];
	_ =	sdelay $0x3  }
0x9a: {  	_ =	strace s3  }
0x9b: {  	s3 =	sld [smem:$0x3FFD];
	_ =	sdelay $0x3  }
0x9c: {  	_ =	strace s3  }
0x9d: {  	_ =	strace $0x8FFFFFFF  }
0x9e: {  	s18 =	sld [smem:$0x3FDB];
	_ =	sdelay $0x1  }
0x9f: {  	s19 =	simm.s32 $_scs_section_size  }
0xa0: {  	s5 =	simm.s32 $_size__tile_overlayer_lowered;
	s6 =	simm.s32 $_tile_overlayer_lowered  }
0xa1: {  	s22 =	simm.s32 $0x1BFF;
	s21 =	sshll.u32 s6, $0x1;
	s3 =	sadd.s32 s19, s18  }
0xa2: {  	s7 =	simm.s32 $0x0;
	s20 =	sshll.u32 s5, $0x1;
	s5 =	sadd.s32 s21, s3  }
0xa3: {  	[timem:s7], [sflag:s22] =	dma.local [hbm:s5], s20  }
0xa4: {  	_ =	swait.ge [sflag:s22], s20  }
0xa5: {  	s4 =	ssub.s32 $0x0, s20;
	[sflag:s22] =	ssyncset.done $0x0  }
0xa6: {  	[sflag:s22] =	ssyncadd.s32 s4;
	_ =	sdelay $0x1  }
0xa7: {  	s23 =	simm.s32 $0x1B8B  }
0xa8: {  	_ =	swait.ge [sflag:s23], $0x1  }
0xa9: {  	[sflag:s23] =	ssyncset.done $0x0  }
0xaa: {  	s25 =	simm.s32 $0x1B8E;
	s24 =	sld [smem:$0x3FFE];
	[sflag:s23] =	ssyncadd.s32 $0xFFFFFFFF  }
0xab: {  	s26 =	simm.s32 $execute0_lowered;
	[smem:$0x3FD2] =	sst s25  }
0xac: {  	s5 =	sshll.u32 s26, $0x1;
	_ =	strace $0x80000049;
	[dreg:$0x1] =	wrdreg $0xFFFFFFFF  }
0xad: {  	s28 =	simm.s32 $_size_execute0_lowered;
	s3 =	sadd.s32 s3, s5;
	[dreg:$0x0] =	wrdreg $0x0  }
0xae: {  	s5 =	sshll.u32 s28, $0x1;
	[dreg:$0x2] =	wrdreg s3  }
0xaf: {  	[dreg:$0x3] =	wrdreg s5  }
0xb0: {  	[dreg:$0x4] =	wrdreg $0xC0  }
0xb1: {  	_ =	task [dreg:s7], $0x5FFFF  }
0xb2: {  	[dreg:$0x1] =	wrdreg $0xFFFFFFFF  }
0xb3: {  	[dreg:$0x0] =	wrdreg $0x60  }
0xb4: {  	[dreg:$0x2] =	wrdreg s24  }
0xb5: {  	[dreg:$0x3] =	wrdreg s16  }
0xb6: {  	[dreg:$0x4] =	wrdreg $0x9  }
0xb7: {  	_ =	task.clear_ibuf [dreg:s7], $0x5FFFF;
	_ =	strace $0x90000049  }
0xb8: {  	s29 =	simm.s32 $0x9;
	_ =	strace $0x8000004B  }
0xb9: {  	_ =	swait.ge [sflag:s29], $0x1  }
0xba: {  	[sflag:s29] =	ssyncadd.s32 $0xFFFFFFFF  }
0xbb: {  	_ =	strace $0x9000004B  }
0xbc: {  	_ =	sfence  }
0xbd: {  	s30 =	sld [smem:$0x0];
	_ =	sdelay $0x2  }
0xbe: {  	s31 =	sshll.u32 s1, $0xD;
	s1 =	sshrl.u32 s1, $0x2  }
0xbf: {  	s3 =	sand.u32 $0x4000, s31;
	s1 =	sadd.s32 s1, s30  }
0xc0: {  	s0 =	sor.u32 s3, s0;
	s1 =	sshll.u32 s1, $0x11  }
0xc1: {  	s0 =	sor.u32 s1, s0  }
0xc2: {  	s0 =	sadd.s32 $0x8F2B, s0  }
0xc3: {  	[sflag:s0] =	ssyncadd.remote.s32 $0x1  }
0xc4: {  	_ =	sfence.sel $0xFFFF  }
0xc5: {  	[dreg:$0x0] =	wrdreg $0xFFFFFFFF;
	(pc) =	sbr.abs _section_cstart, $3  }
0xc6: {  	[dreg:$0x1] =	wrdreg $0xFFFFFFFF  }
0xc7: {  	_ =	task.clear_ibuf [dreg:s7], $0x2FFFF;
	_ =	strace $0x9FFFFFFF  }
0xc8: {  	(tm) =	ssettm $0x7FFFFFFF  }
0xc9: {  	_ =	shalt  }
tec
execute0_lowered:
.L_overlay_start_1:
0x0: {  	(tag) =	ssettag $0x1  }
0x1: {  	s1 =	srdreg.scid;
	s3 =	rddreg [dreg:$0x0]  }
0x2: {  	s0 =	stileid.u32;
	s4 =	rddreg [dreg:$0x1];
	s21 =	simm.s32 $0x80  }
0x3: {  	s23 =	simm.s32 $0x2800;
	s24 =	simm.s32 $0x100;
	s25 =	simm.s32 $0x4800  }
0x4: {  	s26 =	simm.s32 $0x180;
	s7 =	simm.s32 $0x40;
	s12 =	simm.s32 $0xA800  }
0x5: {  	s13 =	simm.s32 $0x300;
	s14 =	simm.s32 $0xC800;
	s15 =	simm.s32 $0x380  }
0x6: {  	s16 =	simm.s32 $0xE800;
	s17 =	simm.s32 $0x400;
	s18 =	simm.s32 $0x10800  }
0x7: {  	s19 =	simm.s32 $0x480;
	p0 =	por $0x0, $0x0;
	s28 =	simm.s32 $0x680  }
0x8: {  	s29 =	simm.s32 $0x1A800;
	s1 =	sand.u32 $0x1, s1;
	s2 =	sshll.u32 s0, $0x1  }
0x9: {  	s30 =	simm.s32 $0x700;
	s5 =	sor.u32 s1, s2;
	s2 =	simm.s32 $0x0  }
0xa: {  	s31 =	simm.s32 $0x1C800;
	s1 =	ssub.s32 $0x2, s1;
	[smem:$0x7FF] =	sst s2  }
0xb: {  	s6 =	smul.u32 $0x3C00, s5;
	_ =	strace $0x8000004A;
	[dreg:$0x5] =	wrdreg s21  }
0xc: {  	s5 =	sshll.u32 s5, $0x8;
	s22 =	sshrl.u32 s1, $0x1;
	[dreg:$0x6] =	wrdreg s23  }
0xd: {  	s4 =	sadd.s32 s4, s5;
	s1 =	ssub.s32 s1, s22;
	[dreg:$0x7] =	wrdreg s24  }
0xe: {  	s5 =	sadd.s32 $0x32400, s3;
	[dreg:$0x8] =	wrdreg s25;
	s1 =	smax.u32 s1, $0x1  }
0xf: {  	[dreg:$0x9] =	wrdreg s26;
	s21 =	simm.s32 $0x500;
	p1 =	sne.s32 s1, $0x1  }
.Ltmp0:
0x10: {  	s22 =	simm.s32 $0x14800;
	s23 =	simm.s32 $0x580;
	(pc) =	sbr.rel @!p1 .LBB2_4-.Ltmp0, $4  }
0x11: {  	s24 =	simm.s32 $0x16800;
	s25 =	simm.s32 $0x600;
	s26 =	simm.s32 $0x18800  }
0x12: {  	s6 =	sadd.s32 s6, s3;
	[dreg:$0x3] =	wrdreg s4;
	s3 =	simm.s32 $0x2  }
0x13: {  	s4 =	simm.s32 $0x800;
	s20 =	sadd.s32 $0xA7800, s6;
	s8 =	sadd.s32 $0xFFFFFFFF, s1  }
0x14: {  	s6 =	simm.s32 $0x1;
	[dreg:$0x4] =	wrdreg s20;
	s20 =	simm.s32 $0x12800  }
0x15: {  	s0 =	rddreg [dreg:$0x3]  }
0x16: {  	[tilespmem:s2], [sflag:$0x2] =	stream.linear.gather [hbm4b:s0+s2], $0x780, $0x38;
	[tilespmem:$0x1E800] =	vst v63  }
0x17: {  	_ =	swait.ge [sflag:s3], $0x780  }
0x18: {  	s1 =	rddreg [dreg:$0x7]  }
0x19: {  	s10 =	rddreg [dreg:$0x5]  }
0x1a: {  	[sflag:s3] =	ssyncset.done $0x0;
	s0 =	rddreg [dreg:$0x6]  }
0x1b: {  	[dreg:$0xa] =	wrdreg s1;
	[sflag:s3] =	ssyncadd.s32 $0xFFFFF880  }
0x1c: {  	[tilespmem:s4], [sflag:$0x1] =	stream.indirect.gather [hbm4b:s5+s7], $0x80, s2, s7, $0xb8;
	[tilespmem:$0x1E800] =	vst v63  }
0x1d: {  	s1 =	rddreg [dreg:$0x8]  }
0x1e: {  	[tilespmem:s0], [sflag:$0x1] =	stream.indirect.gather [hbm4b:s5+s7], $0x80, s10, s7, $0xb8;
	[tilespmem:$0x1E800] =	vst v63  }
0x1f: {  	s10 =	rddreg [dreg:$0xa]  }
0x20: {  	[tilespmem:s1], [sflag:$0x1] =	stream.indirect.gather [hbm4b:s5+s7], $0x80, s10, s7, $0xb8;
	[tilespmem:$0x1E800] =	vst v63  }
0x21: {  	s9 =	simm.s32 $0x6800;
	s0 =	rddreg [dreg:$0x9]  }
0x22: {  	[tilespmem:s9], [sflag:$0x1] =	stream.indirect.gather [hbm4b:s5+s7], $0x80, s0, s7, $0xb8;
	[tilespmem:$0x1E800] =	vst v63  }
0x23: {  	s11 =	simm.s32 $0x8800;
	s9 =	simm.s32 $0x200  }
0x24: {  	[tilespmem:s11], [sflag:$0x1] =	stream.indirect.gather [hbm4b:s5+s7], $0x80, s9, s7, $0xb8;
	[tilespmem:$0x1E800] =	vst v63  }
0x25: {  	s10 =	simm.s32 $0x280  }
0x26: {  	[tilespmem:s12], [sflag:$0x1] =	stream.indirect.gather [hbm4b:s5+s7], $0x80, s10, s7, $0xb8;
	[tilespmem:$0x1E800] =	vst v63  }
0x27: {  	_ = 	snop  }
0x28: {  	[tilespmem:s14], [sflag:$0x1] =	stream.indirect.gather [hbm4b:s5+s7], $0x80, s13, s7, $0xb8;
	[tilespmem:$0x1E800] =	vst v63  }
0x29: {  	_ = 	snop  }
0x2a: {  	[tilespmem:s16], [sflag:$0x1] =	stream.indirect.gather [hbm4b:s5+s7], $0x80, s15, s7, $0xb8;
	[tilespmem:$0x1E800] =	vst v63  }
0x2b: {  	_ = 	snop  }
0x2c: {  	[tilespmem:s18], [sflag:$0x1] =	stream.indirect.gather [hbm4b:s5+s7], $0x80, s17, s7, $0xb8;
	[tilespmem:$0x1E800] =	vst v63  }
0x2d: {  	_ = 	snop  }
0x2e: {  	[tilespmem:s20], [sflag:$0x1] =	stream.indirect.gather [hbm4b:s5+s7], $0x80, s19, s7, $0xb8;
	[tilespmem:$0x1E800] =	vst v63  }
0x2f: {  	_ = 	snop  }
0x30: {  	[tilespmem:s22], [sflag:$0x1] =	stream.indirect.gather [hbm4b:s5+s7], $0x80, s21, s7, $0xb8;
	[tilespmem:$0x1E800] =	vst v63  }
0x31: {  	_ = 	snop  }
0x32: {  	[tilespmem:s24], [sflag:$0x1] =	stream.indirect.gather [hbm4b:s5+s7], $0x80, s23, s7, $0xb8;
	[tilespmem:$0x1E800] =	vst v63  }
0x33: {  	_ = 	snop  }
0x34: {  	[tilespmem:s26], [sflag:$0x1] =	stream.indirect.gather [hbm4b:s5+s7], $0x80, s25, s7, $0xb8;
	[tilespmem:$0x1E800] =	vst v63  }
0x35: {  	_ = 	snop  }
0x36: {  	[tilespmem:s29], [sflag:$0x1] =	stream.indirect.gather [hbm4b:s5+s7], $0x80, s28, s7, $0xb8;
	[tilespmem:$0x1E800] =	vst v63  }
0x37: {  	_ = 	snop  }
0x38: {  	[tilespmem:s31], [sflag:$0x1] =	stream.indirect.gather [hbm4b:s5+s7], $0x80, s30, s7, $0xb8;
	[tilespmem:$0x1E800] =	vst v63  }
0x39: {  	_ =	swait.ge [sflag:s6], $0x2000  }
0x3a: {  	[sflag:s6] =	ssyncset.done $0x0  }
0x3b: {  	[sflag:s6] =	ssyncadd.s32 $0xFFFFE000  }
0x3c: {  	_ =	swait.ge [sflag:s6], $0x2000  }
0x3d: {  	[sflag:s6] =	ssyncset.done $0x0  }
0x3e: {  	[sflag:s6] =	ssyncadd.s32 $0xFFFFE000  }
0x3f: {  	_ =	swait.ge [sflag:s6], $0x2000  }
0x40: {  	[sflag:s6] =	ssyncset.done $0x0  }
0x41: {  	[sflag:s6] =	ssyncadd.s32 $0xFFFFE000  }
0x42: {  	_ =	swait.ge [sflag:s6], $0x2000  }
0x43: {  	[sflag:s6] =	ssyncset.done $0x0  }
0x44: {  	[sflag:s6] =	ssyncadd.s32 $0xFFFFE000  }
0x45: {  	_ =	swait.ge [sflag:s6], $0x2000  }
0x46: {  	[sflag:s6] =	ssyncset.done $0x0  }
0x47: {  	[sflag:s6] =	ssyncadd.s32 $0xFFFFE000  }
0x48: {  	_ =	swait.ge [sflag:s6], $0x2000  }
0x49: {  	[sflag:s6] =	ssyncset.done $0x0  }
0x4a: {  	[sflag:s6] =	ssyncadd.s32 $0xFFFFE000  }
0x4b: {  	_ =	swait.ge [sflag:s6], $0x2000  }
0x4c: {  	[sflag:s6] =	ssyncset.done $0x0  }
0x4d: {  	[sflag:s6] =	ssyncadd.s32 $0xFFFFE000  }
0x4e: {  	_ =	swait.ge [sflag:s6], $0x2000  }
0x4f: {  	[sflag:s6] =	ssyncset.done $0x0  }
0x50: {  	[sflag:s6] =	ssyncadd.s32 $0xFFFFE000  }
0x51: {  	_ =	swait.ge [sflag:s6], $0x2000  }
0x52: {  	[sflag:s6] =	ssyncset.done $0x0  }
0x53: {  	[sflag:s6] =	ssyncadd.s32 $0xFFFFE000  }
0x54: {  	_ =	swait.ge [sflag:s6], $0x2000  }
0x55: {  	[sflag:s6] =	ssyncset.done $0x0  }
0x56: {  	[sflag:s6] =	ssyncadd.s32 $0xFFFFE000  }
0x57: {  	_ =	swait.ge [sflag:s6], $0x2000  }
0x58: {  	[sflag:s6] =	ssyncset.done $0x0  }
0x59: {  	[sflag:s6] =	ssyncadd.s32 $0xFFFFE000  }
0x5a: {  	_ =	swait.ge [sflag:s6], $0x2000  }
0x5b: {  	[sflag:s6] =	ssyncset.done $0x0  }
0x5c: {  	[sflag:s6] =	ssyncadd.s32 $0xFFFFE000  }
0x5d: {  	_ =	swait.ge [sflag:s6], $0x2000  }
0x5e: {  	[sflag:s6] =	ssyncset.done $0x0  }
0x5f: {  	[sflag:s6] =	ssyncadd.s32 $0xFFFFE000  }
0x60: {  	_ =	swait.ge [sflag:s6], $0x2000  }
0x61: {  	p1 =	sne.s32 s8, $0x1;
	[sflag:s6] =	ssyncset.done $0x0  }
.Ltmp1:
0x62: {  	[sflag:s6] =	ssyncadd.s32 $0xFFFFE000;
	(pc) =	sbr.rel @!p1 .LBB2_4-.Ltmp1, $4  }
0x63: {  	_ =	swait.ge [sflag:s6], $0x2000  }
0x64: {  	p0 =	por $0x1, $0x1;
	[sflag:s6] =	ssyncset.done $0x0  }
0x65: {  	s1 =	sadd.s32 $0xFFFFFFFF, s8;
	s11 =	rddreg [dreg:$0x4];
	[sflag:s6] =	ssyncadd.s32 $0xFFFFE000  }
0x66: {  	[hbm4b:s11+s2] =	stream.linear.scatter [tilespmem:s4], [sflag:$0x2], $0x1E000, $0x38;
	[tilespmem:$0x1E800] =	vst v63  }
0x67: {  	s11 =	simm.s32 $0x6800  }
.LBB2_3:
0x68: {  	_ =	swait.ge [sflag:s3], $0x1E000  }
0x69: {  	[sflag:s3] =	ssyncset.done $0x0  }
0x6a: {  	s0 =	rddreg [dreg:$0x3];
	[sflag:s3] =	ssyncadd.s32 $0xFFFE2000  }
0x6b: {  	[tilespmem:s2], [sflag:$0x2] =	stream.linear.gather [hbm4b:s0+s2], $0x780, $0x38;
	[tilespmem:$0x1E800] =	vst v63  }
0x6c: {  	_ =	swait.ge [sflag:s3], $0x780  }
0x6d: {  	s0 =	rddreg [dreg:$0x7];
	[sflag:s3] =	ssyncset.done $0x0  }
0x6e: {  	s8 =	rddreg [dreg:$0x5];
	[sflag:s3] =	ssyncadd.s32 $0xFFFFF880  }
0x6f: {  	[tilespmem:s4], [sflag:$0x1] =	stream.indirect.gather [hbm4b:s5+s7], $0x80, s2, s7, $0xb8;
	[tilespmem:$0x1E800] =	vst v63  }
0x70: {  	s9 =	rddreg [dreg:$0x6]  }
0x71: {  	[tilespmem:s9], [sflag:$0x1] =	stream.indirect.gather [hbm4b:s5+s7], $0x80, s8, s7, $0xb8;
	[tilespmem:$0x1E800] =	vst v63  }
0x72: {  	s10 =	rddreg [dreg:$0x8]  }
0x73: {  	[tilespmem:s10], [sflag:$0x1] =	stream.indirect.gather [hbm4b:s5+s7], $0x80, s0, s7, $0xb8;
	[tilespmem:$0x1E800] =	vst v63  }
0x74: {  	s8 =	rddreg [dreg:$0x9]  }
0x75: {  	[tilespmem:s11], [sflag:$0x1] =	stream.indirect.gather [hbm4b:s5+s7], $0x80, s8, s7, $0xb8;
	[tilespmem:$0x1E800] =	vst v63  }
0x76: {  	s9 =	simm.s32 $0x200;
	s0 =	simm.s32 $0x8800  }
0x77: {  	[tilespmem:s0], [sflag:$0x1] =	stream.indirect.gather [hbm4b:s5+s7], $0x80, s9, s7, $0xb8;
	[tilespmem:$0x1E800] =	vst v63  }
0x78: {  	s10 =	simm.s32 $0x280  }
0x79: {  	[tilespmem:s12], [sflag:$0x1] =	stream.indirect.gather [hbm4b:s5+s7], $0x80, s10, s7, $0xb8;
	[tilespmem:$0x1E800] =	vst v63  }
0x7a: {  	_ = 	snop  }
0x7b: {  	[tilespmem:s14], [sflag:$0x1] =	stream.indirect.gather [hbm4b:s5+s7], $0x80, s13, s7, $0xb8;
	[tilespmem:$0x1E800] =	vst v63  }
0x7c: {  	_ = 	snop  }
0x7d: {  	[tilespmem:s16], [sflag:$0x1] =	stream.indirect.gather [hbm4b:s5+s7], $0x80, s15, s7, $0xb8;
	[tilespmem:$0x1E800] =	vst v63  }
0x7e: {  	_ = 	snop  }
0x7f: {  	[tilespmem:s18], [sflag:$0x1] =	stream.indirect.gather [hbm4b:s5+s7], $0x80, s17, s7, $0xb8;
	[tilespmem:$0x1E800] =	vst v63  }
0x80: {  	_ = 	snop  }
0x81: {  	[tilespmem:s20], [sflag:$0x1] =	stream.indirect.gather [hbm4b:s5+s7], $0x80, s19, s7, $0xb8;
	[tilespmem:$0x1E800] =	vst v63  }
0x82: {  	_ = 	snop  }
0x83: {  	[tilespmem:s22], [sflag:$0x1] =	stream.indirect.gather [hbm4b:s5+s7], $0x80, s21, s7, $0xb8;
	[tilespmem:$0x1E800] =	vst v63  }
0x84: {  	_ = 	snop  }
0x85: {  	[tilespmem:s24], [sflag:$0x1] =	stream.indirect.gather [hbm4b:s5+s7], $0x80, s23, s7, $0xb8;
	[tilespmem:$0x1E800] =	vst v63  }
0x86: {  	_ = 	snop  }
0x87: {  	[tilespmem:s26], [sflag:$0x1] =	stream.indirect.gather [hbm4b:s5+s7], $0x80, s25, s7, $0xb8;
	[tilespmem:$0x1E800] =	vst v63  }
0x88: {  	_ = 	snop  }
0x89: {  	[tilespmem:s29], [sflag:$0x1] =	stream.indirect.gather [hbm4b:s5+s7], $0x80, s28, s7, $0xb8;
	[tilespmem:$0x1E800] =	vst v63  }
0x8a: {  	_ = 	snop  }
0x8b: {  	[tilespmem:s31], [sflag:$0x1] =	stream.indirect.gather [hbm4b:s5+s7], $0x80, s30, s7, $0xb8;
	[tilespmem:$0x1E800] =	vst v63  }
0x8c: {  	_ =	swait.ge [sflag:s6], $0x2000  }
0x8d: {  	[sflag:s6] =	ssyncset.done $0x0  }
0x8e: {  	[sflag:s6] =	ssyncadd.s32 $0xFFFFE000  }
0x8f: {  	_ =	swait.ge [sflag:s6], $0x2000  }
0x90: {  	[sflag:s6] =	ssyncset.done $0x0  }
0x91: {  	[sflag:s6] =	ssyncadd.s32 $0xFFFFE000  }
0x92: {  	_ =	swait.ge [sflag:s6], $0x2000  }
0x93: {  	[sflag:s6] =	ssyncset.done $0x0  }
0x94: {  	[sflag:s6] =	ssyncadd.s32 $0xFFFFE000  }
0x95: {  	_ =	swait.ge [sflag:s6], $0x2000  }
0x96: {  	[sflag:s6] =	ssyncset.done $0x0  }
0x97: {  	[sflag:s6] =	ssyncadd.s32 $0xFFFFE000  }
0x98: {  	_ =	swait.ge [sflag:s6], $0x2000  }
0x99: {  	[sflag:s6] =	ssyncset.done $0x0  }
0x9a: {  	[sflag:s6] =	ssyncadd.s32 $0xFFFFE000  }
0x9b: {  	_ =	swait.ge [sflag:s6], $0x2000  }
0x9c: {  	[sflag:s6] =	ssyncset.done $0x0  }
0x9d: {  	[sflag:s6] =	ssyncadd.s32 $0xFFFFE000  }
0x9e: {  	_ =	swait.ge [sflag:s6], $0x2000  }
0x9f: {  	[sflag:s6] =	ssyncset.done $0x0  }
0xa0: {  	[sflag:s6] =	ssyncadd.s32 $0xFFFFE000  }
0xa1: {  	_ =	swait.ge [sflag:s6], $0x2000  }
0xa2: {  	[sflag:s6] =	ssyncset.done $0x0  }
0xa3: {  	[sflag:s6] =	ssyncadd.s32 $0xFFFFE000  }
0xa4: {  	_ =	swait.ge [sflag:s6], $0x2000  }
0xa5: {  	[sflag:s6] =	ssyncset.done $0x0  }
0xa6: {  	[sflag:s6] =	ssyncadd.s32 $0xFFFFE000  }
0xa7: {  	_ =	swait.ge [sflag:s6], $0x2000  }
0xa8: {  	[sflag:s6] =	ssyncset.done $0x0  }
0xa9: {  	[sflag:s6] =	ssyncadd.s32 $0xFFFFE000  }
0xaa: {  	_ =	swait.ge [sflag:s6], $0x2000  }
0xab: {  	[sflag:s6] =	ssyncset.done $0x0  }
0xac: {  	[sflag:s6] =	ssyncadd.s32 $0xFFFFE000  }
0xad: {  	_ =	swait.ge [sflag:s6], $0x2000  }
0xae: {  	[sflag:s6] =	ssyncset.done $0x0  }
0xaf: {  	[sflag:s6] =	ssyncadd.s32 $0xFFFFE000  }
0xb0: {  	_ =	swait.ge [sflag:s6], $0x2000  }
0xb1: {  	[sflag:s6] =	ssyncset.done $0x0  }
0xb2: {  	[sflag:s6] =	ssyncadd.s32 $0xFFFFE000  }
0xb3: {  	_ =	swait.ge [sflag:s6], $0x2000  }
0xb4: {  	p1 =	sne.s32 s1, $0x1;
	[sflag:s6] =	ssyncset.done $0x0  }
.Ltmp2:
0xb5: {  	[sflag:s6] =	ssyncadd.s32 $0xFFFFE000;
	(pc) =	sbr.rel @p1 .LBB2_3-.Ltmp2, $4  }
0xb6: {  	_ =	swait.ge [sflag:s6], $0x2000  }
0xb7: {  	[sflag:s6] =	ssyncset.done $0x0  }
0xb8: {  	s1 =	sadd.s32 $0xFFFFFFFF, s1;
	s10 =	rddreg [dreg:$0x4];
	[sflag:s6] =	ssyncadd.s32 $0xFFFFE000  }
0xb9: {  	[hbm4b:s10+s2] =	stream.linear.scatter [tilespmem:s4], [sflag:$0x2], $0x1E000, $0x38;
	[tilespmem:$0x1E800] =	vst v63  }
.LBB2_4:
0xba: {  	_ =	swait.ge @p0 [sflag:s3], $0x1E000  }
0xbb: {  	[sflag:s3] =	ssyncset.done @p0 $0x0  }
0xbc: {  	s0 =	rddreg [dreg:$0x3];
	[sflag:s3] =	ssyncadd.s32 @p0 $0xFFFE2000  }
0xbd: {  	[tilespmem:s2], [sflag:$0x2] =	stream.linear.gather [hbm4b:s0+s2], $0x780, $0x38;
	[tilespmem:$0x1E800] =	vst v63  }
0xbe: {  	_ =	swait.ge [sflag:s3], $0x780  }
0xbf: {  	[sflag:s3] =	ssyncset.done $0x0;
	s0 =	rddreg [dreg:$0x5]  }
0xc0: {  	s1 =	rddreg [dreg:$0x6];
	[sflag:s3] =	ssyncadd.s32 $0xFFFFF880  }
0xc1: {  	[tilespmem:s4], [sflag:$0x1] =	stream.indirect.gather [hbm4b:s5+s7], $0x80, s2, s7, $0xb8;
	[tilespmem:$0x1E800] =	vst v63  }
0xc2: {  	s8 =	rddreg [dreg:$0x7]  }
0xc3: {  	[tilespmem:s1], [sflag:$0x1] =	stream.indirect.gather [hbm4b:s5+s7], $0x80, s0, s7, $0xb8;
	[tilespmem:$0x1E800] =	vst v63  }
0xc4: {  	s9 =	rddreg [dreg:$0x8]  }
0xc5: {  	[tilespmem:s9], [sflag:$0x1] =	stream.indirect.gather [hbm4b:s5+s7], $0x80, s8, s7, $0xb8;
	[tilespmem:$0x1E800] =	vst v63  }
0xc6: {  	s11 =	simm.s32 $0x6800;
	s1 =	rddreg [dreg:$0x9]  }
0xc7: {  	[tilespmem:s11], [sflag:$0x1] =	stream.indirect.gather [hbm4b:s5+s7], $0x80, s1, s7, $0xb8;
	[tilespmem:$0x1E800] =	vst v63  }
0xc8: {  	s10 =	simm.s32 $0x200;
	s9 =	simm.s32 $0x8800  }
0xc9: {  	[tilespmem:s9], [sflag:$0x1] =	stream.indirect.gather [hbm4b:s5+s7], $0x80, s10, s7, $0xb8;
	[tilespmem:$0x1E800] =	vst v63  }
0xca: {  	s11 =	simm.s32 $0x280  }
0xcb: {  	[tilespmem:s12], [sflag:$0x1] =	stream.indirect.gather [hbm4b:s5+s7], $0x80, s11, s7, $0xb8;
	[tilespmem:$0x1E800] =	vst v63  }
0xcc: {  	_ = 	snop  }
0xcd: {  	[tilespmem:s14], [sflag:$0x1] =	stream.indirect.gather [hbm4b:s5+s7], $0x80, s13, s7, $0xb8;
	[tilespmem:$0x1E800] =	vst v63  }
0xce: {  	_ = 	snop  }
0xcf: {  	[tilespmem:s16], [sflag:$0x1] =	stream.indirect.gather [hbm4b:s5+s7], $0x80, s15, s7, $0xb8;
	[tilespmem:$0x1E800] =	vst v63  }
0xd0: {  	_ = 	snop  }
0xd1: {  	[tilespmem:s18], [sflag:$0x1] =	stream.indirect.gather [hbm4b:s5+s7], $0x80, s17, s7, $0xb8;
	[tilespmem:$0x1E800] =	vst v63  }
0xd2: {  	_ = 	snop  }
0xd3: {  	[tilespmem:s20], [sflag:$0x1] =	stream.indirect.gather [hbm4b:s5+s7], $0x80, s19, s7, $0xb8;
	[tilespmem:$0x1E800] =	vst v63  }
0xd4: {  	_ = 	snop  }
0xd5: {  	[tilespmem:s22], [sflag:$0x1] =	stream.indirect.gather [hbm4b:s5+s7], $0x80, s21, s7, $0xb8;
	[tilespmem:$0x1E800] =	vst v63  }
0xd6: {  	_ = 	snop  }
0xd7: {  	[tilespmem:s24], [sflag:$0x1] =	stream.indirect.gather [hbm4b:s5+s7], $0x80, s23, s7, $0xb8;
	[tilespmem:$0x1E800] =	vst v63  }
0xd8: {  	_ = 	snop  }
0xd9: {  	[tilespmem:s26], [sflag:$0x1] =	stream.indirect.gather [hbm4b:s5+s7], $0x80, s25, s7, $0xb8;
	[tilespmem:$0x1E800] =	vst v63  }
0xda: {  	_ = 	snop  }
0xdb: {  	[tilespmem:s29], [sflag:$0x1] =	stream.indirect.gather [hbm4b:s5+s7], $0x80, s28, s7, $0xb8;
	[tilespmem:$0x1E800] =	vst v63  }
0xdc: {  	_ = 	snop  }
0xdd: {  	[tilespmem:s31], [sflag:$0x1] =	stream.indirect.gather [hbm4b:s5+s7], $0x80, s30, s7, $0xb8;
	[tilespmem:$0x1E800] =	vst v63  }
0xde: {  	_ =	swait.ge [sflag:s6], $0x2000  }
0xdf: {  	[sflag:s6] =	ssyncset.done $0x0  }
0xe0: {  	[sflag:s6] =	ssyncadd.s32 $0xFFFFE000  }
0xe1: {  	_ =	swait.ge [sflag:s6], $0x2000  }
0xe2: {  	[sflag:s6] =	ssyncset.done $0x0  }
0xe3: {  	[sflag:s6] =	ssyncadd.s32 $0xFFFFE000  }
0xe4: {  	_ =	swait.ge [sflag:s6], $0x2000  }
0xe5: {  	[sflag:s6] =	ssyncset.done $0x0  }
0xe6: {  	[sflag:s6] =	ssyncadd.s32 $0xFFFFE000  }
0xe7: {  	_ =	swait.ge [sflag:s6], $0x2000  }
0xe8: {  	[sflag:s6] =	ssyncset.done $0x0  }
0xe9: {  	[sflag:s6] =	ssyncadd.s32 $0xFFFFE000  }
0xea: {  	_ =	swait.ge [sflag:s6], $0x2000  }
0xeb: {  	[sflag:s6] =	ssyncset.done $0x0  }
0xec: {  	[sflag:s6] =	ssyncadd.s32 $0xFFFFE000  }
0xed: {  	_ =	swait.ge [sflag:s6], $0x2000  }
0xee: {  	[sflag:s6] =	ssyncset.done $0x0  }
0xef: {  	[sflag:s6] =	ssyncadd.s32 $0xFFFFE000  }
0xf0: {  	_ =	swait.ge [sflag:s6], $0x2000  }
0xf1: {  	[sflag:s6] =	ssyncset.done $0x0  }
0xf2: {  	[sflag:s6] =	ssyncadd.s32 $0xFFFFE000  }
0xf3: {  	_ =	swait.ge [sflag:s6], $0x2000  }
0xf4: {  	[sflag:s6] =	ssyncset.done $0x0  }
0xf5: {  	[sflag:s6] =	ssyncadd.s32 $0xFFFFE000  }
0xf6: {  	_ =	swait.ge [sflag:s6], $0x2000  }
0xf7: {  	[sflag:s6] =	ssyncset.done $0x0  }
0xf8: {  	[sflag:s6] =	ssyncadd.s32 $0xFFFFE000  }
0xf9: {  	_ =	swait.ge [sflag:s6], $0x2000  }
0xfa: {  	[sflag:s6] =	ssyncset.done $0x0  }
0xfb: {  	[sflag:s6] =	ssyncadd.s32 $0xFFFFE000  }
0xfc: {  	_ =	swait.ge [sflag:s6], $0x2000  }
0xfd: {  	[sflag:s6] =	ssyncset.done $0x0  }
0xfe: {  	[sflag:s6] =	ssyncadd.s32 $0xFFFFE000  }
0xff: {  	_ =	swait.ge [sflag:s6], $0x2000  }
0x100: {  	[sflag:s6] =	ssyncset.done $0x0  }
0x101: {  	[sflag:s6] =	ssyncadd.s32 $0xFFFFE000  }
0x102: {  	_ =	swait.ge [sflag:s6], $0x2000  }
0x103: {  	[sflag:s6] =	ssyncset.done $0x0  }
0x104: {  	[sflag:s6] =	ssyncadd.s32 $0xFFFFE000  }
0x105: {  	_ =	swait.ge [sflag:s6], $0x2000  }
0x106: {  	[sflag:s6] =	ssyncset.done $0x0  }
0x107: {  	[sflag:s6] =	ssyncadd.s32 $0xFFFFE000  }
0x108: {  	_ =	swait.ge [sflag:s6], $0x2000  }
0x109: {  	[sflag:s6] =	ssyncset.done $0x0  }
0x10a: {  	s30 =	rddreg [dreg:$0x4];
	[sflag:s6] =	ssyncadd.s32 $0xFFFFE000  }
0x10b: {  	[hbm4b:s30+s2] =	stream.linear.scatter [tilespmem:s4], [sflag:$0x2], $0x1E000, $0x38;
	[tilespmem:$0x1E800] =	vst v63  }
0x10c: {  	_ =	swait.ge [sflag:s3], $0x1E000  }
0x10d: {  	[sflag:s3] =	ssyncset.done $0x0  }
0x10e: {  	[sflag:s3] =	ssyncadd.s32 $0xFFFE2000  }
0x10f: {  	_ =	sfence.sel $0x180000  }
0x110: {  	[bflag:$0x0] =	sbarrier.arrive $0xFFFF  }
0x111: {  	_ =	strace $0x9000004A  }
0x112: {  	s31 =	stileid.u32;
	[bflag:$0x2] =	sbarrier.arrive $0xFFFF  }
0x113: {  	p0 =	sne.s32 s31, $0x0;
	s0 =	rddreg [dreg:$0x2]  }
0x114: {  	s0 =	sadd.s32 @!p0 $0x100000, s0  }
0x115: {  	[sflag:s0] =	ssyncadd.tile.s32 @!p0 $0x1;
	_ =	shalt  }
.Lfunc_end2:
_tile_overlayer_lowered:
.L_overlay_start_2:
0x116: {  	(tag) =	ssettag $0x2  }
0x117: {  	s0 =	rddreg [dreg:$0x0];
	s2 =	stileid.u32  }
0x118: {  	s1 =	rddreg [dreg:$0x1];
	p0 =	sne.s32 s2, $0x0  }
0x119: {  	s3 =	rddreg [dreg:$0x2];
	[bflag:$0x3] =	sbarrier.arrive $0xFFFF;
	s2 =	simm.s32 @!p0 $0x1C02  }
0x11a: {  	[timem:s3], [sflag:s2] =	dma.local @!p0 [hbm:s0], s1  }
0x11b: {  	s0 =	simm.s32 @!p0 $0x2  }
0x11c: {  	_ =	swait.ge @!p0 [sflag:s0], s1  }
0x11d: {  	s1 =	ssub.s32 @!p0 $0x0, s1;
	[sflag:s0] =	ssyncset.done @!p0 $0x0  }
0x11e: {  	[sflag:s0] =	ssyncadd.s32 @!p0 s1  }
0x11f: {  	[bflag:$0x3] =	sbarrier.arrive $0xFFFF  }
0x120: {  	_ =	shalt  }

// kernel: kernel.20.cloned.1.call-start
scs
__scs_entry_jumppad:
0x0: {  	(pc) =	sbr.rel $0x88, $3  }
0x1: {  	(tag) =	ssettag $0x0;
	lr =	simm.s32 $0x1  }
0x2: {  	[smem:$0x3F94] =	sst lr;
	_ =	strace $0xD0000000  }
0x3: {  	_ = 	snop  }
0x4: {  	_ = 	snop  }
0x5: {  	_ = 	snop  }
0x6: {  	_ = 	snop  }
0x7: {  	_ = 	snop  }
__scs_overlays_trampoline_lowered:
0x8: {  	[smem:$0x3FA3] =	sst s0  }
0x9: {  	[smem:$0x3FA4] =	sst s1  }
0xa: {  	[smem:$0x3FA5] =	sst s2  }
0xb: {  	[smem:$0x3FA6] =	sst s3  }
0xc: {  	[smem:$0x3FA7] =	sst s4  }
0xd: {  	[smem:$0x3FA8] =	sst s5  }
0xe: {  	[smem:$0x3FA9] =	sst s6  }
0xf: {  	[smem:$0x3FAA] =	sst s7  }
0x10: {  	[smem:$0x3FAB] =	sst s8  }
0x11: {  	[smem:$0x3FAC] =	sst s9;
	s0 =	simm.s32 @!p0 $0x0  }
0x12: {  	s1 =	sld [smem:$0x3F92];
	s0 =	simm.s32 @p0 $0x1  }
0x13: {  	[smem:$0x3FAD] =	sst s0;
	s0 =	simm.s32 @!p1 $0x0  }
0x14: {  	s2 =	sld [smem:$0x3F91];
	s0 =	simm.s32 @p1 $0x1  }
0x15: {  	[smem:$0x3FAE] =	sst s0;
	s0 =	simm.s32 @!p2 $0x0  }
0x16: {  	s3 =	sld [smem:$0x3FDB];
	s0 =	simm.s32 @p2 $0x1  }
0x17: {  	s4 =	simm.s32 $0x1BF5;
	[smem:$0x3FB0] =	sst s0  }
0x18: {  	s0 =	sld [smem:$0x3F93];
	_ =	swait.ge [sflag:s4], $0x0  }
0x19: {  	s7 =	sld [smem:$0x3F94]  }
0x1a: {  	s8 =	sadd.s32 $0xFFFFE003, lr  }
0x1b: {  	s9 =	sadd.s32 $0xFFFFFEF7, lr;
	s5 =	simm.s32 $0xFFFFFFFF;
	p2 =	slt.u32 s8, $0xFFFFF086  }
0x1c: {  	p1 =	slt.u32 s9, $0xF7A;
	s5 =	simm.s32 @!p2 $0x0  }
0x1d: {  	s5 =	simm.s32 @p1 $0x1;
	p0 =	seq.s32 s7, s2  }
0x1e: {  	s7 =	smul.u32 @!p0 $0xF7A, s2;
	p2 =	seq.s32 @!p0 s5, $0x0  }
0x1f: {  	s9 =	smul.u32 $0xF7A, s1;
	s8 =	simm.s32 @!p0 $0x1BF5;
	p2 =	por !p2, p0  }
0x20: {  	[sflag:s8] =	ssyncset.s32 @!p0 $0xFFFFF086;
	s6 =	sadd.s32 @!p0 s3, s7;
	s7 =	simm.s32 @!p0 $0x108  }
0x21: {  	s3 =	sadd.s32 s3, s9;
	s6 =	sadd.s32 @!p0 $0x88, s6;
	s7 =	simm.s32 @p2 $0x1082  }
0x22: {  	[simem:s7], [sflag:s8] =	dma.local @!p0 [hbm:s6], $0xF7A  }
0x23: {  	s9 =	sor.u32 $0xD0000000, s2;
	s6 =	simm.s32 $0x108;
	_ =	swait.ge @!p0 [sflag:s8], $0x0  }
0x24: {  	s3 =	sadd.s32 $0x88, s3;
	s6 =	simm.s32 @!p1 $0x1082;
	[sflag:s4] =	ssyncset.s32 $0xFFFFF086  }
0x25: {  	[simem:s6], [sflag:s4] =	dma.local [hbm:s3], $0xF7A  }
0x26: {  	[smem:$0x3F94] =	sst s1;
	(tag) =	ssettag s2;
	_ =	strace s9  }
0x27: {  	s1 =	sld [smem:$0x3FA4]  }
0x28: {  	s2 =	sld [smem:$0x3FA5]  }
0x29: {  	s4 =	sld [smem:$0x3FA7]  }
0x2a: {  	p0 =	seq.s32 s5, $0x0;
	s5 =	sld [smem:$0x3FA8]  }
0x2b: {  	s6 =	sld [smem:$0x3FA9]  }
0x2c: {  	s7 =	sld [smem:$0x3FAA]  }
0x2d: {  	s3 =	simm.s32 $0x108;
	s8 =	sld [smem:$0x3FAB]  }
0x2e: {  	s3 =	simm.s32 @!p0 $0x1082;
	s9 =	sld [smem:$0x3FAC]  }
0x2f: {  	lr =	sadd.s32 s0, s3;
	s0 =	sld [smem:$0x3FA3]  }
0x30: {  	s3 =	sld [smem:$0x3FA6]  }
0x31: {  	[smem:$0x3FAF] =	sst s10  }
0x32: {  	s10 =	sld [smem:$0x3FAD];
	_ =	sdelay $0x3  }
0x33: {  	p0 =	seq.s32 s10, $0x1;
	s10 =	sld [smem:$0x3FAF];
	_ =	sdelay $0x3  }
0x34: {  	[smem:$0x3FAF] =	sst s10  }
0x35: {  	s10 =	sld [smem:$0x3FAE];
	_ =	sdelay $0x3  }
0x36: {  	p1 =	seq.s32 s10, $0x1;
	s10 =	sld [smem:$0x3FAF];
	_ =	sdelay $0x3  }
0x37: {  	[smem:$0x3FAF] =	sst s10  }
0x38: {  	s10 =	sld [smem:$0x3FB0]  }
0x39: {  	_ = 	snop;
	(pc) =	sbr.ind lr, $3  }
0x3a: {  	_ = 	snop  }
0x3b: {  	_ = 	snop  }
0x3c: {  	p2 =	seq.s32 s10, $0x1;
	s10 =	sld [smem:$0x3FAF]  }
0x3d: {  	_ =	shalt  }
0x3e: {  	_ =	shalt  }
0x3f: {  	_ =	shalt  }
0x40: {  	_ =	shalt  }
0x41: {  	_ =	shalt  }
0x42: {  	_ =	shalt  }
0x43: {  	_ =	shalt  }
0x44: {  	_ =	shalt  }
0x45: {  	_ =	shalt  }
0x46: {  	_ =	shalt  }
0x47: {  	_ =	shalt  }
0x48: {  	_ =	shalt  }
0x49: {  	_ =	shalt  }
0x4a: {  	_ =	shalt  }
0x4b: {  	_ =	shalt  }
0x4c: {  	_ =	shalt  }
0x4d: {  	_ =	shalt  }
0x4e: {  	_ =	shalt  }
0x4f: {  	_ =	shalt  }
0x50: {  	_ =	shalt  }
0x51: {  	_ =	shalt  }
0x52: {  	_ =	shalt  }
0x53: {  	_ =	shalt  }
0x54: {  	_ =	shalt  }
0x55: {  	_ =	shalt  }
0x56: {  	_ =	shalt  }
0x57: {  	_ =	shalt  }
0x58: {  	_ =	shalt  }
0x59: {  	_ =	shalt  }
0x5a: {  	_ =	shalt  }
0x5b: {  	_ =	shalt  }
0x5c: {  	_ =	shalt  }
0x5d: {  	_ =	shalt  }
0x5e: {  	_ =	shalt  }
0x5f: {  	_ =	shalt  }
0x60: {  	_ =	shalt  }
0x61: {  	_ =	shalt  }
0x62: {  	_ =	shalt  }
0x63: {  	_ =	shalt  }
0x64: {  	_ =	shalt  }
0x65: {  	_ =	shalt  }
0x66: {  	_ =	shalt  }
0x67: {  	_ =	shalt  }
0x68: {  	_ =	shalt  }
0x69: {  	_ =	shalt  }
0x6a: {  	_ =	shalt  }
0x6b: {  	_ =	shalt  }
0x6c: {  	_ =	shalt  }
0x6d: {  	_ =	shalt  }
0x6e: {  	_ =	shalt  }
0x6f: {  	_ =	shalt  }
0x70: {  	_ =	shalt  }
0x71: {  	_ =	shalt  }
0x72: {  	_ =	shalt  }
0x73: {  	_ =	shalt  }
0x74: {  	_ =	shalt  }
0x75: {  	_ =	shalt  }
0x76: {  	_ =	shalt  }
0x77: {  	_ =	shalt  }
0x78: {  	_ =	shalt  }
0x79: {  	_ =	shalt  }
0x7a: {  	_ =	shalt  }
0x7b: {  	_ =	shalt  }
0x7c: {  	_ =	shalt  }
0x7d: {  	_ =	shalt  }
0x7e: {  	_ =	shalt  }
0x7f: {  	_ =	shalt  }
0x80: {  	_ =	shalt  }
0x81: {  	_ =	shalt  }
0x82: {  	_ =	shalt  }
0x83: {  	_ =	shalt  }
0x84: {  	_ =	shalt  }
0x85: {  	_ =	shalt  }
0x86: {  	_ =	shalt  }
0x87: {  	_ =	shalt  }
.Lfunc_end0:
.L_simem_size_0:
called_computation.3_lowered:
.L_overlay_start_0:
0x88: {  	s2 =	sld [smem:$0x3FD9]  }
0x89: {  	s3 =	sld [smem:$0x3FFE];
	_ =	sdelay $0x1  }
0x8a: {  	s1 =	srdreg.scid  }
0x8b: {  	s0 =	sand.u32 $0x1, s1  }
0x8c: {  	s16 =	sshll.u32 s0, $0xA;
	s2 =	sadd.s32 s3, s2  }
0x8d: {  	s2 =	sadd.s32 s2, s16  }
0x8e: {  	[smem:$0x3FBB] =	sst s2  }
0x8f: {  	_ = 	snop  }
0x90: {  	(tm) =	ssettm $0x1  }
0x91: {  	s17 =	sld [smem:$0x3FFB];
	_ =	sdelay $0x3  }
0x92: {  	_ =	strace s17  }
0x93: {  	s2 =	sld [smem:$0x3FFC];
	_ =	sdelay $0x3  }
0x94: {  	_ =	strace s2  }
0x95: {  	s2 =	sld [smem:$0x3FFD];
	_ =	sdelay $0x3  }
0x96: {  	_ =	strace s2  }
0x97: {  	_ =	strace $0x8FFFFFFF  }
0x98: {  	s18 =	sld [smem:$0x3FDB];
	_ =	sdelay $0x1  }
0x99: {  	s19 =	simm.s32 $_scs_section_size  }
0x9a: {  	s4 =	simm.s32 $_size__tile_overlayer_lowered;
	s5 =	simm.s32 $_tile_overlayer_lowered  }
0x9b: {  	s22 =	simm.s32 $0x1BFF;
	s21 =	sshll.u32 s5, $0x1;
	s2 =	sadd.s32 s19, s18  }
0x9c: {  	s6 =	simm.s32 $0x0;
	s20 =	sshll.u32 s4, $0x1;
	s4 =	sadd.s32 s21, s2  }
0x9d: {  	[timem:s6], [sflag:s22] =	dma.local [hbm:s4], s20  }
0x9e: {  	_ =	swait.ge [sflag:s22], s20  }
0x9f: {  	s3 =	ssub.s32 $0x0, s20;
	[sflag:s22] =	ssyncset.done $0x0  }
0xa0: {  	[sflag:s22] =	ssyncadd.s32 s3;
	_ =	sdelay $0x1  }
0xa1: {  	s23 =	simm.s32 $0x1B8B  }
0xa2: {  	_ =	swait.ge [sflag:s23], $0x1  }
0xa3: {  	[sflag:s23] =	ssyncset.done $0x0  }
0xa4: {  	s25 =	simm.s32 $0x1B8E;
	s24 =	sld [smem:$0x3FFE];
	[sflag:s23] =	ssyncadd.s32 $0xFFFFFFFF  }
0xa5: {  	s26 =	simm.s32 $execute0_lowered;
	[smem:$0x3FD2] =	sst s25  }
0xa6: {  	s4 =	sshll.u32 s26, $0x1;
	_ =	strace $0x8000004F;
	[dreg:$0x1] =	wrdreg $0xFFFFFFFF  }
0xa7: {  	s28 =	simm.s32 $_size_execute0_lowered;
	s2 =	sadd.s32 s2, s4;
	[dreg:$0x0] =	wrdreg $0x0  }
0xa8: {  	s4 =	sshll.u32 s28, $0x1;
	[dreg:$0x2] =	wrdreg s2  }
0xa9: {  	[dreg:$0x3] =	wrdreg s4  }
0xaa: {  	[dreg:$0x4] =	wrdreg $0xC0  }
0xab: {  	_ =	task [dreg:s6], $0x5FFFF  }
0xac: {  	[dreg:$0x1] =	wrdreg $0xFFFFFFFF  }
0xad: {  	[dreg:$0x0] =	wrdreg $0x60  }
0xae: {  	[dreg:$0x2] =	wrdreg s24  }
0xaf: {  	[dreg:$0x3] =	wrdreg $0x9  }
0xb0: {  	_ =	task.clear_ibuf [dreg:s6], $0x4FFFF;
	_ =	strace $0x9000004F  }
0xb1: {  	s29 =	simm.s32 $0x9;
	_ =	strace $0x80000051  }
0xb2: {  	_ =	swait.ge [sflag:s29], $0x1  }
0xb3: {  	[sflag:s29] =	ssyncadd.s32 $0xFFFFFFFF  }
0xb4: {  	_ =	strace $0x90000051  }
0xb5: {  	_ =	sfence  }
0xb6: {  	s30 =	sld [smem:$0x0];
	_ =	sdelay $0x2  }
0xb7: {  	s31 =	sshll.u32 s1, $0xD;
	s1 =	sshrl.u32 s1, $0x2  }
0xb8: {  	s3 =	sand.u32 $0x4000, s31;
	s1 =	sadd.s32 s1, s30  }
0xb9: {  	s0 =	sor.u32 s3, s0;
	s1 =	sshll.u32 s1, $0x11  }
0xba: {  	s0 =	sor.u32 s1, s0  }
0xbb: {  	s0 =	sadd.s32 $0x8F2B, s0  }
0xbc: {  	[sflag:s0] =	ssyncadd.remote.s32 $0x1  }
0xbd: {  	_ =	sfence.sel $0xFFFF  }
0xbe: {  	[dreg:$0x0] =	wrdreg $0xFFFFFFFF;
	(pc) =	sbr.abs _section_cstart, $3  }
0xbf: {  	[dreg:$0x1] =	wrdreg $0xFFFFFFFF  }
0xc0: {  	_ =	task.clear_ibuf [dreg:s6], $0x2FFFF;
	_ =	strace $0x9FFFFFFF  }
0xc1: {  	(tm) =	ssettm $0x7FFFFFFF  }
tec
execute0_lowered:
.L_overlay_start_1:
0x0: {  	(tag) =	ssettag $0x1  }
0x1: {  	s2 =	rddreg [dreg:$0x0];
	s1 =	simm.s32 $0x0  }
0x2: {  	s3 =	srdreg.scid;
	s15 =	simm.s32 $0x8000;
	s16 =	simm.s32 $0xC000  }
0x3: {  	s17 =	simm.s32 $0x100;
	s18 =	simm.s32 $0x10000;
	s19 =	simm.s32 $0x180  }
0x4: {  	s20 =	simm.s32 $0x14000;
	s21 =	simm.s32 $0x1;
	s22 =	simm.s32 $0x3  }
0x5: {  	s23 =	simm.s32 $0x2;
	s24 =	simm.s32 $0x0;
	[smem:$0x7FF] =	sst s1  }
0x6: {  	s9 =	sand.u32 $0x1, s3;
	s3 =	sadd.s32 $0x70200, s2;
	_ =	strace $0x80000050  }
0x7: {  	s4 =	sshll.u32 s9, $0xC;
	s5 =	ssub.s32 $0x2, s9;
	p0 =	seq.s32 s9, $0x0  }
0x8: {  	s10 =	sshll.u32 s9, $0xD;
	s13 =	sshll.u32 s9, $0x11;
	s6 =	sadd.s32 s4, s2  }
0x9: {  	s4 =	sadd.s32 $0x11F800, s2;
	s2 =	stileid.u32;
	s7 =	sshrl.u32 s5, $0x1  }
0xa: {  	s14 =	sshll.u32 s9, $0x14;
	s8 =	ssub.s32 s5, s7;
	s30 =	smul.u32 $0xA000, s2  }
0xb: {  	s5 =	simm.s32 $0x20;
	s11 =	sshll.u32 s2, $0xD;
	s31 =	smul.u32 $0xA0000, s2  }
0xc: {  	s12 =	smul.u32 $0x500000, s2;
	s5 =	simm.s32 @!p0 $0x80;
	s6 =	sadd.s32 s11, s6  }
.Ltmp0:
0xd: {  	s8 =	smax.u32 s8, $0x1;
	s10 =	sadd.s32 s30, s10;
	(pc) =	sbr.rel .LBB2_1-.Ltmp0, $4  }
0xe: {  	s6 =	sadd.s32 $0x50200, s6;
	s7 =	sadd.s32 $0xFFFFFFFF, s5;
	s11 =	sadd.s32 s31, s4  }
0xf: {  	s12 =	sadd.s32 s14, s12;
	s14 =	simm.s32 $0x80;
	s10 =	sshll.u32 s10, $0x4  }
0x10: {  	s11 =	sadd.s32 s13, s11;
	s12 =	sor.u32 $0x8000, s12;
	s9 =	sadd.s32 s4, s10  }
0x11: {  	s13 =	simm.s32 $0x4;
	s11 =	sadd.s32 $0x1800, s11;
	s10 =	sadd.s32 $0x800, s9  }
.LBB2_9:
0x12: {  	s24 =	sadd.s32 $0x1, s24  }
0x13: {  	_ =	swait.ge [sflag:s22], $0x4000;
	p0 =	sne.s32 s24, s8  }
.Ltmp1:
0x14: {  	[sflag:s22] =	ssyncset.done $0x0;
	(pc) =	sbr.rel @!p0 .LBB2_10-.Ltmp1, $4  }
0x15: {  	[sflag:s22] =	ssyncadd.s32 $0xFFFFC000  }
0x16: {  	_ =	swait.ge [sflag:s22], $0x4000  }
0x17: {  	[sflag:s22] =	ssyncset.done $0x0  }
0x18: {  	[sflag:s22] =	ssyncadd.s32 $0xFFFFC000  }
.LBB2_1:
0x19: {  	[tilespmem:s1], [sflag:$0x4] =	stream.linear.gather [hbm4b:s6+s1], $0x8000, $0x38;
	[tilespmem:$0x18000] =	vst v63  }
0x1a: {  	_ =	swait.ge [sflag:s13], $0x8000  }
0x1b: {  	[sflag:s13] =	ssyncset.done $0x0  }
0x1c: {  	[sflag:s13] =	ssyncadd.s32 $0xFFFF8000  }
0x1d: {  	[tilespmem:s15], [sflag:$0x1] =	stream.indirect.gather [hbm4b:s3+s14], $0x80, s1, s14, $0xb8;
	[tilespmem:$0x18000] =	vst v63  }
0x1e: {  	_ = 	snop  }
0x1f: {  	[tilespmem:s16], [sflag:$0x1] =	stream.indirect.gather [hbm4b:s3+s14], $0x80, s14, s14, $0xb8;
	[tilespmem:$0x18000] =	vst v63  }
0x20: {  	_ =	swait.ge [sflag:s21], $0x4000  }
0x21: {  	[sflag:s21] =	ssyncset.done $0x0  }
0x22: {  	[sflag:s21] =	ssyncadd.s32 $0xFFFFC000  }
0x23: {  	_ =	swait.ge [sflag:s21], $0x4000  }
0x24: {  	[sflag:s21] =	ssyncset.done $0x0  }
0x25: {  	[sflag:s21] =	ssyncadd.s32 $0xFFFFC000  }
0x26: {  	[hbm4b:s9+s1] =	stream.linear.scatter [tilespmem:s15], [sflag:$0x2], $0x4000, $0x38;
	[tilespmem:$0x18000] =	vst v63  }
0x27: {  	_ = 	snop  }
0x28: {  	[hbm4b:s10+s1] =	stream.linear.scatter [tilespmem:s16], [sflag:$0x2], $0x4000, $0x38;
	[tilespmem:$0x18000] =	vst v63  }
.Ltmp2:
0x29: {  	_ = 	snop;
	(pc) =	sbr.rel .LBB2_2-.Ltmp2, $4  }
0x2a: {  	s25 =	simm.s32 $0x280  }
0x2b: {  	[tilespmem:s18], [sflag:$0x1] =	stream.indirect.gather [hbm4b:s3+s14], $0x80, s17, s14, $0xb8;
	[tilespmem:$0x18000] =	vst v63  }
0x2c: {  	s26 =	smov.u32 s12;
	s28 =	smov.u32 s11;
	s29 =	simm.s32 $0x1  }
0x2d: {  	[tilespmem:s20], [sflag:$0x1] =	stream.indirect.gather [hbm4b:s3+s14], $0x80, s19, s14, $0xb8;
	[tilespmem:$0x18000] =	vst v63  }
.LBB2_7:
0x2e: {  	s0 =	sadd.s32 $0xFFFFFF80, s25  }
0x2f: {  	[tilespmem:s31], [sflag:$0x1] =	stream.indirect.gather [hbm4b:s3+s14], $0x80, s0, s14, $0xb8;
	[tilespmem:$0x18000] =	vst v63  }
0x30: {  	_ = 	snop  }
0x31: {  	[tilespmem:s30], [sflag:$0x1] =	stream.indirect.gather [hbm4b:s3+s14], $0x80, s25, s14, $0xb8;
	[tilespmem:$0x18000] =	vst v63  }
.LBB2_8:
0x32: {  	s29 =	sadd.s32 $0x1, s29  }
0x33: {  	p0 =	sne.s32 s5, s29  }
.Ltmp3:
0x34: {  	_ = 	snop;
	(pc) =	sbr.rel @!p0 .LBB2_9-.Ltmp3, $2  }
0x35: {  	_ =	sdelay $0x2  }
0x36: {  	s25 =	sadd.s32 $0x100, s25;
	s28 =	sadd.s32 $0x1000, s28;
	s26 =	sadd.s32 $0x8000, s26  }
.LBB2_2:
0x37: {  	s30 =	sand.u32 $0x1, s29  }
0x38: {  	_ =	swait.ge [sflag:s21], $0x4000;
	p0 =	seq.s32 s30, $0x1  }
.Ltmp4:
0x39: {  	[sflag:s21] =	ssyncset.done $0x0;
	(pc) =	sbr.rel @p0 .LBB2_5-.Ltmp4, $4  }
0x3a: {  	[sflag:s21] =	ssyncadd.s32 $0xFFFFC000  }
0x3b: {  	_ =	swait.ge [sflag:s21], $0x4000  }
0x3c: {  	s30 =	sshrl.u32 s26, $0x3;
	[sflag:s21] =	ssyncset.done $0x0  }
0x3d: {  	s30 =	sadd.s32 s4, s30;
	[sflag:s21] =	ssyncadd.s32 $0xFFFFC000  }
0x3e: {  	[hbm4b:s30+s1] =	stream.linear.scatter [tilespmem:s15], [sflag:$0x2], $0x4000, $0x38;
	[tilespmem:$0x18000] =	vst v63  }
0x3f: {  	_ = 	snop  }
0x40: {  	[hbm4b:s28+s1] =	stream.linear.scatter [tilespmem:s16], [sflag:$0x2], $0x4000, $0x38;
	[tilespmem:$0x18000] =	vst v63  }
0x41: {  	p0 =	slt.s32 s29, s7;
	_ =	swait.ge [sflag:s22], $0x4000  }
.Ltmp5:
0x42: {  	[sflag:s22] =	ssyncset.done $0x0;
	(pc) =	sbr.rel @!p0 .LBB2_8-.Ltmp5, $4  }
0x43: {  	[sflag:s22] =	ssyncadd.s32 $0xFFFFC000  }
0x44: {  	_ =	swait.ge [sflag:s22], $0x4000  }
0x45: {  	[sflag:s22] =	ssyncset.done $0x0  }
0x46: {  	[sflag:s22] =	ssyncadd.s32 $0xFFFFC000  }
.Ltmp6:
0x47: {  	(pc) =	sbr.rel .LBB2_7-.Ltmp6, $2  }
0x48: {  	_ =	sdelay $0x2  }
0x49: {  	s30 =	simm.s32 $0x14000;
	s31 =	simm.s32 $0x10000  }
.LBB2_5:
0x4a: {  	[hbm4b:s30+s1] =	stream.linear.scatter [tilespmem:s18], [sflag:$0x3], $0x4000, $0x38;
	[tilespmem:$0x18000] =	vst v63  }
0x4b: {  	_ = 	snop  }
0x4c: {  	[hbm4b:s28+s1] =	stream.linear.scatter [tilespmem:s20], [sflag:$0x3], $0x4000, $0x38;
	[tilespmem:$0x18000] =	vst v63  }
0x4d: {  	p0 =	sge.s32 s29, s7;
	_ =	swait.ge [sflag:s23], $0x4000  }
.Ltmp7:
0x4e: {  	[sflag:s23] =	ssyncset.done $0x0;
	(pc) =	sbr.rel @p0 .LBB2_8-.Ltmp7, $4  }
0x4f: {  	[sflag:s23] =	ssyncadd.s32 $0xFFFFC000  }
0x50: {  	_ =	swait.ge [sflag:s23], $0x4000  }
0x51: {  	[sflag:s23] =	ssyncset.done $0x0  }
0x52: {  	[sflag:s23] =	ssyncadd.s32 $0xFFFFC000  }
.Ltmp8:
0x53: {  	(pc) =	sbr.rel .LBB2_7-.Ltmp8, $2  }
0x54: {  	_ =	sdelay $0x2  }
0x55: {  	s30 =	simm.s32 $0xC000;
	s31 =	simm.s32 $0x8000  }
.LBB2_10:
0x56: {  	_ =	sfence.sel $0x180000  }
0x57: {  	[bflag:$0x0] =	sbarrier.arrive $0xFFFF  }
0x58: {  	_ =	strace $0x90000050  }
0x59: {  	[bflag:$0x2] =	sbarrier.arrive $0xFFFF  }
0x5a: {  	p0 =	sne.s32 s2, $0x0;
	s0 =	rddreg [dreg:$0x1]  }
0x5b: {  	s0 =	sadd.s32 @!p0 $0x100000, s0  }
0x5c: {  	[sflag:s0] =	ssyncadd.tile.s32 @!p0 $0x1;
	_ =	shalt  }
.Lfunc_end2:
_tile_overlayer_lowered:
.L_overlay_start_2:
0x5d: {  	(tag) =	ssettag $0x2  }
0x5e: {  	s0 =	rddreg [dreg:$0x0];
	s2 =	stileid.u32  }
0x5f: {  	s1 =	rddreg [dreg:$0x1];
	p0 =	sne.s32 s2, $0x0  }
0x60: {  	s3 =	rddreg [dreg:$0x2];
	[bflag:$0x3] =	sbarrier.arrive $0xFFFF;
	s2 =	simm.s32 @!p0 $0x1C04  }
0x61: {  	[timem:s3], [sflag:s2] =	dma.local @!p0 [hbm:s0], s1  }
0x62: {  	s0 =	simm.s32 @!p0 $0x4  }
0x63: {  	_ =	swait.ge @!p0 [sflag:s0], s1  }
0x64: {  	s1 =	ssub.s32 @!p0 $0x0, s1;
	[sflag:s0] =	ssyncset.done @!p0 $0x0  }
0x65: {  	[sflag:s0] =	ssyncadd.s32 @!p0 s1  }
0x66: {  	[bflag:$0x3] =	sbarrier.arrive $0xFFFF  }
0x67: {  	_ =	shalt  }

// kernel: kernel.23.cloned.1.call-start
scs
__scs_entry_jumppad:
0x0: {  	(pc) =	sbr.rel $0x88, $3  }
0x1: {  	(tag) =	ssettag $0x0;
	lr =	simm.s32 $0x1  }
0x2: {  	[smem:$0x3F94] =	sst lr;
	_ =	strace $0xD0000000  }
0x3: {  	_ = 	snop  }
0x4: {  	_ = 	snop  }
0x5: {  	_ = 	snop  }
0x6: {  	_ = 	snop  }
0x7: {  	_ = 	snop  }
__scs_overlays_trampoline_lowered:
0x8: {  	[smem:$0x3FA3] =	sst s0  }
0x9: {  	[smem:$0x3FA4] =	sst s1  }
0xa: {  	[smem:$0x3FA5] =	sst s2  }
0xb: {  	[smem:$0x3FA6] =	sst s3  }
0xc: {  	[smem:$0x3FA7] =	sst s4  }
0xd: {  	[smem:$0x3FA8] =	sst s5  }
0xe: {  	[smem:$0x3FA9] =	sst s6  }
0xf: {  	[smem:$0x3FAA] =	sst s7  }
0x10: {  	[smem:$0x3FAB] =	sst s8  }
0x11: {  	[smem:$0x3FAC] =	sst s9;
	s0 =	simm.s32 @!p0 $0x0  }
0x12: {  	s1 =	sld [smem:$0x3F92];
	s0 =	simm.s32 @p0 $0x1  }
0x13: {  	[smem:$0x3FAD] =	sst s0;
	s0 =	simm.s32 @!p1 $0x0  }
0x14: {  	s2 =	sld [smem:$0x3F91];
	s0 =	simm.s32 @p1 $0x1  }
0x15: {  	[smem:$0x3FAE] =	sst s0;
	s0 =	simm.s32 @!p2 $0x0  }
0x16: {  	s3 =	sld [smem:$0x3FDB];
	s0 =	simm.s32 @p2 $0x1  }
0x17: {  	s4 =	simm.s32 $0x1BF5;
	[smem:$0x3FB0] =	sst s0  }
0x18: {  	s0 =	sld [smem:$0x3F93];
	_ =	swait.ge [sflag:s4], $0x0  }
0x19: {  	s7 =	sld [smem:$0x3F94]  }
0x1a: {  	s8 =	sadd.s32 $0xFFFFE003, lr  }
0x1b: {  	s9 =	sadd.s32 $0xFFFFFEF7, lr;
	s5 =	simm.s32 $0xFFFFFFFF;
	p2 =	slt.u32 s8, $0xFFFFF086  }
0x1c: {  	p1 =	slt.u32 s9, $0xF7A;
	s5 =	simm.s32 @!p2 $0x0  }
0x1d: {  	s5 =	simm.s32 @p1 $0x1;
	p0 =	seq.s32 s7, s2  }
0x1e: {  	s7 =	smul.u32 @!p0 $0xF7A, s2;
	p2 =	seq.s32 @!p0 s5, $0x0  }
0x1f: {  	s9 =	smul.u32 $0xF7A, s1;
	s8 =	simm.s32 @!p0 $0x1BF5;
	p2 =	por !p2, p0  }
0x20: {  	[sflag:s8] =	ssyncset.s32 @!p0 $0xFFFFF086;
	s6 =	sadd.s32 @!p0 s3, s7;
	s7 =	simm.s32 @!p0 $0x108  }
0x21: {  	s3 =	sadd.s32 s3, s9;
	s6 =	sadd.s32 @!p0 $0x88, s6;
	s7 =	simm.s32 @p2 $0x1082  }
0x22: {  	[simem:s7], [sflag:s8] =	dma.local @!p0 [hbm:s6], $0xF7A  }
0x23: {  	s9 =	sor.u32 $0xD0000000, s2;
	s6 =	simm.s32 $0x108;
	_ =	swait.ge @!p0 [sflag:s8], $0x0  }
0x24: {  	s3 =	sadd.s32 $0x88, s3;
	s6 =	simm.s32 @!p1 $0x1082;
	[sflag:s4] =	ssyncset.s32 $0xFFFFF086  }
0x25: {  	[simem:s6], [sflag:s4] =	dma.local [hbm:s3], $0xF7A  }
0x26: {  	[smem:$0x3F94] =	sst s1;
	(tag) =	ssettag s2;
	_ =	strace s9  }
0x27: {  	s1 =	sld [smem:$0x3FA4]  }
0x28: {  	s2 =	sld [smem:$0x3FA5]  }
0x29: {  	s4 =	sld [smem:$0x3FA7]  }
0x2a: {  	p0 =	seq.s32 s5, $0x0;
	s5 =	sld [smem:$0x3FA8]  }
0x2b: {  	s6 =	sld [smem:$0x3FA9]  }
0x2c: {  	s7 =	sld [smem:$0x3FAA]  }
0x2d: {  	s3 =	simm.s32 $0x108;
	s8 =	sld [smem:$0x3FAB]  }
0x2e: {  	s3 =	simm.s32 @!p0 $0x1082;
	s9 =	sld [smem:$0x3FAC]  }
0x2f: {  	lr =	sadd.s32 s0, s3;
	s0 =	sld [smem:$0x3FA3]  }
0x30: {  	s3 =	sld [smem:$0x3FA6]  }
0x31: {  	[smem:$0x3FAF] =	sst s10  }
0x32: {  	s10 =	sld [smem:$0x3FAD];
	_ =	sdelay $0x3  }
0x33: {  	p0 =	seq.s32 s10, $0x1;
	s10 =	sld [smem:$0x3FAF];
	_ =	sdelay $0x3  }
0x34: {  	[smem:$0x3FAF] =	sst s10  }
0x35: {  	s10 =	sld [smem:$0x3FAE];
	_ =	sdelay $0x3  }
0x36: {  	p1 =	seq.s32 s10, $0x1;
	s10 =	sld [smem:$0x3FAF];
	_ =	sdelay $0x3  }
0x37: {  	[smem:$0x3FAF] =	sst s10  }
0x38: {  	s10 =	sld [smem:$0x3FB0]  }
0x39: {  	_ = 	snop;
	(pc) =	sbr.ind lr, $3  }
0x3a: {  	_ = 	snop  }
0x3b: {  	_ = 	snop  }
0x3c: {  	p2 =	seq.s32 s10, $0x1;
	s10 =	sld [smem:$0x3FAF]  }
0x3d: {  	_ =	shalt  }
0x3e: {  	_ =	shalt  }
0x3f: {  	_ =	shalt  }
0x40: {  	_ =	shalt  }
0x41: {  	_ =	shalt  }
0x42: {  	_ =	shalt  }
0x43: {  	_ =	shalt  }
0x44: {  	_ =	shalt  }
0x45: {  	_ =	shalt  }
0x46: {  	_ =	shalt  }
0x47: {  	_ =	shalt  }
0x48: {  	_ =	shalt  }
0x49: {  	_ =	shalt  }
0x4a: {  	_ =	shalt  }
0x4b: {  	_ =	shalt  }
0x4c: {  	_ =	shalt  }
0x4d: {  	_ =	shalt  }
0x4e: {  	_ =	shalt  }
0x4f: {  	_ =	shalt  }
0x50: {  	_ =	shalt  }
0x51: {  	_ =	shalt  }
0x52: {  	_ =	shalt  }
0x53: {  	_ =	shalt  }
0x54: {  	_ =	shalt  }
0x55: {  	_ =	shalt  }
0x56: {  	_ =	shalt  }
0x57: {  	_ =	shalt  }
0x58: {  	_ =	shalt  }
0x59: {  	_ =	shalt  }
0x5a: {  	_ =	shalt  }
0x5b: {  	_ =	shalt  }
0x5c: {  	_ =	shalt  }
0x5d: {  	_ =	shalt  }
0x5e: {  	_ =	shalt  }
0x5f: {  	_ =	shalt  }
0x60: {  	_ =	shalt  }
0x61: {  	_ =	shalt  }
0x62: {  	_ =	shalt  }
0x63: {  	_ =	shalt  }
0x64: {  	_ =	shalt  }
0x65: {  	_ =	shalt  }
0x66: {  	_ =	shalt  }
0x67: {  	_ =	shalt  }
0x68: {  	_ =	shalt  }
0x69: {  	_ =	shalt  }
0x6a: {  	_ =	shalt  }
0x6b: {  	_ =	shalt  }
0x6c: {  	_ =	shalt  }
0x6d: {  	_ =	shalt  }
0x6e: {  	_ =	shalt  }
0x6f: {  	_ =	shalt  }
0x70: {  	_ =	shalt  }
0x71: {  	_ =	shalt  }
0x72: {  	_ =	shalt  }
0x73: {  	_ =	shalt  }
0x74: {  	_ =	shalt  }
0x75: {  	_ =	shalt  }
0x76: {  	_ =	shalt  }
0x77: {  	_ =	shalt  }
0x78: {  	_ =	shalt  }
0x79: {  	_ =	shalt  }
0x7a: {  	_ =	shalt  }
0x7b: {  	_ =	shalt  }
0x7c: {  	_ =	shalt  }
0x7d: {  	_ =	shalt  }
0x7e: {  	_ =	shalt  }
0x7f: {  	_ =	shalt  }
0x80: {  	_ =	shalt  }
0x81: {  	_ =	shalt  }
0x82: {  	_ =	shalt  }
0x83: {  	_ =	shalt  }
0x84: {  	_ =	shalt  }
0x85: {  	_ =	shalt  }
0x86: {  	_ =	shalt  }
0x87: {  	_ =	shalt  }
.Lfunc_end0:
.L_simem_size_0:
called_computation.4_lowered:
.L_overlay_start_0:
0x88: {  	s2 =	sld [smem:$0x3FD9]  }
0x89: {  	s3 =	sld [smem:$0x3FFE];
	_ =	sdelay $0x1  }
0x8a: {  	s1 =	srdreg.scid  }
0x8b: {  	s0 =	sand.u32 $0x1, s1  }
0x8c: {  	s15 =	sshll.u32 s0, $0xA;
	s2 =	sadd.s32 s3, s2  }
0x8d: {  	s2 =	sadd.s32 s2, s15  }
0x8e: {  	[smem:$0x3FBB] =	sst s2  }
0x8f: {  	_ = 	snop  }
0x90: {  	s2 =	sld [smem:$0x3FD0];
	_ =	sdelay $0x2  }
0x91: {  	s16 =	simm.s32 $0xB;
	s4 =	simm.s32 $0x10  }
0x92: {  	[smem:s4], [sflag:s16] =	dma.local [hbm:s2], $0x1  }
0x93: {  	_ =	swait.eq [sflag:s16], $0x1  }
0x94: {  	[sflag:s16] =	ssyncset.done $0x0  }
0x95: {  	[sflag:s16] =	ssyncadd.s32 $0xFFFFFFFF  }
0x96: {  	s17 =	sld [smem:$0x10];
	(tm) =	ssettm $0x1  }
0x97: {  	s18 =	sld [smem:$0x3FFB];
	_ =	sdelay $0x3  }
0x98: {  	_ =	strace s18  }
0x99: {  	s2 =	sld [smem:$0x3FFC];
	_ =	sdelay $0x3  }
0x9a: {  	_ =	strace s2  }
0x9b: {  	s2 =	sld [smem:$0x3FFD];
	_ =	sdelay $0x3  }
0x9c: {  	_ =	strace s2  }
0x9d: {  	_ =	strace $0x8FFFFFFF  }
0x9e: {  	s19 =	sld [smem:$0x3FDB];
	_ =	sdelay $0x1  }
0x9f: {  	s20 =	simm.s32 $_scs_section_size  }
0xa0: {  	s5 =	simm.s32 $_size__tile_overlayer_lowered;
	s6 =	simm.s32 $_tile_overlayer_lowered  }
0xa1: {  	s7 =	simm.s32 $0x1BFF;
	s21 =	sshll.u32 s6, $0x1;
	s4 =	sadd.s32 s20, s19  }
0xa2: {  	s22 =	simm.s32 $0x0;
	s5 =	sshll.u32 s5, $0x1;
	s6 =	sadd.s32 s21, s4  }
0xa3: {  	[timem:s22], [sflag:s7] =	dma.local [hbm:s6], s5  }
0xa4: {  	_ =	swait.ge [sflag:s7], s5  }
0xa5: {  	s5 =	ssub.s32 $0x0, s5;
	[sflag:s7] =	ssyncset.done $0x0  }
0xa6: {  	[sflag:s7] =	ssyncadd.s32 s5;
	_ =	sdelay $0x1  }
0xa7: {  	s23 =	simm.s32 $0x1B8B  }
0xa8: {  	_ =	swait.ge [sflag:s23], $0x1  }
0xa9: {  	[sflag:s23] =	ssyncset.done $0x0  }
0xaa: {  	[sflag:s23] =	ssyncadd.s32 $0xFFFFFFFF  }
0xab: {  	s5 =	sld [smem:$0x0]  }
0xac: {  	s6 =	sand.u32 $0xFFFFFFFE, s1  }
0xad: {  	p0 =	sne.s32 s1, s6  }
0xae: {  	s6 =	sshll.u32 @p0 s6, $0xE  }
0xaf: {  	s6 =	sadd.s32 @p0 $0x11B8D, s6;
	s7 =	sshll.u32 @p0 s5, $0x11  }
0xb0: {  	s6 =	sor.u32 @p0 s7, s6  }
0xb1: {  	[sflag:s6] =	ssyncadd.remote.s32 @p0 $0x1;
	_ =	sdelay $0x1  }
0xb2: {  	s6 =	simm.s32 @p0 $0x1B8D  }
0xb3: {  	_ =	swait.eq @p0 [sflag:s6], $0x1  }
0xb4: {  	[sflag:s6] =	ssyncadd.s32 @p0 $0xFFFFFFFF  }
0xb5: {  	s7 =	sshll.u32 @!p0 s1, $0xE  }
0xb6: {  	s7 =	sor.u32 @!p0 $0x4000, s7;
	s6 =	simm.s32 @!p0 $0x1B8D  }
0xb7: {  	s5 =	sshll.u32 @!p0 s5, $0x11;
	s7 =	sadd.s32 @!p0 $0x11B8D, s7;
	_ =	swait.eq @!p0 [sflag:s6], $0x1  }
0xb8: {  	s5 =	sor.u32 @!p0 s5, s7;
	[sflag:s6] =	ssyncadd.s32 @!p0 $0xFFFFFFFF  }
0xb9: {  	s25 =	simm.s32 $0x1B8E;
	s24 =	sld [smem:$0x3FFE];
	[sflag:s5] =	ssyncadd.remote.s32 @!p0 $0x1  }
0xba: {  	s26 =	simm.s32 $execute0_lowered;
	[smem:$0x3FD2] =	sst s25  }
0xbb: {  	s6 =	sshll.u32 s26, $0x1;
	_ =	strace $0x80000055;
	[dreg:$0x1] =	wrdreg $0xFFFFFFFF  }
0xbc: {  	s28 =	simm.s32 $_size_execute0_lowered;
	s4 =	sadd.s32 s4, s6;
	[dreg:$0x0] =	wrdreg $0x0  }
0xbd: {  	s6 =	sshll.u32 s28, $0x1;
	[dreg:$0x2] =	wrdreg s4  }
0xbe: {  	[dreg:$0x3] =	wrdreg s6  }
0xbf: {  	[dreg:$0x4] =	wrdreg $0xC0  }
0xc0: {  	_ =	task [dreg:s22], $0x5FFFF  }
0xc1: {  	[dreg:$0x1] =	wrdreg $0xFFFFFFFF  }
0xc2: {  	[dreg:$0x0] =	wrdreg $0x60  }
0xc3: {  	[dreg:$0x2] =	wrdreg s17  }
0xc4: {  	[dreg:$0x3] =	wrdreg s24  }
0xc5: {  	[dreg:$0x4] =	wrdreg $0x150000  }
0xc6: {  	[dreg:$0x5] =	wrdreg $0x9  }
0xc7: {  	_ =	task.clear_ibuf [dreg:s22], $0x6FFFF;
	_ =	strace $0x90000055  }
0xc8: {  	s29 =	simm.s32 $0x9;
	_ =	strace $0x80000057  }
0xc9: {  	_ =	swait.ge [sflag:s29], $0x1  }
0xca: {  	[sflag:s29] =	ssyncadd.s32 $0xFFFFFFFF  }
0xcb: {  	_ =	strace $0x90000057  }
0xcc: {  	_ =	sfence  }
0xcd: {  	s30 =	sld [smem:$0x0];
	_ =	sdelay $0x2  }
0xce: {  	s31 =	sshll.u32 s1, $0xD;
	s1 =	sshrl.u32 s1, $0x2  }
0xcf: {  	s4 =	sand.u32 $0x4000, s31;
	s1 =	sadd.s32 s1, s30  }
0xd0: {  	s0 =	sor.u32 s4, s0;
	s1 =	sshll.u32 s1, $0x11  }
0xd1: {  	s0 =	sor.u32 s1, s0  }
0xd2: {  	s0 =	sadd.s32 $0x8F2B, s0  }
0xd3: {  	[sflag:s0] =	ssyncadd.remote.s32 $0x1  }
0xd4: {  	_ =	sfence.sel $0xFFFF  }
0xd5: {  	[dreg:$0x0] =	wrdreg $0xFFFFFFFF;
	(pc) =	sbr.abs _section_cstart, $3  }
0xd6: {  	[dreg:$0x1] =	wrdreg $0xFFFFFFFF  }
0xd7: {  	_ =	task.clear_ibuf [dreg:s22], $0x2FFFF;
	_ =	strace $0x9FFFFFFF  }
0xd8: {  	(tm) =	ssettm $0x7FFFFFFF  }
0xd9: {  	_ =	shalt  }
tec
execute0_lowered:
.L_overlay_start_1:
0x0: {  	(tag) =	ssettag $0x1  }
0x1: {  	s1 =	rddreg [dreg:$0x0]  }
0x2: {  	s6 =	rddreg [dreg:$0x1];
	s2 =	srdreg.scid  }
0x3: {  	s0 =	stileid.u32;
	s3 =	rddreg [dreg:$0x2]  }
0x4: {  	s4 =	simm.s32 $0x0;
	s14 =	simm.s32 $0x80;
	s15 =	simm.s32 $0x5000  }
0x5: {  	s16 =	simm.s32 $0x9000;
	s17 =	simm.s32 $0x2880;
	s18 =	simm.s32 $0x100  }
0x6: {  	s19 =	simm.s32 $0xD000;
	s20 =	simm.s32 $0x180;
	s21 =	simm.s32 $0x11000  }
0x7: {  	s22 =	simm.s32 $0x1;
	s23 =	simm.s32 $0x3;
	s24 =	simm.s32 $0x2  }
0x8: {  	s25 =	simm.s32 $0x0;
	s5 =	sand.u32 $0x1, s2;
	s7 =	sshll.u32 s0, $0x1  }
0x9: {  	[smem:$0x7FF] =	sst s4;
	s10 =	smul.u32 $0x28000, s0;
	s7 =	sor.u32 s5, s7  }
0xa: {  	s12 =	sshll.u32 s0, $0x6;
	_ =	strace $0x80000056;
	s8 =	smul.u32 $0x500, s7  }
0xb: {  	s9 =	ssub.s32 $0x2, s5;
	s5 =	sadd.s32 $0x99400, s6;
	s7 =	smul.u32 $0x1400, s7  }
.Ltmp0:
0xc: {  	s31 =	sshrl.u32 s9, $0x1;
	s10 =	sshrl.u32 s10, $0x2;
	(pc) =	sbr.rel .LBB2_1-.Ltmp0, $4  }
0xd: {  	s12 =	sor.u32 $0x1C04, s12;
	s9 =	ssub.s32 s9, s31;
	s13 =	sadd.s32 s10, s3  }
0xe: {  	s10 =	simm.s32 $0x4;
	s8 =	sadd.s32 s8, s6;
	s11 =	sadd.s32 s7, s6  }
0xf: {  	s9 =	smax.u32 s9, $0x1;
	s13 =	sshrl.u32 s13, $0x3;
	s6 =	sadd.s32 $0xCF400, s8  }
0x10: {  	s7 =	sadd.s32 $0x9D400, s8;
	s8 =	sadd.s32 $0xD9400, s11;
	s11 =	simm.s32 $0x2800  }
.LBB2_7:
0x11: {  	_ =	swait.ge [sflag:s23], $0x4000  }
0x12: {  	[sflag:s23] =	ssyncset.done $0x0  }
0x13: {  	[sflag:s23] =	ssyncadd.s32 $0xFFFFC000  }
0x14: {  	s25 =	sadd.s32 $0x1, s25;
	_ =	swait.ge [sflag:s23], $0x4000  }
0x15: {  	p0 =	sne.s32 s25, s9;
	[sflag:s23] =	ssyncset.done $0x0  }
.Ltmp1:
0x16: {  	[sflag:s23] =	ssyncadd.s32 $0xFFFFC000;
	(pc) =	sbr.rel @!p0 .LBB2_8-.Ltmp1, $4  }
0x17: {  	[hbm:s8], [sflag:s12] =	dma.local [spmem:s13], $0x1400  }
0x18: {  	_ =	swait.ge [sflag:s10], $0x1400  }
0x19: {  	[sflag:s10] =	ssyncset.done $0x0  }
0x1a: {  	[sflag:s10] =	ssyncadd.s32 $0xFFFFEC00  }
.LBB2_1:
0x1b: {  	[tilespmem:s4], [sflag:$0x4] =	stream.linear.gather [hbm4b:s6+s4], $0x2800, $0x38;
	[tilespmem:$0x1F000] =	vst v63  }
0x1c: {  	_ =	swait.ge [sflag:s10], $0x2800  }
0x1d: {  	[sflag:s10] =	ssyncset.done $0x0  }
0x1e: {  	[sflag:s10] =	ssyncadd.s32 $0xFFFFD800  }
0x1f: {  	[tilespmem:s11], [sflag:$0x4] =	stream.linear.gather [hbm4b:s7+s4], $0x2800, $0x38;
	[tilespmem:$0x1F000] =	vst v63  }
0x20: {  	_ =	swait.ge [sflag:s10], $0x2800  }
0x21: {  	[sflag:s10] =	ssyncset.done $0x0  }
0x22: {  	[sflag:s10] =	ssyncadd.s32 $0xFFFFD800  }
0x23: {  	[spmem:s13], [sflag:s12] =	dma.local [hbm:s5], $0x1400  }
0x24: {  	_ =	swait.ge [sflag:s10], $0x1400  }
0x25: {  	[sflag:s10] =	ssyncset.done $0x0  }
0x26: {  	[sflag:s10] =	ssyncadd.s32 $0xFFFFEC00  }
0x27: {  	[tilespmem:s15], [sflag:$0x1] =	stream.indirect.gather [hbm4b:s1+s14], $0x80, s4, s14, $0xb8;
	[tilespmem:$0x1F000] =	vst v63  }
0x28: {  	_ = 	snop  }
0x29: {  	[tilespmem:s16], [sflag:$0x1] =	stream.indirect.gather [hbm4b:s1+s14], $0x80, s14, s14, $0xb8;
	[tilespmem:$0x1F000] =	vst v63  }
0x2a: {  	_ =	swait.ge [sflag:s22], $0x4000  }
0x2b: {  	[sflag:s22] =	ssyncset.done $0x0  }
0x2c: {  	[sflag:s22] =	ssyncadd.s32 $0xFFFFC000  }
0x2d: {  	_ =	swait.ge [sflag:s22], $0x4000  }
0x2e: {  	[sflag:s22] =	ssyncset.done $0x0  }
0x2f: {  	[sflag:s22] =	ssyncadd.s32 $0xFFFFC000  }
0x30: {  	[spmem:s3] =	stream.indirect.scatter.add.f32 [tilespmem:s15], [sflag:$0x2], $0x80, s11, s14, $0xb8;
	[tilespmem:$0x1F000] =	vst v63  }
0x31: {  	_ = 	snop  }
0x32: {  	[spmem:s3] =	stream.indirect.scatter.add.f32 [tilespmem:s16], [sflag:$0x2], $0x80, s17, s14, $0xb8;
	[tilespmem:$0x1F000] =	vst v63  }
.Ltmp2:
0x33: {  	_ = 	snop;
	(pc) =	sbr.rel .LBB2_2-.Ltmp2, $4  }
0x34: {  	_ = 	snop  }
0x35: {  	[tilespmem:s19], [sflag:$0x1] =	stream.indirect.gather [hbm4b:s1+s14], $0x80, s18, s14, $0xb8;
	[tilespmem:$0x1F000] =	vst v63  }
0x36: {  	s26 =	simm.s32 $0x0;
	s28 =	simm.s32 $0x1  }
0x37: {  	[tilespmem:s21], [sflag:$0x1] =	stream.indirect.gather [hbm4b:s1+s14], $0x80, s20, s14, $0xb8;
	[tilespmem:$0x1F000] =	vst v63  }
.LBB2_3:
0x38: {  	[spmem:s3] =	stream.indirect.scatter.add.f32 [tilespmem:s15], [sflag:$0x2], $0x80, s31, s14, $0xb8;
	[tilespmem:$0x1F000] =	vst v63  }
0x39: {  	_ = 	snop  }
0x3a: {  	[spmem:s3] =	stream.indirect.scatter.add.f32 [tilespmem:s16], [sflag:$0x2], $0x80, s30, s14, $0xb8;
	[tilespmem:$0x1F000] =	vst v63  }
0x3b: {  	_ =	swait.ge [sflag:s23], $0x4000  }
0x3c: {  	[sflag:s23] =	ssyncset.done $0x0  }
0x3d: {  	[sflag:s23] =	ssyncadd.s32 $0xFFFFC000  }
0x3e: {  	_ =	swait.ge [sflag:s23], $0x4000  }
0x3f: {  	[sflag:s23] =	ssyncset.done $0x0  }
0x40: {  	s31 =	simm.s32 $0xD000;
	s30 =	simm.s32 $0x11000;
	[sflag:s23] =	ssyncadd.s32 $0xFFFFC000  }
.LBB2_6:
0x41: {  	s26 =	sadd.s32 $0x400, s26  }
0x42: {  	p0 =	sne.s32 s26, $0x9C00  }
.Ltmp3:
0x43: {  	_ = 	snop;
	(pc) =	sbr.rel @!p0 .LBB2_7-.Ltmp3, $4  }
0x44: {  	s2 =	sadd.s32 $0x200, s29  }
0x45: {  	[tilespmem:s31], [sflag:$0x1] =	stream.indirect.gather [hbm4b:s1+s14], $0x80, s2, s14, $0xb8;
	[tilespmem:$0x1F000] =	vst v63  }
0x46: {  	s28 =	sadd.s32 $0x1, s28;
	s31 =	sadd.s32 $0x280, s29  }
0x47: {  	[tilespmem:s30], [sflag:$0x1] =	stream.indirect.gather [hbm4b:s1+s14], $0x80, s31, s14, $0xb8;
	[tilespmem:$0x1F000] =	vst v63  }
.LBB2_2:
0x48: {  	s29 =	sand.u32 $0x1, s28  }
0x49: {  	_ =	swait.ge [sflag:s22], $0x4000;
	p0 =	seq.s32 s29, $0x1  }
.Ltmp4:
0x4a: {  	[sflag:s22] =	ssyncset.done $0x0;
	(pc) =	sbr.rel @!p0 .LBB2_3-.Ltmp4, $4  }
0x4b: {  	[sflag:s22] =	ssyncadd.s32 $0xFFFFC000  }
0x4c: {  	_ =	swait.ge [sflag:s22], $0x4000  }
0x4d: {  	s29 =	sshra.s32 s26, $0x2;
	[sflag:s22] =	ssyncset.done $0x0  }
0x4e: {  	s31 =	sadd.s32 $0x2900, s29;
	s30 =	sadd.s32 $0x2980, s29;
	[sflag:s22] =	ssyncadd.s32 $0xFFFFC000  }
0x4f: {  	[spmem:s3] =	stream.indirect.scatter.add.f32 [tilespmem:s19], [sflag:$0x3], $0x80, s31, s14, $0xb8;
	[tilespmem:$0x1F000] =	vst v63  }
0x50: {  	_ = 	snop  }
0x51: {  	[spmem:s3] =	stream.indirect.scatter.add.f32 [tilespmem:s21], [sflag:$0x3], $0x80, s30, s14, $0xb8;
	[tilespmem:$0x1F000] =	vst v63  }
0x52: {  	p0 =	seq.s32 s26, $0x9800;
	_ =	swait.ge [sflag:s24], $0x4000  }
.Ltmp5:
0x53: {  	[sflag:s24] =	ssyncset.done $0x0;
	(pc) =	sbr.rel @p0 .LBB2_7-.Ltmp5, $4  }
0x54: {  	[sflag:s24] =	ssyncadd.s32 $0xFFFFC000  }
0x55: {  	_ =	swait.ge [sflag:s24], $0x4000  }
0x56: {  	[sflag:s24] =	ssyncset.done $0x0  }
0x57: {  	[sflag:s24] =	ssyncadd.s32 $0xFFFFC000  }
.Ltmp6:
0x58: {  	(pc) =	sbr.rel .LBB2_6-.Ltmp6, $2  }
0x59: {  	_ =	sdelay $0x2  }
0x5a: {  	s30 =	simm.s32 $0x9000;
	s31 =	simm.s32 $0x5000  }
.LBB2_8:
0x5b: {  	_ =	sfence.sel $0x180000  }
0x5c: {  	[bflag:$0x0] =	sbarrier.arrive $0xFFFF  }
0x5d: {  	_ =	strace $0x90000056  }
0x5e: {  	[bflag:$0x2] =	sbarrier.arrive $0xFFFF  }
0x5f: {  	p0 =	sne.s32 s0, $0x0;
	s0 =	rddreg [dreg:$0x3]  }
0x60: {  	s0 =	sadd.s32 @!p0 $0x100000, s0  }
0x61: {  	[sflag:s0] =	ssyncadd.tile.s32 @!p0 $0x1;
	_ =	shalt  }
.Lfunc_end2:
_tile_overlayer_lowered:
.L_overlay_start_2:
0x62: {  	(tag) =	ssettag $0x2  }
0x63: {  	s0 =	rddreg [dreg:$0x0];
	s2 =	stileid.u32  }
0x64: {  	s1 =	rddreg [dreg:$0x1];
	p0 =	sne.s32 s2, $0x0  }
0x65: {  	s3 =	rddreg [dreg:$0x2];
	[bflag:$0x3] =	sbarrier.arrive $0xFFFF;
	s2 =	simm.s32 @!p0 $0x1C04  }
0x66: {  	[timem:s3], [sflag:s2] =	dma.local @!p0 [hbm:s0], s1  }
0x67: {  	s0 =	simm.s32 @!p0 $0x4  }
0x68: {  	_ =	swait.ge @!p0 [sflag:s0], s1  }
0x69: {  	s1 =	ssub.s32 @!p0 $0x0, s1;
	[sflag:s0] =	ssyncset.done @!p0 $0x0  }
0x6a: {  	[sflag:s0] =	ssyncadd.s32 @!p0 s1  }
0x6b: {  	[bflag:$0x3] =	sbarrier.arrive $0xFFFF  }
0x6c: {  	_ =	shalt  }

// kernel: kernel.26.cloned.1.call-start
scs
__scs_entry_jumppad:
0x0: {  	(pc) =	sbr.rel $0x88, $3  }
0x1: {  	(tag) =	ssettag $0x0;
	lr =	simm.s32 $0x1  }
0x2: {  	[smem:$0x3F94] =	sst lr;
	_ =	strace $0xD0000000  }
0x3: {  	_ = 	snop  }
0x4: {  	_ = 	snop  }
0x5: {  	_ = 	snop  }
0x6: {  	_ = 	snop  }
0x7: {  	_ = 	snop  }
__scs_overlays_trampoline_lowered:
0x8: {  	[smem:$0x3FA3] =	sst s0  }
0x9: {  	[smem:$0x3FA4] =	sst s1  }
0xa: {  	[smem:$0x3FA5] =	sst s2  }
0xb: {  	[smem:$0x3FA6] =	sst s3  }
0xc: {  	[smem:$0x3FA7] =	sst s4  }
0xd: {  	[smem:$0x3FA8] =	sst s5  }
0xe: {  	[smem:$0x3FA9] =	sst s6  }
0xf: {  	[smem:$0x3FAA] =	sst s7  }
0x10: {  	[smem:$0x3FAB] =	sst s8  }
0x11: {  	[smem:$0x3FAC] =	sst s9;
	s0 =	simm.s32 @!p0 $0x0  }
0x12: {  	s1 =	sld [smem:$0x3F92];
	s0 =	simm.s32 @p0 $0x1  }
0x13: {  	[smem:$0x3FAD] =	sst s0;
	s0 =	simm.s32 @!p1 $0x0  }
0x14: {  	s2 =	sld [smem:$0x3F91];
	s0 =	simm.s32 @p1 $0x1  }
0x15: {  	[smem:$0x3FAE] =	sst s0;
	s0 =	simm.s32 @!p2 $0x0  }
0x16: {  	s3 =	sld [smem:$0x3FDB];
	s0 =	simm.s32 @p2 $0x1  }
0x17: {  	s4 =	simm.s32 $0x1BF5;
	[smem:$0x3FB0] =	sst s0  }
0x18: {  	s0 =	sld [smem:$0x3F93];
	_ =	swait.ge [sflag:s4], $0x0  }
0x19: {  	s7 =	sld [smem:$0x3F94]  }
0x1a: {  	s8 =	sadd.s32 $0xFFFFE003, lr  }
0x1b: {  	s9 =	sadd.s32 $0xFFFFFEF7, lr;
	s5 =	simm.s32 $0xFFFFFFFF;
	p2 =	slt.u32 s8, $0xFFFFF086  }
0x1c: {  	p1 =	slt.u32 s9, $0xF7A;
	s5 =	simm.s32 @!p2 $0x0  }
0x1d: {  	s5 =	simm.s32 @p1 $0x1;
	p0 =	seq.s32 s7, s2  }
0x1e: {  	s7 =	smul.u32 @!p0 $0xF7A, s2;
	p2 =	seq.s32 @!p0 s5, $0x0  }
0x1f: {  	s9 =	smul.u32 $0xF7A, s1;
	s8 =	simm.s32 @!p0 $0x1BF5;
	p2 =	por !p2, p0  }
0x20: {  	[sflag:s8] =	ssyncset.s32 @!p0 $0xFFFFF086;
	s6 =	sadd.s32 @!p0 s3, s7;
	s7 =	simm.s32 @!p0 $0x108  }
0x21: {  	s3 =	sadd.s32 s3, s9;
	s6 =	sadd.s32 @!p0 $0x88, s6;
	s7 =	simm.s32 @p2 $0x1082  }
0x22: {  	[simem:s7], [sflag:s8] =	dma.local @!p0 [hbm:s6], $0xF7A  }
0x23: {  	s9 =	sor.u32 $0xD0000000, s2;
	s6 =	simm.s32 $0x108;
	_ =	swait.ge @!p0 [sflag:s8], $0x0  }
0x24: {  	s3 =	sadd.s32 $0x88, s3;
	s6 =	simm.s32 @!p1 $0x1082;
	[sflag:s4] =	ssyncset.s32 $0xFFFFF086  }
0x25: {  	[simem:s6], [sflag:s4] =	dma.local [hbm:s3], $0xF7A  }
0x26: {  	[smem:$0x3F94] =	sst s1;
	(tag) =	ssettag s2;
	_ =	strace s9  }
0x27: {  	s1 =	sld [smem:$0x3FA4]  }
0x28: {  	s2 =	sld [smem:$0x3FA5]  }
0x29: {  	s4 =	sld [smem:$0x3FA7]  }
0x2a: {  	p0 =	seq.s32 s5, $0x0;
	s5 =	sld [smem:$0x3FA8]  }
0x2b: {  	s6 =	sld [smem:$0x3FA9]  }
0x2c: {  	s7 =	sld [smem:$0x3FAA]  }
0x2d: {  	s3 =	simm.s32 $0x108;
	s8 =	sld [smem:$0x3FAB]  }
0x2e: {  	s3 =	simm.s32 @!p0 $0x1082;
	s9 =	sld [smem:$0x3FAC]  }
0x2f: {  	lr =	sadd.s32 s0, s3;
	s0 =	sld [smem:$0x3FA3]  }
0x30: {  	s3 =	sld [smem:$0x3FA6]  }
0x31: {  	[smem:$0x3FAF] =	sst s10  }
0x32: {  	s10 =	sld [smem:$0x3FAD];
	_ =	sdelay $0x3  }
0x33: {  	p0 =	seq.s32 s10, $0x1;
	s10 =	sld [smem:$0x3FAF];
	_ =	sdelay $0x3  }
0x34: {  	[smem:$0x3FAF] =	sst s10  }
0x35: {  	s10 =	sld [smem:$0x3FAE];
	_ =	sdelay $0x3  }
0x36: {  	p1 =	seq.s32 s10, $0x1;
	s10 =	sld [smem:$0x3FAF];
	_ =	sdelay $0x3  }
0x37: {  	[smem:$0x3FAF] =	sst s10  }
0x38: {  	s10 =	sld [smem:$0x3FB0]  }
0x39: {  	_ = 	snop;
	(pc) =	sbr.ind lr, $3  }
0x3a: {  	_ = 	snop  }
0x3b: {  	_ = 	snop  }
0x3c: {  	p2 =	seq.s32 s10, $0x1;
	s10 =	sld [smem:$0x3FAF]  }
0x3d: {  	_ =	shalt  }
0x3e: {  	_ =	shalt  }
0x3f: {  	_ =	shalt  }
0x40: {  	_ =	shalt  }
0x41: {  	_ =	shalt  }
0x42: {  	_ =	shalt  }
0x43: {  	_ =	shalt  }
0x44: {  	_ =	shalt  }
0x45: {  	_ =	shalt  }
0x46: {  	_ =	shalt  }
0x47: {  	_ =	shalt  }
0x48: {  	_ =	shalt  }
0x49: {  	_ =	shalt  }
0x4a: {  	_ =	shalt  }
0x4b: {  	_ =	shalt  }
0x4c: {  	_ =	shalt  }
0x4d: {  	_ =	shalt  }
0x4e: {  	_ =	shalt  }
0x4f: {  	_ =	shalt  }
0x50: {  	_ =	shalt  }
0x51: {  	_ =	shalt  }
0x52: {  	_ =	shalt  }
0x53: {  	_ =	shalt  }
0x54: {  	_ =	shalt  }
0x55: {  	_ =	shalt  }
0x56: {  	_ =	shalt  }
0x57: {  	_ =	shalt  }
0x58: {  	_ =	shalt  }
0x59: {  	_ =	shalt  }
0x5a: {  	_ =	shalt  }
0x5b: {  	_ =	shalt  }
0x5c: {  	_ =	shalt  }
0x5d: {  	_ =	shalt  }
0x5e: {  	_ =	shalt  }
0x5f: {  	_ =	shalt  }
0x60: {  	_ =	shalt  }
0x61: {  	_ =	shalt  }
0x62: {  	_ =	shalt  }
0x63: {  	_ =	shalt  }
0x64: {  	_ =	shalt  }
0x65: {  	_ =	shalt  }
0x66: {  	_ =	shalt  }
0x67: {  	_ =	shalt  }
0x68: {  	_ =	shalt  }
0x69: {  	_ =	shalt  }
0x6a: {  	_ =	shalt  }
0x6b: {  	_ =	shalt  }
0x6c: {  	_ =	shalt  }
0x6d: {  	_ =	shalt  }
0x6e: {  	_ =	shalt  }
0x6f: {  	_ =	shalt  }
0x70: {  	_ =	shalt  }
0x71: {  	_ =	shalt  }
0x72: {  	_ =	shalt  }
0x73: {  	_ =	shalt  }
0x74: {  	_ =	shalt  }
0x75: {  	_ =	shalt  }
0x76: {  	_ =	shalt  }
0x77: {  	_ =	shalt  }
0x78: {  	_ =	shalt  }
0x79: {  	_ =	shalt  }
0x7a: {  	_ =	shalt  }
0x7b: {  	_ =	shalt  }
0x7c: {  	_ =	shalt  }
0x7d: {  	_ =	shalt  }
0x7e: {  	_ =	shalt  }
0x7f: {  	_ =	shalt  }
0x80: {  	_ =	shalt  }
0x81: {  	_ =	shalt  }
0x82: {  	_ =	shalt  }
0x83: {  	_ =	shalt  }
0x84: {  	_ =	shalt  }
0x85: {  	_ =	shalt  }
0x86: {  	_ =	shalt  }
0x87: {  	_ =	shalt  }
.Lfunc_end0:
.L_simem_size_0:
called_computation.5_lowered:
.L_overlay_start_0:
0x88: {  	s2 =	sld [smem:$0x3FD9]  }
0x89: {  	s3 =	sld [smem:$0x3FFE];
	_ =	sdelay $0x1  }
0x8a: {  	s1 =	srdreg.scid  }
0x8b: {  	s0 =	sand.u32 $0x1, s1  }
0x8c: {  	s14 =	sshll.u32 s0, $0xA;
	s2 =	sadd.s32 s3, s2  }
0x8d: {  	s2 =	sadd.s32 s2, s14  }
0x8e: {  	[smem:$0x3FBB] =	sst s2  }
0x8f: {  	_ = 	snop  }
0x90: {  	s2 =	sld [smem:$0x3FD0];
	_ =	sdelay $0x2  }
0x91: {  	s15 =	simm.s32 $0xB;
	s4 =	simm.s32 $0x10  }
0x92: {  	[smem:s4], [sflag:s15] =	dma.local [hbm:s2], $0x1  }
0x93: {  	_ =	swait.eq [sflag:s15], $0x1  }
0x94: {  	[sflag:s15] =	ssyncset.done $0x0  }
0x95: {  	[sflag:s15] =	ssyncadd.s32 $0xFFFFFFFF  }
0x96: {  	s16 =	sld [smem:$0x10];
	(tm) =	ssettm $0x1  }
0x97: {  	s17 =	sld [smem:$0x3FFB];
	_ =	sdelay $0x3  }
0x98: {  	_ =	strace s17  }
0x99: {  	s3 =	sld [smem:$0x3FFC];
	_ =	sdelay $0x3  }
0x9a: {  	_ =	strace s3  }
0x9b: {  	s3 =	sld [smem:$0x3FFD];
	_ =	sdelay $0x3  }
0x9c: {  	_ =	strace s3  }
0x9d: {  	_ =	strace $0x8FFFFFFF  }
0x9e: {  	s18 =	sld [smem:$0x3FDB];
	_ =	sdelay $0x1  }
0x9f: {  	s19 =	simm.s32 $_scs_section_size  }
0xa0: {  	s5 =	simm.s32 $_size__tile_overlayer_lowered;
	s6 =	simm.s32 $_tile_overlayer_lowered  }
0xa1: {  	s22 =	simm.s32 $0x1BFF;
	s21 =	sshll.u32 s6, $0x1;
	s3 =	sadd.s32 s19, s18  }
0xa2: {  	s7 =	simm.s32 $0x0;
	s20 =	sshll.u32 s5, $0x1;
	s5 =	sadd.s32 s21, s3  }
0xa3: {  	[timem:s7], [sflag:s22] =	dma.local [hbm:s5], s20  }
0xa4: {  	_ =	swait.ge [sflag:s22], s20  }
0xa5: {  	s4 =	ssub.s32 $0x0, s20;
	[sflag:s22] =	ssyncset.done $0x0  }
0xa6: {  	[sflag:s22] =	ssyncadd.s32 s4;
	_ =	sdelay $0x1  }
0xa7: {  	s23 =	simm.s32 $0x1B8B  }
0xa8: {  	_ =	swait.ge [sflag:s23], $0x1  }
0xa9: {  	[sflag:s23] =	ssyncset.done $0x0  }
0xaa: {  	s25 =	simm.s32 $0x1B8E;
	s24 =	sld [smem:$0x3FFE];
	[sflag:s23] =	ssyncadd.s32 $0xFFFFFFFF  }
0xab: {  	s26 =	simm.s32 $execute0_lowered;
	[smem:$0x3FD2] =	sst s25  }
0xac: {  	s5 =	sshll.u32 s26, $0x1;
	_ =	strace $0x80000052;
	[dreg:$0x1] =	wrdreg $0xFFFFFFFF  }
0xad: {  	s28 =	simm.s32 $_size_execute0_lowered;
	s3 =	sadd.s32 s3, s5;
	[dreg:$0x0] =	wrdreg $0x0  }
0xae: {  	s5 =	sshll.u32 s28, $0x1;
	[dreg:$0x2] =	wrdreg s3  }
0xaf: {  	[dreg:$0x3] =	wrdreg s5  }
0xb0: {  	[dreg:$0x4] =	wrdreg $0xC0  }
0xb1: {  	_ =	task [dreg:s7], $0x5FFFF  }
0xb2: {  	[dreg:$0x1] =	wrdreg $0xFFFFFFFF  }
0xb3: {  	[dreg:$0x0] =	wrdreg $0x60  }
0xb4: {  	[dreg:$0x2] =	wrdreg s16  }
0xb5: {  	[dreg:$0x3] =	wrdreg s24  }
0xb6: {  	[dreg:$0x4] =	wrdreg $0x150000  }
0xb7: {  	[dreg:$0x5] =	wrdreg $0xA  }
0xb8: {  	_ =	task.clear_ibuf [dreg:s7], $0x6FFFF;
	_ =	strace $0x90000052  }
0xb9: {  	s29 =	simm.s32 $0xA;
	_ =	strace $0x80000054  }
0xba: {  	_ =	swait.ge [sflag:s29], $0x1  }
0xbb: {  	[sflag:s29] =	ssyncadd.s32 $0xFFFFFFFF  }
0xbc: {  	_ =	strace $0x90000054  }
0xbd: {  	_ =	sfence  }
0xbe: {  	s30 =	sld [smem:$0x0];
	_ =	sdelay $0x2  }
0xbf: {  	s31 =	sshll.u32 s1, $0xD;
	s1 =	sshrl.u32 s1, $0x2  }
0xc0: {  	s3 =	sand.u32 $0x4000, s31;
	s1 =	sadd.s32 s1, s30  }
0xc1: {  	s0 =	sor.u32 s3, s0;
	s1 =	sshll.u32 s1, $0x11  }
0xc2: {  	s0 =	sor.u32 s1, s0  }
0xc3: {  	s0 =	sadd.s32 $0x8F2B, s0  }
0xc4: {  	[sflag:s0] =	ssyncadd.remote.s32 $0x1  }
0xc5: {  	_ =	sfence.sel $0xFFFF  }
0xc6: {  	[dreg:$0x0] =	wrdreg $0xFFFFFFFF;
	(pc) =	sbr.abs _section_cstart, $3  }
0xc7: {  	[dreg:$0x1] =	wrdreg $0xFFFFFFFF  }
0xc8: {  	_ =	task.clear_ibuf [dreg:s7], $0x2FFFF;
	_ =	strace $0x9FFFFFFF  }
0xc9: {  	(tm) =	ssettm $0x7FFFFFFF  }
tec
execute0_lowered:
.L_overlay_start_1:
0x0: {  	(tag) =	ssettag $0x1  }
0x1: {  	s1 =	rddreg [dreg:$0x0]  }
0x2: {  	s6 =	rddreg [dreg:$0x1];
	s2 =	srdreg.scid  }
0x3: {  	s0 =	stileid.u32;
	s3 =	rddreg [dreg:$0x2]  }
0x4: {  	s4 =	simm.s32 $0x0;
	s14 =	simm.s32 $0x80;
	s15 =	simm.s32 $0x5000  }
0x5: {  	s16 =	simm.s32 $0x9000;
	s17 =	simm.s32 $0x2880;
	s18 =	simm.s32 $0x100  }
0x6: {  	s19 =	simm.s32 $0xD000;
	s20 =	simm.s32 $0x180;
	s21 =	simm.s32 $0x11000  }
0x7: {  	s22 =	simm.s32 $0x1;
	s23 =	simm.s32 $0x3;
	s24 =	simm.s32 $0x2  }
0x8: {  	s25 =	simm.s32 $0x0;
	s5 =	sand.u32 $0x1, s2;
	s7 =	sshll.u32 s0, $0x1  }
0x9: {  	[smem:$0x7FF] =	sst s4;
	s10 =	smul.u32 $0x28000, s0;
	s7 =	sor.u32 s5, s7  }
0xa: {  	s12 =	sshll.u32 s0, $0x6;
	_ =	strace $0x80000053;
	s8 =	smul.u32 $0x500, s7  }
0xb: {  	s9 =	ssub.s32 $0x2, s5;
	s5 =	sadd.s32 $0x99400, s6;
	s7 =	smul.u32 $0x1400, s7  }
.Ltmp0:
0xc: {  	s31 =	sshrl.u32 s9, $0x1;
	s10 =	sshrl.u32 s10, $0x2;
	(pc) =	sbr.rel .LBB2_1-.Ltmp0, $4  }
0xd: {  	s12 =	sor.u32 $0x1C04, s12;
	s9 =	ssub.s32 s9, s31;
	s13 =	sadd.s32 s10, s3  }
0xe: {  	s10 =	simm.s32 $0x4;
	s8 =	sadd.s32 s8, s6;
	s11 =	sadd.s32 s7, s6  }
0xf: {  	s9 =	smax.u32 s9, $0x1;
	s13 =	sshrl.u32 s13, $0x3;
	s6 =	sadd.s32 $0x3C200, s8  }
0x10: {  	s7 =	sadd.s32 $0x9D400, s8;
	s8 =	sadd.s32 $0xA7400, s11;
	s11 =	simm.s32 $0x2800  }
.LBB2_7:
0x11: {  	_ =	swait.ge [sflag:s23], $0x4000  }
0x12: {  	[sflag:s23] =	ssyncset.done $0x0  }
0x13: {  	[sflag:s23] =	ssyncadd.s32 $0xFFFFC000  }
0x14: {  	s25 =	sadd.s32 $0x1, s25;
	_ =	swait.ge [sflag:s23], $0x4000  }
0x15: {  	p0 =	sne.s32 s25, s9;
	[sflag:s23] =	ssyncset.done $0x0  }
.Ltmp1:
0x16: {  	[sflag:s23] =	ssyncadd.s32 $0xFFFFC000;
	(pc) =	sbr.rel @!p0 .LBB2_8-.Ltmp1, $4  }
0x17: {  	[hbm:s8], [sflag:s12] =	dma.local [spmem:s13], $0x1400  }
0x18: {  	_ =	swait.ge [sflag:s10], $0x1400  }
0x19: {  	[sflag:s10] =	ssyncset.done $0x0  }
0x1a: {  	[sflag:s10] =	ssyncadd.s32 $0xFFFFEC00  }
.LBB2_1:
0x1b: {  	[tilespmem:s4], [sflag:$0x4] =	stream.linear.gather [hbm4b:s6+s4], $0x2800, $0x38;
	[tilespmem:$0x1F000] =	vst v63  }
0x1c: {  	_ =	swait.ge [sflag:s10], $0x2800  }
0x1d: {  	[sflag:s10] =	ssyncset.done $0x0  }
0x1e: {  	[sflag:s10] =	ssyncadd.s32 $0xFFFFD800  }
0x1f: {  	[tilespmem:s11], [sflag:$0x4] =	stream.linear.gather [hbm4b:s7+s4], $0x2800, $0x38;
	[tilespmem:$0x1F000] =	vst v63  }
0x20: {  	_ =	swait.ge [sflag:s10], $0x2800  }
0x21: {  	[sflag:s10] =	ssyncset.done $0x0  }
0x22: {  	[sflag:s10] =	ssyncadd.s32 $0xFFFFD800  }
0x23: {  	[spmem:s13], [sflag:s12] =	dma.local [hbm:s5], $0x1400  }
0x24: {  	_ =	swait.ge [sflag:s10], $0x1400  }
0x25: {  	[sflag:s10] =	ssyncset.done $0x0  }
0x26: {  	[sflag:s10] =	ssyncadd.s32 $0xFFFFEC00  }
0x27: {  	[tilespmem:s15], [sflag:$0x1] =	stream.indirect.gather [hbm4b:s1+s14], $0x80, s4, s14, $0xb8;
	[tilespmem:$0x1F000] =	vst v63  }
0x28: {  	_ = 	snop  }
0x29: {  	[tilespmem:s16], [sflag:$0x1] =	stream.indirect.gather [hbm4b:s1+s14], $0x80, s14, s14, $0xb8;
	[tilespmem:$0x1F000] =	vst v63  }
0x2a: {  	_ =	swait.ge [sflag:s22], $0x4000  }
0x2b: {  	[sflag:s22] =	ssyncset.done $0x0  }
0x2c: {  	[sflag:s22] =	ssyncadd.s32 $0xFFFFC000  }
0x2d: {  	_ =	swait.ge [sflag:s22], $0x4000  }
0x2e: {  	[sflag:s22] =	ssyncset.done $0x0  }
0x2f: {  	[sflag:s22] =	ssyncadd.s32 $0xFFFFC000  }
0x30: {  	[spmem:s3] =	stream.indirect.scatter.add.f32 [tilespmem:s15], [sflag:$0x2], $0x80, s11, s14, $0xb8;
	[tilespmem:$0x1F000] =	vst v63  }
0x31: {  	_ = 	snop  }
0x32: {  	[spmem:s3] =	stream.indirect.scatter.add.f32 [tilespmem:s16], [sflag:$0x2], $0x80, s17, s14, $0xb8;
	[tilespmem:$0x1F000] =	vst v63  }
.Ltmp2:
0x33: {  	_ = 	snop;
	(pc) =	sbr.rel .LBB2_2-.Ltmp2, $4  }
0x34: {  	_ = 	snop  }
0x35: {  	[tilespmem:s19], [sflag:$0x1] =	stream.indirect.gather [hbm4b:s1+s14], $0x80, s18, s14, $0xb8;
	[tilespmem:$0x1F000] =	vst v63  }
0x36: {  	s26 =	simm.s32 $0x0;
	s28 =	simm.s32 $0x1  }
0x37: {  	[tilespmem:s21], [sflag:$0x1] =	stream.indirect.gather [hbm4b:s1+s14], $0x80, s20, s14, $0xb8;
	[tilespmem:$0x1F000] =	vst v63  }
.LBB2_3:
0x38: {  	[spmem:s3] =	stream.indirect.scatter.add.f32 [tilespmem:s15], [sflag:$0x2], $0x80, s31, s14, $0xb8;
	[tilespmem:$0x1F000] =	vst v63  }
0x39: {  	_ = 	snop  }
0x3a: {  	[spmem:s3] =	stream.indirect.scatter.add.f32 [tilespmem:s16], [sflag:$0x2], $0x80, s30, s14, $0xb8;
	[tilespmem:$0x1F000] =	vst v63  }
0x3b: {  	_ =	swait.ge [sflag:s23], $0x4000  }
0x3c: {  	[sflag:s23] =	ssyncset.done $0x0  }
0x3d: {  	[sflag:s23] =	ssyncadd.s32 $0xFFFFC000  }
0x3e: {  	_ =	swait.ge [sflag:s23], $0x4000  }
0x3f: {  	[sflag:s23] =	ssyncset.done $0x0  }
0x40: {  	s31 =	simm.s32 $0xD000;
	s30 =	simm.s32 $0x11000;
	[sflag:s23] =	ssyncadd.s32 $0xFFFFC000  }
.LBB2_6:
0x41: {  	s26 =	sadd.s32 $0x400, s26  }
0x42: {  	p0 =	sne.s32 s26, $0x9C00  }
.Ltmp3:
0x43: {  	_ = 	snop;
	(pc) =	sbr.rel @!p0 .LBB2_7-.Ltmp3, $4  }
0x44: {  	s2 =	sadd.s32 $0x200, s29  }
0x45: {  	[tilespmem:s31], [sflag:$0x1] =	stream.indirect.gather [hbm4b:s1+s14], $0x80, s2, s14, $0xb8;
	[tilespmem:$0x1F000] =	vst v63  }
0x46: {  	s28 =	sadd.s32 $0x1, s28;
	s31 =	sadd.s32 $0x280, s29  }
0x47: {  	[tilespmem:s30], [sflag:$0x1] =	stream.indirect.gather [hbm4b:s1+s14], $0x80, s31, s14, $0xb8;
	[tilespmem:$0x1F000] =	vst v63  }
.LBB2_2:
0x48: {  	s29 =	sand.u32 $0x1, s28  }
0x49: {  	_ =	swait.ge [sflag:s22], $0x4000;
	p0 =	seq.s32 s29, $0x1  }
.Ltmp4:
0x4a: {  	[sflag:s22] =	ssyncset.done $0x0;
	(pc) =	sbr.rel @!p0 .LBB2_3-.Ltmp4, $4  }
0x4b: {  	[sflag:s22] =	ssyncadd.s32 $0xFFFFC000  }
0x4c: {  	_ =	swait.ge [sflag:s22], $0x4000  }
0x4d: {  	s29 =	sshra.s32 s26, $0x2;
	[sflag:s22] =	ssyncset.done $0x0  }
0x4e: {  	s31 =	sadd.s32 $0x2900, s29;
	s30 =	sadd.s32 $0x2980, s29;
	[sflag:s22] =	ssyncadd.s32 $0xFFFFC000  }
0x4f: {  	[spmem:s3] =	stream.indirect.scatter.add.f32 [tilespmem:s19], [sflag:$0x3], $0x80, s31, s14, $0xb8;
	[tilespmem:$0x1F000] =	vst v63  }
0x50: {  	_ = 	snop  }
0x51: {  	[spmem:s3] =	stream.indirect.scatter.add.f32 [tilespmem:s21], [sflag:$0x3], $0x80, s30, s14, $0xb8;
	[tilespmem:$0x1F000] =	vst v63  }
0x52: {  	p0 =	seq.s32 s26, $0x9800;
	_ =	swait.ge [sflag:s24], $0x4000  }
.Ltmp5:
0x53: {  	[sflag:s24] =	ssyncset.done $0x0;
	(pc) =	sbr.rel @p0 .LBB2_7-.Ltmp5, $4  }
0x54: {  	[sflag:s24] =	ssyncadd.s32 $0xFFFFC000  }
0x55: {  	_ =	swait.ge [sflag:s24], $0x4000  }
0x56: {  	[sflag:s24] =	ssyncset.done $0x0  }
0x57: {  	[sflag:s24] =	ssyncadd.s32 $0xFFFFC000  }
.Ltmp6:
0x58: {  	(pc) =	sbr.rel .LBB2_6-.Ltmp6, $2  }
0x59: {  	_ =	sdelay $0x2  }
0x5a: {  	s30 =	simm.s32 $0x9000;
	s31 =	simm.s32 $0x5000  }
.LBB2_8:
0x5b: {  	_ =	sfence.sel $0x180000  }
0x5c: {  	[bflag:$0x0] =	sbarrier.arrive $0xFFFF  }
0x5d: {  	_ =	strace $0x90000053  }
0x5e: {  	[bflag:$0x2] =	sbarrier.arrive $0xFFFF  }
0x5f: {  	p0 =	sne.s32 s0, $0x0;
	s0 =	rddreg [dreg:$0x3]  }
0x60: {  	s0 =	sadd.s32 @!p0 $0x100000, s0  }
0x61: {  	[sflag:s0] =	ssyncadd.tile.s32 @!p0 $0x1;
	_ =	shalt  }
.Lfunc_end2:
_tile_overlayer_lowered:
.L_overlay_start_2:
0x62: {  	(tag) =	ssettag $0x2  }
0x63: {  	s0 =	rddreg [dreg:$0x0];
	s2 =	stileid.u32  }
0x64: {  	s1 =	rddreg [dreg:$0x1];
	p0 =	sne.s32 s2, $0x0  }
0x65: {  	s3 =	rddreg [dreg:$0x2];
	[bflag:$0x3] =	sbarrier.arrive $0xFFFF;
	s2 =	simm.s32 @!p0 $0x1C04  }
0x66: {  	[timem:s3], [sflag:s2] =	dma.local @!p0 [hbm:s0], s1  }
0x67: {  	s0 =	simm.s32 @!p0 $0x4  }
0x68: {  	_ =	swait.ge @!p0 [sflag:s0], s1  }
0x69: {  	s1 =	ssub.s32 @!p0 $0x0, s1;
	[sflag:s0] =	ssyncset.done @!p0 $0x0  }
0x6a: {  	[sflag:s0] =	ssyncadd.s32 @!p0 s1  }
0x6b: {  	[bflag:$0x3] =	sbarrier.arrive $0xFFFF  }
0x6c: {  	_ =	shalt  }

// kernel: kernel.29.cloned.1.call-start
scs
__scs_entry_jumppad:
0x0: {  	(pc) =	sbr.rel $0x88, $3  }
0x1: {  	(tag) =	ssettag $0x0;
	lr =	simm.s32 $0x1  }
0x2: {  	[smem:$0x3F94] =	sst lr;
	_ =	strace $0xD0000000  }
0x3: {  	_ = 	snop  }
0x4: {  	_ = 	snop  }
0x5: {  	_ = 	snop  }
0x6: {  	_ = 	snop  }
0x7: {  	_ = 	snop  }
__scs_overlays_trampoline_lowered:
0x8: {  	[smem:$0x3FA3] =	sst s0  }
0x9: {  	[smem:$0x3FA4] =	sst s1  }
0xa: {  	[smem:$0x3FA5] =	sst s2  }
0xb: {  	[smem:$0x3FA6] =	sst s3  }
0xc: {  	[smem:$0x3FA7] =	sst s4  }
0xd: {  	[smem:$0x3FA8] =	sst s5  }
0xe: {  	[smem:$0x3FA9] =	sst s6  }
0xf: {  	[smem:$0x3FAA] =	sst s7  }
0x10: {  	[smem:$0x3FAB] =	sst s8  }
0x11: {  	[smem:$0x3FAC] =	sst s9;
	s0 =	simm.s32 @!p0 $0x0  }
0x12: {  	s1 =	sld [smem:$0x3F92];
	s0 =	simm.s32 @p0 $0x1  }
0x13: {  	[smem:$0x3FAD] =	sst s0;
	s0 =	simm.s32 @!p1 $0x0  }
0x14: {  	s2 =	sld [smem:$0x3F91];
	s0 =	simm.s32 @p1 $0x1  }
0x15: {  	[smem:$0x3FAE] =	sst s0;
	s0 =	simm.s32 @!p2 $0x0  }
0x16: {  	s3 =	sld [smem:$0x3FDB];
	s0 =	simm.s32 @p2 $0x1  }
0x17: {  	s4 =	simm.s32 $0x1BF5;
	[smem:$0x3FB0] =	sst s0  }
0x18: {  	s0 =	sld [smem:$0x3F93];
	_ =	swait.ge [sflag:s4], $0x0  }
0x19: {  	s7 =	sld [smem:$0x3F94]  }
0x1a: {  	s8 =	sadd.s32 $0xFFFFE003, lr  }
0x1b: {  	s9 =	sadd.s32 $0xFFFFFEF7, lr;
	s5 =	simm.s32 $0xFFFFFFFF;
	p2 =	slt.u32 s8, $0xFFFFF086  }
0x1c: {  	p1 =	slt.u32 s9, $0xF7A;
	s5 =	simm.s32 @!p2 $0x0  }
0x1d: {  	s5 =	simm.s32 @p1 $0x1;
	p0 =	seq.s32 s7, s2  }
0x1e: {  	s7 =	smul.u32 @!p0 $0xF7A, s2;
	p2 =	seq.s32 @!p0 s5, $0x0  }
0x1f: {  	s9 =	smul.u32 $0xF7A, s1;
	s8 =	simm.s32 @!p0 $0x1BF5;
	p2 =	por !p2, p0  }
0x20: {  	[sflag:s8] =	ssyncset.s32 @!p0 $0xFFFFF086;
	s6 =	sadd.s32 @!p0 s3, s7;
	s7 =	simm.s32 @!p0 $0x108  }
0x21: {  	s3 =	sadd.s32 s3, s9;
	s6 =	sadd.s32 @!p0 $0x88, s6;
	s7 =	simm.s32 @p2 $0x1082  }
0x22: {  	[simem:s7], [sflag:s8] =	dma.local @!p0 [hbm:s6], $0xF7A  }
0x23: {  	s9 =	sor.u32 $0xD0000000, s2;
	s6 =	simm.s32 $0x108;
	_ =	swait.ge @!p0 [sflag:s8], $0x0  }
0x24: {  	s3 =	sadd.s32 $0x88, s3;
	s6 =	simm.s32 @!p1 $0x1082;
	[sflag:s4] =	ssyncset.s32 $0xFFFFF086  }
0x25: {  	[simem:s6], [sflag:s4] =	dma.local [hbm:s3], $0xF7A  }
0x26: {  	[smem:$0x3F94] =	sst s1;
	(tag) =	ssettag s2;
	_ =	strace s9  }
0x27: {  	s1 =	sld [smem:$0x3FA4]  }
0x28: {  	s2 =	sld [smem:$0x3FA5]  }
0x29: {  	s4 =	sld [smem:$0x3FA7]  }
0x2a: {  	p0 =	seq.s32 s5, $0x0;
	s5 =	sld [smem:$0x3FA8]  }
0x2b: {  	s6 =	sld [smem:$0x3FA9]  }
0x2c: {  	s7 =	sld [smem:$0x3FAA]  }
0x2d: {  	s3 =	simm.s32 $0x108;
	s8 =	sld [smem:$0x3FAB]  }
0x2e: {  	s3 =	simm.s32 @!p0 $0x1082;
	s9 =	sld [smem:$0x3FAC]  }
0x2f: {  	lr =	sadd.s32 s0, s3;
	s0 =	sld [smem:$0x3FA3]  }
0x30: {  	s3 =	sld [smem:$0x3FA6]  }
0x31: {  	[smem:$0x3FAF] =	sst s10  }
0x32: {  	s10 =	sld [smem:$0x3FAD];
	_ =	sdelay $0x3  }
0x33: {  	p0 =	seq.s32 s10, $0x1;
	s10 =	sld [smem:$0x3FAF];
	_ =	sdelay $0x3  }
0x34: {  	[smem:$0x3FAF] =	sst s10  }
0x35: {  	s10 =	sld [smem:$0x3FAE];
	_ =	sdelay $0x3  }
0x36: {  	p1 =	seq.s32 s10, $0x1;
	s10 =	sld [smem:$0x3FAF];
	_ =	sdelay $0x3  }
0x37: {  	[smem:$0x3FAF] =	sst s10  }
0x38: {  	s10 =	sld [smem:$0x3FB0]  }
0x39: {  	_ = 	snop;
	(pc) =	sbr.ind lr, $3  }
0x3a: {  	_ = 	snop  }
0x3b: {  	_ = 	snop  }
0x3c: {  	p2 =	seq.s32 s10, $0x1;
	s10 =	sld [smem:$0x3FAF]  }
0x3d: {  	_ =	shalt  }
0x3e: {  	_ =	shalt  }
0x3f: {  	_ =	shalt  }
0x40: {  	_ =	shalt  }
0x41: {  	_ =	shalt  }
0x42: {  	_ =	shalt  }
0x43: {  	_ =	shalt  }
0x44: {  	_ =	shalt  }
0x45: {  	_ =	shalt  }
0x46: {  	_ =	shalt  }
0x47: {  	_ =	shalt  }
0x48: {  	_ =	shalt  }
0x49: {  	_ =	shalt  }
0x4a: {  	_ =	shalt  }
0x4b: {  	_ =	shalt  }
0x4c: {  	_ =	shalt  }
0x4d: {  	_ =	shalt  }
0x4e: {  	_ =	shalt  }
0x4f: {  	_ =	shalt  }
0x50: {  	_ =	shalt  }
0x51: {  	_ =	shalt  }
0x52: {  	_ =	shalt  }
0x53: {  	_ =	shalt  }
0x54: {  	_ =	shalt  }
0x55: {  	_ =	shalt  }
0x56: {  	_ =	shalt  }
0x57: {  	_ =	shalt  }
0x58: {  	_ =	shalt  }
0x59: {  	_ =	shalt  }
0x5a: {  	_ =	shalt  }
0x5b: {  	_ =	shalt  }
0x5c: {  	_ =	shalt  }
0x5d: {  	_ =	shalt  }
0x5e: {  	_ =	shalt  }
0x5f: {  	_ =	shalt  }
0x60: {  	_ =	shalt  }
0x61: {  	_ =	shalt  }
0x62: {  	_ =	shalt  }
0x63: {  	_ =	shalt  }
0x64: {  	_ =	shalt  }
0x65: {  	_ =	shalt  }
0x66: {  	_ =	shalt  }
0x67: {  	_ =	shalt  }
0x68: {  	_ =	shalt  }
0x69: {  	_ =	shalt  }
0x6a: {  	_ =	shalt  }
0x6b: {  	_ =	shalt  }
0x6c: {  	_ =	shalt  }
0x6d: {  	_ =	shalt  }
0x6e: {  	_ =	shalt  }
0x6f: {  	_ =	shalt  }
0x70: {  	_ =	shalt  }
0x71: {  	_ =	shalt  }
0x72: {  	_ =	shalt  }
0x73: {  	_ =	shalt  }
0x74: {  	_ =	shalt  }
0x75: {  	_ =	shalt  }
0x76: {  	_ =	shalt  }
0x77: {  	_ =	shalt  }
0x78: {  	_ =	shalt  }
0x79: {  	_ =	shalt  }
0x7a: {  	_ =	shalt  }
0x7b: {  	_ =	shalt  }
0x7c: {  	_ =	shalt  }
0x7d: {  	_ =	shalt  }
0x7e: {  	_ =	shalt  }
0x7f: {  	_ =	shalt  }
0x80: {  	_ =	shalt  }
0x81: {  	_ =	shalt  }
0x82: {  	_ =	shalt  }
0x83: {  	_ =	shalt  }
0x84: {  	_ =	shalt  }
0x85: {  	_ =	shalt  }
0x86: {  	_ =	shalt  }
0x87: {  	_ =	shalt  }
.Lfunc_end0:
.L_simem_size_0:
called_computation.6_lowered:
.L_overlay_start_0:
0x88: {  	s2 =	sld [smem:$0x3FD9]  }
0x89: {  	s3 =	sld [smem:$0x3FFE];
	_ =	sdelay $0x1  }
0x8a: {  	s1 =	srdreg.scid  }
0x8b: {  	s0 =	sand.u32 $0x1, s1  }
0x8c: {  	s15 =	sshll.u32 s0, $0xA;
	s2 =	sadd.s32 s3, s2  }
0x8d: {  	s2 =	sadd.s32 s2, s15  }
0x8e: {  	[smem:$0x3FBB] =	sst s2  }
0x8f: {  	_ = 	snop  }
0x90: {  	s2 =	sld [smem:$0x3FD0];
	_ =	sdelay $0x2  }
0x91: {  	s16 =	simm.s32 $0xB;
	s4 =	simm.s32 $0x10  }
0x92: {  	[smem:s4], [sflag:s16] =	dma.local [hbm:s2], $0x1  }
0x93: {  	_ =	swait.eq [sflag:s16], $0x1  }
0x94: {  	[sflag:s16] =	ssyncset.done $0x0  }
0x95: {  	[sflag:s16] =	ssyncadd.s32 $0xFFFFFFFF  }
0x96: {  	s17 =	sld [smem:$0x10];
	(tm) =	ssettm $0x1  }
0x97: {  	s18 =	sld [smem:$0x3FFB];
	_ =	sdelay $0x3  }
0x98: {  	_ =	strace s18  }
0x99: {  	s2 =	sld [smem:$0x3FFC];
	_ =	sdelay $0x3  }
0x9a: {  	_ =	strace s2  }
0x9b: {  	s2 =	sld [smem:$0x3FFD];
	_ =	sdelay $0x3  }
0x9c: {  	_ =	strace s2  }
0x9d: {  	_ =	strace $0x8FFFFFFF  }
0x9e: {  	s19 =	sld [smem:$0x3FDB];
	_ =	sdelay $0x1  }
0x9f: {  	s20 =	simm.s32 $_scs_section_size  }
0xa0: {  	s5 =	simm.s32 $_size__tile_overlayer_lowered;
	s6 =	simm.s32 $_tile_overlayer_lowered  }
0xa1: {  	s7 =	simm.s32 $0x1BFF;
	s21 =	sshll.u32 s6, $0x1;
	s4 =	sadd.s32 s20, s19  }
0xa2: {  	s22 =	simm.s32 $0x0;
	s5 =	sshll.u32 s5, $0x1;
	s6 =	sadd.s32 s21, s4  }
0xa3: {  	[timem:s22], [sflag:s7] =	dma.local [hbm:s6], s5  }
0xa4: {  	_ =	swait.ge [sflag:s7], s5  }
0xa5: {  	s5 =	ssub.s32 $0x0, s5;
	[sflag:s7] =	ssyncset.done $0x0  }
0xa6: {  	[sflag:s7] =	ssyncadd.s32 s5;
	_ =	sdelay $0x1  }
0xa7: {  	s23 =	simm.s32 $0x1B8B  }
0xa8: {  	_ =	swait.ge [sflag:s23], $0x1  }
0xa9: {  	[sflag:s23] =	ssyncset.done $0x0  }
0xaa: {  	[sflag:s23] =	ssyncadd.s32 $0xFFFFFFFF  }
0xab: {  	s5 =	sld [smem:$0x0]  }
0xac: {  	s6 =	sand.u32 $0xFFFFFFFE, s1  }
0xad: {  	p0 =	sne.s32 s1, s6  }
0xae: {  	s6 =	sshll.u32 @p0 s6, $0xE  }
0xaf: {  	s6 =	sadd.s32 @p0 $0x11B8D, s6;
	s7 =	sshll.u32 @p0 s5, $0x11  }
0xb0: {  	s6 =	sor.u32 @p0 s7, s6  }
0xb1: {  	[sflag:s6] =	ssyncadd.remote.s32 @p0 $0x1;
	_ =	sdelay $0x1  }
0xb2: {  	s6 =	simm.s32 @p0 $0x1B8D  }
0xb3: {  	_ =	swait.eq @p0 [sflag:s6], $0x1  }
0xb4: {  	[sflag:s6] =	ssyncadd.s32 @p0 $0xFFFFFFFF  }
0xb5: {  	s7 =	sshll.u32 @!p0 s1, $0xE  }
0xb6: {  	s7 =	sor.u32 @!p0 $0x4000, s7;
	s6 =	simm.s32 @!p0 $0x1B8D  }
0xb7: {  	s5 =	sshll.u32 @!p0 s5, $0x11;
	s7 =	sadd.s32 @!p0 $0x11B8D, s7;
	_ =	swait.eq @!p0 [sflag:s6], $0x1  }
0xb8: {  	s5 =	sor.u32 @!p0 s5, s7;
	[sflag:s6] =	ssyncadd.s32 @!p0 $0xFFFFFFFF  }
0xb9: {  	s25 =	simm.s32 $0x1B8E;
	s24 =	sld [smem:$0x3FFE];
	[sflag:s5] =	ssyncadd.remote.s32 @!p0 $0x1  }
0xba: {  	s26 =	simm.s32 $execute0_lowered;
	[smem:$0x3FD2] =	sst s25  }
0xbb: {  	s6 =	sshll.u32 s26, $0x1;
	_ =	strace $0x8000005B;
	[dreg:$0x1] =	wrdreg $0xFFFFFFFF  }
0xbc: {  	s28 =	simm.s32 $_size_execute0_lowered;
	s4 =	sadd.s32 s4, s6;
	[dreg:$0x0] =	wrdreg $0x0  }
0xbd: {  	s6 =	sshll.u32 s28, $0x1;
	[dreg:$0x2] =	wrdreg s4  }
0xbe: {  	[dreg:$0x3] =	wrdreg s6  }
0xbf: {  	[dreg:$0x4] =	wrdreg $0xC0  }
0xc0: {  	_ =	task [dreg:s22], $0x5FFFF  }
0xc1: {  	[dreg:$0x1] =	wrdreg $0xFFFFFFFF  }
0xc2: {  	[dreg:$0x0] =	wrdreg $0x60  }
0xc3: {  	[dreg:$0x2] =	wrdreg s17  }
0xc4: {  	[dreg:$0x3] =	wrdreg s24  }
0xc5: {  	[dreg:$0x4] =	wrdreg $0x150000  }
0xc6: {  	[dreg:$0x5] =	wrdreg $0x9  }
0xc7: {  	_ =	task.clear_ibuf [dreg:s22], $0x6FFFF;
	_ =	strace $0x9000005B  }
0xc8: {  	s29 =	simm.s32 $0x9;
	_ =	strace $0x8000005D  }
0xc9: {  	_ =	swait.ge [sflag:s29], $0x1  }
0xca: {  	[sflag:s29] =	ssyncadd.s32 $0xFFFFFFFF  }
0xcb: {  	_ =	strace $0x9000005D  }
0xcc: {  	_ =	sfence  }
0xcd: {  	s30 =	sld [smem:$0x0];
	_ =	sdelay $0x2  }
0xce: {  	s31 =	sshll.u32 s1, $0xD;
	s1 =	sshrl.u32 s1, $0x2  }
0xcf: {  	s4 =	sand.u32 $0x4000, s31;
	s1 =	sadd.s32 s1, s30  }
0xd0: {  	s0 =	sor.u32 s4, s0;
	s1 =	sshll.u32 s1, $0x11  }
0xd1: {  	s0 =	sor.u32 s1, s0  }
0xd2: {  	s0 =	sadd.s32 $0x8F2B, s0  }
0xd3: {  	[sflag:s0] =	ssyncadd.remote.s32 $0x1  }
0xd4: {  	_ =	sfence.sel $0xFFFF  }
0xd5: {  	[dreg:$0x0] =	wrdreg $0xFFFFFFFF;
	(pc) =	sbr.abs _section_cstart, $3  }
0xd6: {  	[dreg:$0x1] =	wrdreg $0xFFFFFFFF  }
0xd7: {  	_ =	task.clear_ibuf [dreg:s22], $0x2FFFF;
	_ =	strace $0x9FFFFFFF  }
0xd8: {  	(tm) =	ssettm $0x7FFFFFFF  }
0xd9: {  	_ =	shalt  }
tec
execute0_lowered:
.L_overlay_start_1:
0x0: {  	(tag) =	ssettag $0x1  }
0x1: {  	s1 =	rddreg [dreg:$0x0]  }
0x2: {  	s6 =	rddreg [dreg:$0x1];
	s2 =	srdreg.scid  }
0x3: {  	s0 =	stileid.u32;
	s3 =	rddreg [dreg:$0x2]  }
0x4: {  	s4 =	simm.s32 $0x0;
	s14 =	simm.s32 $0x80;
	s15 =	simm.s32 $0x5000  }
0x5: {  	s16 =	simm.s32 $0x9000;
	s17 =	simm.s32 $0x2880;
	s18 =	simm.s32 $0x100  }
0x6: {  	s19 =	simm.s32 $0xD000;
	s20 =	simm.s32 $0x180;
	s21 =	simm.s32 $0x11000  }
0x7: {  	s22 =	simm.s32 $0x1;
	s23 =	simm.s32 $0x3;
	s24 =	simm.s32 $0x2  }
0x8: {  	s25 =	simm.s32 $0x0;
	s5 =	sand.u32 $0x1, s2;
	s7 =	sshll.u32 s0, $0x1  }
0x9: {  	[smem:$0x7FF] =	sst s4;
	s10 =	smul.u32 $0x28000, s0;
	s7 =	sor.u32 s5, s7  }
0xa: {  	s12 =	sshll.u32 s0, $0x6;
	_ =	strace $0x8000005C;
	s8 =	smul.u32 $0x500, s7  }
0xb: {  	s9 =	ssub.s32 $0x2, s5;
	s5 =	sadd.s32 $0x99400, s6;
	s7 =	smul.u32 $0x1400, s7  }
.Ltmp0:
0xc: {  	s31 =	sshrl.u32 s9, $0x1;
	s10 =	sshrl.u32 s10, $0x2;
	(pc) =	sbr.rel .LBB2_1-.Ltmp0, $4  }
0xd: {  	s12 =	sor.u32 $0x1C04, s12;
	s9 =	ssub.s32 s9, s31;
	s13 =	sadd.s32 s10, s3  }
0xe: {  	s10 =	simm.s32 $0x4;
	s8 =	sadd.s32 s8, s6;
	s11 =	sadd.s32 s7, s6  }
0xf: {  	s9 =	smax.u32 s9, $0x1;
	s13 =	sshrl.u32 s13, $0x3;
	s6 =	sadd.s32 $0xCF400, s8  }
0x10: {  	s7 =	sadd.s32 $0x9D400, s8;
	s8 =	sadd.s32 $0xD9400, s11;
	s11 =	simm.s32 $0x2800  }
.LBB2_7:
0x11: {  	_ =	swait.ge [sflag:s23], $0x4000  }
0x12: {  	[sflag:s23] =	ssyncset.done $0x0  }
0x13: {  	[sflag:s23] =	ssyncadd.s32 $0xFFFFC000  }
0x14: {  	s25 =	sadd.s32 $0x1, s25;
	_ =	swait.ge [sflag:s23], $0x4000  }
0x15: {  	p0 =	sne.s32 s25, s9;
	[sflag:s23] =	ssyncset.done $0x0  }
.Ltmp1:
0x16: {  	[sflag:s23] =	ssyncadd.s32 $0xFFFFC000;
	(pc) =	sbr.rel @!p0 .LBB2_8-.Ltmp1, $4  }
0x17: {  	[hbm:s8], [sflag:s12] =	dma.local [spmem:s13], $0x1400  }
0x18: {  	_ =	swait.ge [sflag:s10], $0x1400  }
0x19: {  	[sflag:s10] =	ssyncset.done $0x0  }
0x1a: {  	[sflag:s10] =	ssyncadd.s32 $0xFFFFEC00  }
.LBB2_1:
0x1b: {  	[tilespmem:s4], [sflag:$0x4] =	stream.linear.gather [hbm4b:s6+s4], $0x2800, $0x38;
	[tilespmem:$0x1F000] =	vst v63  }
0x1c: {  	_ =	swait.ge [sflag:s10], $0x2800  }
0x1d: {  	[sflag:s10] =	ssyncset.done $0x0  }
0x1e: {  	[sflag:s10] =	ssyncadd.s32 $0xFFFFD800  }
0x1f: {  	[tilespmem:s11], [sflag:$0x4] =	stream.linear.gather [hbm4b:s7+s4], $0x2800, $0x38;
	[tilespmem:$0x1F000] =	vst v63  }
0x20: {  	_ =	swait.ge [sflag:s10], $0x2800  }
0x21: {  	[sflag:s10] =	ssyncset.done $0x0  }
0x22: {  	[sflag:s10] =	ssyncadd.s32 $0xFFFFD800  }
0x23: {  	[spmem:s13], [sflag:s12] =	dma.local [hbm:s5], $0x1400  }
0x24: {  	_ =	swait.ge [sflag:s10], $0x1400  }
0x25: {  	[sflag:s10] =	ssyncset.done $0x0  }
0x26: {  	[sflag:s10] =	ssyncadd.s32 $0xFFFFEC00  }
0x27: {  	[tilespmem:s15], [sflag:$0x1] =	stream.indirect.gather [hbm4b:s1+s14], $0x80, s4, s14, $0xb8;
	[tilespmem:$0x1F000] =	vst v63  }
0x28: {  	_ = 	snop  }
0x29: {  	[tilespmem:s16], [sflag:$0x1] =	stream.indirect.gather [hbm4b:s1+s14], $0x80, s14, s14, $0xb8;
	[tilespmem:$0x1F000] =	vst v63  }
0x2a: {  	_ =	swait.ge [sflag:s22], $0x4000  }
0x2b: {  	[sflag:s22] =	ssyncset.done $0x0  }
0x2c: {  	[sflag:s22] =	ssyncadd.s32 $0xFFFFC000  }
0x2d: {  	_ =	swait.ge [sflag:s22], $0x4000  }
0x2e: {  	[sflag:s22] =	ssyncset.done $0x0  }
0x2f: {  	[sflag:s22] =	ssyncadd.s32 $0xFFFFC000  }
0x30: {  	[spmem:s3] =	stream.indirect.scatter.add.f32 [tilespmem:s15], [sflag:$0x2], $0x80, s11, s14, $0xb8;
	[tilespmem:$0x1F000] =	vst v63  }
0x31: {  	_ = 	snop  }
0x32: {  	[spmem:s3] =	stream.indirect.scatter.add.f32 [tilespmem:s16], [sflag:$0x2], $0x80, s17, s14, $0xb8;
	[tilespmem:$0x1F000] =	vst v63  }
.Ltmp2:
0x33: {  	_ = 	snop;
	(pc) =	sbr.rel .LBB2_2-.Ltmp2, $4  }
0x34: {  	_ = 	snop  }
0x35: {  	[tilespmem:s19], [sflag:$0x1] =	stream.indirect.gather [hbm4b:s1+s14], $0x80, s18, s14, $0xb8;
	[tilespmem:$0x1F000] =	vst v63  }
0x36: {  	s26 =	simm.s32 $0x0;
	s28 =	simm.s32 $0x1  }
0x37: {  	[tilespmem:s21], [sflag:$0x1] =	stream.indirect.gather [hbm4b:s1+s14], $0x80, s20, s14, $0xb8;
	[tilespmem:$0x1F000] =	vst v63  }
.LBB2_3:
0x38: {  	[spmem:s3] =	stream.indirect.scatter.add.f32 [tilespmem:s15], [sflag:$0x2], $0x80, s31, s14, $0xb8;
	[tilespmem:$0x1F000] =	vst v63  }
0x39: {  	_ = 	snop  }
0x3a: {  	[spmem:s3] =	stream.indirect.scatter.add.f32 [tilespmem:s16], [sflag:$0x2], $0x80, s30, s14, $0xb8;
	[tilespmem:$0x1F000] =	vst v63  }
0x3b: {  	_ =	swait.ge [sflag:s23], $0x4000  }
0x3c: {  	[sflag:s23] =	ssyncset.done $0x0  }
0x3d: {  	[sflag:s23] =	ssyncadd.s32 $0xFFFFC000  }
0x3e: {  	_ =	swait.ge [sflag:s23], $0x4000  }
0x3f: {  	[sflag:s23] =	ssyncset.done $0x0  }
0x40: {  	s31 =	simm.s32 $0xD000;
	s30 =	simm.s32 $0x11000;
	[sflag:s23] =	ssyncadd.s32 $0xFFFFC000  }
.LBB2_6:
0x41: {  	s26 =	sadd.s32 $0x400, s26  }
0x42: {  	p0 =	sne.s32 s26, $0x9C00  }
.Ltmp3:
0x43: {  	_ = 	snop;
	(pc) =	sbr.rel @!p0 .LBB2_7-.Ltmp3, $4  }
0x44: {  	s2 =	sadd.s32 $0x200, s29  }
0x45: {  	[tilespmem:s31], [sflag:$0x1] =	stream.indirect.gather [hbm4b:s1+s14], $0x80, s2, s14, $0xb8;
	[tilespmem:$0x1F000] =	vst v63  }
0x46: {  	s28 =	sadd.s32 $0x1, s28;
	s31 =	sadd.s32 $0x280, s29  }
0x47: {  	[tilespmem:s30], [sflag:$0x1] =	stream.indirect.gather [hbm4b:s1+s14], $0x80, s31, s14, $0xb8;
	[tilespmem:$0x1F000] =	vst v63  }
.LBB2_2:
0x48: {  	s29 =	sand.u32 $0x1, s28  }
0x49: {  	_ =	swait.ge [sflag:s22], $0x4000;
	p0 =	seq.s32 s29, $0x1  }
.Ltmp4:
0x4a: {  	[sflag:s22] =	ssyncset.done $0x0;
	(pc) =	sbr.rel @!p0 .LBB2_3-.Ltmp4, $4  }
0x4b: {  	[sflag:s22] =	ssyncadd.s32 $0xFFFFC000  }
0x4c: {  	_ =	swait.ge [sflag:s22], $0x4000  }
0x4d: {  	s29 =	sshra.s32 s26, $0x2;
	[sflag:s22] =	ssyncset.done $0x0  }
0x4e: {  	s31 =	sadd.s32 $0x2900, s29;
	s30 =	sadd.s32 $0x2980, s29;
	[sflag:s22] =	ssyncadd.s32 $0xFFFFC000  }
0x4f: {  	[spmem:s3] =	stream.indirect.scatter.add.f32 [tilespmem:s19], [sflag:$0x3], $0x80, s31, s14, $0xb8;
	[tilespmem:$0x1F000] =	vst v63  }
0x50: {  	_ = 	snop  }
0x51: {  	[spmem:s3] =	stream.indirect.scatter.add.f32 [tilespmem:s21], [sflag:$0x3], $0x80, s30, s14, $0xb8;
	[tilespmem:$0x1F000] =	vst v63  }
0x52: {  	p0 =	seq.s32 s26, $0x9800;
	_ =	swait.ge [sflag:s24], $0x4000  }
.Ltmp5:
0x53: {  	[sflag:s24] =	ssyncset.done $0x0;
	(pc) =	sbr.rel @p0 .LBB2_7-.Ltmp5, $4  }
0x54: {  	[sflag:s24] =	ssyncadd.s32 $0xFFFFC000  }
0x55: {  	_ =	swait.ge [sflag:s24], $0x4000  }
0x56: {  	[sflag:s24] =	ssyncset.done $0x0  }
0x57: {  	[sflag:s24] =	ssyncadd.s32 $0xFFFFC000  }
.Ltmp6:
0x58: {  	(pc) =	sbr.rel .LBB2_6-.Ltmp6, $2  }
0x59: {  	_ =	sdelay $0x2  }
0x5a: {  	s30 =	simm.s32 $0x9000;
	s31 =	simm.s32 $0x5000  }
.LBB2_8:
0x5b: {  	_ =	sfence.sel $0x180000  }
0x5c: {  	[bflag:$0x0] =	sbarrier.arrive $0xFFFF  }
0x5d: {  	_ =	strace $0x9000005C  }
0x5e: {  	[bflag:$0x2] =	sbarrier.arrive $0xFFFF  }
0x5f: {  	p0 =	sne.s32 s0, $0x0;
	s0 =	rddreg [dreg:$0x3]  }
0x60: {  	s0 =	sadd.s32 @!p0 $0x100000, s0  }
0x61: {  	[sflag:s0] =	ssyncadd.tile.s32 @!p0 $0x1;
	_ =	shalt  }
.Lfunc_end2:
_tile_overlayer_lowered:
.L_overlay_start_2:
0x62: {  	(tag) =	ssettag $0x2  }
0x63: {  	s0 =	rddreg [dreg:$0x0];
	s2 =	stileid.u32  }
0x64: {  	s1 =	rddreg [dreg:$0x1];
	p0 =	sne.s32 s2, $0x0  }
0x65: {  	s3 =	rddreg [dreg:$0x2];
	[bflag:$0x3] =	sbarrier.arrive $0xFFFF;
	s2 =	simm.s32 @!p0 $0x1C04  }
0x66: {  	[timem:s3], [sflag:s2] =	dma.local @!p0 [hbm:s0], s1  }
0x67: {  	s0 =	simm.s32 @!p0 $0x4  }
0x68: {  	_ =	swait.ge @!p0 [sflag:s0], s1  }
0x69: {  	s1 =	ssub.s32 @!p0 $0x0, s1;
	[sflag:s0] =	ssyncset.done @!p0 $0x0  }
0x6a: {  	[sflag:s0] =	ssyncadd.s32 @!p0 s1  }
0x6b: {  	[bflag:$0x3] =	sbarrier.arrive $0xFFFF  }
0x6c: {  	_ =	shalt  }

// kernel: kernel.32.cloned.1.call-start
scs
__scs_entry_jumppad:
0x0: {  	(pc) =	sbr.rel $0x88, $3  }
0x1: {  	(tag) =	ssettag $0x0;
	lr =	simm.s32 $0x1  }
0x2: {  	[smem:$0x3F94] =	sst lr;
	_ =	strace $0xD0000000  }
0x3: {  	_ = 	snop  }
0x4: {  	_ = 	snop  }
0x5: {  	_ = 	snop  }
0x6: {  	_ = 	snop  }
0x7: {  	_ = 	snop  }
__scs_overlays_trampoline_lowered:
0x8: {  	[smem:$0x3FA3] =	sst s0  }
0x9: {  	[smem:$0x3FA4] =	sst s1  }
0xa: {  	[smem:$0x3FA5] =	sst s2  }
0xb: {  	[smem:$0x3FA6] =	sst s3  }
0xc: {  	[smem:$0x3FA7] =	sst s4  }
0xd: {  	[smem:$0x3FA8] =	sst s5  }
0xe: {  	[smem:$0x3FA9] =	sst s6  }
0xf: {  	[smem:$0x3FAA] =	sst s7  }
0x10: {  	[smem:$0x3FAB] =	sst s8  }
0x11: {  	[smem:$0x3FAC] =	sst s9;
	s0 =	simm.s32 @!p0 $0x0  }
0x12: {  	s1 =	sld [smem:$0x3F92];
	s0 =	simm.s32 @p0 $0x1  }
0x13: {  	[smem:$0x3FAD] =	sst s0;
	s0 =	simm.s32 @!p1 $0x0  }
0x14: {  	s2 =	sld [smem:$0x3F91];
	s0 =	simm.s32 @p1 $0x1  }
0x15: {  	[smem:$0x3FAE] =	sst s0;
	s0 =	simm.s32 @!p2 $0x0  }
0x16: {  	s3 =	sld [smem:$0x3FDB];
	s0 =	simm.s32 @p2 $0x1  }
0x17: {  	s4 =	simm.s32 $0x1BF5;
	[smem:$0x3FB0] =	sst s0  }
0x18: {  	s0 =	sld [smem:$0x3F93];
	_ =	swait.ge [sflag:s4], $0x0  }
0x19: {  	s7 =	sld [smem:$0x3F94]  }
0x1a: {  	s8 =	sadd.s32 $0xFFFFE003, lr  }
0x1b: {  	s9 =	sadd.s32 $0xFFFFFEF7, lr;
	s5 =	simm.s32 $0xFFFFFFFF;
	p2 =	slt.u32 s8, $0xFFFFF086  }
0x1c: {  	p1 =	slt.u32 s9, $0xF7A;
	s5 =	simm.s32 @!p2 $0x0  }
0x1d: {  	s5 =	simm.s32 @p1 $0x1;
	p0 =	seq.s32 s7, s2  }
0x1e: {  	s7 =	smul.u32 @!p0 $0xF7A, s2;
	p2 =	seq.s32 @!p0 s5, $0x0  }
0x1f: {  	s9 =	smul.u32 $0xF7A, s1;
	s8 =	simm.s32 @!p0 $0x1BF5;
	p2 =	por !p2, p0  }
0x20: {  	[sflag:s8] =	ssyncset.s32 @!p0 $0xFFFFF086;
	s6 =	sadd.s32 @!p0 s3, s7;
	s7 =	simm.s32 @!p0 $0x108  }
0x21: {  	s3 =	sadd.s32 s3, s9;
	s6 =	sadd.s32 @!p0 $0x88, s6;
	s7 =	simm.s32 @p2 $0x1082  }
0x22: {  	[simem:s7], [sflag:s8] =	dma.local @!p0 [hbm:s6], $0xF7A  }
0x23: {  	s9 =	sor.u32 $0xD0000000, s2;
	s6 =	simm.s32 $0x108;
	_ =	swait.ge @!p0 [sflag:s8], $0x0  }
0x24: {  	s3 =	sadd.s32 $0x88, s3;
	s6 =	simm.s32 @!p1 $0x1082;
	[sflag:s4] =	ssyncset.s32 $0xFFFFF086  }
0x25: {  	[simem:s6], [sflag:s4] =	dma.local [hbm:s3], $0xF7A  }
0x26: {  	[smem:$0x3F94] =	sst s1;
	(tag) =	ssettag s2;
	_ =	strace s9  }
0x27: {  	s1 =	sld [smem:$0x3FA4]  }
0x28: {  	s2 =	sld [smem:$0x3FA5]  }
0x29: {  	s4 =	sld [smem:$0x3FA7]  }
0x2a: {  	p0 =	seq.s32 s5, $0x0;
	s5 =	sld [smem:$0x3FA8]  }
0x2b: {  	s6 =	sld [smem:$0x3FA9]  }
0x2c: {  	s7 =	sld [smem:$0x3FAA]  }
0x2d: {  	s3 =	simm.s32 $0x108;
	s8 =	sld [smem:$0x3FAB]  }
0x2e: {  	s3 =	simm.s32 @!p0 $0x1082;
	s9 =	sld [smem:$0x3FAC]  }
0x2f: {  	lr =	sadd.s32 s0, s3;
	s0 =	sld [smem:$0x3FA3]  }
0x30: {  	s3 =	sld [smem:$0x3FA6]  }
0x31: {  	[smem:$0x3FAF] =	sst s10  }
0x32: {  	s10 =	sld [smem:$0x3FAD];
	_ =	sdelay $0x3  }
0x33: {  	p0 =	seq.s32 s10, $0x1;
	s10 =	sld [smem:$0x3FAF];
	_ =	sdelay $0x3  }
0x34: {  	[smem:$0x3FAF] =	sst s10  }
0x35: {  	s10 =	sld [smem:$0x3FAE];
	_ =	sdelay $0x3  }
0x36: {  	p1 =	seq.s32 s10, $0x1;
	s10 =	sld [smem:$0x3FAF];
	_ =	sdelay $0x3  }
0x37: {  	[smem:$0x3FAF] =	sst s10  }
0x38: {  	s10 =	sld [smem:$0x3FB0]  }
0x39: {  	_ = 	snop;
	(pc) =	sbr.ind lr, $3  }
0x3a: {  	_ = 	snop  }
0x3b: {  	_ = 	snop  }
0x3c: {  	p2 =	seq.s32 s10, $0x1;
	s10 =	sld [smem:$0x3FAF]  }
0x3d: {  	_ =	shalt  }
0x3e: {  	_ =	shalt  }
0x3f: {  	_ =	shalt  }
0x40: {  	_ =	shalt  }
0x41: {  	_ =	shalt  }
0x42: {  	_ =	shalt  }
0x43: {  	_ =	shalt  }
0x44: {  	_ =	shalt  }
0x45: {  	_ =	shalt  }
0x46: {  	_ =	shalt  }
0x47: {  	_ =	shalt  }
0x48: {  	_ =	shalt  }
0x49: {  	_ =	shalt  }
0x4a: {  	_ =	shalt  }
0x4b: {  	_ =	shalt  }
0x4c: {  	_ =	shalt  }
0x4d: {  	_ =	shalt  }
0x4e: {  	_ =	shalt  }
0x4f: {  	_ =	shalt  }
0x50: {  	_ =	shalt  }
0x51: {  	_ =	shalt  }
0x52: {  	_ =	shalt  }
0x53: {  	_ =	shalt  }
0x54: {  	_ =	shalt  }
0x55: {  	_ =	shalt  }
0x56: {  	_ =	shalt  }
0x57: {  	_ =	shalt  }
0x58: {  	_ =	shalt  }
0x59: {  	_ =	shalt  }
0x5a: {  	_ =	shalt  }
0x5b: {  	_ =	shalt  }
0x5c: {  	_ =	shalt  }
0x5d: {  	_ =	shalt  }
0x5e: {  	_ =	shalt  }
0x5f: {  	_ =	shalt  }
0x60: {  	_ =	shalt  }
0x61: {  	_ =	shalt  }
0x62: {  	_ =	shalt  }
0x63: {  	_ =	shalt  }
0x64: {  	_ =	shalt  }
0x65: {  	_ =	shalt  }
0x66: {  	_ =	shalt  }
0x67: {  	_ =	shalt  }
0x68: {  	_ =	shalt  }
0x69: {  	_ =	shalt  }
0x6a: {  	_ =	shalt  }
0x6b: {  	_ =	shalt  }
0x6c: {  	_ =	shalt  }
0x6d: {  	_ =	shalt  }
0x6e: {  	_ =	shalt  }
0x6f: {  	_ =	shalt  }
0x70: {  	_ =	shalt  }
0x71: {  	_ =	shalt  }
0x72: {  	_ =	shalt  }
0x73: {  	_ =	shalt  }
0x74: {  	_ =	shalt  }
0x75: {  	_ =	shalt  }
0x76: {  	_ =	shalt  }
0x77: {  	_ =	shalt  }
0x78: {  	_ =	shalt  }
0x79: {  	_ =	shalt  }
0x7a: {  	_ =	shalt  }
0x7b: {  	_ =	shalt  }
0x7c: {  	_ =	shalt  }
0x7d: {  	_ =	shalt  }
0x7e: {  	_ =	shalt  }
0x7f: {  	_ =	shalt  }
0x80: {  	_ =	shalt  }
0x81: {  	_ =	shalt  }
0x82: {  	_ =	shalt  }
0x83: {  	_ =	shalt  }
0x84: {  	_ =	shalt  }
0x85: {  	_ =	shalt  }
0x86: {  	_ =	shalt  }
0x87: {  	_ =	shalt  }
.Lfunc_end0:
.L_simem_size_0:
called_computation.7_lowered:
.L_overlay_start_0:
0x88: {  	s2 =	sld [smem:$0x3FD9]  }
0x89: {  	s3 =	sld [smem:$0x3FFE];
	_ =	sdelay $0x1  }
0x8a: {  	s1 =	srdreg.scid  }
0x8b: {  	s0 =	sand.u32 $0x1, s1  }
0x8c: {  	s14 =	sshll.u32 s0, $0xA;
	s2 =	sadd.s32 s3, s2  }
0x8d: {  	s2 =	sadd.s32 s2, s14  }
0x8e: {  	[smem:$0x3FBB] =	sst s2  }
0x8f: {  	_ = 	snop  }
0x90: {  	s2 =	sld [smem:$0x3FD0];
	_ =	sdelay $0x2  }
0x91: {  	s15 =	simm.s32 $0xB;
	s4 =	simm.s32 $0x10  }
0x92: {  	[smem:s4], [sflag:s15] =	dma.local [hbm:s2], $0x1  }
0x93: {  	_ =	swait.eq [sflag:s15], $0x1  }
0x94: {  	[sflag:s15] =	ssyncset.done $0x0  }
0x95: {  	[sflag:s15] =	ssyncadd.s32 $0xFFFFFFFF  }
0x96: {  	s16 =	sld [smem:$0x10];
	(tm) =	ssettm $0x1  }
0x97: {  	s17 =	sld [smem:$0x3FFB];
	_ =	sdelay $0x3  }
0x98: {  	_ =	strace s17  }
0x99: {  	s3 =	sld [smem:$0x3FFC];
	_ =	sdelay $0x3  }
0x9a: {  	_ =	strace s3  }
0x9b: {  	s3 =	sld [smem:$0x3FFD];
	_ =	sdelay $0x3  }
0x9c: {  	_ =	strace s3  }
0x9d: {  	_ =	strace $0x8FFFFFFF  }
0x9e: {  	s18 =	sld [smem:$0x3FDB];
	_ =	sdelay $0x1  }
0x9f: {  	s19 =	simm.s32 $_scs_section_size  }
0xa0: {  	s5 =	simm.s32 $_size__tile_overlayer_lowered;
	s6 =	simm.s32 $_tile_overlayer_lowered  }
0xa1: {  	s22 =	simm.s32 $0x1BFF;
	s21 =	sshll.u32 s6, $0x1;
	s3 =	sadd.s32 s19, s18  }
0xa2: {  	s7 =	simm.s32 $0x0;
	s20 =	sshll.u32 s5, $0x1;
	s5 =	sadd.s32 s21, s3  }
0xa3: {  	[timem:s7], [sflag:s22] =	dma.local [hbm:s5], s20  }
0xa4: {  	_ =	swait.ge [sflag:s22], s20  }
0xa5: {  	s4 =	ssub.s32 $0x0, s20;
	[sflag:s22] =	ssyncset.done $0x0  }
0xa6: {  	[sflag:s22] =	ssyncadd.s32 s4;
	_ =	sdelay $0x1  }
0xa7: {  	s23 =	simm.s32 $0x1B8B  }
0xa8: {  	_ =	swait.ge [sflag:s23], $0x1  }
0xa9: {  	[sflag:s23] =	ssyncset.done $0x0  }
0xaa: {  	s25 =	simm.s32 $0x1B8E;
	s24 =	sld [smem:$0x3FFE];
	[sflag:s23] =	ssyncadd.s32 $0xFFFFFFFF  }
0xab: {  	s26 =	simm.s32 $execute0_lowered;
	[smem:$0x3FD2] =	sst s25  }
0xac: {  	s5 =	sshll.u32 s26, $0x1;
	_ =	strace $0x80000058;
	[dreg:$0x1] =	wrdreg $0xFFFFFFFF  }
0xad: {  	s28 =	simm.s32 $_size_execute0_lowered;
	s3 =	sadd.s32 s3, s5;
	[dreg:$0x0] =	wrdreg $0x0  }
0xae: {  	s5 =	sshll.u32 s28, $0x1;
	[dreg:$0x2] =	wrdreg s3  }
0xaf: {  	[dreg:$0x3] =	wrdreg s5  }
0xb0: {  	[dreg:$0x4] =	wrdreg $0xC0  }
0xb1: {  	_ =	task [dreg:s7], $0x5FFFF  }
0xb2: {  	[dreg:$0x1] =	wrdreg $0xFFFFFFFF  }
0xb3: {  	[dreg:$0x0] =	wrdreg $0x60  }
0xb4: {  	[dreg:$0x2] =	wrdreg s16  }
0xb5: {  	[dreg:$0x3] =	wrdreg s24  }
0xb6: {  	[dreg:$0x4] =	wrdreg $0x150000  }
0xb7: {  	[dreg:$0x5] =	wrdreg $0xA  }
0xb8: {  	_ =	task.clear_ibuf [dreg:s7], $0x6FFFF;
	_ =	strace $0x90000058  }
0xb9: {  	s29 =	simm.s32 $0xA;
	_ =	strace $0x8000005A  }
0xba: {  	_ =	swait.ge [sflag:s29], $0x1  }
0xbb: {  	[sflag:s29] =	ssyncadd.s32 $0xFFFFFFFF  }
0xbc: {  	_ =	strace $0x9000005A  }
0xbd: {  	_ =	sfence  }
0xbe: {  	s30 =	sld [smem:$0x0];
	_ =	sdelay $0x2  }
0xbf: {  	s31 =	sshll.u32 s1, $0xD;
	s1 =	sshrl.u32 s1, $0x2  }
0xc0: {  	s3 =	sand.u32 $0x4000, s31;
	s1 =	sadd.s32 s1, s30  }
0xc1: {  	s0 =	sor.u32 s3, s0;
	s1 =	sshll.u32 s1, $0x11  }
0xc2: {  	s0 =	sor.u32 s1, s0  }
0xc3: {  	s0 =	sadd.s32 $0x8F2B, s0  }
0xc4: {  	[sflag:s0] =	ssyncadd.remote.s32 $0x1  }
0xc5: {  	_ =	sfence.sel $0xFFFF  }
0xc6: {  	[dreg:$0x0] =	wrdreg $0xFFFFFFFF;
	(pc) =	sbr.abs _section_cstart, $3  }
0xc7: {  	[dreg:$0x1] =	wrdreg $0xFFFFFFFF  }
0xc8: {  	_ =	task.clear_ibuf [dreg:s7], $0x2FFFF;
	_ =	strace $0x9FFFFFFF  }
0xc9: {  	(tm) =	ssettm $0x7FFFFFFF  }
tec
execute0_lowered:
.L_overlay_start_1:
0x0: {  	(tag) =	ssettag $0x1  }
0x1: {  	s1 =	rddreg [dreg:$0x0]  }
0x2: {  	s6 =	rddreg [dreg:$0x1];
	s2 =	srdreg.scid  }
0x3: {  	s0 =	stileid.u32;
	s3 =	rddreg [dreg:$0x2]  }
0x4: {  	s4 =	simm.s32 $0x0;
	s14 =	simm.s32 $0x80;
	s15 =	simm.s32 $0x5000  }
0x5: {  	s16 =	simm.s32 $0x9000;
	s17 =	simm.s32 $0x2880;
	s18 =	simm.s32 $0x100  }
0x6: {  	s19 =	simm.s32 $0xD000;
	s20 =	simm.s32 $0x180;
	s21 =	simm.s32 $0x11000  }
0x7: {  	s22 =	simm.s32 $0x1;
	s23 =	simm.s32 $0x3;
	s24 =	simm.s32 $0x2  }
0x8: {  	s25 =	simm.s32 $0x0;
	s5 =	sand.u32 $0x1, s2;
	s7 =	sshll.u32 s0, $0x1  }
0x9: {  	[smem:$0x7FF] =	sst s4;
	s10 =	smul.u32 $0x28000, s0;
	s7 =	sor.u32 s5, s7  }
0xa: {  	s12 =	sshll.u32 s0, $0x6;
	_ =	strace $0x80000059;
	s8 =	smul.u32 $0x500, s7  }
0xb: {  	s9 =	ssub.s32 $0x2, s5;
	s5 =	sadd.s32 $0x99400, s6;
	s7 =	smul.u32 $0x1400, s7  }
.Ltmp0:
0xc: {  	s31 =	sshrl.u32 s9, $0x1;
	s10 =	sshrl.u32 s10, $0x2;
	(pc) =	sbr.rel .LBB2_1-.Ltmp0, $4  }
0xd: {  	s12 =	sor.u32 $0x1C04, s12;
	s9 =	ssub.s32 s9, s31;
	s13 =	sadd.s32 s10, s3  }
0xe: {  	s10 =	simm.s32 $0x4;
	s8 =	sadd.s32 s8, s6;
	s11 =	sadd.s32 s7, s6  }
0xf: {  	s9 =	smax.u32 s9, $0x1;
	s13 =	sshrl.u32 s13, $0x3;
	s6 =	sadd.s32 $0x3C200, s8  }
0x10: {  	s7 =	sadd.s32 $0x9D400, s8;
	s8 =	sadd.s32 $0xA7400, s11;
	s11 =	simm.s32 $0x2800  }
.LBB2_7:
0x11: {  	_ =	swait.ge [sflag:s23], $0x4000  }
0x12: {  	[sflag:s23] =	ssyncset.done $0x0  }
0x13: {  	[sflag:s23] =	ssyncadd.s32 $0xFFFFC000  }
0x14: {  	s25 =	sadd.s32 $0x1, s25;
	_ =	swait.ge [sflag:s23], $0x4000  }
0x15: {  	p0 =	sne.s32 s25, s9;
	[sflag:s23] =	ssyncset.done $0x0  }
.Ltmp1:
0x16: {  	[sflag:s23] =	ssyncadd.s32 $0xFFFFC000;
	(pc) =	sbr.rel @!p0 .LBB2_8-.Ltmp1, $4  }
0x17: {  	[hbm:s8], [sflag:s12] =	dma.local [spmem:s13], $0x1400  }
0x18: {  	_ =	swait.ge [sflag:s10], $0x1400  }
0x19: {  	[sflag:s10] =	ssyncset.done $0x0  }
0x1a: {  	[sflag:s10] =	ssyncadd.s32 $0xFFFFEC00  }
.LBB2_1:
0x1b: {  	[tilespmem:s4], [sflag:$0x4] =	stream.linear.gather [hbm4b:s6+s4], $0x2800, $0x38;
	[tilespmem:$0x1F000] =	vst v63  }
0x1c: {  	_ =	swait.ge [sflag:s10], $0x2800  }
0x1d: {  	[sflag:s10] =	ssyncset.done $0x0  }
0x1e: {  	[sflag:s10] =	ssyncadd.s32 $0xFFFFD800  }
0x1f: {  	[tilespmem:s11], [sflag:$0x4] =	stream.linear.gather [hbm4b:s7+s4], $0x2800, $0x38;
	[tilespmem:$0x1F000] =	vst v63  }
0x20: {  	_ =	swait.ge [sflag:s10], $0x2800  }
0x21: {  	[sflag:s10] =	ssyncset.done $0x0  }
0x22: {  	[sflag:s10] =	ssyncadd.s32 $0xFFFFD800  }
0x23: {  	[spmem:s13], [sflag:s12] =	dma.local [hbm:s5], $0x1400  }
0x24: {  	_ =	swait.ge [sflag:s10], $0x1400  }
0x25: {  	[sflag:s10] =	ssyncset.done $0x0  }
0x26: {  	[sflag:s10] =	ssyncadd.s32 $0xFFFFEC00  }
0x27: {  	[tilespmem:s15], [sflag:$0x1] =	stream.indirect.gather [hbm4b:s1+s14], $0x80, s4, s14, $0xb8;
	[tilespmem:$0x1F000] =	vst v63  }
0x28: {  	_ = 	snop  }
0x29: {  	[tilespmem:s16], [sflag:$0x1] =	stream.indirect.gather [hbm4b:s1+s14], $0x80, s14, s14, $0xb8;
	[tilespmem:$0x1F000] =	vst v63  }
0x2a: {  	_ =	swait.ge [sflag:s22], $0x4000  }
0x2b: {  	[sflag:s22] =	ssyncset.done $0x0  }
0x2c: {  	[sflag:s22] =	ssyncadd.s32 $0xFFFFC000  }
0x2d: {  	_ =	swait.ge [sflag:s22], $0x4000  }
0x2e: {  	[sflag:s22] =	ssyncset.done $0x0  }
0x2f: {  	[sflag:s22] =	ssyncadd.s32 $0xFFFFC000  }
0x30: {  	[spmem:s3] =	stream.indirect.scatter.add.f32 [tilespmem:s15], [sflag:$0x2], $0x80, s11, s14, $0xb8;
	[tilespmem:$0x1F000] =	vst v63  }
0x31: {  	_ = 	snop  }
0x32: {  	[spmem:s3] =	stream.indirect.scatter.add.f32 [tilespmem:s16], [sflag:$0x2], $0x80, s17, s14, $0xb8;
	[tilespmem:$0x1F000] =	vst v63  }
.Ltmp2:
0x33: {  	_ = 	snop;
	(pc) =	sbr.rel .LBB2_2-.Ltmp2, $4  }
0x34: {  	_ = 	snop  }
0x35: {  	[tilespmem:s19], [sflag:$0x1] =	stream.indirect.gather [hbm4b:s1+s14], $0x80, s18, s14, $0xb8;
	[tilespmem:$0x1F000] =	vst v63  }
0x36: {  	s26 =	simm.s32 $0x0;
	s28 =	simm.s32 $0x1  }
0x37: {  	[tilespmem:s21], [sflag:$0x1] =	stream.indirect.gather [hbm4b:s1+s14], $0x80, s20, s14, $0xb8;
	[tilespmem:$0x1F000] =	vst v63  }
.LBB2_3:
0x38: {  	[spmem:s3] =	stream.indirect.scatter.add.f32 [tilespmem:s15], [sflag:$0x2], $0x80, s31, s14, $0xb8;
	[tilespmem:$0x1F000] =	vst v63  }
0x39: {  	_ = 	snop  }
0x3a: {  	[spmem:s3] =	stream.indirect.scatter.add.f32 [tilespmem:s16], [sflag:$0x2], $0x80, s30, s14, $0xb8;
	[tilespmem:$0x1F000] =	vst v63  }
0x3b: {  	_ =	swait.ge [sflag:s23], $0x4000  }
0x3c: {  	[sflag:s23] =	ssyncset.done $0x0  }
0x3d: {  	[sflag:s23] =	ssyncadd.s32 $0xFFFFC000  }
0x3e: {  	_ =	swait.ge [sflag:s23], $0x4000  }
0x3f: {  	[sflag:s23] =	ssyncset.done $0x0  }
0x40: {  	s31 =	simm.s32 $0xD000;
	s30 =	simm.s32 $0x11000;
	[sflag:s23] =	ssyncadd.s32 $0xFFFFC000  }
.LBB2_6:
0x41: {  	s26 =	sadd.s32 $0x400, s26  }
0x42: {  	p0 =	sne.s32 s26, $0x9C00  }
.Ltmp3:
0x43: {  	_ = 	snop;
	(pc) =	sbr.rel @!p0 .LBB2_7-.Ltmp3, $4  }
0x44: {  	s2 =	sadd.s32 $0x200, s29  }
0x45: {  	[tilespmem:s31], [sflag:$0x1] =	stream.indirect.gather [hbm4b:s1+s14], $0x80, s2, s14, $0xb8;
	[tilespmem:$0x1F000] =	vst v63  }
0x46: {  	s28 =	sadd.s32 $0x1, s28;
	s31 =	sadd.s32 $0x280, s29  }
0x47: {  	[tilespmem:s30], [sflag:$0x1] =	stream.indirect.gather [hbm4b:s1+s14], $0x80, s31, s14, $0xb8;
	[tilespmem:$0x1F000] =	vst v63  }
.LBB2_2:
0x48: {  	s29 =	sand.u32 $0x1, s28  }
0x49: {  	_ =	swait.ge [sflag:s22], $0x4000;
	p0 =	seq.s32 s29, $0x1  }
.Ltmp4:
0x4a: {  	[sflag:s22] =	ssyncset.done $0x0;
	(pc) =	sbr.rel @!p0 .LBB2_3-.Ltmp4, $4  }
0x4b: {  	[sflag:s22] =	ssyncadd.s32 $0xFFFFC000  }
0x4c: {  	_ =	swait.ge [sflag:s22], $0x4000  }
0x4d: {  	s29 =	sshra.s32 s26, $0x2;
	[sflag:s22] =	ssyncset.done $0x0  }
0x4e: {  	s31 =	sadd.s32 $0x2900, s29;
	s30 =	sadd.s32 $0x2980, s29;
	[sflag:s22] =	ssyncadd.s32 $0xFFFFC000  }
0x4f: {  	[spmem:s3] =	stream.indirect.scatter.add.f32 [tilespmem:s19], [sflag:$0x3], $0x80, s31, s14, $0xb8;
	[tilespmem:$0x1F000] =	vst v63  }
0x50: {  	_ = 	snop  }
0x51: {  	[spmem:s3] =	stream.indirect.scatter.add.f32 [tilespmem:s21], [sflag:$0x3], $0x80, s30, s14, $0xb8;
	[tilespmem:$0x1F000] =	vst v63  }
0x52: {  	p0 =	seq.s32 s26, $0x9800;
	_ =	swait.ge [sflag:s24], $0x4000  }
.Ltmp5:
0x53: {  	[sflag:s24] =	ssyncset.done $0x0;
	(pc) =	sbr.rel @p0 .LBB2_7-.Ltmp5, $4  }
0x54: {  	[sflag:s24] =	ssyncadd.s32 $0xFFFFC000  }
0x55: {  	_ =	swait.ge [sflag:s24], $0x4000  }
0x56: {  	[sflag:s24] =	ssyncset.done $0x0  }
0x57: {  	[sflag:s24] =	ssyncadd.s32 $0xFFFFC000  }
.Ltmp6:
0x58: {  	(pc) =	sbr.rel .LBB2_6-.Ltmp6, $2  }
0x59: {  	_ =	sdelay $0x2  }
0x5a: {  	s30 =	simm.s32 $0x9000;
	s31 =	simm.s32 $0x5000  }
.LBB2_8:
0x5b: {  	_ =	sfence.sel $0x180000  }
0x5c: {  	[bflag:$0x0] =	sbarrier.arrive $0xFFFF  }
0x5d: {  	_ =	strace $0x90000059  }
0x5e: {  	[bflag:$0x2] =	sbarrier.arrive $0xFFFF  }
0x5f: {  	p0 =	sne.s32 s0, $0x0;
	s0 =	rddreg [dreg:$0x3]  }
0x60: {  	s0 =	sadd.s32 @!p0 $0x100000, s0  }
0x61: {  	[sflag:s0] =	ssyncadd.tile.s32 @!p0 $0x1;
	_ =	shalt  }
.Lfunc_end2:
_tile_overlayer_lowered:
.L_overlay_start_2:
0x62: {  	(tag) =	ssettag $0x2  }
0x63: {  	s0 =	rddreg [dreg:$0x0];
	s2 =	stileid.u32  }
0x64: {  	s1 =	rddreg [dreg:$0x1];
	p0 =	sne.s32 s2, $0x0  }
0x65: {  	s3 =	rddreg [dreg:$0x2];
	[bflag:$0x3] =	sbarrier.arrive $0xFFFF;
	s2 =	simm.s32 @!p0 $0x1C04  }
0x66: {  	[timem:s3], [sflag:s2] =	dma.local @!p0 [hbm:s0], s1  }
0x67: {  	s0 =	simm.s32 @!p0 $0x4  }
0x68: {  	_ =	swait.ge @!p0 [sflag:s0], s1  }
0x69: {  	s1 =	ssub.s32 @!p0 $0x0, s1;
	[sflag:s0] =	ssyncset.done @!p0 $0x0  }
0x6a: {  	[sflag:s0] =	ssyncadd.s32 @!p0 s1  }
0x6b: {  	[bflag:$0x3] =	sbarrier.arrive $0xFFFF  }
0x6c: {  	_ =	shalt  }

</sc_bundles>
